<compile_context>
chip_gen: v7x
topology: tpu7x:2x2x1
jax: 0.10.2.dev20260603
libtpu: 0.0.44.dev20260713+nightly
codegen_flags: <defaults>
</compile_context>

<pallas_src>
import functools

import jax
import jax.numpy as jnp
from jax import lax
from jax.experimental import pallas as pl
from jax.experimental.pallas import tpu as pltpu
from jax.experimental.pallas import tpu_sc as plsc

N_BINS = 15
_LOG2E = 1.4426950408889634
_NBUCK = 16384


def _sc_hist_kernel(conf_hbm, hist_hbm, conf_v, bidx_v, ones_v, zeros_v,
                    hist_sh, *, npt):
    wid = lax.axis_index("s")
    chunk = npt // 16
    nrows = chunk // 128
    sl = _NBUCK // 16

    for i in range(sl // 16):
        zeros_v[pl.ds(i * 16, 16)] = jnp.zeros((16,), jnp.int32)
    for i in range(8):
        ones_v[pl.ds(i * 16, 16)] = jnp.ones((16,), jnp.int32)
    pltpu.sync_copy(zeros_v, hist_sh.at[pl.ds(wid * sl, sl)])
    plsc.subcore_barrier()

    pltpu.sync_copy(conf_hbm.at[pl.ds(wid * chunk, chunk)], conf_v)

    def bucket_body(j, carry):
        row = bidx_v.at[j]
        for t in range(8):
            v = conf_v[pl.ds(j * 128 + t * 16, 16)]
            bits = lax.bitcast_convert_type(v, jnp.int32)
            row[pl.ds(t * 16, 16)] = lax.shift_right_logical(bits, 16)
        return carry

    lax.fori_loop(0, nrows, bucket_body, jnp.int32(0))

    def scat_body(j, carry):
        pltpu.sync_copy(ones_v, hist_sh.at[bidx_v.at[j]], add=True)
        return carry

    lax.fori_loop(0, nrows, scat_body, jnp.int32(0))
    plsc.subcore_barrier()
    pltpu.sync_copy(hist_sh.at[pl.ds(wid * sl, sl)],
                    hist_hbm.at[pl.ds(wid * sl, sl)])


def _sc_histogram(conf, npt):
    mesh = plsc.VectorSubcoreMesh(
        core_axis_name="c", subcore_axis_name="s", num_cores=1)
    chunk = npt // 16
    return pl.kernel(
        functools.partial(_sc_hist_kernel, npt=npt),
        out_type=jax.ShapeDtypeStruct((_NBUCK,), jnp.int32),
        mesh=mesh,
        scratch_types=[
            pltpu.VMEM((chunk,), jnp.float32),
            pltpu.VMEM((chunk // 128, 128), jnp.int32),
            pltpu.VMEM((128,), jnp.int32),
            pltpu.VMEM((_NBUCK // 16,), jnp.int32),
            pltpu.VMEM_SHARED((_NBUCK,), jnp.int32),
        ],
    )(conf)


def _phase1_kernel(x_ref, lab_ref, w_ref, conf_ref, acc_ref, *,
                   ncls, nsc):
    x = x_ref[...]
    p = jnp.exp2(x * _LOG2E)
    mp = jnp.max(p, axis=1, keepdims=True)
    s = jnp.sum(p, axis=1, keepdims=True)
    mask = (p == mp).astype(jnp.bfloat16)
    S = jax.lax.dot_general(
        mask, w_ref[...], (((1,), (0,)), ((), ())),
        preferred_element_type=jnp.float32)
    sbits = jax.lax.bitcast_convert_type(S, jnp.int32)
    first_lane = (127 - (sbits >> 23)) >> 1
    iota_sc = jax.lax.broadcasted_iota(jnp.int32, S.shape, 1)
    cand = jnp.where(S > 0.0, iota_sc * 64 + first_lane, ncls)
    amax = jnp.min(cand, axis=1)
    conf_ref[...] = (mp / s)[:, 0]
    acc_ref[...] = (amax == lab_ref[...]).astype(jnp.float32)


def _phase1_call(logits, labels32, r=512):
    n, c = logits.shape
    grid = n // r
    nsc = (c + 63) // 64
    j = jnp.arange(c)
    w = jnp.where((j[:, None] // 64) == jnp.arange(nsc)[None, :],
                  jnp.exp2(-2.0 * (j % 64))[:, None], 0.0).astype(jnp.bfloat16)
    return pl.pallas_call(
        functools.partial(_phase1_kernel, ncls=c, nsc=nsc),
        grid=(grid,),
        in_specs=[
            pl.BlockSpec((r, c), lambda i: (i, 0)),
            pl.BlockSpec((r,), lambda i: (i,)),
            pl.BlockSpec((c, nsc), lambda i: (0, 0)),
        ],
        out_specs=[
            pl.BlockSpec((r,), lambda i: (i,)),
            pl.BlockSpec((r,), lambda i: (i,)),
        ],
        out_shape=[
            jax.ShapeDtypeStruct((n,), jnp.float32),
            jax.ShapeDtypeStruct((n,), jnp.float32),
        ],
        compiler_params=pltpu.CompilerParams(
            dimension_semantics=("parallel",)),
    )(logits, labels32, w)


def _phase2_kernel(conf_ref, acc_ref, rank_ref, frac_ref, hist_ref,
                   out_ref, *, npt):
    n_ranks = 2 * (N_BINS + 1)
    sub = 8
    n_chunks = (npt // 128) // sub
    rgrp = 8
    tgt = rank_ref[...] + 1

    biota = (lax.broadcasted_iota(jnp.int32, (sub, 128), 0) * 128
             + lax.broadcasted_iota(jnp.int32, (sub, 128), 1))
    h_chunks = _NBUCK // (sub * 128)

    def bucket_it(_, carry):
        lo, hi = carry
        mid = (lo + hi) >> 1
        cnt_groups = []
        for g in range(n_ranks // rgrp):
            midb = mid[g * rgrp:(g + 1) * rgrp, None, None]

            acc3 = jnp.zeros((rgrp, sub, 128), jnp.int32)
            for c in range(h_chunks):
                hv = hist_ref[pl.ds(c * sub, sub), :]
                bio = biota + c * (sub * 128)
                m = bio[None, :, :] < midb
                acc3 = acc3 + jnp.where(m, hv[None, :, :], 0)
            cnt_groups.append(jnp.sum(acc3, axis=(1, 2)))
        cnts = jnp.concatenate(cnt_groups)
        pred = cnts >= tgt
        return jnp.where(pred, lo, mid + 1), jnp.where(pred, mid, hi)

    lo_m, _ = jax.lax.fori_loop(
        0, 14, bucket_it,
        (jnp.ones((n_ranks,), jnp.int32),
         jnp.full((n_ranks,), _NBUCK, jnp.int32)))
    bkt = lo_m - 1

    lo0 = bkt << 16
    hi0 = (bkt << 16) + 0xFFFF

    def it_body(_, carry):
        lo, hi = carry
        mid = (lo + hi) >> 1
        cnt_groups = []
        for g in range(n_ranks // rgrp):
            midb = mid[g * rgrp:(g + 1) * rgrp, None, None]

            def chunk_body(c, acc3, midb=midb):
                for t in range(8):
                    blk = conf_ref[pl.ds(c * (8 * sub) + t * sub, sub), :]
                    cb = jax.lax.bitcast_convert_type(blk, jnp.int32)
                    acc3 = acc3 + (cb[None, :, :] <= midb).astype(jnp.int32)
                return acc3

            acc3 = jax.lax.fori_loop(
                0, n_chunks // 8, chunk_body,
                jnp.zeros((rgrp, sub, 128), jnp.int32))
            cnt_groups.append(jnp.sum(acc3, axis=(1, 2)))
        cnts = jnp.concatenate(cnt_groups)
        pred = cnts >= tgt
        return jnp.where(pred, lo, mid + 1), jnp.where(pred, mid, hi)

    lo, _ = jax.lax.fori_loop(0, 16, it_body, (lo0, hi0))
    os_vals = jax.lax.bitcast_convert_type(lo, jnp.float32)

    os_lo = os_vals[:N_BINS + 1]
    os_hi = os_vals[N_BINS + 1:]
    bvec = os_lo + frac_ref[...] * (os_hi - os_lo)

    bgrp = 5
    zero3 = jnp.zeros((bgrp, sub, 128), jnp.float32)

    total = jnp.float32(0.0)
    for g in range(N_BINS // bgrp):
        lob = bvec[g * bgrp:g * bgrp + bgrp, None, None]
        hib = bvec[g * bgrp + 1:g * bgrp + 1 + bgrp, None, None]

        def bin_chunk_body(c, carry, lob=lob, hib=hib):
            cnt3, sacc3, sconf3 = carry
            for t in range(8):
                cf = conf_ref[pl.ds(c * (8 * sub) + t * sub, sub), :][None]
                ac = acc_ref[pl.ds(c * (8 * sub) + t * sub, sub), :][None]
                in_bin = (cf > lob) & (cf <= hib)
                cnt3 = cnt3 + in_bin.astype(jnp.float32)
                sacc3 = sacc3 + jnp.where(in_bin, ac, 0.0)
                sconf3 = sconf3 + jnp.where(in_bin, cf, 0.0)
            return (cnt3, sacc3, sconf3)

        cnt3, sacc3, sconf3 = jax.lax.fori_loop(
            0, n_chunks // 8, bin_chunk_body, (zero3, zero3, zero3))
        cnt = jnp.sum(cnt3, axis=(1, 2))
        sacc = jnp.sum(sacc3, axis=(1, 2))
        sconf = jnp.sum(sconf3, axis=(1, 2))
        prop = cnt / npt
        denom = jnp.maximum(cnt, 1.0)
        contrib = jnp.abs(sconf / denom - sacc / denom) * prop
        total = total + jnp.sum(jnp.where(prop > 0.0, contrib, 0.0))
    out_ref[0] = total


def kernel(logits, labels):
    n, c = logits.shape
    labels32 = labels.astype(jnp.int32)
    conf, acc = _phase1_call(logits, labels32, r=512)

    q = jnp.linspace(0.0, float(n), N_BINS + 1)
    qf = jnp.floor(q)
    idx0 = jnp.clip(qf.astype(jnp.int32), 0, n - 1)
    idx1 = jnp.clip(qf.astype(jnp.int32) + 1, 0, n - 1)
    frac = (q - qf).astype(jnp.float32)
    ranks = jnp.concatenate([idx0, idx1])

    hist = _sc_histogram(conf, n)

    ece = pl.pallas_call(
        functools.partial(_phase2_kernel, npt=n),
        in_specs=[
            pl.BlockSpec(memory_space=pltpu.VMEM),
            pl.BlockSpec(memory_space=pltpu.VMEM),
            pl.BlockSpec(memory_space=pltpu.VMEM),
            pl.BlockSpec(memory_space=pltpu.VMEM),
            pl.BlockSpec(memory_space=pltpu.VMEM),
        ],
        out_specs=pl.BlockSpec(memory_space=pltpu.SMEM),
        out_shape=jax.ShapeDtypeStruct((1,), jnp.float32),
    )(conf.reshape(n // 128, 128), acc.reshape(n // 128, 128), ranks, frac,
      hist.reshape(128, 128))
    return ece

# --- scband reference (transcript-rebuilt; emitter-appended) ---
"""Pipeline reference for scband-adaptive-ece-33303176413863 (READ-ONLY COPY).

The authoritative reference and input builder live on the scoring server;
editing this copy changes nothing except your own understanding.
"""

import jax, jax.numpy as jnp
import numpy as np

N_BINS = 15
USE_SOFTMAX = True
N = 262144
C = 1000

def setup_inputs(seed: int = 0) -> dict:
    key = jax.random.key(seed)
    k1, k2 = jax.random.split(key)
    logits = jax.random.normal(k1, (N, C), dtype=jnp.float32)
    labels = jax.random.randint(k2, (N,), 0, C, dtype=jnp.int64)
    return {"logits": logits, "labels": labels}


def _histedges_equalN(x, n_bins):
    # Equal-count bin edges: quantiles of x via linear interpolation over the
    # sorted values (faithful to the intended np.interp(linspace, arange, sort(x))).
    npt = x.shape[0]
    xs = jnp.sort(x)
    q = jnp.linspace(0.0, float(npt), n_bins + 1)
    xp = jnp.arange(npt, dtype=jnp.float32)
    return jnp.interp(q, xp, xs)


def reference(logits, labels):
    if USE_SOFTMAX:
        probs = jax.nn.softmax(logits, axis=1)
    else:
        probs = logits
    confidences = jnp.max(probs, axis=1)
    predictions = jnp.argmax(probs, axis=1)
    accuracies = (predictions == labels)

    bin_boundaries = _histedges_equalN(confidences, N_BINS)
    bin_lowers = bin_boundaries[:-1]
    bin_uppers = bin_boundaries[1:]

    npt = confidences.shape[0]
    acc_f = accuracies.astype(jnp.float32)
    ece = jnp.zeros((1,), dtype=jnp.float32)
    for i in range(N_BINS):
        lo = bin_lowers[i]
        hi = bin_uppers[i]
        in_bin = (confidences > lo) & (confidences <= hi)
        in_bin_f = in_bin.astype(jnp.float32)
        cnt = jnp.sum(in_bin_f)
        prop_in_bin = cnt / npt
        denom = jnp.maximum(cnt, 1.0)
        accuracy_in_bin = jnp.sum(jnp.where(in_bin, acc_f, 0.0)) / denom
        avg_confidence_in_bin = jnp.sum(jnp.where(in_bin, confidences, 0.0)) / denom
        contrib = jnp.abs(avg_confidence_in_bin - accuracy_in_bin) * prop_in_bin
        ece = ece + jnp.where(prop_in_bin > 0.0, contrib, 0.0)
    return ece

if __name__ == "__main__":
    import jax
    _d = setup_inputs()
    print(jax.jit(kernel)(*tuple(_d.values())))

</pallas_src>

<mosaic_0001>
#map = affine_map<(d0, d1) -> (0)>
module attributes {stable_mosaic.version = 14 : i64} {
  func.func @_sc_hist_kernel(%arg0: i32, %arg1: i32, %arg2: memref<262144xf32, #tpu.memory_space<hbm>>, %arg3: memref<16384xi32, #tpu.memory_space<hbm>>, %arg4: memref<16384xf32, #tpu.memory_space<vmem>>, %arg5: memref<128x128xi32, #tpu.memory_space<vmem>>, %arg6: memref<128xi32, #tpu.memory_space<vmem>>, %arg7: memref<1024xi32, #tpu.memory_space<vmem>>, %arg8: memref<16384xi32, #tpu.memory_space<vmem_shared>>) attributes {dimension_semantics = [#tpu.dimension_semantics<core_parallel>, #tpu.dimension_semantics<subcore_parallel>], iteration_bounds = array<i64: 1, 16>, scalar_prefetch = 0 : i64, scratch_operands = 5 : i64, tpu.core_type = #tpu.core_type<sc_vector_subcore>, window_params = [{transform_indices = #map}, {transform_indices = #map}]} {
    %broadcast_in_dim3A = arith.constant 0 : i32
    %broadcast_in_dim3A_0 = vector.broadcast %broadcast_in_dim3A : i32 to vector<16xi32>
    %swap3A = arith.constant 0 : index
    %swap3A_1 = tpu.vector_load %arg7[%swap3A] {strides = array<i32>} : memref<1024xi32, #tpu.memory_space<vmem>>, vector<16xi32>,
    %swap3A_2 = vector.shape_cast %swap3A_1 : vector<16xi32> to vector<16xi32>
    %swap3A_3 = vector.shape_cast %broadcast_in_dim3A_0 : vector<16xi32> to vector<16xi32>
    tpu.vector_store %arg7[%swap3A], %swap3A_3 {strides = array<i32>} : memref<1024xi32, #tpu.memory_space<vmem>>, vector<16xi32>,
    %broadcast_in_dim3A_4 = arith.constant 0 : i32
    %broadcast_in_dim3A_5 = vector.broadcast %broadcast_in_dim3A_4 : i32 to vector<16xi32>
    %swap3A_6 = arith.constant 16 : index
    %swap3A_7 = tpu.vector_load %arg7[%swap3A_6] {strides = array<i32>} : memref<1024xi32, #tpu.memory_space<vmem>>, vector<16xi32>,
    %swap3A_8 = vector.shape_cast %swap3A_7 : vector<16xi32> to vector<16xi32>
    %swap3A_9 = vector.shape_cast %broadcast_in_dim3A_5 : vector<16xi32> to vector<16xi32>
    tpu.vector_store %arg7[%swap3A_6], %swap3A_9 {strides = array<i32>} : memref<1024xi32, #tpu.memory_space<vmem>>, vector<16xi32>,
    %broadcast_in_dim3A_10 = arith.constant 0 : i32
    %broadcast_in_dim3A_11 = vector.broadcast %broadcast_in_dim3A_10 : i32 to vector<16xi32>
    %swap3A_12 = arith.constant 32 : index
    %swap3A_13 = tpu.vector_load %arg7[%swap3A_12] {strides = array<i32>} : memref<1024xi32, #tpu.memory_space<vmem>>, vector<16xi32>,
    %swap3A_14 = vector.shape_cast %swap3A_13 : vector<16xi32> to vector<16xi32>
    %swap3A_15 = vector.shape_cast %broadcast_in_dim3A_11 : vector<16xi32> to vector<16xi32>
    tpu.vector_store %arg7[%swap3A_12], %swap3A_15 {strides = array<i32>} : memref<1024xi32, #tpu.memory_space<vmem>>, vector<16xi32>,
    %broadcast_in_dim3A_16 = arith.constant 0 : i32
    %broadcast_in_dim3A_17 = vector.broadcast %broadcast_in_dim3A_16 : i32 to vector<16xi32>
    %swap3A_18 = arith.constant 48 : index
    %swap3A_19 = tpu.vector_load %arg7[%swap3A_18] {strides = array<i32>} : memref<1024xi32, #tpu.memory_space<vmem>>, vector<16xi32>,
    %swap3A_20 = vector.shape_cast %swap3A_19 : vector<16xi32> to vector<16xi32>
    %swap3A_21 = vector.shape_cast %broadcast_in_dim3A_17 : vector<16xi32> to vector<16xi32>
    tpu.vector_store %arg7[%swap3A_18], %swap3A_21 {strides = array<i32>} : memref<1024xi32, #tpu.memory_space<vmem>>, vector<16xi32>,
    %broadcast_in_dim3A_22 = arith.constant 0 : i32
    %broadcast_in_dim3A_23 = vector.broadcast %broadcast_in_dim3A_22 : i32 to vector<16xi32>
    %swap3A_24 = arith.constant 64 : index
    %swap3A_25 = tpu.vector_load %arg7[%swap3A_24] {strides = array<i32>} : memref<1024xi32, #tpu.memory_space<vmem>>, vector<16xi32>,
    %swap3A_26 = vector.shape_cast %swap3A_25 : vector<16xi32> to vector<16xi32>
    %swap3A_27 = vector.shape_cast %broadcast_in_dim3A_23 : vector<16xi32> to vector<16xi32>
    tpu.vector_store %arg7[%swap3A_24], %swap3A_27 {strides = array<i32>} : memref<1024xi32, #tpu.memory_space<vmem>>, vector<16xi32>,
    %broadcast_in_dim3A_28 = arith.constant 0 : i32
    %broadcast_in_dim3A_29 = vector.broadcast %broadcast_in_dim3A_28 : i32 to vector<16xi32>
    %swap3A_30 = arith.constant 80 : index
    %swap3A_31 = tpu.vector_load %arg7[%swap3A_30] {strides = array<i32>} : memref<1024xi32, #tpu.memory_space<vmem>>, vector<16xi32>,
    %swap3A_32 = vector.shape_cast %swap3A_31 : vector<16xi32> to vector<16xi32>
    %swap3A_33 = vector.shape_cast %broadcast_in_dim3A_29 : vector<16xi32> to vector<16xi32>
    tpu.vector_store %arg7[%swap3A_30], %swap3A_33 {strides = array<i32>} : memref<1024xi32, #tpu.memory_space<vmem>>, vector<16xi32>,
    %broadcast_in_dim3A_34 = arith.constant 0 : i32
    %broadcast_in_dim3A_35 = vector.broadcast %broadcast_in_dim3A_34 : i32 to vector<16xi32>
    %swap3A_36 = arith.constant 96 : index
    %swap3A_37 = tpu.vector_load %arg7[%swap3A_36] {strides = array<i32>} : memref<1024xi32, #tpu.memory_space<vmem>>, vector<16xi32>,
    %swap3A_38 = vector.shape_cast %swap3A_37 : vector<16xi32> to vector<16xi32>
    %swap3A_39 = vector.shape_cast %broadcast_in_dim3A_35 : vector<16xi32> to vector<16xi32>
    tpu.vector_store %arg7[%swap3A_36], %swap3A_39 {strides = array<i32>} : memref<1024xi32, #tpu.memory_space<vmem>>, vector<16xi32>,
    %broadcast_in_dim3A_40 = arith.constant 0 : i32
    %broadcast_in_dim3A_41 = vector.broadcast %broadcast_in_dim3A_40 : i32 to vector<16xi32>
    %swap3A_42 = arith.constant 112 : index
    %swap3A_43 = tpu.vector_load %arg7[%swap3A_42] {strides = array<i32>} : memref<1024xi32, #tpu.memory_space<vmem>>, vector<16xi32>,
    %swap3A_44 = vector.shape_cast %swap3A_43 : vector<16xi32> to vector<16xi32>
    %swap3A_45 = vector.shape_cast %broadcast_in_dim3A_41 : vector<16xi32> to vector<16xi32>
    tpu.vector_store %arg7[%swap3A_42], %swap3A_45 {strides = array<i32>} : memref<1024xi32, #tpu.memory_space<vmem>>, vector<16xi32>,
    %broadcast_in_dim3A_46 = arith.constant 0 : i32
    %broadcast_in_dim3A_47 = vector.broadcast %broadcast_in_dim3A_46 : i32 to vector<16xi32>
    %swap3A_48 = arith.constant 128 : index
    %swap3A_49 = tpu.vector_load %arg7[%swap3A_48] {strides = array<i32>} : memref<1024xi32, #tpu.memory_space<vmem>>, vector<16xi32>,
    %swap3A_50 = vector.shape_cast %swap3A_49 : vector<16xi32> to vector<16xi32>
    %swap3A_51 = vector.shape_cast %broadcast_in_dim3A_47 : vector<16xi32> to vector<16xi32>
    tpu.vector_store %arg7[%swap3A_48], %swap3A_51 {strides = array<i32>} : memref<1024xi32, #tpu.memory_space<vmem>>, vector<16xi32>,
    %broadcast_in_dim3A_52 = arith.constant 0 : i32
    %broadcast_in_dim3A_53 = vector.broadcast %broadcast_in_dim3A_52 : i32 to vector<16xi32>
    %swap3A_54 = arith.constant 144 : index
    %swap3A_55 = tpu.vector_load %arg7[%swap3A_54] {strides = array<i32>} : memref<1024xi32, #tpu.memory_space<vmem>>, vector<16xi32>,
    %swap3A_56 = vector.shape_cast %swap3A_55 : vector<16xi32> to vector<16xi32>
    %swap3A_57 = vector.shape_cast %broadcast_in_dim3A_53 : vector<16xi32> to vector<16xi32>
    tpu.vector_store %arg7[%swap3A_54], %swap3A_57 {strides = array<i32>} : memref<1024xi32, #tpu.memory_space<vmem>>, vector<16xi32>,
    %broadcast_in_dim3A_58 = arith.constant 0 : i32
    %broadcast_in_dim3A_59 = vector.broadcast %broadcast_in_dim3A_58 : i32 to vector<16xi32>
    %swap3A_60 = arith.constant 160 : index
    %swap3A_61 = tpu.vector_load %arg7[%swap3A_60] {strides = array<i32>} : memref<1024xi32, #tpu.memory_space<vmem>>, vector<16xi32>,
    %swap3A_62 = vector.shape_cast %swap3A_61 : vector<16xi32> to vector<16xi32>
    %swap3A_63 = vector.shape_cast %broadcast_in_dim3A_59 : vector<16xi32> to vector<16xi32>
    tpu.vector_store %arg7[%swap3A_60], %swap3A_63 {strides = array<i32>} : memref<1024xi32, #tpu.memory_space<vmem>>, vector<16xi32>,
    %broadcast_in_dim3A_64 = arith.constant 0 : i32
    %broadcast_in_dim3A_65 = vector.broadcast %broadcast_in_dim3A_64 : i32 to vector<16xi32>
    %swap3A_66 = arith.constant 176 : index
    %swap3A_67 = tpu.vector_load %arg7[%swap3A_66] {strides = array<i32>} : memref<1024xi32, #tpu.memory_space<vmem>>, vector<16xi32>,
    %swap3A_68 = vector.shape_cast %swap3A_67 : vector<16xi32> to vector<16xi32>
    %swap3A_69 = vector.shape_cast %broadcast_in_dim3A_65 : vector<16xi32> to vector<16xi32>
    tpu.vector_store %arg7[%swap3A_66], %swap3A_69 {strides = array<i32>} : memref<1024xi32, #tpu.memory_space<vmem>>, vector<16xi32>,
    %broadcast_in_dim3A_70 = arith.constant 0 : i32
    %broadcast_in_dim3A_71 = vector.broadcast %broadcast_in_dim3A_70 : i32 to vector<16xi32>
    %swap3A_72 = arith.constant 192 : index
    %swap3A_73 = tpu.vector_load %arg7[%swap3A_72] {strides = array<i32>} : memref<1024xi32, #tpu.memory_space<vmem>>, vector<16xi32>,
    %swap3A_74 = vector.shape_cast %swap3A_73 : vector<16xi32> to vector<16xi32>
    %swap3A_75 = vector.shape_cast %broadcast_in_dim3A_71 : vector<16xi32> to vector<16xi32>
    tpu.vector_store %arg7[%swap3A_72], %swap3A_75 {strides = array<i32>} : memref<1024xi32, #tpu.memory_space<vmem>>, vector<16xi32>,
    %broadcast_in_dim3A_76 = arith.constant 0 : i32
    %broadcast_in_dim3A_77 = vector.broadcast %broadcast_in_dim3A_76 : i32 to vector<16xi32>
    %swap3A_78 = arith.constant 208 : index
    %swap3A_79 = tpu.vector_load %arg7[%swap3A_78] {strides = array<i32>} : memref<1024xi32, #tpu.memory_space<vmem>>, vector<16xi32>,
    %swap3A_80 = vector.shape_cast %swap3A_79 : vector<16xi32> to vector<16xi32>
    %swap3A_81 = vector.shape_cast %broadcast_in_dim3A_77 : vector<16xi32> to vector<16xi32>
    tpu.vector_store %arg7[%swap3A_78], %swap3A_81 {strides = array<i32>} : memref<1024xi32, #tpu.memory_space<vmem>>, vector<16xi32>,
    %broadcast_in_dim3A_82 = arith.constant 0 : i32
    %broadcast_in_dim3A_83 = vector.broadcast %broadcast_in_dim3A_82 : i32 to vector<16xi32>
    %swap3A_84 = arith.constant 224 : index
    %swap3A_85 = tpu.vector_load %arg7[%swap3A_84] {strides = array<i32>} : memref<1024xi32, #tpu.memory_space<vmem>>, vector<16xi32>,
    %swap3A_86 = vector.shape_cast %swap3A_85 : vector<16xi32> to vector<16xi32>
    %swap3A_87 = vector.shape_cast %broadcast_in_dim3A_83 : vector<16xi32> to vector<16xi32>
    tpu.vector_store %arg7[%swap3A_84], %swap3A_87 {strides = array<i32>} : memref<1024xi32, #tpu.memory_space<vmem>>, vector<16xi32>,
    %broadcast_in_dim3A_88 = arith.constant 0 : i32
    %broadcast_in_dim3A_89 = vector.broadcast %broadcast_in_dim3A_88 : i32 to vector<16xi32>
    %swap3A_90 = arith.constant 240 : index
    %swap3A_91 = tpu.vector_load %arg7[%swap3A_90] {strides = array<i32>} : memref<1024xi32, #tpu.memory_space<vmem>>, vector<16xi32>,
    %swap3A_92 = vector.shape_cast %swap3A_91 : vector<16xi32> to vector<16xi32>
    %swap3A_93 = vector.shape_cast %broadcast_in_dim3A_89 : vector<16xi32> to vector<16xi32>
    tpu.vector_store %arg7[%swap3A_90], %swap3A_93 {strides = array<i32>} : memref<1024xi32, #tpu.memory_space<vmem>>, vector<16xi32>,
    %broadcast_in_dim3A_94 = arith.constant 0 : i32
    %broadcast_in_dim3A_95 = vector.broadcast %broadcast_in_dim3A_94 : i32 to vector<16xi32>
    %swap3A_96 = arith.constant 256 : index
    %swap3A_97 = tpu.vector_load %arg7[%swap3A_96] {strides = array<i32>} : memref<1024xi32, #tpu.memory_space<vmem>>, vector<16xi32>,
    %swap3A_98 = vector.shape_cast %swap3A_97 : vector<16xi32> to vector<16xi32>
    %swap3A_99 = vector.shape_cast %broadcast_in_dim3A_95 : vector<16xi32> to vector<16xi32>
    tpu.vector_store %arg7[%swap3A_96], %swap3A_99 {strides = array<i32>} : memref<1024xi32, #tpu.memory_space<vmem>>, vector<16xi32>,
    %broadcast_in_dim3A_100 = arith.constant 0 : i32
    %broadcast_in_dim3A_101 = vector.broadcast %broadcast_in_dim3A_100 : i32 to vector<16xi32>
    %swap3A_102 = arith.constant 272 : index
    %swap3A_103 = tpu.vector_load %arg7[%swap3A_102] {strides = array<i32>} : memref<1024xi32, #tpu.memory_space<vmem>>, vector<16xi32>,
    %swap3A_104 = vector.shape_cast %swap3A_103 : vector<16xi32> to vector<16xi32>
    %swap3A_105 = vector.shape_cast %broadcast_in_dim3A_101 : vector<16xi32> to vector<16xi32>
    tpu.vector_store %arg7[%swap3A_102], %swap3A_105 {strides = array<i32>} : memref<1024xi32, #tpu.memory_space<vmem>>, vector<16xi32>,
    %broadcast_in_dim3A_106 = arith.constant 0 : i32
    %broadcast_in_dim3A_107 = vector.broadcast %broadcast_in_dim3A_106 : i32 to vector<16xi32>
    %swap3A_108 = arith.constant 288 : index
    %swap3A_109 = tpu.vector_load %arg7[%swap3A_108] {strides = array<i32>} : memref<1024xi32, #tpu.memory_space<vmem>>, vector<16xi32>,
    %swap3A_110 = vector.shape_cast %swap3A_109 : vector<16xi32> to vector<16xi32>
    %swap3A_111 = vector.shape_cast %broadcast_in_dim3A_107 : vector<16xi32> to vector<16xi32>
    tpu.vector_store %arg7[%swap3A_108], %swap3A_111 {strides = array<i32>} : memref<1024xi32, #tpu.memory_space<vmem>>, vector<16xi32>,
    %broadcast_in_dim3A_112 = arith.constant 0 : i32
    %broadcast_in_dim3A_113 = vector.broadcast %broadcast_in_dim3A_112 : i32 to vector<16xi32>
    %swap3A_114 = arith.constant 304 : index
    %swap3A_115 = tpu.vector_load %arg7[%swap3A_114] {strides = array<i32>} : memref<1024xi32, #tpu.memory_space<vmem>>, vector<16xi32>,
    %swap3A_116 = vector.shape_cast %swap3A_115 : vector<16xi32> to vector<16xi32>
    %swap3A_117 = vector.shape_cast %broadcast_in_dim3A_113 : vector<16xi32> to vector<16xi32>
    tpu.vector_store %arg7[%swap3A_114], %swap3A_117 {strides = array<i32>} : memref<1024xi32, #tpu.memory_space<vmem>>, vector<16xi32>,
    %broadcast_in_dim3A_118 = arith.constant 0 : i32
    %broadcast_in_dim3A_119 = vector.broadcast %broadcast_in_dim3A_118 : i32 to vector<16xi32>
    %swap3A_120 = arith.constant 320 : index
    %swap3A_121 = tpu.vector_load %arg7[%swap3A_120] {strides = array<i32>} : memref<1024xi32, #tpu.memory_space<vmem>>, vector<16xi32>,
    %swap3A_122 = vector.shape_cast %swap3A_121 : vector<16xi32> to vector<16xi32>
    %swap3A_123 = vector.shape_cast %broadcast_in_dim3A_119 : vector<16xi32> to vector<16xi32>
    tpu.vector_store %arg7[%swap3A_120], %swap3A_123 {strides = array<i32>} : memref<1024xi32, #tpu.memory_space<vmem>>, vector<16xi32>,
    %broadcast_in_dim3A_124 = arith.constant 0 : i32
    %broadcast_in_dim3A_125 = vector.broadcast %broadcast_in_dim3A_124 : i32 to vector<16xi32>
    %swap3A_126 = arith.constant 336 : index
    %swap3A_127 = tpu.vector_load %arg7[%swap3A_126] {strides = array<i32>} : memref<1024xi32, #tpu.memory_space<vmem>>, vector<16xi32>,
    %swap3A_128 = vector.shape_cast %swap3A_127 : vector<16xi32> to vector<16xi32>
    %swap3A_129 = vector.shape_cast %broadcast_in_dim3A_125 : vector<16xi32> to vector<16xi32>
    tpu.vector_store %arg7[%swap3A_126], %swap3A_129 {strides = array<i32>} : memref<1024xi32, #tpu.memory_space<vmem>>, vector<16xi32>,
    %broadcast_in_dim3A_130 = arith.constant 0 : i32
    %broadcast_in_dim3A_131 = vector.broadcast %broadcast_in_dim3A_130 : i32 to vector<16xi32>
    %swap3A_132 = arith.constant 352 : index
    %swap3A_133 = tpu.vector_load %arg7[%swap3A_132] {strides = array<i32>} : memref<1024xi32, #tpu.memory_space<vmem>>, vector<16xi32>,
    %swap3A_134 = vector.shape_cast %swap3A_133 : vector<16xi32> to vector<16xi32>
    %swap3A_135 = vector.shape_cast %broadcast_in_dim3A_131 : vector<16xi32> to vector<16xi32>
    tpu.vector_store %arg7[%swap3A_132], %swap3A_135 {strides = array<i32>} : memref<1024xi32, #tpu.memory_space<vmem>>, vector<16xi32>,
    %broadcast_in_dim3A_136 = arith.constant 0 : i32
    %broadcast_in_dim3A_137 = vector.broadcast %broadcast_in_dim3A_136 : i32 to vector<16xi32>
    %swap3A_138 = arith.constant 368 : index
    %swap3A_139 = tpu.vector_load %arg7[%swap3A_138] {strides = array<i32>} : memref<1024xi32, #tpu.memory_space<vmem>>, vector<16xi32>,
    %swap3A_140 = vector.shape_cast %swap3A_139 : vector<16xi32> to vector<16xi32>
    %swap3A_141 = vector.shape_cast %broadcast_in_dim3A_137 : vector<16xi32> to vector<16xi32>
    tpu.vector_store %arg7[%swap3A_138], %swap3A_141 {strides = array<i32>} : memref<1024xi32, #tpu.memory_space<vmem>>, vector<16xi32>,
    %broadcast_in_dim3A_142 = arith.constant 0 : i32
    %broadcast_in_dim3A_143 = vector.broadcast %broadcast_in_dim3A_142 : i32 to vector<16xi32>
    %swap3A_144 = arith.constant 384 : index
    %swap3A_145 = tpu.vector_load %arg7[%swap3A_144] {strides = array<i32>} : memref<1024xi32, #tpu.memory_space<vmem>>, vector<16xi32>,
    %swap3A_146 = vector.shape_cast %swap3A_145 : vector<16xi32> to vector<16xi32>
    %swap3A_147 = vector.shape_cast %broadcast_in_dim3A_143 : vector<16xi32> to vector<16xi32>
    tpu.vector_store %arg7[%swap3A_144], %swap3A_147 {strides = array<i32>} : memref<1024xi32, #tpu.memory_space<vmem>>, vector<16xi32>,
    %broadcast_in_dim3A_148 = arith.constant 0 : i32
    %broadcast_in_dim3A_149 = vector.broadcast %broadcast_in_dim3A_148 : i32 to vector<16xi32>
    %swap3A_150 = arith.constant 400 : index
    %swap3A_151 = tpu.vector_load %arg7[%swap3A_150] {strides = array<i32>} : memref<1024xi32, #tpu.memory_space<vmem>>, vector<16xi32>,
    %swap3A_152 = vector.shape_cast %swap3A_151 : vector<16xi32> to vector<16xi32>
    %swap3A_153 = vector.shape_cast %broadcast_in_dim3A_149 : vector<16xi32> to vector<16xi32>
    tpu.vector_store %arg7[%swap3A_150], %swap3A_153 {strides = array<i32>} : memref<1024xi32, #tpu.memory_space<vmem>>, vector<16xi32>,
    %broadcast_in_dim3A_154 = arith.constant 0 : i32
    %broadcast_in_dim3A_155 = vector.broadcast %broadcast_in_dim3A_154 : i32 to vector<16xi32>
    %swap3A_156 = arith.constant 416 : index
    %swap3A_157 = tpu.vector_load %arg7[%swap3A_156] {strides = array<i32>} : memref<1024xi32, #tpu.memory_space<vmem>>, vector<16xi32>,
    %swap3A_158 = vector.shape_cast %swap3A_157 : vector<16xi32> to vector<16xi32>
    %swap3A_159 = vector.shape_cast %broadcast_in_dim3A_155 : vector<16xi32> to vector<16xi32>
    tpu.vector_store %arg7[%swap3A_156], %swap3A_159 {strides = array<i32>} : memref<1024xi32, #tpu.memory_space<vmem>>, vector<16xi32>,
    %broadcast_in_dim3A_160 = arith.constant 0 : i32
    %broadcast_in_dim3A_161 = vector.broadcast %broadcast_in_dim3A_160 : i32 to vector<16xi32>
    %swap3A_162 = arith.constant 432 : index
    %swap3A_163 = tpu.vector_load %arg7[%swap3A_162] {strides = array<i32>} : memref<1024xi32, #tpu.memory_space<vmem>>, vector<16xi32>,
    %swap3A_164 = vector.shape_cast %swap3A_163 : vector<16xi32> to vector<16xi32>
    %swap3A_165 = vector.shape_cast %broadcast_in_dim3A_161 : vector<16xi32> to vector<16xi32>
    tpu.vector_store %arg7[%swap3A_162], %swap3A_165 {strides = array<i32>} : memref<1024xi32, #tpu.memory_space<vmem>>, vector<16xi32>,
    %broadcast_in_dim3A_166 = arith.constant 0 : i32
    %broadcast_in_dim3A_167 = vector.broadcast %broadcast_in_dim3A_166 : i32 to vector<16xi32>
    %swap3A_168 = arith.constant 448 : index
    %swap3A_169 = tpu.vector_load %arg7[%swap3A_168] {strides = array<i32>} : memref<1024xi32, #tpu.memory_space<vmem>>, vector<16xi32>,
    %swap3A_170 = vector.shape_cast %swap3A_169 : vector<16xi32> to vector<16xi32>
    %swap3A_171 = vector.shape_cast %broadcast_in_dim3A_167 : vector<16xi32> to vector<16xi32>
    tpu.vector_store %arg7[%swap3A_168], %swap3A_171 {strides = array<i32>} : memref<1024xi32, #tpu.memory_space<vmem>>, vector<16xi32>,
    %broadcast_in_dim3A_172 = arith.constant 0 : i32
    %broadcast_in_dim3A_173 = vector.broadcast %broadcast_in_dim3A_172 : i32 to vector<16xi32>
    %swap3A_174 = arith.constant 464 : index
    %swap3A_175 = tpu.vector_load %arg7[%swap3A_174] {strides = array<i32>} : memref<1024xi32, #tpu.memory_space<vmem>>, vector<16xi32>,
    %swap3A_176 = vector.shape_cast %swap3A_175 : vector<16xi32> to vector<16xi32>
    %swap3A_177 = vector.shape_cast %broadcast_in_dim3A_173 : vector<16xi32> to vector<16xi32>
    tpu.vector_store %arg7[%swap3A_174], %swap3A_177 {strides = array<i32>} : memref<1024xi32, #tpu.memory_space<vmem>>, vector<16xi32>,
    %broadcast_in_dim3A_178 = arith.constant 0 : i32
    %broadcast_in_dim3A_179 = vector.broadcast %broadcast_in_dim3A_178 : i32 to vector<16xi32>
    %swap3A_180 = arith.constant 480 : index
    %swap3A_181 = tpu.vector_load %arg7[%swap3A_180] {strides = array<i32>} : memref<1024xi32, #tpu.memory_space<vmem>>, vector<16xi32>,
    %swap3A_182 = vector.shape_cast %swap3A_181 : vector<16xi32> to vector<16xi32>
    %swap3A_183 = vector.shape_cast %broadcast_in_dim3A_179 : vector<16xi32> to vector<16xi32>
    tpu.vector_store %arg7[%swap3A_180], %swap3A_183 {strides = array<i32>} : memref<1024xi32, #tpu.memory_space<vmem>>, vector<16xi32>,
    %broadcast_in_dim3A_184 = arith.constant 0 : i32
    %broadcast_in_dim3A_185 = vector.broadcast %broadcast_in_dim3A_184 : i32 to vector<16xi32>
    %swap3A_186 = arith.constant 496 : index
    %swap3A_187 = tpu.vector_load %arg7[%swap3A_186] {strides = array<i32>} : memref<1024xi32, #tpu.memory_space<vmem>>, vector<16xi32>,
    %swap3A_188 = vector.shape_cast %swap3A_187 : vector<16xi32> to vector<16xi32>
    %swap3A_189 = vector.shape_cast %broadcast_in_dim3A_185 : vector<16xi32> to vector<16xi32>
    tpu.vector_store %arg7[%swap3A_186], %swap3A_189 {strides = array<i32>} : memref<1024xi32, #tpu.memory_space<vmem>>, vector<16xi32>,
    %broadcast_in_dim3A_190 = arith.constant 0 : i32
    %broadcast_in_dim3A_191 = vector.broadcast %broadcast_in_dim3A_190 : i32 to vector<16xi32>
    %swap3A_192 = arith.constant 512 : index
    %swap3A_193 = tpu.vector_load %arg7[%swap3A_192] {strides = array<i32>} : memref<1024xi32, #tpu.memory_space<vmem>>, vector<16xi32>,
    %swap3A_194 = vector.shape_cast %swap3A_193 : vector<16xi32> to vector<16xi32>
    %swap3A_195 = vector.shape_cast %broadcast_in_dim3A_191 : vector<16xi32> to vector<16xi32>
    tpu.vector_store %arg7[%swap3A_192], %swap3A_195 {strides = array<i32>} : memref<1024xi32, #tpu.memory_space<vmem>>, vector<16xi32>,
    %broadcast_in_dim3A_196 = arith.constant 0 : i32
    %broadcast_in_dim3A_197 = vector.broadcast %broadcast_in_dim3A_196 : i32 to vector<16xi32>
    %swap3A_198 = arith.constant 528 : index
    %swap3A_199 = tpu.vector_load %arg7[%swap3A_198] {strides = array<i32>} : memref<1024xi32, #tpu.memory_space<vmem>>, vector<16xi32>,
    %swap3A_200 = vector.shape_cast %swap3A_199 : vector<16xi32> to vector<16xi32>
    %swap3A_201 = vector.shape_cast %broadcast_in_dim3A_197 : vector<16xi32> to vector<16xi32>
    tpu.vector_store %arg7[%swap3A_198], %swap3A_201 {strides = array<i32>} : memref<1024xi32, #tpu.memory_space<vmem>>, vector<16xi32>,
    %broadcast_in_dim3A_202 = arith.constant 0 : i32
    %broadcast_in_dim3A_203 = vector.broadcast %broadcast_in_dim3A_202 : i32 to vector<16xi32>
    %swap3A_204 = arith.constant 544 : index
    %swap3A_205 = tpu.vector_load %arg7[%swap3A_204] {strides = array<i32>} : memref<1024xi32, #tpu.memory_space<vmem>>, vector<16xi32>,
    %swap3A_206 = vector.shape_cast %swap3A_205 : vector<16xi32> to vector<16xi32>
    %swap3A_207 = vector.shape_cast %broadcast_in_dim3A_203 : vector<16xi32> to vector<16xi32>
    tpu.vector_store %arg7[%swap3A_204], %swap3A_207 {strides = array<i32>} : memref<1024xi32, #tpu.memory_space<vmem>>, vector<16xi32>,
    %broadcast_in_dim3A_208 = arith.constant 0 : i32
    %broadcast_in_dim3A_209 = vector.broadcast %broadcast_in_dim3A_208 : i32 to vector<16xi32>
    %swap3A_210 = arith.constant 560 : index
    %swap3A_211 = tpu.vector_load %arg7[%swap3A_210] {strides = array<i32>} : memref<1024xi32, #tpu.memory_space<vmem>>, vector<16xi32>,
    %swap3A_212 = vector.shape_cast %swap3A_211 : vector<16xi32> to vector<16xi32>
    %swap3A_213 = vector.shape_cast %broadcast_in_dim3A_209 : vector<16xi32> to vector<16xi32>
    tpu.vector_store %arg7[%swap3A_210], %swap3A_213 {strides = array<i32>} : memref<1024xi32, #tpu.memory_space<vmem>>, vector<16xi32>,
    %broadcast_in_dim3A_214 = arith.constant 0 : i32
    %broadcast_in_dim3A_215 = vector.broadcast %broadcast_in_dim3A_214 : i32 to vector<16xi32>
    %swap3A_216 = arith.constant 576 : index
    %swap3A_217 = tpu.vector_load %arg7[%swap3A_216] {strides = array<i32>} : memref<1024xi32, #tpu.memory_space<vmem>>, vector<16xi32>,
    %swap3A_218 = vector.shape_cast %swap3A_217 : vector<16xi32> to vector<16xi32>
    %swap3A_219 = vector.shape_cast %broadcast_in_dim3A_215 : vector<16xi32> to vector<16xi32>
    tpu.vector_store %arg7[%swap3A_216], %swap3A_219 {strides = array<i32>} : memref<1024xi32, #tpu.memory_space<vmem>>, vector<16xi32>,
    %broadcast_in_dim3A_220 = arith.constant 0 : i32
    %broadcast_in_dim3A_221 = vector.broadcast %broadcast_in_dim3A_220 : i32 to vector<16xi32>
    %swap3A_222 = arith.constant 592 : index
    %swap3A_223 = tpu.vector_load %arg7[%swap3A_222] {strides = array<i32>} : memref<1024xi32, #tpu.memory_space<vmem>>, vector<16xi32>,
    %swap3A_224 = vector.shape_cast %swap3A_223 : vector<16xi32> to vector<16xi32>
    %swap3A_225 = vector.shape_cast %broadcast_in_dim3A_221 : vector<16xi32> to vector<16xi32>
    tpu.vector_store %arg7[%swap3A_222], %swap3A_225 {strides = array<i32>} : memref<1024xi32, #tpu.memory_space<vmem>>, vector<16xi32>,
    %broadcast_in_dim3A_226 = arith.constant 0 : i32
    %broadcast_in_dim3A_227 = vector.broadcast %broadcast_in_dim3A_226 : i32 to vector<16xi32>
    %swap3A_228 = arith.constant 608 : index
    %swap3A_229 = tpu.vector_load %arg7[%swap3A_228] {strides = array<i32>} : memref<1024xi32, #tpu.memory_space<vmem>>, vector<16xi32>,
    %swap3A_230 = vector.shape_cast %swap3A_229 : vector<16xi32> to vector<16xi32>
    %swap3A_231 = vector.shape_cast %broadcast_in_dim3A_227 : vector<16xi32> to vector<16xi32>
    tpu.vector_store %arg7[%swap3A_228], %swap3A_231 {strides = array<i32>} : memref<1024xi32, #tpu.memory_space<vmem>>, vector<16xi32>,
    %broadcast_in_dim3A_232 = arith.constant 0 : i32
    %broadcast_in_dim3A_233 = vector.broadcast %broadcast_in_dim3A_232 : i32 to vector<16xi32>
    %swap3A_234 = arith.constant 624 : index
    %swap3A_235 = tpu.vector_load %arg7[%swap3A_234] {strides = array<i32>} : memref<1024xi32, #tpu.memory_space<vmem>>, vector<16xi32>,
    %swap3A_236 = vector.shape_cast %swap3A_235 : vector<16xi32> to vector<16xi32>
    %swap3A_237 = vector.shape_cast %broadcast_in_dim3A_233 : vector<16xi32> to vector<16xi32>
    tpu.vector_store %arg7[%swap3A_234], %swap3A_237 {strides = array<i32>} : memref<1024xi32, #tpu.memory_space<vmem>>, vector<16xi32>,
    %broadcast_in_dim3A_238 = arith.constant 0 : i32
    %broadcast_in_dim3A_239 = vector.broadcast %broadcast_in_dim3A_238 : i32 to vector<16xi32>
    %swap3A_240 = arith.constant 640 : index
    %swap3A_241 = tpu.vector_load %arg7[%swap3A_240] {strides = array<i32>} : memref<1024xi32, #tpu.memory_space<vmem>>, vector<16xi32>,
    %swap3A_242 = vector.shape_cast %swap3A_241 : vector<16xi32> to vector<16xi32>
    %swap3A_243 = vector.shape_cast %broadcast_in_dim3A_239 : vector<16xi32> to vector<16xi32>
    tpu.vector_store %arg7[%swap3A_240], %swap3A_243 {strides = array<i32>} : memref<1024xi32, #tpu.memory_space<vmem>>, vector<16xi32>,
    %broadcast_in_dim3A_244 = arith.constant 0 : i32
    %broadcast_in_dim3A_245 = vector.broadcast %broadcast_in_dim3A_244 : i32 to vector<16xi32>
    %swap3A_246 = arith.constant 656 : index
    %swap3A_247 = tpu.vector_load %arg7[%swap3A_246] {strides = array<i32>} : memref<1024xi32, #tpu.memory_space<vmem>>, vector<16xi32>,
    %swap3A_248 = vector.shape_cast %swap3A_247 : vector<16xi32> to vector<16xi32>
    %swap3A_249 = vector.shape_cast %broadcast_in_dim3A_245 : vector<16xi32> to vector<16xi32>
    tpu.vector_store %arg7[%swap3A_246], %swap3A_249 {strides = array<i32>} : memref<1024xi32, #tpu.memory_space<vmem>>, vector<16xi32>,
    %broadcast_in_dim3A_250 = arith.constant 0 : i32
    %broadcast_in_dim3A_251 = vector.broadcast %broadcast_in_dim3A_250 : i32 to vector<16xi32>
    %swap3A_252 = arith.constant 672 : index
    %swap3A_253 = tpu.vector_load %arg7[%swap3A_252] {strides = array<i32>} : memref<1024xi32, #tpu.memory_space<vmem>>, vector<16xi32>,
    %swap3A_254 = vector.shape_cast %swap3A_253 : vector<16xi32> to vector<16xi32>
    %swap3A_255 = vector.shape_cast %broadcast_in_dim3A_251 : vector<16xi32> to vector<16xi32>
    tpu.vector_store %arg7[%swap3A_252], %swap3A_255 {strides = array<i32>} : memref<1024xi32, #tpu.memory_space<vmem>>, vector<16xi32>,
    %broadcast_in_dim3A_256 = arith.constant 0 : i32
    %broadcast_in_dim3A_257 = vector.broadcast %broadcast_in_dim3A_256 : i32 to vector<16xi32>
    %swap3A_258 = arith.constant 688 : index
    %swap3A_259 = tpu.vector_load %arg7[%swap3A_258] {strides = array<i32>} : memref<1024xi32, #tpu.memory_space<vmem>>, vector<16xi32>,
    %swap3A_260 = vector.shape_cast %swap3A_259 : vector<16xi32> to vector<16xi32>
    %swap3A_261 = vector.shape_cast %broadcast_in_dim3A_257 : vector<16xi32> to vector<16xi32>
    tpu.vector_store %arg7[%swap3A_258], %swap3A_261 {strides = array<i32>} : memref<1024xi32, #tpu.memory_space<vmem>>, vector<16xi32>,
    %broadcast_in_dim3A_262 = arith.constant 0 : i32
    %broadcast_in_dim3A_263 = vector.broadcast %broadcast_in_dim3A_262 : i32 to vector<16xi32>
    %swap3A_264 = arith.constant 704 : index
    %swap3A_265 = tpu.vector_load %arg7[%swap3A_264] {strides = array<i32>} : memref<1024xi32, #tpu.memory_space<vmem>>, vector<16xi32>,
    %swap3A_266 = vector.shape_cast %swap3A_265 : vector<16xi32> to vector<16xi32>
    %swap3A_267 = vector.shape_cast %broadcast_in_dim3A_263 : vector<16xi32> to vector<16xi32>
    tpu.vector_store %arg7[%swap3A_264], %swap3A_267 {strides = array<i32>} : memref<1024xi32, #tpu.memory_space<vmem>>, vector<16xi32>,
    %broadcast_in_dim3A_268 = arith.constant 0 : i32
    %broadcast_in_dim3A_269 = vector.broadcast %broadcast_in_dim3A_268 : i32 to vector<16xi32>
    %swap3A_270 = arith.constant 720 : index
    %swap3A_271 = tpu.vector_load %arg7[%swap3A_270] {strides = array<i32>} : memref<1024xi32, #tpu.memory_space<vmem>>, vector<16xi32>,
    %swap3A_272 = vector.shape_cast %swap3A_271 : vector<16xi32> to vector<16xi32>
    %swap3A_273 = vector.shape_cast %broadcast_in_dim3A_269 : vector<16xi32> to vector<16xi32>
    tpu.vector_store %arg7[%swap3A_270], %swap3A_273 {strides = array<i32>} : memref<1024xi32, #tpu.memory_space<vmem>>, vector<16xi32>,
    %broadcast_in_dim3A_274 = arith.constant 0 : i32
    %broadcast_in_dim3A_275 = vector.broadcast %broadcast_in_dim3A_274 : i32 to vector<16xi32>
    %swap3A_276 = arith.constant 736 : index
    %swap3A_277 = tpu.vector_load %arg7[%swap3A_276] {strides = array<i32>} : memref<1024xi32, #tpu.memory_space<vmem>>, vector<16xi32>,
    %swap3A_278 = vector.shape_cast %swap3A_277 : vector<16xi32> to vector<16xi32>
    %swap3A_279 = vector.shape_cast %broadcast_in_dim3A_275 : vector<16xi32> to vector<16xi32>
    tpu.vector_store %arg7[%swap3A_276], %swap3A_279 {strides = array<i32>} : memref<1024xi32, #tpu.memory_space<vmem>>, vector<16xi32>,
    %broadcast_in_dim3A_280 = arith.constant 0 : i32
    %broadcast_in_dim3A_281 = vector.broadcast %broadcast_in_dim3A_280 : i32 to vector<16xi32>
    %swap3A_282 = arith.constant 752 : index
    %swap3A_283 = tpu.vector_load %arg7[%swap3A_282] {strides = array<i32>} : memref<1024xi32, #tpu.memory_space<vmem>>, vector<16xi32>,
    %swap3A_284 = vector.shape_cast %swap3A_283 : vector<16xi32> to vector<16xi32>
    %swap3A_285 = vector.shape_cast %broadcast_in_dim3A_281 : vector<16xi32> to vector<16xi32>
    tpu.vector_store %arg7[%swap3A_282], %swap3A_285 {strides = array<i32>} : memref<1024xi32, #tpu.memory_space<vmem>>, vector<16xi32>,
    %broadcast_in_dim3A_286 = arith.constant 0 : i32
    %broadcast_in_dim3A_287 = vector.broadcast %broadcast_in_dim3A_286 : i32 to vector<16xi32>
    %swap3A_288 = arith.constant 768 : index
    %swap3A_289 = tpu.vector_load %arg7[%swap3A_288] {strides = array<i32>} : memref<1024xi32, #tpu.memory_space<vmem>>, vector<16xi32>,
    %swap3A_290 = vector.shape_cast %swap3A_289 : vector<16xi32> to vector<16xi32>
    %swap3A_291 = vector.shape_cast %broadcast_in_dim3A_287 : vector<16xi32> to vector<16xi32>
    tpu.vector_store %arg7[%swap3A_288], %swap3A_291 {strides = array<i32>} : memref<1024xi32, #tpu.memory_space<vmem>>, vector<16xi32>,
    %broadcast_in_dim3A_292 = arith.constant 0 : i32
    %broadcast_in_dim3A_293 = vector.broadcast %broadcast_in_dim3A_292 : i32 to vector<16xi32>
    %swap3A_294 = arith.constant 784 : index
    %swap3A_295 = tpu.vector_load %arg7[%swap3A_294] {strides = array<i32>} : memref<1024xi32, #tpu.memory_space<vmem>>, vector<16xi32>,
    %swap3A_296 = vector.shape_cast %swap3A_295 : vector<16xi32> to vector<16xi32>
    %swap3A_297 = vector.shape_cast %broadcast_in_dim3A_293 : vector<16xi32> to vector<16xi32>
    tpu.vector_store %arg7[%swap3A_294], %swap3A_297 {strides = array<i32>} : memref<1024xi32, #tpu.memory_space<vmem>>, vector<16xi32>,
    %broadcast_in_dim3A_298 = arith.constant 0 : i32
    %broadcast_in_dim3A_299 = vector.broadcast %broadcast_in_dim3A_298 : i32 to vector<16xi32>
    %swap3A_300 = arith.constant 800 : index
    %swap3A_301 = tpu.vector_load %arg7[%swap3A_300] {strides = array<i32>} : memref<1024xi32, #tpu.memory_space<vmem>>, vector<16xi32>,
    %swap3A_302 = vector.shape_cast %swap3A_301 : vector<16xi32> to vector<16xi32>
    %swap3A_303 = vector.shape_cast %broadcast_in_dim3A_299 : vector<16xi32> to vector<16xi32>
    tpu.vector_store %arg7[%swap3A_300], %swap3A_303 {strides = array<i32>} : memref<1024xi32, #tpu.memory_space<vmem>>, vector<16xi32>,
    %broadcast_in_dim3A_304 = arith.constant 0 : i32
    %broadcast_in_dim3A_305 = vector.broadcast %broadcast_in_dim3A_304 : i32 to vector<16xi32>
    %swap3A_306 = arith.constant 816 : index
    %swap3A_307 = tpu.vector_load %arg7[%swap3A_306] {strides = array<i32>} : memref<1024xi32, #tpu.memory_space<vmem>>, vector<16xi32>,
    %swap3A_308 = vector.shape_cast %swap3A_307 : vector<16xi32> to vector<16xi32>
    %swap3A_309 = vector.shape_cast %broadcast_in_dim3A_305 : vector<16xi32> to vector<16xi32>
    tpu.vector_store %arg7[%swap3A_306], %swap3A_309 {strides = array<i32>} : memref<1024xi32, #tpu.memory_space<vmem>>, vector<16xi32>,
    %broadcast_in_dim3A_310 = arith.constant 0 : i32
    %broadcast_in_dim3A_311 = vector.broadcast %broadcast_in_dim3A_310 : i32 to vector<16xi32>
    %swap3A_312 = arith.constant 832 : index
    %swap3A_313 = tpu.vector_load %arg7[%swap3A_312] {strides = array<i32>} : memref<1024xi32, #tpu.memory_space<vmem>>, vector<16xi32>,
    %swap3A_314 = vector.shape_cast %swap3A_313 : vector<16xi32> to vector<16xi32>
    %swap3A_315 = vector.shape_cast %broadcast_in_dim3A_311 : vector<16xi32> to vector<16xi32>
    tpu.vector_store %arg7[%swap3A_312], %swap3A_315 {strides = array<i32>} : memref<1024xi32, #tpu.memory_space<vmem>>, vector<16xi32>,
    %broadcast_in_dim3A_316 = arith.constant 0 : i32
    %broadcast_in_dim3A_317 = vector.broadcast %broadcast_in_dim3A_316 : i32 to vector<16xi32>
    %swap3A_318 = arith.constant 848 : index
    %swap3A_319 = tpu.vector_load %arg7[%swap3A_318] {strides = array<i32>} : memref<1024xi32, #tpu.memory_space<vmem>>, vector<16xi32>,
    %swap3A_320 = vector.shape_cast %swap3A_319 : vector<16xi32> to vector<16xi32>
    %swap3A_321 = vector.shape_cast %broadcast_in_dim3A_317 : vector<16xi32> to vector<16xi32>
    tpu.vector_store %arg7[%swap3A_318], %swap3A_321 {strides = array<i32>} : memref<1024xi32, #tpu.memory_space<vmem>>, vector<16xi32>,
    %broadcast_in_dim3A_322 = arith.constant 0 : i32
    %broadcast_in_dim3A_323 = vector.broadcast %broadcast_in_dim3A_322 : i32 to vector<16xi32>
    %swap3A_324 = arith.constant 864 : index
    %swap3A_325 = tpu.vector_load %arg7[%swap3A_324] {strides = array<i32>} : memref<1024xi32, #tpu.memory_space<vmem>>, vector<16xi32>,
    %swap3A_326 = vector.shape_cast %swap3A_325 : vector<16xi32> to vector<16xi32>
    %swap3A_327 = vector.shape_cast %broadcast_in_dim3A_323 : vector<16xi32> to vector<16xi32>
    tpu.vector_store %arg7[%swap3A_324], %swap3A_327 {strides = array<i32>} : memref<1024xi32, #tpu.memory_space<vmem>>, vector<16xi32>,
    %broadcast_in_dim3A_328 = arith.constant 0 : i32
    %broadcast_in_dim3A_329 = vector.broadcast %broadcast_in_dim3A_328 : i32 to vector<16xi32>
    %swap3A_330 = arith.constant 880 : index
    %swap3A_331 = tpu.vector_load %arg7[%swap3A_330] {strides = array<i32>} : memref<1024xi32, #tpu.memory_space<vmem>>, vector<16xi32>,
    %swap3A_332 = vector.shape_cast %swap3A_331 : vector<16xi32> to vector<16xi32>
    %swap3A_333 = vector.shape_cast %broadcast_in_dim3A_329 : vector<16xi32> to vector<16xi32>
    tpu.vector_store %arg7[%swap3A_330], %swap3A_333 {strides = array<i32>} : memref<1024xi32, #tpu.memory_space<vmem>>, vector<16xi32>,
    %broadcast_in_dim3A_334 = arith.constant 0 : i32
    %broadcast_in_dim3A_335 = vector.broadcast %broadcast_in_dim3A_334 : i32 to vector<16xi32>
    %swap3A_336 = arith.constant 896 : index
    %swap3A_337 = tpu.vector_load %arg7[%swap3A_336] {strides = array<i32>} : memref<1024xi32, #tpu.memory_space<vmem>>, vector<16xi32>,
    %swap3A_338 = vector.shape_cast %swap3A_337 : vector<16xi32> to vector<16xi32>
    %swap3A_339 = vector.shape_cast %broadcast_in_dim3A_335 : vector<16xi32> to vector<16xi32>
    tpu.vector_store %arg7[%swap3A_336], %swap3A_339 {strides = array<i32>} : memref<1024xi32, #tpu.memory_space<vmem>>, vector<16xi32>,
    %broadcast_in_dim3A_340 = arith.constant 0 : i32
    %broadcast_in_dim3A_341 = vector.broadcast %broadcast_in_dim3A_340 : i32 to vector<16xi32>
    %swap3A_342 = arith.constant 912 : index
    %swap3A_343 = tpu.vector_load %arg7[%swap3A_342] {strides = array<i32>} : memref<1024xi32, #tpu.memory_space<vmem>>, vector<16xi32>,
    %swap3A_344 = vector.shape_cast %swap3A_343 : vector<16xi32> to vector<16xi32>
    %swap3A_345 = vector.shape_cast %broadcast_in_dim3A_341 : vector<16xi32> to vector<16xi32>
    tpu.vector_store %arg7[%swap3A_342], %swap3A_345 {strides = array<i32>} : memref<1024xi32, #tpu.memory_space<vmem>>, vector<16xi32>,
    %broadcast_in_dim3A_346 = arith.constant 0 : i32
    %broadcast_in_dim3A_347 = vector.broadcast %broadcast_in_dim3A_346 : i32 to vector<16xi32>
    %swap3A_348 = arith.constant 928 : index
    %swap3A_349 = tpu.vector_load %arg7[%swap3A_348] {strides = array<i32>} : memref<1024xi32, #tpu.memory_space<vmem>>, vector<16xi32>,
    %swap3A_350 = vector.shape_cast %swap3A_349 : vector<16xi32> to vector<16xi32>
    %swap3A_351 = vector.shape_cast %broadcast_in_dim3A_347 : vector<16xi32> to vector<16xi32>
    tpu.vector_store %arg7[%swap3A_348], %swap3A_351 {strides = array<i32>} : memref<1024xi32, #tpu.memory_space<vmem>>, vector<16xi32>,
    %broadcast_in_dim3A_352 = arith.constant 0 : i32
    %broadcast_in_dim3A_353 = vector.broadcast %broadcast_in_dim3A_352 : i32 to vector<16xi32>
    %swap3A_354 = arith.constant 944 : index
    %swap3A_355 = tpu.vector_load %arg7[%swap3A_354] {strides = array<i32>} : memref<1024xi32, #tpu.memory_space<vmem>>, vector<16xi32>,
    %swap3A_356 = vector.shape_cast %swap3A_355 : vector<16xi32> to vector<16xi32>
    %swap3A_357 = vector.shape_cast %broadcast_in_dim3A_353 : vector<16xi32> to vector<16xi32>
    tpu.vector_store %arg7[%swap3A_354], %swap3A_357 {strides = array<i32>} : memref<1024xi32, #tpu.memory_space<vmem>>, vector<16xi32>,
    %broadcast_in_dim3A_358 = arith.constant 0 : i32
    %broadcast_in_dim3A_359 = vector.broadcast %broadcast_in_dim3A_358 : i32 to vector<16xi32>
    %swap3A_360 = arith.constant 960 : index
    %swap3A_361 = tpu.vector_load %arg7[%swap3A_360] {strides = array<i32>} : memref<1024xi32, #tpu.memory_space<vmem>>, vector<16xi32>,
    %swap3A_362 = vector.shape_cast %swap3A_361 : vector<16xi32> to vector<16xi32>
    %swap3A_363 = vector.shape_cast %broadcast_in_dim3A_359 : vector<16xi32> to vector<16xi32>
    tpu.vector_store %arg7[%swap3A_360], %swap3A_363 {strides = array<i32>} : memref<1024xi32, #tpu.memory_space<vmem>>, vector<16xi32>,
    %broadcast_in_dim3A_364 = arith.constant 0 : i32
    %broadcast_in_dim3A_365 = vector.broadcast %broadcast_in_dim3A_364 : i32 to vector<16xi32>
    %swap3A_366 = arith.constant 976 : index
    %swap3A_367 = tpu.vector_load %arg7[%swap3A_366] {strides = array<i32>} : memref<1024xi32, #tpu.memory_space<vmem>>, vector<16xi32>,
    %swap3A_368 = vector.shape_cast %swap3A_367 : vector<16xi32> to vector<16xi32>
    %swap3A_369 = vector.shape_cast %broadcast_in_dim3A_365 : vector<16xi32> to vector<16xi32>
    tpu.vector_store %arg7[%swap3A_366], %swap3A_369 {strides = array<i32>} : memref<1024xi32, #tpu.memory_space<vmem>>, vector<16xi32>,
    %broadcast_in_dim3A_370 = arith.constant 0 : i32
    %broadcast_in_dim3A_371 = vector.broadcast %broadcast_in_dim3A_370 : i32 to vector<16xi32>
    %swap3A_372 = arith.constant 992 : index
    %swap3A_373 = tpu.vector_load %arg7[%swap3A_372] {strides = array<i32>} : memref<1024xi32, #tpu.memory_space<vmem>>, vector<16xi32>,
    %swap3A_374 = vector.shape_cast %swap3A_373 : vector<16xi32> to vector<16xi32>
    %swap3A_375 = vector.shape_cast %broadcast_in_dim3A_371 : vector<16xi32> to vector<16xi32>
    tpu.vector_store %arg7[%swap3A_372], %swap3A_375 {strides = array<i32>} : memref<1024xi32, #tpu.memory_space<vmem>>, vector<16xi32>,
    %broadcast_in_dim3A_376 = arith.constant 0 : i32
    %broadcast_in_dim3A_377 = vector.broadcast %broadcast_in_dim3A_376 : i32 to vector<16xi32>
    %swap3A_378 = arith.constant 1008 : index
    %swap3A_379 = tpu.vector_load %arg7[%swap3A_378] {strides = array<i32>} : memref<1024xi32, #tpu.memory_space<vmem>>, vector<16xi32>,
    %swap3A_380 = vector.shape_cast %swap3A_379 : vector<16xi32> to vector<16xi32>
    %swap3A_381 = vector.shape_cast %broadcast_in_dim3A_377 : vector<16xi32> to vector<16xi32>
    tpu.vector_store %arg7[%swap3A_378], %swap3A_381 {strides = array<i32>} : memref<1024xi32, #tpu.memory_space<vmem>>, vector<16xi32>,
    %broadcast_in_dim3A_382 = arith.constant 1 : i32
    %broadcast_in_dim3A_383 = vector.broadcast %broadcast_in_dim3A_382 : i32 to vector<16xi32>
    %swap3A_384 = arith.constant 0 : index
    %swap3A_385 = tpu.vector_load %arg6[%swap3A_384] {strides = array<i32>} : memref<128xi32, #tpu.memory_space<vmem>>, vector<16xi32>,
    %swap3A_386 = vector.shape_cast %swap3A_385 : vector<16xi32> to vector<16xi32>
    %swap3A_387 = vector.shape_cast %broadcast_in_dim3A_383 : vector<16xi32> to vector<16xi32>
    tpu.vector_store %arg6[%swap3A_384], %swap3A_387 {strides = array<i32>} : memref<128xi32, #tpu.memory_space<vmem>>, vector<16xi32>,
    %broadcast_in_dim3A_388 = arith.constant 1 : i32
    %broadcast_in_dim3A_389 = vector.broadcast %broadcast_in_dim3A_388 : i32 to vector<16xi32>
    %swap3A_390 = arith.constant 16 : index
    %swap3A_391 = tpu.vector_load %arg6[%swap3A_390] {strides = array<i32>} : memref<128xi32, #tpu.memory_space<vmem>>, vector<16xi32>,
    %swap3A_392 = vector.shape_cast %swap3A_391 : vector<16xi32> to vector<16xi32>
    %swap3A_393 = vector.shape_cast %broadcast_in_dim3A_389 : vector<16xi32> to vector<16xi32>
    tpu.vector_store %arg6[%swap3A_390], %swap3A_393 {strides = array<i32>} : memref<128xi32, #tpu.memory_space<vmem>>, vector<16xi32>,
    %broadcast_in_dim3A_394 = arith.constant 1 : i32
    %broadcast_in_dim3A_395 = vector.broadcast %broadcast_in_dim3A_394 : i32 to vector<16xi32>
    %swap3A_396 = arith.constant 32 : index
    %swap3A_397 = tpu.vector_load %arg6[%swap3A_396] {strides = array<i32>} : memref<128xi32, #tpu.memory_space<vmem>>, vector<16xi32>,
    %swap3A_398 = vector.shape_cast %swap3A_397 : vector<16xi32> to vector<16xi32>
    %swap3A_399 = vector.shape_cast %broadcast_in_dim3A_395 : vector<16xi32> to vector<16xi32>
    tpu.vector_store %arg6[%swap3A_396], %swap3A_399 {strides = array<i32>} : memref<128xi32, #tpu.memory_space<vmem>>, vector<16xi32>,
    %broadcast_in_dim3A_400 = arith.constant 1 : i32
    %broadcast_in_dim3A_401 = vector.broadcast %broadcast_in_dim3A_400 : i32 to vector<16xi32>
    %swap3A_402 = arith.constant 48 : index
    %swap3A_403 = tpu.vector_load %arg6[%swap3A_402] {strides = array<i32>} : memref<128xi32, #tpu.memory_space<vmem>>, vector<16xi32>,
    %swap3A_404 = vector.shape_cast %swap3A_403 : vector<16xi32> to vector<16xi32>
    %swap3A_405 = vector.shape_cast %broadcast_in_dim3A_401 : vector<16xi32> to vector<16xi32>
    tpu.vector_store %arg6[%swap3A_402], %swap3A_405 {strides = array<i32>} : memref<128xi32, #tpu.memory_space<vmem>>, vector<16xi32>,
    %broadcast_in_dim3A_406 = arith.constant 1 : i32
    %broadcast_in_dim3A_407 = vector.broadcast %broadcast_in_dim3A_406 : i32 to vector<16xi32>
    %swap3A_408 = arith.constant 64 : index
    %swap3A_409 = tpu.vector_load %arg6[%swap3A_408] {strides = array<i32>} : memref<128xi32, #tpu.memory_space<vmem>>, vector<16xi32>,
    %swap3A_410 = vector.shape_cast %swap3A_409 : vector<16xi32> to vector<16xi32>
    %swap3A_411 = vector.shape_cast %broadcast_in_dim3A_407 : vector<16xi32> to vector<16xi32>
    tpu.vector_store %arg6[%swap3A_408], %swap3A_411 {strides = array<i32>} : memref<128xi32, #tpu.memory_space<vmem>>, vector<16xi32>,
    %broadcast_in_dim3A_412 = arith.constant 1 : i32
    %broadcast_in_dim3A_413 = vector.broadcast %broadcast_in_dim3A_412 : i32 to vector<16xi32>
    %swap3A_414 = arith.constant 80 : index
    %swap3A_415 = tpu.vector_load %arg6[%swap3A_414] {strides = array<i32>} : memref<128xi32, #tpu.memory_space<vmem>>, vector<16xi32>,
    %swap3A_416 = vector.shape_cast %swap3A_415 : vector<16xi32> to vector<16xi32>
    %swap3A_417 = vector.shape_cast %broadcast_in_dim3A_413 : vector<16xi32> to vector<16xi32>
    tpu.vector_store %arg6[%swap3A_414], %swap3A_417 {strides = array<i32>} : memref<128xi32, #tpu.memory_space<vmem>>, vector<16xi32>,
    %broadcast_in_dim3A_418 = arith.constant 1 : i32
    %broadcast_in_dim3A_419 = vector.broadcast %broadcast_in_dim3A_418 : i32 to vector<16xi32>
    %swap3A_420 = arith.constant 96 : index
    %swap3A_421 = tpu.vector_load %arg6[%swap3A_420] {strides = array<i32>} : memref<128xi32, #tpu.memory_space<vmem>>, vector<16xi32>,
    %swap3A_422 = vector.shape_cast %swap3A_421 : vector<16xi32> to vector<16xi32>
    %swap3A_423 = vector.shape_cast %broadcast_in_dim3A_419 : vector<16xi32> to vector<16xi32>
    tpu.vector_store %arg6[%swap3A_420], %swap3A_423 {strides = array<i32>} : memref<128xi32, #tpu.memory_space<vmem>>, vector<16xi32>,
    %broadcast_in_dim3A_424 = arith.constant 1 : i32
    %broadcast_in_dim3A_425 = vector.broadcast %broadcast_in_dim3A_424 : i32 to vector<16xi32>
    %swap3A_426 = arith.constant 112 : index
    %swap3A_427 = tpu.vector_load %arg6[%swap3A_426] {strides = array<i32>} : memref<128xi32, #tpu.memory_space<vmem>>, vector<16xi32>,
    %swap3A_428 = vector.shape_cast %swap3A_427 : vector<16xi32> to vector<16xi32>
    %swap3A_429 = vector.shape_cast %broadcast_in_dim3A_425 : vector<16xi32> to vector<16xi32>
    tpu.vector_store %arg6[%swap3A_426], %swap3A_429 {strides = array<i32>} : memref<128xi32, #tpu.memory_space<vmem>>, vector<16xi32>,
    %mul3A = arith.constant 1024 : i32
    %mul3A_430 = arith.muli %arg1, %mul3A : i32
    "tpu.region"() ({
      %run_scoped3A = tpu.sem_alloc : memref<!tpu.dma_semaphore, #tpu.memory_space<semaphore_mem>>
      %dma_start3A = tpu.memref_slice %arg8[%mul3A_430] : memref<16384xi32, #tpu.memory_space<vmem_shared>> -> memref<1024xi32, #tpu.memory_space<vmem_shared>>
      %dma_start3A_449 = tpu.memref_slice %arg8[%mul3A_430] : memref<16384xi32, #tpu.memory_space<vmem_shared>> -> memref<1024xi32, #tpu.memory_space<vmem_shared>>
      tpu.enqueue_dma source(%arg7 : memref<1024xi32, #tpu.memory_space<vmem>>) target(%dma_start3A_449 : memref<1024xi32, #tpu.memory_space<vmem_shared>>) target_semaphore(%run_scoped3A : memref<!tpu.dma_semaphore, #tpu.memory_space<semaphore_mem>>)
      %dma_wait3A = tpu.memref_slice %arg8[%mul3A_430] : memref<16384xi32, #tpu.memory_space<vmem_shared>> -> memref<1024xi32, #tpu.memory_space<vmem_shared>>
      %dma_wait3A_450 = tpu.memref_slice %arg8[%mul3A_430] : memref<16384xi32, #tpu.memory_space<vmem_shared>> -> memref<1024xi32, #tpu.memory_space<vmem_shared>>
      tpu.wait_dma2 semaphore(%run_scoped3A : memref<!tpu.dma_semaphore, #tpu.memory_space<semaphore_mem>>) src(%arg7 : memref<1024xi32, #tpu.memory_space<vmem>>) dst(%dma_wait3A_450 : memref<1024xi32, #tpu.memory_space<vmem_shared>>)
      tpu.yield
    }) : () -> ()
    %barrier3A = arith.constant 0 : index
    tpu.barrier barrier_id(%barrier3A)
    %mul3A_431 = arith.constant 16384 : i32
    %mul3A_432 = arith.muli %arg1, %mul3A_431 : i32
    "tpu.region"() ({
      %run_scoped3A = tpu.sem_alloc : memref<!tpu.dma_semaphore, #tpu.memory_space<semaphore_mem>>
      %dma_start3A = tpu.memref_slice %arg2[%mul3A_432] : memref<262144xf32, #tpu.memory_space<hbm>> -> memref<16384xf32, #tpu.memory_space<hbm>>
      %dma_start3A_449 = tpu.memref_slice %arg2[%mul3A_432] : memref<262144xf32, #tpu.memory_space<hbm>> -> memref<16384xf32, #tpu.memory_space<hbm>>
      tpu.enqueue_dma source(%dma_start3A_449 : memref<16384xf32, #tpu.memory_space<hbm>>) target(%arg4 : memref<16384xf32, #tpu.memory_space<vmem>>) target_semaphore(%run_scoped3A : memref<!tpu.dma_semaphore, #tpu.memory_space<semaphore_mem>>)
      %dma_wait3A = tpu.memref_slice %arg2[%mul3A_432] : memref<262144xf32, #tpu.memory_space<hbm>> -> memref<16384xf32, #tpu.memory_space<hbm>>
      %dma_wait3A_450 = tpu.memref_slice %arg2[%mul3A_432] : memref<262144xf32, #tpu.memory_space<hbm>> -> memref<16384xf32, #tpu.memory_space<hbm>>
      tpu.wait_dma2 semaphore(%run_scoped3A : memref<!tpu.dma_semaphore, #tpu.memory_space<semaphore_mem>>) src(%dma_wait3A_450 : memref<16384xf32, #tpu.memory_space<hbm>>) dst(%arg4 : memref<16384xf32, #tpu.memory_space<vmem>>)
      tpu.yield
    }) : () -> ()
    %scan3A = arith.constant 0 : i32
    %scan3A_433 = arith.constant 0 : i32
    %scan3A_434 = arith.constant 128 : i32
    %scan3A_435 = arith.addi %scan3A_433, %scan3A_434 : i32
    %scan3A_436 = arith.constant 1 : i32
    scf.for %scan3A_449 = %scan3A_433 to %scan3A_435 step %scan3A_436  : i32 {
      %mul3A_450 = arith.constant 128 : i32
      %mul3A_451 = arith.muli %scan3A_449, %mul3A_450 : i32
      %add3A = arith.constant 0 : i32
      %add3A_452 = arith.addi %mul3A_451, %add3A : i32
      %get3A = arith.index_cast %add3A_452 : i32 to index
      %get3A_453 = tpu.vector_load %arg4[%get3A] {strides = array<i32>} : memref<16384xf32, #tpu.memory_space<vmem>>, vector<16xf32>,
      %get3A_454 = vector.shape_cast %get3A_453 : vector<16xf32> to vector<16xf32>
      %bitcast_convert_type3A = tpu.bitcast %get3A_454 : vector<16xf32> -> vector<16xi32>
      %shift_right_logical3A = arith.constant 16 : i32
      %shift_right_logical3A_455 = vector.broadcast %shift_right_logical3A : i32 to vector<16xi32>
      %shift_right_logical3A_456 = arith.shrui %bitcast_convert_type3A, %shift_right_logical3A_455 : vector<16xi32>
      %swap3A_457 = arith.constant 0 : i32
      %swap3A_458 = tpu.memref_slice %arg5[%scan3A_449, %swap3A_457] : memref<128x128xi32, #tpu.memory_space<vmem>> -> memref<1x128xi32, #tpu.memory_space<vmem>>
      %swap3A_459 = tpu.memref_squeeze %swap3A_458 : memref<1x128xi32, #tpu.memory_space<vmem>> -> memref<128xi32, #tpu.memory_space<vmem>>
      %swap3A_460 = arith.constant 0 : index
      %swap3A_461 = tpu.vector_load %swap3A_459[%swap3A_460] {strides = array<i32>} : memref<128xi32, #tpu.memory_space<vmem>>, vector<16xi32>,
      %swap3A_462 = vector.shape_cast %swap3A_461 : vector<16xi32> to vector<16xi32>
      %swap3A_463 = vector.shape_cast %shift_right_logical3A_456 : vector<16xi32> to vector<16xi32>
      tpu.vector_store %swap3A_459[%swap3A_460], %swap3A_463 {strides = array<i32>} : memref<128xi32, #tpu.memory_space<vmem>>, vector<16xi32>,
      %mul3A_464 = arith.constant 128 : i32
      %mul3A_465 = arith.muli %scan3A_449, %mul3A_464 : i32
      %add3A_466 = arith.constant 16 : i32
      %add3A_467 = arith.addi %mul3A_465, %add3A_466 : i32
      %get3A_468 = arith.index_cast %add3A_467 : i32 to index
      %get3A_469 = tpu.vector_load %arg4[%get3A_468] {strides = array<i32>} : memref<16384xf32, #tpu.memory_space<vmem>>, vector<16xf32>,
      %get3A_470 = vector.shape_cast %get3A_469 : vector<16xf32> to vector<16xf32>
      %bitcast_convert_type3A_471 = tpu.bitcast %get3A_470 : vector<16xf32> -> vector<16xi32>
      %shift_right_logical3A_472 = arith.constant 16 : i32
      %shift_right_logical3A_473 = vector.broadcast %shift_right_logical3A_472 : i32 to vector<16xi32>
      %shift_right_logical3A_474 = arith.shrui %bitcast_convert_type3A_471, %shift_right_logical3A_473 : vector<16xi32>
      %swap3A_475 = arith.constant 0 : i32
      %swap3A_476 = tpu.memref_slice %arg5[%scan3A_449, %swap3A_475] : memref<128x128xi32, #tpu.memory_space<vmem>> -> memref<1x128xi32, #tpu.memory_space<vmem>>
      %swap3A_477 = tpu.memref_squeeze %swap3A_476 : memref<1x128xi32, #tpu.memory_space<vmem>> -> memref<128xi32, #tpu.memory_space<vmem>>
      %swap3A_478 = arith.constant 16 : index
      %swap3A_479 = tpu.vector_load %swap3A_477[%swap3A_478] {strides = array<i32>} : memref<128xi32, #tpu.memory_space<vmem>>, vector<16xi32>,
      %swap3A_480 = vector.shape_cast %swap3A_479 : vector<16xi32> to vector<16xi32>
      %swap3A_481 = vector.shape_cast %shift_right_logical3A_474 : vector<16xi32> to vector<16xi32>
      tpu.vector_store %swap3A_477[%swap3A_478], %swap3A_481 {strides = array<i32>} : memref<128xi32, #tpu.memory_space<vmem>>, vector<16xi32>,
      %mul3A_482 = arith.constant 128 : i32
      %mul3A_483 = arith.muli %scan3A_449, %mul3A_482 : i32
      %add3A_484 = arith.constant 32 : i32
      %add3A_485 = arith.addi %mul3A_483, %add3A_484 : i32
      %get3A_486 = arith.index_cast %add3A_485 : i32 to index
      %get3A_487 = tpu.vector_load %arg4[%get3A_486] {strides = array<i32>} : memref<16384xf32, #tpu.memory_space<vmem>>, vector<16xf32>,
      %get3A_488 = vector.shape_cast %get3A_487 : vector<16xf32> to vector<16xf32>
      %bitcast_convert_type3A_489 = tpu.bitcast %get3A_488 : vector<16xf32> -> vector<16xi32>
      %shift_right_logical3A_490 = arith.constant 16 : i32
      %shift_right_logical3A_491 = vector.broadcast %shift_right_logical3A_490 : i32 to vector<16xi32>
      %shift_right_logical3A_492 = arith.shrui %bitcast_convert_type3A_489, %shift_right_logical3A_491 : vector<16xi32>
      %swap3A_493 = arith.constant 0 : i32
      %swap3A_494 = tpu.memref_slice %arg5[%scan3A_449, %swap3A_493] : memref<128x128xi32, #tpu.memory_space<vmem>> -> memref<1x128xi32, #tpu.memory_space<vmem>>
      %swap3A_495 = tpu.memref_squeeze %swap3A_494 : memref<1x128xi32, #tpu.memory_space<vmem>> -> memref<128xi32, #tpu.memory_space<vmem>>
      %swap3A_496 = arith.constant 32 : index
      %swap3A_497 = tpu.vector_load %swap3A_495[%swap3A_496] {strides = array<i32>} : memref<128xi32, #tpu.memory_space<vmem>>, vector<16xi32>,
      %swap3A_498 = vector.shape_cast %swap3A_497 : vector<16xi32> to vector<16xi32>
      %swap3A_499 = vector.shape_cast %shift_right_logical3A_492 : vector<16xi32> to vector<16xi32>
      tpu.vector_store %swap3A_495[%swap3A_496], %swap3A_499 {strides = array<i32>} : memref<128xi32, #tpu.memory_space<vmem>>, vector<16xi32>,
      %mul3A_500 = arith.constant 128 : i32
      %mul3A_501 = arith.muli %scan3A_449, %mul3A_500 : i32
      %add3A_502 = arith.constant 48 : i32
      %add3A_503 = arith.addi %mul3A_501, %add3A_502 : i32
      %get3A_504 = arith.index_cast %add3A_503 : i32 to index
      %get3A_505 = tpu.vector_load %arg4[%get3A_504] {strides = array<i32>} : memref<16384xf32, #tpu.memory_space<vmem>>, vector<16xf32>,
      %get3A_506 = vector.shape_cast %get3A_505 : vector<16xf32> to vector<16xf32>
      %bitcast_convert_type3A_507 = tpu.bitcast %get3A_506 : vector<16xf32> -> vector<16xi32>
      %shift_right_logical3A_508 = arith.constant 16 : i32
      %shift_right_logical3A_509 = vector.broadcast %shift_right_logical3A_508 : i32 to vector<16xi32>
      %shift_right_logical3A_510 = arith.shrui %bitcast_convert_type3A_507, %shift_right_logical3A_509 : vector<16xi32>
      %swap3A_511 = arith.constant 0 : i32
      %swap3A_512 = tpu.memref_slice %arg5[%scan3A_449, %swap3A_511] : memref<128x128xi32, #tpu.memory_space<vmem>> -> memref<1x128xi32, #tpu.memory_space<vmem>>
      %swap3A_513 = tpu.memref_squeeze %swap3A_512 : memref<1x128xi32, #tpu.memory_space<vmem>> -> memref<128xi32, #tpu.memory_space<vmem>>
      %swap3A_514 = arith.constant 48 : index
      %swap3A_515 = tpu.vector_load %swap3A_513[%swap3A_514] {strides = array<i32>} : memref<128xi32, #tpu.memory_space<vmem>>, vector<16xi32>,
      %swap3A_516 = vector.shape_cast %swap3A_515 : vector<16xi32> to vector<16xi32>
      %swap3A_517 = vector.shape_cast %shift_right_logical3A_510 : vector<16xi32> to vector<16xi32>
      tpu.vector_store %swap3A_513[%swap3A_514], %swap3A_517 {strides = array<i32>} : memref<128xi32, #tpu.memory_space<vmem>>, vector<16xi32>,
      %mul3A_518 = arith.constant 128 : i32
      %mul3A_519 = arith.muli %scan3A_449, %mul3A_518 : i32
      %add3A_520 = arith.constant 64 : i32
      %add3A_521 = arith.addi %mul3A_519, %add3A_520 : i32
      %get3A_522 = arith.index_cast %add3A_521 : i32 to index
      %get3A_523 = tpu.vector_load %arg4[%get3A_522] {strides = array<i32>} : memref<16384xf32, #tpu.memory_space<vmem>>, vector<16xf32>,
      %get3A_524 = vector.shape_cast %get3A_523 : vector<16xf32> to vector<16xf32>
      %bitcast_convert_type3A_525 = tpu.bitcast %get3A_524 : vector<16xf32> -> vector<16xi32>
      %shift_right_logical3A_526 = arith.constant 16 : i32
      %shift_right_logical3A_527 = vector.broadcast %shift_right_logical3A_526 : i32 to vector<16xi32>
      %shift_right_logical3A_528 = arith.shrui %bitcast_convert_type3A_525, %shift_right_logical3A_527 : vector<16xi32>
      %swap3A_529 = arith.constant 0 : i32
      %swap3A_530 = tpu.memref_slice %arg5[%scan3A_449, %swap3A_529] : memref<128x128xi32, #tpu.memory_space<vmem>> -> memref<1x128xi32, #tpu.memory_space<vmem>>
      %swap3A_531 = tpu.memref_squeeze %swap3A_530 : memref<1x128xi32, #tpu.memory_space<vmem>> -> memref<128xi32, #tpu.memory_space<vmem>>
      %swap3A_532 = arith.constant 64 : index
      %swap3A_533 = tpu.vector_load %swap3A_531[%swap3A_532] {strides = array<i32>} : memref<128xi32, #tpu.memory_space<vmem>>, vector<16xi32>,
      %swap3A_534 = vector.shape_cast %swap3A_533 : vector<16xi32> to vector<16xi32>
      %swap3A_535 = vector.shape_cast %shift_right_logical3A_528 : vector<16xi32> to vector<16xi32>
      tpu.vector_store %swap3A_531[%swap3A_532], %swap3A_535 {strides = array<i32>} : memref<128xi32, #tpu.memory_space<vmem>>, vector<16xi32>,
      %mul3A_536 = arith.constant 128 : i32
      %mul3A_537 = arith.muli %scan3A_449, %mul3A_536 : i32
      %add3A_538 = arith.constant 80 : i32
      %add3A_539 = arith.addi %mul3A_537, %add3A_538 : i32
      %get3A_540 = arith.index_cast %add3A_539 : i32 to index
      %get3A_541 = tpu.vector_load %arg4[%get3A_540] {strides = array<i32>} : memref<16384xf32, #tpu.memory_space<vmem>>, vector<16xf32>,
      %get3A_542 = vector.shape_cast %get3A_541 : vector<16xf32> to vector<16xf32>
      %bitcast_convert_type3A_543 = tpu.bitcast %get3A_542 : vector<16xf32> -> vector<16xi32>
      %shift_right_logical3A_544 = arith.constant 16 : i32
      %shift_right_logical3A_545 = vector.broadcast %shift_right_logical3A_544 : i32 to vector<16xi32>
      %shift_right_logical3A_546 = arith.shrui %bitcast_convert_type3A_543, %shift_right_logical3A_545 : vector<16xi32>
      %swap3A_547 = arith.constant 0 : i32
      %swap3A_548 = tpu.memref_slice %arg5[%scan3A_449, %swap3A_547] : memref<128x128xi32, #tpu.memory_space<vmem>> -> memref<1x128xi32, #tpu.memory_space<vmem>>
      %swap3A_549 = tpu.memref_squeeze %swap3A_548 : memref<1x128xi32, #tpu.memory_space<vmem>> -> memref<128xi32, #tpu.memory_space<vmem>>
      %swap3A_550 = arith.constant 80 : index
      %swap3A_551 = tpu.vector_load %swap3A_549[%swap3A_550] {strides = array<i32>} : memref<128xi32, #tpu.memory_space<vmem>>, vector<16xi32>,
      %swap3A_552 = vector.shape_cast %swap3A_551 : vector<16xi32> to vector<16xi32>
      %swap3A_553 = vector.shape_cast %shift_right_logical3A_546 : vector<16xi32> to vector<16xi32>
      tpu.vector_store %swap3A_549[%swap3A_550], %swap3A_553 {strides = array<i32>} : memref<128xi32, #tpu.memory_space<vmem>>, vector<16xi32>,
      %mul3A_554 = arith.constant 128 : i32
      %mul3A_555 = arith.muli %scan3A_449, %mul3A_554 : i32
      %add3A_556 = arith.constant 96 : i32
      %add3A_557 = arith.addi %mul3A_555, %add3A_556 : i32
      %get3A_558 = arith.index_cast %add3A_557 : i32 to index
      %get3A_559 = tpu.vector_load %arg4[%get3A_558] {strides = array<i32>} : memref<16384xf32, #tpu.memory_space<vmem>>, vector<16xf32>,
      %get3A_560 = vector.shape_cast %get3A_559 : vector<16xf32> to vector<16xf32>
      %bitcast_convert_type3A_561 = tpu.bitcast %get3A_560 : vector<16xf32> -> vector<16xi32>
      %shift_right_logical3A_562 = arith.constant 16 : i32
      %shift_right_logical3A_563 = vector.broadcast %shift_right_logical3A_562 : i32 to vector<16xi32>
      %shift_right_logical3A_564 = arith.shrui %bitcast_convert_type3A_561, %shift_right_logical3A_563 : vector<16xi32>
      %swap3A_565 = arith.constant 0 : i32
      %swap3A_566 = tpu.memref_slice %arg5[%scan3A_449, %swap3A_565] : memref<128x128xi32, #tpu.memory_space<vmem>> -> memref<1x128xi32, #tpu.memory_space<vmem>>
      %swap3A_567 = tpu.memref_squeeze %swap3A_566 : memref<1x128xi32, #tpu.memory_space<vmem>> -> memref<128xi32, #tpu.memory_space<vmem>>
      %swap3A_568 = arith.constant 96 : index
      %swap3A_569 = tpu.vector_load %swap3A_567[%swap3A_568] {strides = array<i32>} : memref<128xi32, #tpu.memory_space<vmem>>, vector<16xi32>,
      %swap3A_570 = vector.shape_cast %swap3A_569 : vector<16xi32> to vector<16xi32>
      %swap3A_571 = vector.shape_cast %shift_right_logical3A_564 : vector<16xi32> to vector<16xi32>
      tpu.vector_store %swap3A_567[%swap3A_568], %swap3A_571 {strides = array<i32>} : memref<128xi32, #tpu.memory_space<vmem>>, vector<16xi32>,
      %mul3A_572 = arith.constant 128 : i32
      %mul3A_573 = arith.muli %scan3A_449, %mul3A_572 : i32
      %add3A_574 = arith.constant 112 : i32
      %add3A_575 = arith.addi %mul3A_573, %add3A_574 : i32
      %get3A_576 = arith.index_cast %add3A_575 : i32 to index
      %get3A_577 = tpu.vector_load %arg4[%get3A_576] {strides = array<i32>} : memref<16384xf32, #tpu.memory_space<vmem>>, vector<16xf32>,
      %get3A_578 = vector.shape_cast %get3A_577 : vector<16xf32> to vector<16xf32>
      %bitcast_convert_type3A_579 = tpu.bitcast %get3A_578 : vector<16xf32> -> vector<16xi32>
      %shift_right_logical3A_580 = arith.constant 16 : i32
      %shift_right_logical3A_581 = vector.broadcast %shift_right_logical3A_580 : i32 to vector<16xi32>
      %shift_right_logical3A_582 = arith.shrui %bitcast_convert_type3A_579, %shift_right_logical3A_581 : vector<16xi32>
      %swap3A_583 = arith.constant 0 : i32
      %swap3A_584 = tpu.memref_slice %arg5[%scan3A_449, %swap3A_583] : memref<128x128xi32, #tpu.memory_space<vmem>> -> memref<1x128xi32, #tpu.memory_space<vmem>>
      %swap3A_585 = tpu.memref_squeeze %swap3A_584 : memref<1x128xi32, #tpu.memory_space<vmem>> -> memref<128xi32, #tpu.memory_space<vmem>>
      %swap3A_586 = arith.constant 112 : index
      %swap3A_587 = tpu.vector_load %swap3A_585[%swap3A_586] {strides = array<i32>} : memref<128xi32, #tpu.memory_space<vmem>>, vector<16xi32>,
      %swap3A_588 = vector.shape_cast %swap3A_587 : vector<16xi32> to vector<16xi32>
      %swap3A_589 = vector.shape_cast %shift_right_logical3A_582 : vector<16xi32> to vector<16xi32>
      tpu.vector_store %swap3A_585[%swap3A_586], %swap3A_589 {strides = array<i32>} : memref<128xi32, #tpu.memory_space<vmem>>, vector<16xi32>,
    }
    %scan3A_437 = arith.constant 128 : i32
    %scan3A_438 = arith.constant 0 : i32
    %scan3A_439 = arith.constant 0 : i32
    %scan3A_440 = arith.constant 128 : i32
    %scan3A_441 = arith.addi %scan3A_439, %scan3A_440 : i32
    %scan3A_442 = arith.constant 1 : i32
    scf.for %scan3A_449 = %scan3A_439 to %scan3A_441 step %scan3A_442  : i32 {
      "tpu.region"() ({
        %run_scoped3A = tpu.sem_alloc : memref<!tpu.dma_semaphore, #tpu.memory_space<semaphore_mem>>
        %dma_start3A = arith.constant 0 : i32
        %dma_start3A_450 = tpu.memref_slice %arg5[%scan3A_449, %dma_start3A] : memref<128x128xi32, #tpu.memory_space<vmem>> -> memref<1x128xi32, #tpu.memory_space<vmem>>
        %dma_start3A_451 = tpu.memref_squeeze %dma_start3A_450 : memref<1x128xi32, #tpu.memory_space<vmem>> -> memref<128xi32, #tpu.memory_space<vmem>>
        %dma_start3A_452 = arith.constant 0 : i32
        %dma_start3A_453 = tpu.memref_slice %arg8[%dma_start3A_452] : memref<16384xi32, #tpu.memory_space<vmem_shared>> -> memref<16384xi32, #tpu.memory_space<vmem_shared>>
        tpu.enqueue_indirect_dma source(%arg6 : memref<128xi32, #tpu.memory_space<vmem>>) target(%dma_start3A_453 : memref<16384xi32, #tpu.memory_space<vmem_shared>>) offsets(%dma_start3A_451 : memref<128xi32, #tpu.memory_space<vmem>>) semaphore(%run_scoped3A : memref<!tpu.dma_semaphore, #tpu.memory_space<semaphore_mem>>) {add = true}
        %dma_wait3A = arith.constant 0 : i32
        %dma_wait3A_454 = tpu.memref_slice %arg5[%scan3A_449, %dma_wait3A] : memref<128x128xi32, #tpu.memory_space<vmem>> -> memref<1x128xi32, #tpu.memory_space<vmem>>
        %dma_wait3A_455 = tpu.memref_squeeze %dma_wait3A_454 : memref<1x128xi32, #tpu.memory_space<vmem>> -> memref<128xi32, #tpu.memory_space<vmem>>
        %dma_wait3A_456 = arith.constant 0 : i32
        %dma_wait3A_457 = tpu.memref_slice %arg8[%dma_wait3A_456] : memref<16384xi32, #tpu.memory_space<vmem_shared>> -> memref<16384xi32, #tpu.memory_space<vmem_shared>>
        tpu.wait_indirect_dma semaphore(%run_scoped3A : memref<!tpu.dma_semaphore, #tpu.memory_space<semaphore_mem>>) src(%arg6 : memref<128xi32, #tpu.memory_space<vmem>>) dst(%dma_wait3A_457 : memref<16384xi32, #tpu.memory_space<vmem_shared>>)
        tpu.yield
      }) : () -> ()
    }
    %scan3A_443 = arith.constant 128 : i32
    %barrier3A_444 = arith.constant 0 : index
    tpu.barrier barrier_id(%barrier3A_444)
    %mul3A_445 = arith.constant 1024 : i32
    %mul3A_446 = arith.muli %arg1, %mul3A_445 : i32
    %mul3A_447 = arith.constant 1024 : i32
    %mul3A_448 = arith.muli %arg1, %mul3A_447 : i32
    "tpu.region"() ({
      %run_scoped3A = tpu.sem_alloc : memref<!tpu.dma_semaphore, #tpu.memory_space<semaphore_mem>>
      %dma_start3A = tpu.memref_slice %arg3[%mul3A_448] : memref<16384xi32, #tpu.memory_space<hbm>> -> memref<1024xi32, #tpu.memory_space<hbm>>
      %dma_start3A_449 = tpu.memref_slice %arg8[%mul3A_446] : memref<16384xi32, #tpu.memory_space<vmem_shared>> -> memref<1024xi32, #tpu.memory_space<vmem_shared>>
      tpu.enqueue_dma source(%dma_start3A_449 : memref<1024xi32, #tpu.memory_space<vmem_shared>>) target(%dma_start3A : memref<1024xi32, #tpu.memory_space<hbm>>) target_semaphore(%run_scoped3A : memref<!tpu.dma_semaphore, #tpu.memory_space<semaphore_mem>>)
      %dma_wait3A = tpu.memref_slice %arg3[%mul3A_448] : memref<16384xi32, #tpu.memory_space<hbm>> -> memref<1024xi32, #tpu.memory_space<hbm>>
      %dma_wait3A_450 = tpu.memref_slice %arg8[%mul3A_446] : memref<16384xi32, #tpu.memory_space<vmem_shared>> -> memref<1024xi32, #tpu.memory_space<vmem_shared>>
      tpu.wait_dma2 semaphore(%run_scoped3A : memref<!tpu.dma_semaphore, #tpu.memory_space<semaphore_mem>>) src(%dma_wait3A_450 : memref<1024xi32, #tpu.memory_space<vmem_shared>>) dst(%dma_wait3A : memref<1024xi32, #tpu.memory_space<hbm>>)
      tpu.yield
    }) : () -> ()
    return
  }
}

module attributes {stable_mosaic.version = 14 : i64} {
  func.func @_phase1_kernel(%arg0: i32, %arg1: memref<512x1000xf32, #tpu.memory_space<vmem>>, %arg2: memref<512xi32, #tpu.memory_space<vmem>>, %arg3: memref<1000x16xbf16, #tpu.memory_space<vmem>>, %arg4: memref<512xf32, #tpu.memory_space<vmem>>, %arg5: memref<512xf32, #tpu.memory_space<vmem>>) attributes {dimension_semantics = [#tpu.dimension_semantics<parallel>], iteration_bounds = array<i64: 512>, scalar_prefetch = 0 : i64, scratch_operands = 0 : i64, tpu.core_type = #tpu.core_type<tc>, window_params = [{transform_indices = @transform_0, window_bounds = array<i64: 512, 1000>}, {transform_indices = @transform_1, window_bounds = array<i64: 512>}, {pipeline_mode = #tpu.pipeline_mode<synchronous>, transform_indices = @transform_2, window_bounds = array<i64: 1000, 16>}, {transform_indices = @transform_3, window_bounds = array<i64: 512>}, {transform_indices = @transform_4, window_bounds = array<i64: 512>}]} {
    %get3A = arith.constant 0 : index
    %get3A_0 = arith.constant 0 : index
    %get3A_1 = vector.load %arg1[%get3A, %get3A_0] : memref<512x1000xf32, #tpu.memory_space<vmem>>, vector<512x1000xf32>
    %mul3A = arith.constant 1.44269502 : f32
    %mul3A_2 = vector.broadcast %mul3A : f32 to vector<512x1000xf32>
    %mul3A_3 = arith.mulf %get3A_1, %mul3A_2 : vector<512x1000xf32>
    %exp23A = math.exp2 %mul3A_3 : vector<512x1000xf32>
    %reduce_max3A = arith.constant dense<0xFF800000> : vector<512xf32>
    %reduce_max3A_4 = vector.multi_reduction <maximumf>, %exp23A, %reduce_max3A [1] : vector<512x1000xf32> to vector<512xf32>
    %broadcast_in_dim3A = vector.shape_cast %reduce_max3A_4 : vector<512xf32> to vector<512x1xf32>
    %reduce_sum3A = arith.constant dense<0.000000e+00> : vector<512xf32>
    %reduce_sum3A_5 = vector.multi_reduction <add>, %exp23A, %reduce_sum3A [1] : vector<512x1000xf32> to vector<512xf32>
    %broadcast_in_dim3A_6 = vector.shape_cast %reduce_sum3A_5 : vector<512xf32> to vector<512x1xf32>
    %eq3A = vector.broadcast %broadcast_in_dim3A : vector<512x1xf32> to vector<512x1000xf32>
    %eq3A_7 = arith.cmpf oeq, %exp23A, %eq3A : vector<512x1000xf32>
    %convert_element_type3A = arith.extui %eq3A_7 : vector<512x1000xi1> to vector<512x1000xi32>
    %convert_element_type3A_8 = arith.sitofp %convert_element_type3A : vector<512x1000xi32> to vector<512x1000xf32>
    %convert_element_type3A_9 = arith.truncf %convert_element_type3A_8 : vector<512x1000xf32> to vector<512x1000xbf16>
    %get3A_10 = arith.constant 0 : index
    %get3A_11 = arith.constant 0 : index
    %get3A_12 = vector.load %arg3[%get3A_10, %get3A_11] : memref<1000x16xbf16, #tpu.memory_space<vmem>>, vector<1000x16xbf16>
    %dot_general3A = arith.constant dense<0.000000e+00> : vector<512x16xf32>
    %dot_general3A_13 = tpu.matmul %convert_element_type3A_9, %get3A_12, %dot_general3A {dimension_numbers = #tpu.dot_dimension_numbers<[1], [0], [0], [1], [0, 0, 1, 1], [], []>, transpose_lhs_hint = false} : vector<512x1000xbf16>, vector<1000x16xbf16>, vector<512x16xf32> -> vector<512x16xf32>
    %bitcast_convert_type3A = tpu.bitcast %dot_general3A_13 : vector<512x16xf32> -> vector<512x16xi32>
    %shift_right_arithmetic3A = arith.constant 23 : i32
    %shift_right_arithmetic3A_14 = vector.broadcast %shift_right_arithmetic3A : i32 to vector<512x16xi32>
    %shift_right_arithmetic3A_15 = arith.shrsi %bitcast_convert_type3A, %shift_right_arithmetic3A_14 : vector<512x16xi32>
    %sub3A = arith.constant 127 : i32
    %sub3A_16 = vector.broadcast %sub3A : i32 to vector<512x16xi32>
    %sub3A_17 = arith.subi %sub3A_16, %shift_right_arithmetic3A_15 : vector<512x16xi32>
    %shift_right_arithmetic3A_18 = arith.constant 1 : i32
    %shift_right_arithmetic3A_19 = vector.broadcast %shift_right_arithmetic3A_18 : i32 to vector<512x16xi32>
    %shift_right_arithmetic3A_20 = arith.shrsi %sub3A_17, %shift_right_arithmetic3A_19 : vector<512x16xi32>
    %iota3A = tpu.iota {dimensions = array<i32: 1>} : vector<512x16xi32>
    %gt3A = arith.constant 0.000000e+00 : f32
    %gt3A_21 = vector.broadcast %gt3A : f32 to vector<512x16xf32>
    %gt3A_22 = arith.cmpf ogt, %dot_general3A_13, %gt3A_21 : vector<512x16xf32>
    %mul3A_23 = arith.constant 64 : i32
    %mul3A_24 = vector.broadcast %mul3A_23 : i32 to vector<512x16xi32>
    %mul3A_25 = arith.muli %iota3A, %mul3A_24 : vector<512x16xi32>
    %add3A = arith.addi %mul3A_25, %shift_right_arithmetic3A_20 : vector<512x16xi32>
    %jit3A = arith.constant 1000 : i32
    %broadcast_in_dim3A_26 = vector.broadcast %jit3A : i32 to vector<512x16xi32>
    %select_n3A = arith.select %gt3A_22, %add3A, %broadcast_in_dim3A_26 : vector<512x16xi1>, vector<512x16xi32>
    %reduce_min3A = arith.constant dense<2147483647> : vector<512xi32>
    %reduce_min3A_27 = vector.multi_reduction <minsi>, %select_n3A, %reduce_min3A [1] : vector<512x16xi32> to vector<512xi32>
    %div3A = arith.divf %broadcast_in_dim3A, %broadcast_in_dim3A_6 : vector<512x1xf32>
    %squeeze3A = vector.shape_cast %div3A : vector<512x1xf32> to vector<512xf32>
    %swap3A = arith.constant 0 : index
    %swap3A_28 = vector.load %arg4[%swap3A] : memref<512xf32, #tpu.memory_space<vmem>>, vector<512xf32>
    tpu.vector_store %arg4[%swap3A], %squeeze3A {strides = array<i32>} : memref<512xf32, #tpu.memory_space<vmem>>, vector<512xf32>,
    %get3A_29 = arith.constant 0 : index
    %get3A_30 = vector.load %arg2[%get3A_29] : memref<512xi32, #tpu.memory_space<vmem>>, vector<512xi32>
    %eq3A_31 = arith.cmpi eq, %reduce_min3A_27, %get3A_30 : vector<512xi32>
    %convert_element_type3A_32 = arith.extui %eq3A_31 : vector<512xi1> to vector<512xi32>
    %convert_element_type3A_33 = arith.sitofp %convert_element_type3A_32 : vector<512xi32> to vector<512xf32>
    %swap3A_34 = arith.constant 0 : index
    %swap3A_35 = vector.load %arg5[%swap3A_34] : memref<512xf32, #tpu.memory_space<vmem>>, vector<512xf32>
    tpu.vector_store %arg5[%swap3A_34], %convert_element_type3A_33 {strides = array<i32>} : memref<512xf32, #tpu.memory_space<vmem>>, vector<512xf32>,
    return
  }
  func.func @transform_0(%arg0: i32) -> (i32, i32) {
    %c0_i32 = arith.constant 0 : i32
    %c0_i32_0 = arith.constant 0 : i32
    return %arg0, %c0_i32 : i32, i32
  }
  func.func @transform_1(%arg0: i32) -> i32 {
    %c0_i32 = arith.constant 0 : i32
    return %arg0 : i32
  }
  func.func @transform_2(%arg0: i32) -> (i32, i32) {
    %c0_i32 = arith.constant 0 : i32
    %c0_i32_0 = arith.constant 0 : i32
    %c0_i32_1 = arith.constant 0 : i32
    return %c0_i32, %c0_i32_0 : i32, i32
  }
  func.func @transform_3(%arg0: i32) -> i32 {
    %c0_i32 = arith.constant 0 : i32
    return %arg0 : i32
  }
  func.func @transform_4(%arg0: i32) -> i32 {
    %c0_i32 = arith.constant 0 : i32
    return %arg0 : i32
  }
}

module attributes {stable_mosaic.version = 14 : i64} {
  func.func @_phase2_kernel(%arg0: memref<2048x128xf32, #tpu.memory_space<vmem>>, %arg1: memref<2048x128xf32, #tpu.memory_space<vmem>>, %arg2: memref<32xi32, #tpu.memory_space<vmem>>, %arg3: memref<16xf32, #tpu.memory_space<vmem>>, %arg4: memref<128x128xi32, #tpu.memory_space<vmem>>, %arg5: memref<1xf32, #tpu.memory_space<smem>>) attributes {dimension_semantics = [], scalar_prefetch = 0 : i64, scratch_operands = 0 : i64, tpu.core_type = #tpu.core_type<tc>} {
    %get3A = arith.constant 0 : index
    %get3A_0 = vector.load %arg2[%get3A] : memref<32xi32, #tpu.memory_space<vmem>>, vector<32xi32>
    %add3A = arith.constant 1 : i32
    %add3A_1 = vector.broadcast %add3A : i32 to vector<32xi32>
    %add3A_2 = arith.addi %get3A_0, %add3A_1 : vector<32xi32>
    %iota3A = tpu.iota {dimensions = array<i32: 0>} : vector<8x128xi32>
    %mul3A = arith.constant 128 : i32
    %mul3A_3 = vector.broadcast %mul3A : i32 to vector<8x128xi32>
    %mul3A_4 = arith.muli %iota3A, %mul3A_3 : vector<8x128xi32>
    %iota3A_5 = tpu.iota {dimensions = array<i32: 1>} : vector<8x128xi32>
    %add3A_6 = arith.addi %mul3A_4, %iota3A_5 : vector<8x128xi32>
    %broadcast_in_dim3A = arith.constant 1 : i32
    %broadcast_in_dim3A_7 = vector.broadcast %broadcast_in_dim3A : i32 to vector<32xi32>
    %broadcast_in_dim3A_8 = arith.constant 16384 : i32
    %broadcast_in_dim3A_9 = vector.broadcast %broadcast_in_dim3A_8 : i32 to vector<32xi32>
    %scan3A = arith.constant 0 : i32
    %scan3A_10 = arith.constant 14 : i32
    %scan3A_11 = arith.addi %scan3A, %scan3A_10 : i32
    %scan3A_12 = arith.constant 1 : i32
    %scan3A_13:2 = scf.for %scan3A_149 = %scan3A to %scan3A_11 step %scan3A_12 iter_args(%scan3A_150 = %broadcast_in_dim3A_7, %scan3A_151 = %broadcast_in_dim3A_9) -> (vector<32xi32>, vector<32xi32>)  : i32 {
      %add3A_152 = arith.addi %scan3A_150, %scan3A_151 : vector<32xi32>
      %shift_right_arithmetic3A = arith.constant 1 : i32
      %shift_right_arithmetic3A_153 = vector.broadcast %shift_right_arithmetic3A : i32 to vector<32xi32>
      %shift_right_arithmetic3A_154 = arith.shrsi %add3A_152, %shift_right_arithmetic3A_153 : vector<32xi32>
      %slice3A_155 = vector.extract_strided_slice %shift_right_arithmetic3A_154 {offsets = [0], sizes = [8], strides = [1]} : vector<32xi32> to vector<8xi32>
      %broadcast_in_dim3A_156 = vector.shape_cast %slice3A_155 : vector<8xi32> to vector<8x1x1xi32>
      %broadcast_in_dim3A_157 = arith.constant 0 : i32
      %broadcast_in_dim3A_158 = vector.broadcast %broadcast_in_dim3A_157 : i32 to vector<8x8x128xi32>
      %get3A_159 = arith.constant 0 : index
      %get3A_160 = arith.constant 0 : index
      %get3A_161 = vector.load %arg4[%get3A_159, %get3A_160] : memref<128x128xi32, #tpu.memory_space<vmem>>, vector<8x128xi32>
      %add3A_162 = arith.constant 0 : i32
      %add3A_163 = vector.broadcast %add3A_162 : i32 to vector<8x128xi32>
      %add3A_164 = arith.addi %add3A_6, %add3A_163 : vector<8x128xi32>
      %broadcast_in_dim3A_165 = vector.shape_cast %add3A_164 : vector<8x128xi32> to vector<1x8x128xi32>
      %lt3A = vector.broadcast %broadcast_in_dim3A_165 : vector<1x8x128xi32> to vector<8x8x128xi32>
      %lt3A_166 = vector.broadcast %broadcast_in_dim3A_156 : vector<8x1x1xi32> to vector<8x8x128xi32>
      %lt3A_167 = arith.cmpi slt, %lt3A, %lt3A_166 : vector<8x8x128xi32>
      %broadcast_in_dim3A_168 = vector.shape_cast %get3A_161 : vector<8x128xi32> to vector<1x8x128xi32>
      %jit3A_169 = arith.constant 0 : i32
      %broadcast_in_dim3A_170 = vector.shape_cast %broadcast_in_dim3A_168 : vector<1x8x128xi32> to vector<1x8x128xi32>
      %broadcast_in_dim3A_171 = vector.broadcast %broadcast_in_dim3A_170 : vector<1x8x128xi32> to vector<8x8x128xi32>
      %broadcast_in_dim3A_172 = vector.broadcast %jit3A_169 : i32 to vector<8x8x128xi32>
      %select_n3A_173 = arith.select %lt3A_167, %broadcast_in_dim3A_171, %broadcast_in_dim3A_172 : vector<8x8x128xi1>, vector<8x8x128xi32>
      %add3A_174 = arith.addi %broadcast_in_dim3A_158, %select_n3A_173 : vector<8x8x128xi32>
      %get3A_175 = arith.constant 8 : index
      %get3A_176 = arith.constant 0 : index
      %get3A_177 = vector.load %arg4[%get3A_175, %get3A_176] : memref<128x128xi32, #tpu.memory_space<vmem>>, vector<8x128xi32>
      %add3A_178 = arith.constant 1024 : i32
      %add3A_179 = vector.broadcast %add3A_178 : i32 to vector<8x128xi32>
      %add3A_180 = arith.addi %add3A_6, %add3A_179 : vector<8x128xi32>
      %broadcast_in_dim3A_181 = vector.shape_cast %add3A_180 : vector<8x128xi32> to vector<1x8x128xi32>
      %lt3A_182 = vector.broadcast %broadcast_in_dim3A_181 : vector<1x8x128xi32> to vector<8x8x128xi32>
      %lt3A_183 = vector.broadcast %broadcast_in_dim3A_156 : vector<8x1x1xi32> to vector<8x8x128xi32>
      %lt3A_184 = arith.cmpi slt, %lt3A_182, %lt3A_183 : vector<8x8x128xi32>
      %broadcast_in_dim3A_185 = vector.shape_cast %get3A_177 : vector<8x128xi32> to vector<1x8x128xi32>
      %jit3A_186 = arith.constant 0 : i32
      %broadcast_in_dim3A_187 = vector.shape_cast %broadcast_in_dim3A_185 : vector<1x8x128xi32> to vector<1x8x128xi32>
      %broadcast_in_dim3A_188 = vector.broadcast %broadcast_in_dim3A_187 : vector<1x8x128xi32> to vector<8x8x128xi32>
      %broadcast_in_dim3A_189 = vector.broadcast %jit3A_186 : i32 to vector<8x8x128xi32>
      %select_n3A_190 = arith.select %lt3A_184, %broadcast_in_dim3A_188, %broadcast_in_dim3A_189 : vector<8x8x128xi1>, vector<8x8x128xi32>
      %add3A_191 = arith.addi %add3A_174, %select_n3A_190 : vector<8x8x128xi32>
      %get3A_192 = arith.constant 16 : index
      %get3A_193 = arith.constant 0 : index
      %get3A_194 = vector.load %arg4[%get3A_192, %get3A_193] : memref<128x128xi32, #tpu.memory_space<vmem>>, vector<8x128xi32>
      %add3A_195 = arith.constant 2048 : i32
      %add3A_196 = vector.broadcast %add3A_195 : i32 to vector<8x128xi32>
      %add3A_197 = arith.addi %add3A_6, %add3A_196 : vector<8x128xi32>
      %broadcast_in_dim3A_198 = vector.shape_cast %add3A_197 : vector<8x128xi32> to vector<1x8x128xi32>
      %lt3A_199 = vector.broadcast %broadcast_in_dim3A_198 : vector<1x8x128xi32> to vector<8x8x128xi32>
      %lt3A_200 = vector.broadcast %broadcast_in_dim3A_156 : vector<8x1x1xi32> to vector<8x8x128xi32>
      %lt3A_201 = arith.cmpi slt, %lt3A_199, %lt3A_200 : vector<8x8x128xi32>
      %broadcast_in_dim3A_202 = vector.shape_cast %get3A_194 : vector<8x128xi32> to vector<1x8x128xi32>
      %jit3A_203 = arith.constant 0 : i32
      %broadcast_in_dim3A_204 = vector.shape_cast %broadcast_in_dim3A_202 : vector<1x8x128xi32> to vector<1x8x128xi32>
      %broadcast_in_dim3A_205 = vector.broadcast %broadcast_in_dim3A_204 : vector<1x8x128xi32> to vector<8x8x128xi32>
      %broadcast_in_dim3A_206 = vector.broadcast %jit3A_203 : i32 to vector<8x8x128xi32>
      %select_n3A_207 = arith.select %lt3A_201, %broadcast_in_dim3A_205, %broadcast_in_dim3A_206 : vector<8x8x128xi1>, vector<8x8x128xi32>
      %add3A_208 = arith.addi %add3A_191, %select_n3A_207 : vector<8x8x128xi32>
      %get3A_209 = arith.constant 24 : index
      %get3A_210 = arith.constant 0 : index
      %get3A_211 = vector.load %arg4[%get3A_209, %get3A_210] : memref<128x128xi32, #tpu.memory_space<vmem>>, vector<8x128xi32>
      %add3A_212 = arith.constant 3072 : i32
      %add3A_213 = vector.broadcast %add3A_212 : i32 to vector<8x128xi32>
      %add3A_214 = arith.addi %add3A_6, %add3A_213 : vector<8x128xi32>
      %broadcast_in_dim3A_215 = vector.shape_cast %add3A_214 : vector<8x128xi32> to vector<1x8x128xi32>
      %lt3A_216 = vector.broadcast %broadcast_in_dim3A_215 : vector<1x8x128xi32> to vector<8x8x128xi32>
      %lt3A_217 = vector.broadcast %broadcast_in_dim3A_156 : vector<8x1x1xi32> to vector<8x8x128xi32>
      %lt3A_218 = arith.cmpi slt, %lt3A_216, %lt3A_217 : vector<8x8x128xi32>
      %broadcast_in_dim3A_219 = vector.shape_cast %get3A_211 : vector<8x128xi32> to vector<1x8x128xi32>
      %jit3A_220 = arith.constant 0 : i32
      %broadcast_in_dim3A_221 = vector.shape_cast %broadcast_in_dim3A_219 : vector<1x8x128xi32> to vector<1x8x128xi32>
      %broadcast_in_dim3A_222 = vector.broadcast %broadcast_in_dim3A_221 : vector<1x8x128xi32> to vector<8x8x128xi32>
      %broadcast_in_dim3A_223 = vector.broadcast %jit3A_220 : i32 to vector<8x8x128xi32>
      %select_n3A_224 = arith.select %lt3A_218, %broadcast_in_dim3A_222, %broadcast_in_dim3A_223 : vector<8x8x128xi1>, vector<8x8x128xi32>
      %add3A_225 = arith.addi %add3A_208, %select_n3A_224 : vector<8x8x128xi32>
      %get3A_226 = arith.constant 32 : index
      %get3A_227 = arith.constant 0 : index
      %get3A_228 = vector.load %arg4[%get3A_226, %get3A_227] : memref<128x128xi32, #tpu.memory_space<vmem>>, vector<8x128xi32>
      %add3A_229 = arith.constant 4096 : i32
      %add3A_230 = vector.broadcast %add3A_229 : i32 to vector<8x128xi32>
      %add3A_231 = arith.addi %add3A_6, %add3A_230 : vector<8x128xi32>
      %broadcast_in_dim3A_232 = vector.shape_cast %add3A_231 : vector<8x128xi32> to vector<1x8x128xi32>
      %lt3A_233 = vector.broadcast %broadcast_in_dim3A_232 : vector<1x8x128xi32> to vector<8x8x128xi32>
      %lt3A_234 = vector.broadcast %broadcast_in_dim3A_156 : vector<8x1x1xi32> to vector<8x8x128xi32>
      %lt3A_235 = arith.cmpi slt, %lt3A_233, %lt3A_234 : vector<8x8x128xi32>
      %broadcast_in_dim3A_236 = vector.shape_cast %get3A_228 : vector<8x128xi32> to vector<1x8x128xi32>
      %jit3A_237 = arith.constant 0 : i32
      %broadcast_in_dim3A_238 = vector.shape_cast %broadcast_in_dim3A_236 : vector<1x8x128xi32> to vector<1x8x128xi32>
      %broadcast_in_dim3A_239 = vector.broadcast %broadcast_in_dim3A_238 : vector<1x8x128xi32> to vector<8x8x128xi32>
      %broadcast_in_dim3A_240 = vector.broadcast %jit3A_237 : i32 to vector<8x8x128xi32>
      %select_n3A_241 = arith.select %lt3A_235, %broadcast_in_dim3A_239, %broadcast_in_dim3A_240 : vector<8x8x128xi1>, vector<8x8x128xi32>
      %add3A_242 = arith.addi %add3A_225, %select_n3A_241 : vector<8x8x128xi32>
      %get3A_243 = arith.constant 40 : index
      %get3A_244 = arith.constant 0 : index
      %get3A_245 = vector.load %arg4[%get3A_243, %get3A_244] : memref<128x128xi32, #tpu.memory_space<vmem>>, vector<8x128xi32>
      %add3A_246 = arith.constant 5120 : i32
      %add3A_247 = vector.broadcast %add3A_246 : i32 to vector<8x128xi32>
      %add3A_248 = arith.addi %add3A_6, %add3A_247 : vector<8x128xi32>
      %broadcast_in_dim3A_249 = vector.shape_cast %add3A_248 : vector<8x128xi32> to vector<1x8x128xi32>
      %lt3A_250 = vector.broadcast %broadcast_in_dim3A_249 : vector<1x8x128xi32> to vector<8x8x128xi32>
      %lt3A_251 = vector.broadcast %broadcast_in_dim3A_156 : vector<8x1x1xi32> to vector<8x8x128xi32>
      %lt3A_252 = arith.cmpi slt, %lt3A_250, %lt3A_251 : vector<8x8x128xi32>
      %broadcast_in_dim3A_253 = vector.shape_cast %get3A_245 : vector<8x128xi32> to vector<1x8x128xi32>
      %jit3A_254 = arith.constant 0 : i32
      %broadcast_in_dim3A_255 = vector.shape_cast %broadcast_in_dim3A_253 : vector<1x8x128xi32> to vector<1x8x128xi32>
      %broadcast_in_dim3A_256 = vector.broadcast %broadcast_in_dim3A_255 : vector<1x8x128xi32> to vector<8x8x128xi32>
      %broadcast_in_dim3A_257 = vector.broadcast %jit3A_254 : i32 to vector<8x8x128xi32>
      %select_n3A_258 = arith.select %lt3A_252, %broadcast_in_dim3A_256, %broadcast_in_dim3A_257 : vector<8x8x128xi1>, vector<8x8x128xi32>
      %add3A_259 = arith.addi %add3A_242, %select_n3A_258 : vector<8x8x128xi32>
      %get3A_260 = arith.constant 48 : index
      %get3A_261 = arith.constant 0 : index
      %get3A_262 = vector.load %arg4[%get3A_260, %get3A_261] : memref<128x128xi32, #tpu.memory_space<vmem>>, vector<8x128xi32>
      %add3A_263 = arith.constant 6144 : i32
      %add3A_264 = vector.broadcast %add3A_263 : i32 to vector<8x128xi32>
      %add3A_265 = arith.addi %add3A_6, %add3A_264 : vector<8x128xi32>
      %broadcast_in_dim3A_266 = vector.shape_cast %add3A_265 : vector<8x128xi32> to vector<1x8x128xi32>
      %lt3A_267 = vector.broadcast %broadcast_in_dim3A_266 : vector<1x8x128xi32> to vector<8x8x128xi32>
      %lt3A_268 = vector.broadcast %broadcast_in_dim3A_156 : vector<8x1x1xi32> to vector<8x8x128xi32>
      %lt3A_269 = arith.cmpi slt, %lt3A_267, %lt3A_268 : vector<8x8x128xi32>
      %broadcast_in_dim3A_270 = vector.shape_cast %get3A_262 : vector<8x128xi32> to vector<1x8x128xi32>
      %jit3A_271 = arith.constant 0 : i32
      %broadcast_in_dim3A_272 = vector.shape_cast %broadcast_in_dim3A_270 : vector<1x8x128xi32> to vector<1x8x128xi32>
      %broadcast_in_dim3A_273 = vector.broadcast %broadcast_in_dim3A_272 : vector<1x8x128xi32> to vector<8x8x128xi32>
      %broadcast_in_dim3A_274 = vector.broadcast %jit3A_271 : i32 to vector<8x8x128xi32>
      %select_n3A_275 = arith.select %lt3A_269, %broadcast_in_dim3A_273, %broadcast_in_dim3A_274 : vector<8x8x128xi1>, vector<8x8x128xi32>
      %add3A_276 = arith.addi %add3A_259, %select_n3A_275 : vector<8x8x128xi32>
      %get3A_277 = arith.constant 56 : index
      %get3A_278 = arith.constant 0 : index
      %get3A_279 = vector.load %arg4[%get3A_277, %get3A_278] : memref<128x128xi32, #tpu.memory_space<vmem>>, vector<8x128xi32>
      %add3A_280 = arith.constant 7168 : i32
      %add3A_281 = vector.broadcast %add3A_280 : i32 to vector<8x128xi32>
      %add3A_282 = arith.addi %add3A_6, %add3A_281 : vector<8x128xi32>
      %broadcast_in_dim3A_283 = vector.shape_cast %add3A_282 : vector<8x128xi32> to vector<1x8x128xi32>
      %lt3A_284 = vector.broadcast %broadcast_in_dim3A_283 : vector<1x8x128xi32> to vector<8x8x128xi32>
      %lt3A_285 = vector.broadcast %broadcast_in_dim3A_156 : vector<8x1x1xi32> to vector<8x8x128xi32>
      %lt3A_286 = arith.cmpi slt, %lt3A_284, %lt3A_285 : vector<8x8x128xi32>
      %broadcast_in_dim3A_287 = vector.shape_cast %get3A_279 : vector<8x128xi32> to vector<1x8x128xi32>
      %jit3A_288 = arith.constant 0 : i32
      %broadcast_in_dim3A_289 = vector.shape_cast %broadcast_in_dim3A_287 : vector<1x8x128xi32> to vector<1x8x128xi32>
      %broadcast_in_dim3A_290 = vector.broadcast %broadcast_in_dim3A_289 : vector<1x8x128xi32> to vector<8x8x128xi32>
      %broadcast_in_dim3A_291 = vector.broadcast %jit3A_288 : i32 to vector<8x8x128xi32>
      %select_n3A_292 = arith.select %lt3A_286, %broadcast_in_dim3A_290, %broadcast_in_dim3A_291 : vector<8x8x128xi1>, vector<8x8x128xi32>
      %add3A_293 = arith.addi %add3A_276, %select_n3A_292 : vector<8x8x128xi32>
      %get3A_294 = arith.constant 64 : index
      %get3A_295 = arith.constant 0 : index
      %get3A_296 = vector.load %arg4[%get3A_294, %get3A_295] : memref<128x128xi32, #tpu.memory_space<vmem>>, vector<8x128xi32>
      %add3A_297 = arith.constant 8192 : i32
      %add3A_298 = vector.broadcast %add3A_297 : i32 to vector<8x128xi32>
      %add3A_299 = arith.addi %add3A_6, %add3A_298 : vector<8x128xi32>
      %broadcast_in_dim3A_300 = vector.shape_cast %add3A_299 : vector<8x128xi32> to vector<1x8x128xi32>
      %lt3A_301 = vector.broadcast %broadcast_in_dim3A_300 : vector<1x8x128xi32> to vector<8x8x128xi32>
      %lt3A_302 = vector.broadcast %broadcast_in_dim3A_156 : vector<8x1x1xi32> to vector<8x8x128xi32>
      %lt3A_303 = arith.cmpi slt, %lt3A_301, %lt3A_302 : vector<8x8x128xi32>
      %broadcast_in_dim3A_304 = vector.shape_cast %get3A_296 : vector<8x128xi32> to vector<1x8x128xi32>
      %jit3A_305 = arith.constant 0 : i32
      %broadcast_in_dim3A_306 = vector.shape_cast %broadcast_in_dim3A_304 : vector<1x8x128xi32> to vector<1x8x128xi32>
      %broadcast_in_dim3A_307 = vector.broadcast %broadcast_in_dim3A_306 : vector<1x8x128xi32> to vector<8x8x128xi32>
      %broadcast_in_dim3A_308 = vector.broadcast %jit3A_305 : i32 to vector<8x8x128xi32>
      %select_n3A_309 = arith.select %lt3A_303, %broadcast_in_dim3A_307, %broadcast_in_dim3A_308 : vector<8x8x128xi1>, vector<8x8x128xi32>
      %add3A_310 = arith.addi %add3A_293, %select_n3A_309 : vector<8x8x128xi32>
      %get3A_311 = arith.constant 72 : index
      %get3A_312 = arith.constant 0 : index
      %get3A_313 = vector.load %arg4[%get3A_311, %get3A_312] : memref<128x128xi32, #tpu.memory_space<vmem>>, vector<8x128xi32>
      %add3A_314 = arith.constant 9216 : i32
      %add3A_315 = vector.broadcast %add3A_314 : i32 to vector<8x128xi32>
      %add3A_316 = arith.addi %add3A_6, %add3A_315 : vector<8x128xi32>
      %broadcast_in_dim3A_317 = vector.shape_cast %add3A_316 : vector<8x128xi32> to vector<1x8x128xi32>
      %lt3A_318 = vector.broadcast %broadcast_in_dim3A_317 : vector<1x8x128xi32> to vector<8x8x128xi32>
      %lt3A_319 = vector.broadcast %broadcast_in_dim3A_156 : vector<8x1x1xi32> to vector<8x8x128xi32>
      %lt3A_320 = arith.cmpi slt, %lt3A_318, %lt3A_319 : vector<8x8x128xi32>
      %broadcast_in_dim3A_321 = vector.shape_cast %get3A_313 : vector<8x128xi32> to vector<1x8x128xi32>
      %jit3A_322 = arith.constant 0 : i32
      %broadcast_in_dim3A_323 = vector.shape_cast %broadcast_in_dim3A_321 : vector<1x8x128xi32> to vector<1x8x128xi32>
      %broadcast_in_dim3A_324 = vector.broadcast %broadcast_in_dim3A_323 : vector<1x8x128xi32> to vector<8x8x128xi32>
      %broadcast_in_dim3A_325 = vector.broadcast %jit3A_322 : i32 to vector<8x8x128xi32>
      %select_n3A_326 = arith.select %lt3A_320, %broadcast_in_dim3A_324, %broadcast_in_dim3A_325 : vector<8x8x128xi1>, vector<8x8x128xi32>
      %add3A_327 = arith.addi %add3A_310, %select_n3A_326 : vector<8x8x128xi32>
      %get3A_328 = arith.constant 80 : index
      %get3A_329 = arith.constant 0 : index
      %get3A_330 = vector.load %arg4[%get3A_328, %get3A_329] : memref<128x128xi32, #tpu.memory_space<vmem>>, vector<8x128xi32>
      %add3A_331 = arith.constant 10240 : i32
      %add3A_332 = vector.broadcast %add3A_331 : i32 to vector<8x128xi32>
      %add3A_333 = arith.addi %add3A_6, %add3A_332 : vector<8x128xi32>
      %broadcast_in_dim3A_334 = vector.shape_cast %add3A_333 : vector<8x128xi32> to vector<1x8x128xi32>
      %lt3A_335 = vector.broadcast %broadcast_in_dim3A_334 : vector<1x8x128xi32> to vector<8x8x128xi32>
      %lt3A_336 = vector.broadcast %broadcast_in_dim3A_156 : vector<8x1x1xi32> to vector<8x8x128xi32>
      %lt3A_337 = arith.cmpi slt, %lt3A_335, %lt3A_336 : vector<8x8x128xi32>
      %broadcast_in_dim3A_338 = vector.shape_cast %get3A_330 : vector<8x128xi32> to vector<1x8x128xi32>
      %jit3A_339 = arith.constant 0 : i32
      %broadcast_in_dim3A_340 = vector.shape_cast %broadcast_in_dim3A_338 : vector<1x8x128xi32> to vector<1x8x128xi32>
      %broadcast_in_dim3A_341 = vector.broadcast %broadcast_in_dim3A_340 : vector<1x8x128xi32> to vector<8x8x128xi32>
      %broadcast_in_dim3A_342 = vector.broadcast %jit3A_339 : i32 to vector<8x8x128xi32>
      %select_n3A_343 = arith.select %lt3A_337, %broadcast_in_dim3A_341, %broadcast_in_dim3A_342 : vector<8x8x128xi1>, vector<8x8x128xi32>
      %add3A_344 = arith.addi %add3A_327, %select_n3A_343 : vector<8x8x128xi32>
      %get3A_345 = arith.constant 88 : index
      %get3A_346 = arith.constant 0 : index
      %get3A_347 = vector.load %arg4[%get3A_345, %get3A_346] : memref<128x128xi32, #tpu.memory_space<vmem>>, vector<8x128xi32>
      %add3A_348 = arith.constant 11264 : i32
      %add3A_349 = vector.broadcast %add3A_348 : i32 to vector<8x128xi32>
      %add3A_350 = arith.addi %add3A_6, %add3A_349 : vector<8x128xi32>
      %broadcast_in_dim3A_351 = vector.shape_cast %add3A_350 : vector<8x128xi32> to vector<1x8x128xi32>
      %lt3A_352 = vector.broadcast %broadcast_in_dim3A_351 : vector<1x8x128xi32> to vector<8x8x128xi32>
      %lt3A_353 = vector.broadcast %broadcast_in_dim3A_156 : vector<8x1x1xi32> to vector<8x8x128xi32>
      %lt3A_354 = arith.cmpi slt, %lt3A_352, %lt3A_353 : vector<8x8x128xi32>
      %broadcast_in_dim3A_355 = vector.shape_cast %get3A_347 : vector<8x128xi32> to vector<1x8x128xi32>
      %jit3A_356 = arith.constant 0 : i32
      %broadcast_in_dim3A_357 = vector.shape_cast %broadcast_in_dim3A_355 : vector<1x8x128xi32> to vector<1x8x128xi32>
      %broadcast_in_dim3A_358 = vector.broadcast %broadcast_in_dim3A_357 : vector<1x8x128xi32> to vector<8x8x128xi32>
      %broadcast_in_dim3A_359 = vector.broadcast %jit3A_356 : i32 to vector<8x8x128xi32>
      %select_n3A_360 = arith.select %lt3A_354, %broadcast_in_dim3A_358, %broadcast_in_dim3A_359 : vector<8x8x128xi1>, vector<8x8x128xi32>
      %add3A_361 = arith.addi %add3A_344, %select_n3A_360 : vector<8x8x128xi32>
      %get3A_362 = arith.constant 96 : index
      %get3A_363 = arith.constant 0 : index
      %get3A_364 = vector.load %arg4[%get3A_362, %get3A_363] : memref<128x128xi32, #tpu.memory_space<vmem>>, vector<8x128xi32>
      %add3A_365 = arith.constant 12288 : i32
      %add3A_366 = vector.broadcast %add3A_365 : i32 to vector<8x128xi32>
      %add3A_367 = arith.addi %add3A_6, %add3A_366 : vector<8x128xi32>
      %broadcast_in_dim3A_368 = vector.shape_cast %add3A_367 : vector<8x128xi32> to vector<1x8x128xi32>
      %lt3A_369 = vector.broadcast %broadcast_in_dim3A_368 : vector<1x8x128xi32> to vector<8x8x128xi32>
      %lt3A_370 = vector.broadcast %broadcast_in_dim3A_156 : vector<8x1x1xi32> to vector<8x8x128xi32>
      %lt3A_371 = arith.cmpi slt, %lt3A_369, %lt3A_370 : vector<8x8x128xi32>
      %broadcast_in_dim3A_372 = vector.shape_cast %get3A_364 : vector<8x128xi32> to vector<1x8x128xi32>
      %jit3A_373 = arith.constant 0 : i32
      %broadcast_in_dim3A_374 = vector.shape_cast %broadcast_in_dim3A_372 : vector<1x8x128xi32> to vector<1x8x128xi32>
      %broadcast_in_dim3A_375 = vector.broadcast %broadcast_in_dim3A_374 : vector<1x8x128xi32> to vector<8x8x128xi32>
      %broadcast_in_dim3A_376 = vector.broadcast %jit3A_373 : i32 to vector<8x8x128xi32>
      %select_n3A_377 = arith.select %lt3A_371, %broadcast_in_dim3A_375, %broadcast_in_dim3A_376 : vector<8x8x128xi1>, vector<8x8x128xi32>
      %add3A_378 = arith.addi %add3A_361, %select_n3A_377 : vector<8x8x128xi32>
      %get3A_379 = arith.constant 104 : index
      %get3A_380 = arith.constant 0 : index
      %get3A_381 = vector.load %arg4[%get3A_379, %get3A_380] : memref<128x128xi32, #tpu.memory_space<vmem>>, vector<8x128xi32>
      %add3A_382 = arith.constant 13312 : i32
      %add3A_383 = vector.broadcast %add3A_382 : i32 to vector<8x128xi32>
      %add3A_384 = arith.addi %add3A_6, %add3A_383 : vector<8x128xi32>
      %broadcast_in_dim3A_385 = vector.shape_cast %add3A_384 : vector<8x128xi32> to vector<1x8x128xi32>
      %lt3A_386 = vector.broadcast %broadcast_in_dim3A_385 : vector<1x8x128xi32> to vector<8x8x128xi32>
      %lt3A_387 = vector.broadcast %broadcast_in_dim3A_156 : vector<8x1x1xi32> to vector<8x8x128xi32>
      %lt3A_388 = arith.cmpi slt, %lt3A_386, %lt3A_387 : vector<8x8x128xi32>
      %broadcast_in_dim3A_389 = vector.shape_cast %get3A_381 : vector<8x128xi32> to vector<1x8x128xi32>
      %jit3A_390 = arith.constant 0 : i32
      %broadcast_in_dim3A_391 = vector.shape_cast %broadcast_in_dim3A_389 : vector<1x8x128xi32> to vector<1x8x128xi32>
      %broadcast_in_dim3A_392 = vector.broadcast %broadcast_in_dim3A_391 : vector<1x8x128xi32> to vector<8x8x128xi32>
      %broadcast_in_dim3A_393 = vector.broadcast %jit3A_390 : i32 to vector<8x8x128xi32>
      %select_n3A_394 = arith.select %lt3A_388, %broadcast_in_dim3A_392, %broadcast_in_dim3A_393 : vector<8x8x128xi1>, vector<8x8x128xi32>
      %add3A_395 = arith.addi %add3A_378, %select_n3A_394 : vector<8x8x128xi32>
      %get3A_396 = arith.constant 112 : index
      %get3A_397 = arith.constant 0 : index
      %get3A_398 = vector.load %arg4[%get3A_396, %get3A_397] : memref<128x128xi32, #tpu.memory_space<vmem>>, vector<8x128xi32>
      %add3A_399 = arith.constant 14336 : i32
      %add3A_400 = vector.broadcast %add3A_399 : i32 to vector<8x128xi32>
      %add3A_401 = arith.addi %add3A_6, %add3A_400 : vector<8x128xi32>
      %broadcast_in_dim3A_402 = vector.shape_cast %add3A_401 : vector<8x128xi32> to vector<1x8x128xi32>
      %lt3A_403 = vector.broadcast %broadcast_in_dim3A_402 : vector<1x8x128xi32> to vector<8x8x128xi32>
      %lt3A_404 = vector.broadcast %broadcast_in_dim3A_156 : vector<8x1x1xi32> to vector<8x8x128xi32>
      %lt3A_405 = arith.cmpi slt, %lt3A_403, %lt3A_404 : vector<8x8x128xi32>
      %broadcast_in_dim3A_406 = vector.shape_cast %get3A_398 : vector<8x128xi32> to vector<1x8x128xi32>
      %jit3A_407 = arith.constant 0 : i32
      %broadcast_in_dim3A_408 = vector.shape_cast %broadcast_in_dim3A_406 : vector<1x8x128xi32> to vector<1x8x128xi32>
      %broadcast_in_dim3A_409 = vector.broadcast %broadcast_in_dim3A_408 : vector<1x8x128xi32> to vector<8x8x128xi32>
      %broadcast_in_dim3A_410 = vector.broadcast %jit3A_407 : i32 to vector<8x8x128xi32>
      %select_n3A_411 = arith.select %lt3A_405, %broadcast_in_dim3A_409, %broadcast_in_dim3A_410 : vector<8x8x128xi1>, vector<8x8x128xi32>
      %add3A_412 = arith.addi %add3A_395, %select_n3A_411 : vector<8x8x128xi32>
      %get3A_413 = arith.constant 120 : index
      %get3A_414 = arith.constant 0 : index
      %get3A_415 = vector.load %arg4[%get3A_413, %get3A_414] : memref<128x128xi32, #tpu.memory_space<vmem>>, vector<8x128xi32>
      %add3A_416 = arith.constant 15360 : i32
      %add3A_417 = vector.broadcast %add3A_416 : i32 to vector<8x128xi32>
      %add3A_418 = arith.addi %add3A_6, %add3A_417 : vector<8x128xi32>
      %broadcast_in_dim3A_419 = vector.shape_cast %add3A_418 : vector<8x128xi32> to vector<1x8x128xi32>
      %lt3A_420 = vector.broadcast %broadcast_in_dim3A_419 : vector<1x8x128xi32> to vector<8x8x128xi32>
      %lt3A_421 = vector.broadcast %broadcast_in_dim3A_156 : vector<8x1x1xi32> to vector<8x8x128xi32>
      %lt3A_422 = arith.cmpi slt, %lt3A_420, %lt3A_421 : vector<8x8x128xi32>
      %broadcast_in_dim3A_423 = vector.shape_cast %get3A_415 : vector<8x128xi32> to vector<1x8x128xi32>
      %jit3A_424 = arith.constant 0 : i32
      %broadcast_in_dim3A_425 = vector.shape_cast %broadcast_in_dim3A_423 : vector<1x8x128xi32> to vector<1x8x128xi32>
      %broadcast_in_dim3A_426 = vector.broadcast %broadcast_in_dim3A_425 : vector<1x8x128xi32> to vector<8x8x128xi32>
      %broadcast_in_dim3A_427 = vector.broadcast %jit3A_424 : i32 to vector<8x8x128xi32>
      %select_n3A_428 = arith.select %lt3A_422, %broadcast_in_dim3A_426, %broadcast_in_dim3A_427 : vector<8x8x128xi1>, vector<8x8x128xi32>
      %add3A_429 = arith.addi %add3A_412, %select_n3A_428 : vector<8x8x128xi32>
      %reduce_sum3A_430 = arith.constant dense<0> : vector<8xi32>
      %reduce_sum3A_431 = vector.multi_reduction <add>, %add3A_429, %reduce_sum3A_430 [1, 2] : vector<8x8x128xi32> to vector<8xi32>
      %slice3A_432 = vector.extract_strided_slice %shift_right_arithmetic3A_154 {offsets = [8], sizes = [8], strides = [1]} : vector<32xi32> to vector<8xi32>
      %broadcast_in_dim3A_433 = vector.shape_cast %slice3A_432 : vector<8xi32> to vector<8x1x1xi32>
      %broadcast_in_dim3A_434 = arith.constant 0 : i32
      %broadcast_in_dim3A_435 = vector.broadcast %broadcast_in_dim3A_434 : i32 to vector<8x8x128xi32>
      %get3A_436 = arith.constant 0 : index
      %get3A_437 = arith.constant 0 : index
      %get3A_438 = vector.load %arg4[%get3A_436, %get3A_437] : memref<128x128xi32, #tpu.memory_space<vmem>>, vector<8x128xi32>
      %add3A_439 = arith.constant 0 : i32
      %add3A_440 = vector.broadcast %add3A_439 : i32 to vector<8x128xi32>
      %add3A_441 = arith.addi %add3A_6, %add3A_440 : vector<8x128xi32>
      %broadcast_in_dim3A_442 = vector.shape_cast %add3A_441 : vector<8x128xi32> to vector<1x8x128xi32>
      %lt3A_443 = vector.broadcast %broadcast_in_dim3A_442 : vector<1x8x128xi32> to vector<8x8x128xi32>
      %lt3A_444 = vector.broadcast %broadcast_in_dim3A_433 : vector<8x1x1xi32> to vector<8x8x128xi32>
      %lt3A_445 = arith.cmpi slt, %lt3A_443, %lt3A_444 : vector<8x8x128xi32>
      %broadcast_in_dim3A_446 = vector.shape_cast %get3A_438 : vector<8x128xi32> to vector<1x8x128xi32>
      %jit3A_447 = arith.constant 0 : i32
      %broadcast_in_dim3A_448 = vector.shape_cast %broadcast_in_dim3A_446 : vector<1x8x128xi32> to vector<1x8x128xi32>
      %broadcast_in_dim3A_449 = vector.broadcast %broadcast_in_dim3A_448 : vector<1x8x128xi32> to vector<8x8x128xi32>
      %broadcast_in_dim3A_450 = vector.broadcast %jit3A_447 : i32 to vector<8x8x128xi32>
      %select_n3A_451 = arith.select %lt3A_445, %broadcast_in_dim3A_449, %broadcast_in_dim3A_450 : vector<8x8x128xi1>, vector<8x8x128xi32>
      %add3A_452 = arith.addi %broadcast_in_dim3A_435, %select_n3A_451 : vector<8x8x128xi32>
      %get3A_453 = arith.constant 8 : index
      %get3A_454 = arith.constant 0 : index
      %get3A_455 = vector.load %arg4[%get3A_453, %get3A_454] : memref<128x128xi32, #tpu.memory_space<vmem>>, vector<8x128xi32>
      %add3A_456 = arith.constant 1024 : i32
      %add3A_457 = vector.broadcast %add3A_456 : i32 to vector<8x128xi32>
      %add3A_458 = arith.addi %add3A_6, %add3A_457 : vector<8x128xi32>
      %broadcast_in_dim3A_459 = vector.shape_cast %add3A_458 : vector<8x128xi32> to vector<1x8x128xi32>
      %lt3A_460 = vector.broadcast %broadcast_in_dim3A_459 : vector<1x8x128xi32> to vector<8x8x128xi32>
      %lt3A_461 = vector.broadcast %broadcast_in_dim3A_433 : vector<8x1x1xi32> to vector<8x8x128xi32>
      %lt3A_462 = arith.cmpi slt, %lt3A_460, %lt3A_461 : vector<8x8x128xi32>
      %broadcast_in_dim3A_463 = vector.shape_cast %get3A_455 : vector<8x128xi32> to vector<1x8x128xi32>
      %jit3A_464 = arith.constant 0 : i32
      %broadcast_in_dim3A_465 = vector.shape_cast %broadcast_in_dim3A_463 : vector<1x8x128xi32> to vector<1x8x128xi32>
      %broadcast_in_dim3A_466 = vector.broadcast %broadcast_in_dim3A_465 : vector<1x8x128xi32> to vector<8x8x128xi32>
      %broadcast_in_dim3A_467 = vector.broadcast %jit3A_464 : i32 to vector<8x8x128xi32>
      %select_n3A_468 = arith.select %lt3A_462, %broadcast_in_dim3A_466, %broadcast_in_dim3A_467 : vector<8x8x128xi1>, vector<8x8x128xi32>
      %add3A_469 = arith.addi %add3A_452, %select_n3A_468 : vector<8x8x128xi32>
      %get3A_470 = arith.constant 16 : index
      %get3A_471 = arith.constant 0 : index
      %get3A_472 = vector.load %arg4[%get3A_470, %get3A_471] : memref<128x128xi32, #tpu.memory_space<vmem>>, vector<8x128xi32>
      %add3A_473 = arith.constant 2048 : i32
      %add3A_474 = vector.broadcast %add3A_473 : i32 to vector<8x128xi32>
      %add3A_475 = arith.addi %add3A_6, %add3A_474 : vector<8x128xi32>
      %broadcast_in_dim3A_476 = vector.shape_cast %add3A_475 : vector<8x128xi32> to vector<1x8x128xi32>
      %lt3A_477 = vector.broadcast %broadcast_in_dim3A_476 : vector<1x8x128xi32> to vector<8x8x128xi32>
      %lt3A_478 = vector.broadcast %broadcast_in_dim3A_433 : vector<8x1x1xi32> to vector<8x8x128xi32>
      %lt3A_479 = arith.cmpi slt, %lt3A_477, %lt3A_478 : vector<8x8x128xi32>
      %broadcast_in_dim3A_480 = vector.shape_cast %get3A_472 : vector<8x128xi32> to vector<1x8x128xi32>
      %jit3A_481 = arith.constant 0 : i32
      %broadcast_in_dim3A_482 = vector.shape_cast %broadcast_in_dim3A_480 : vector<1x8x128xi32> to vector<1x8x128xi32>
      %broadcast_in_dim3A_483 = vector.broadcast %broadcast_in_dim3A_482 : vector<1x8x128xi32> to vector<8x8x128xi32>
      %broadcast_in_dim3A_484 = vector.broadcast %jit3A_481 : i32 to vector<8x8x128xi32>
      %select_n3A_485 = arith.select %lt3A_479, %broadcast_in_dim3A_483, %broadcast_in_dim3A_484 : vector<8x8x128xi1>, vector<8x8x128xi32>
      %add3A_486 = arith.addi %add3A_469, %select_n3A_485 : vector<8x8x128xi32>
      %get3A_487 = arith.constant 24 : index
      %get3A_488 = arith.constant 0 : index
      %get3A_489 = vector.load %arg4[%get3A_487, %get3A_488] : memref<128x128xi32, #tpu.memory_space<vmem>>, vector<8x128xi32>
      %add3A_490 = arith.constant 3072 : i32
      %add3A_491 = vector.broadcast %add3A_490 : i32 to vector<8x128xi32>
      %add3A_492 = arith.addi %add3A_6, %add3A_491 : vector<8x128xi32>
      %broadcast_in_dim3A_493 = vector.shape_cast %add3A_492 : vector<8x128xi32> to vector<1x8x128xi32>
      %lt3A_494 = vector.broadcast %broadcast_in_dim3A_493 : vector<1x8x128xi32> to vector<8x8x128xi32>
      %lt3A_495 = vector.broadcast %broadcast_in_dim3A_433 : vector<8x1x1xi32> to vector<8x8x128xi32>
      %lt3A_496 = arith.cmpi slt, %lt3A_494, %lt3A_495 : vector<8x8x128xi32>
      %broadcast_in_dim3A_497 = vector.shape_cast %get3A_489 : vector<8x128xi32> to vector<1x8x128xi32>
      %jit3A_498 = arith.constant 0 : i32
      %broadcast_in_dim3A_499 = vector.shape_cast %broadcast_in_dim3A_497 : vector<1x8x128xi32> to vector<1x8x128xi32>
      %broadcast_in_dim3A_500 = vector.broadcast %broadcast_in_dim3A_499 : vector<1x8x128xi32> to vector<8x8x128xi32>
      %broadcast_in_dim3A_501 = vector.broadcast %jit3A_498 : i32 to vector<8x8x128xi32>
      %select_n3A_502 = arith.select %lt3A_496, %broadcast_in_dim3A_500, %broadcast_in_dim3A_501 : vector<8x8x128xi1>, vector<8x8x128xi32>
      %add3A_503 = arith.addi %add3A_486, %select_n3A_502 : vector<8x8x128xi32>
      %get3A_504 = arith.constant 32 : index
      %get3A_505 = arith.constant 0 : index
      %get3A_506 = vector.load %arg4[%get3A_504, %get3A_505] : memref<128x128xi32, #tpu.memory_space<vmem>>, vector<8x128xi32>
      %add3A_507 = arith.constant 4096 : i32
      %add3A_508 = vector.broadcast %add3A_507 : i32 to vector<8x128xi32>
      %add3A_509 = arith.addi %add3A_6, %add3A_508 : vector<8x128xi32>
      %broadcast_in_dim3A_510 = vector.shape_cast %add3A_509 : vector<8x128xi32> to vector<1x8x128xi32>
      %lt3A_511 = vector.broadcast %broadcast_in_dim3A_510 : vector<1x8x128xi32> to vector<8x8x128xi32>
      %lt3A_512 = vector.broadcast %broadcast_in_dim3A_433 : vector<8x1x1xi32> to vector<8x8x128xi32>
      %lt3A_513 = arith.cmpi slt, %lt3A_511, %lt3A_512 : vector<8x8x128xi32>
      %broadcast_in_dim3A_514 = vector.shape_cast %get3A_506 : vector<8x128xi32> to vector<1x8x128xi32>
      %jit3A_515 = arith.constant 0 : i32
      %broadcast_in_dim3A_516 = vector.shape_cast %broadcast_in_dim3A_514 : vector<1x8x128xi32> to vector<1x8x128xi32>
      %broadcast_in_dim3A_517 = vector.broadcast %broadcast_in_dim3A_516 : vector<1x8x128xi32> to vector<8x8x128xi32>
      %broadcast_in_dim3A_518 = vector.broadcast %jit3A_515 : i32 to vector<8x8x128xi32>
      %select_n3A_519 = arith.select %lt3A_513, %broadcast_in_dim3A_517, %broadcast_in_dim3A_518 : vector<8x8x128xi1>, vector<8x8x128xi32>
      %add3A_520 = arith.addi %add3A_503, %select_n3A_519 : vector<8x8x128xi32>
      %get3A_521 = arith.constant 40 : index
      %get3A_522 = arith.constant 0 : index
      %get3A_523 = vector.load %arg4[%get3A_521, %get3A_522] : memref<128x128xi32, #tpu.memory_space<vmem>>, vector<8x128xi32>
      %add3A_524 = arith.constant 5120 : i32
      %add3A_525 = vector.broadcast %add3A_524 : i32 to vector<8x128xi32>
      %add3A_526 = arith.addi %add3A_6, %add3A_525 : vector<8x128xi32>
      %broadcast_in_dim3A_527 = vector.shape_cast %add3A_526 : vector<8x128xi32> to vector<1x8x128xi32>
      %lt3A_528 = vector.broadcast %broadcast_in_dim3A_527 : vector<1x8x128xi32> to vector<8x8x128xi32>
      %lt3A_529 = vector.broadcast %broadcast_in_dim3A_433 : vector<8x1x1xi32> to vector<8x8x128xi32>
      %lt3A_530 = arith.cmpi slt, %lt3A_528, %lt3A_529 : vector<8x8x128xi32>
      %broadcast_in_dim3A_531 = vector.shape_cast %get3A_523 : vector<8x128xi32> to vector<1x8x128xi32>
      %jit3A_532 = arith.constant 0 : i32
      %broadcast_in_dim3A_533 = vector.shape_cast %broadcast_in_dim3A_531 : vector<1x8x128xi32> to vector<1x8x128xi32>
      %broadcast_in_dim3A_534 = vector.broadcast %broadcast_in_dim3A_533 : vector<1x8x128xi32> to vector<8x8x128xi32>
      %broadcast_in_dim3A_535 = vector.broadcast %jit3A_532 : i32 to vector<8x8x128xi32>
      %select_n3A_536 = arith.select %lt3A_530, %broadcast_in_dim3A_534, %broadcast_in_dim3A_535 : vector<8x8x128xi1>, vector<8x8x128xi32>
      %add3A_537 = arith.addi %add3A_520, %select_n3A_536 : vector<8x8x128xi32>
      %get3A_538 = arith.constant 48 : index
      %get3A_539 = arith.constant 0 : index
      %get3A_540 = vector.load %arg4[%get3A_538, %get3A_539] : memref<128x128xi32, #tpu.memory_space<vmem>>, vector<8x128xi32>
      %add3A_541 = arith.constant 6144 : i32
      %add3A_542 = vector.broadcast %add3A_541 : i32 to vector<8x128xi32>
      %add3A_543 = arith.addi %add3A_6, %add3A_542 : vector<8x128xi32>
      %broadcast_in_dim3A_544 = vector.shape_cast %add3A_543 : vector<8x128xi32> to vector<1x8x128xi32>
      %lt3A_545 = vector.broadcast %broadcast_in_dim3A_544 : vector<1x8x128xi32> to vector<8x8x128xi32>
      %lt3A_546 = vector.broadcast %broadcast_in_dim3A_433 : vector<8x1x1xi32> to vector<8x8x128xi32>
      %lt3A_547 = arith.cmpi slt, %lt3A_545, %lt3A_546 : vector<8x8x128xi32>
      %broadcast_in_dim3A_548 = vector.shape_cast %get3A_540 : vector<8x128xi32> to vector<1x8x128xi32>
      %jit3A_549 = arith.constant 0 : i32
      %broadcast_in_dim3A_550 = vector.shape_cast %broadcast_in_dim3A_548 : vector<1x8x128xi32> to vector<1x8x128xi32>
      %broadcast_in_dim3A_551 = vector.broadcast %broadcast_in_dim3A_550 : vector<1x8x128xi32> to vector<8x8x128xi32>
      %broadcast_in_dim3A_552 = vector.broadcast %jit3A_549 : i32 to vector<8x8x128xi32>
      %select_n3A_553 = arith.select %lt3A_547, %broadcast_in_dim3A_551, %broadcast_in_dim3A_552 : vector<8x8x128xi1>, vector<8x8x128xi32>
      %add3A_554 = arith.addi %add3A_537, %select_n3A_553 : vector<8x8x128xi32>
      %get3A_555 = arith.constant 56 : index
      %get3A_556 = arith.constant 0 : index
      %get3A_557 = vector.load %arg4[%get3A_555, %get3A_556] : memref<128x128xi32, #tpu.memory_space<vmem>>, vector<8x128xi32>
      %add3A_558 = arith.constant 7168 : i32
      %add3A_559 = vector.broadcast %add3A_558 : i32 to vector<8x128xi32>
      %add3A_560 = arith.addi %add3A_6, %add3A_559 : vector<8x128xi32>
      %broadcast_in_dim3A_561 = vector.shape_cast %add3A_560 : vector<8x128xi32> to vector<1x8x128xi32>
      %lt3A_562 = vector.broadcast %broadcast_in_dim3A_561 : vector<1x8x128xi32> to vector<8x8x128xi32>
      %lt3A_563 = vector.broadcast %broadcast_in_dim3A_433 : vector<8x1x1xi32> to vector<8x8x128xi32>
      %lt3A_564 = arith.cmpi slt, %lt3A_562, %lt3A_563 : vector<8x8x128xi32>
      %broadcast_in_dim3A_565 = vector.shape_cast %get3A_557 : vector<8x128xi32> to vector<1x8x128xi32>
      %jit3A_566 = arith.constant 0 : i32
      %broadcast_in_dim3A_567 = vector.shape_cast %broadcast_in_dim3A_565 : vector<1x8x128xi32> to vector<1x8x128xi32>
      %broadcast_in_dim3A_568 = vector.broadcast %broadcast_in_dim3A_567 : vector<1x8x128xi32> to vector<8x8x128xi32>
      %broadcast_in_dim3A_569 = vector.broadcast %jit3A_566 : i32 to vector<8x8x128xi32>
      %select_n3A_570 = arith.select %lt3A_564, %broadcast_in_dim3A_568, %broadcast_in_dim3A_569 : vector<8x8x128xi1>, vector<8x8x128xi32>
      %add3A_571 = arith.addi %add3A_554, %select_n3A_570 : vector<8x8x128xi32>
      %get3A_572 = arith.constant 64 : index
      %get3A_573 = arith.constant 0 : index
      %get3A_574 = vector.load %arg4[%get3A_572, %get3A_573] : memref<128x128xi32, #tpu.memory_space<vmem>>, vector<8x128xi32>
      %add3A_575 = arith.constant 8192 : i32
      %add3A_576 = vector.broadcast %add3A_575 : i32 to vector<8x128xi32>
      %add3A_577 = arith.addi %add3A_6, %add3A_576 : vector<8x128xi32>
      %broadcast_in_dim3A_578 = vector.shape_cast %add3A_577 : vector<8x128xi32> to vector<1x8x128xi32>
      %lt3A_579 = vector.broadcast %broadcast_in_dim3A_578 : vector<1x8x128xi32> to vector<8x8x128xi32>
      %lt3A_580 = vector.broadcast %broadcast_in_dim3A_433 : vector<8x1x1xi32> to vector<8x8x128xi32>
      %lt3A_581 = arith.cmpi slt, %lt3A_579, %lt3A_580 : vector<8x8x128xi32>
      %broadcast_in_dim3A_582 = vector.shape_cast %get3A_574 : vector<8x128xi32> to vector<1x8x128xi32>
      %jit3A_583 = arith.constant 0 : i32
      %broadcast_in_dim3A_584 = vector.shape_cast %broadcast_in_dim3A_582 : vector<1x8x128xi32> to vector<1x8x128xi32>
      %broadcast_in_dim3A_585 = vector.broadcast %broadcast_in_dim3A_584 : vector<1x8x128xi32> to vector<8x8x128xi32>
      %broadcast_in_dim3A_586 = vector.broadcast %jit3A_583 : i32 to vector<8x8x128xi32>
      %select_n3A_587 = arith.select %lt3A_581, %broadcast_in_dim3A_585, %broadcast_in_dim3A_586 : vector<8x8x128xi1>, vector<8x8x128xi32>
      %add3A_588 = arith.addi %add3A_571, %select_n3A_587 : vector<8x8x128xi32>
      %get3A_589 = arith.constant 72 : index
      %get3A_590 = arith.constant 0 : index
      %get3A_591 = vector.load %arg4[%get3A_589, %get3A_590] : memref<128x128xi32, #tpu.memory_space<vmem>>, vector<8x128xi32>
      %add3A_592 = arith.constant 9216 : i32
      %add3A_593 = vector.broadcast %add3A_592 : i32 to vector<8x128xi32>
      %add3A_594 = arith.addi %add3A_6, %add3A_593 : vector<8x128xi32>
      %broadcast_in_dim3A_595 = vector.shape_cast %add3A_594 : vector<8x128xi32> to vector<1x8x128xi32>
      %lt3A_596 = vector.broadcast %broadcast_in_dim3A_595 : vector<1x8x128xi32> to vector<8x8x128xi32>
      %lt3A_597 = vector.broadcast %broadcast_in_dim3A_433 : vector<8x1x1xi32> to vector<8x8x128xi32>
      %lt3A_598 = arith.cmpi slt, %lt3A_596, %lt3A_597 : vector<8x8x128xi32>
      %broadcast_in_dim3A_599 = vector.shape_cast %get3A_591 : vector<8x128xi32> to vector<1x8x128xi32>
      %jit3A_600 = arith.constant 0 : i32
      %broadcast_in_dim3A_601 = vector.shape_cast %broadcast_in_dim3A_599 : vector<1x8x128xi32> to vector<1x8x128xi32>
      %broadcast_in_dim3A_602 = vector.broadcast %broadcast_in_dim3A_601 : vector<1x8x128xi32> to vector<8x8x128xi32>
      %broadcast_in_dim3A_603 = vector.broadcast %jit3A_600 : i32 to vector<8x8x128xi32>
      %select_n3A_604 = arith.select %lt3A_598, %broadcast_in_dim3A_602, %broadcast_in_dim3A_603 : vector<8x8x128xi1>, vector<8x8x128xi32>
      %add3A_605 = arith.addi %add3A_588, %select_n3A_604 : vector<8x8x128xi32>
      %get3A_606 = arith.constant 80 : index
      %get3A_607 = arith.constant 0 : index
      %get3A_608 = vector.load %arg4[%get3A_606, %get3A_607] : memref<128x128xi32, #tpu.memory_space<vmem>>, vector<8x128xi32>
      %add3A_609 = arith.constant 10240 : i32
      %add3A_610 = vector.broadcast %add3A_609 : i32 to vector<8x128xi32>
      %add3A_611 = arith.addi %add3A_6, %add3A_610 : vector<8x128xi32>
      %broadcast_in_dim3A_612 = vector.shape_cast %add3A_611 : vector<8x128xi32> to vector<1x8x128xi32>
      %lt3A_613 = vector.broadcast %broadcast_in_dim3A_612 : vector<1x8x128xi32> to vector<8x8x128xi32>
      %lt3A_614 = vector.broadcast %broadcast_in_dim3A_433 : vector<8x1x1xi32> to vector<8x8x128xi32>
      %lt3A_615 = arith.cmpi slt, %lt3A_613, %lt3A_614 : vector<8x8x128xi32>
      %broadcast_in_dim3A_616 = vector.shape_cast %get3A_608 : vector<8x128xi32> to vector<1x8x128xi32>
      %jit3A_617 = arith.constant 0 : i32
      %broadcast_in_dim3A_618 = vector.shape_cast %broadcast_in_dim3A_616 : vector<1x8x128xi32> to vector<1x8x128xi32>
      %broadcast_in_dim3A_619 = vector.broadcast %broadcast_in_dim3A_618 : vector<1x8x128xi32> to vector<8x8x128xi32>
      %broadcast_in_dim3A_620 = vector.broadcast %jit3A_617 : i32 to vector<8x8x128xi32>
      %select_n3A_621 = arith.select %lt3A_615, %broadcast_in_dim3A_619, %broadcast_in_dim3A_620 : vector<8x8x128xi1>, vector<8x8x128xi32>
      %add3A_622 = arith.addi %add3A_605, %select_n3A_621 : vector<8x8x128xi32>
      %get3A_623 = arith.constant 88 : index
      %get3A_624 = arith.constant 0 : index
      %get3A_625 = vector.load %arg4[%get3A_623, %get3A_624] : memref<128x128xi32, #tpu.memory_space<vmem>>, vector<8x128xi32>
      %add3A_626 = arith.constant 11264 : i32
      %add3A_627 = vector.broadcast %add3A_626 : i32 to vector<8x128xi32>
      %add3A_628 = arith.addi %add3A_6, %add3A_627 : vector<8x128xi32>
      %broadcast_in_dim3A_629 = vector.shape_cast %add3A_628 : vector<8x128xi32> to vector<1x8x128xi32>
      %lt3A_630 = vector.broadcast %broadcast_in_dim3A_629 : vector<1x8x128xi32> to vector<8x8x128xi32>
      %lt3A_631 = vector.broadcast %broadcast_in_dim3A_433 : vector<8x1x1xi32> to vector<8x8x128xi32>
      %lt3A_632 = arith.cmpi slt, %lt3A_630, %lt3A_631 : vector<8x8x128xi32>
      %broadcast_in_dim3A_633 = vector.shape_cast %get3A_625 : vector<8x128xi32> to vector<1x8x128xi32>
      %jit3A_634 = arith.constant 0 : i32
      %broadcast_in_dim3A_635 = vector.shape_cast %broadcast_in_dim3A_633 : vector<1x8x128xi32> to vector<1x8x128xi32>
      %broadcast_in_dim3A_636 = vector.broadcast %broadcast_in_dim3A_635 : vector<1x8x128xi32> to vector<8x8x128xi32>
      %broadcast_in_dim3A_637 = vector.broadcast %jit3A_634 : i32 to vector<8x8x128xi32>
      %select_n3A_638 = arith.select %lt3A_632, %broadcast_in_dim3A_636, %broadcast_in_dim3A_637 : vector<8x8x128xi1>, vector<8x8x128xi32>
      %add3A_639 = arith.addi %add3A_622, %select_n3A_638 : vector<8x8x128xi32>
      %get3A_640 = arith.constant 96 : index
      %get3A_641 = arith.constant 0 : index
      %get3A_642 = vector.load %arg4[%get3A_640, %get3A_641] : memref<128x128xi32, #tpu.memory_space<vmem>>, vector<8x128xi32>
      %add3A_643 = arith.constant 12288 : i32
      %add3A_644 = vector.broadcast %add3A_643 : i32 to vector<8x128xi32>
      %add3A_645 = arith.addi %add3A_6, %add3A_644 : vector<8x128xi32>
      %broadcast_in_dim3A_646 = vector.shape_cast %add3A_645 : vector<8x128xi32> to vector<1x8x128xi32>
      %lt3A_647 = vector.broadcast %broadcast_in_dim3A_646 : vector<1x8x128xi32> to vector<8x8x128xi32>
      %lt3A_648 = vector.broadcast %broadcast_in_dim3A_433 : vector<8x1x1xi32> to vector<8x8x128xi32>
      %lt3A_649 = arith.cmpi slt, %lt3A_647, %lt3A_648 : vector<8x8x128xi32>
      %broadcast_in_dim3A_650 = vector.shape_cast %get3A_642 : vector<8x128xi32> to vector<1x8x128xi32>
      %jit3A_651 = arith.constant 0 : i32
      %broadcast_in_dim3A_652 = vector.shape_cast %broadcast_in_dim3A_650 : vector<1x8x128xi32> to vector<1x8x128xi32>
      %broadcast_in_dim3A_653 = vector.broadcast %broadcast_in_dim3A_652 : vector<1x8x128xi32> to vector<8x8x128xi32>
      %broadcast_in_dim3A_654 = vector.broadcast %jit3A_651 : i32 to vector<8x8x128xi32>
      %select_n3A_655 = arith.select %lt3A_649, %broadcast_in_dim3A_653, %broadcast_in_dim3A_654 : vector<8x8x128xi1>, vector<8x8x128xi32>
      %add3A_656 = arith.addi %add3A_639, %select_n3A_655 : vector<8x8x128xi32>
      %get3A_657 = arith.constant 104 : index
      %get3A_658 = arith.constant 0 : index
      %get3A_659 = vector.load %arg4[%get3A_657, %get3A_658] : memref<128x128xi32, #tpu.memory_space<vmem>>, vector<8x128xi32>
      %add3A_660 = arith.constant 13312 : i32
      %add3A_661 = vector.broadcast %add3A_660 : i32 to vector<8x128xi32>
      %add3A_662 = arith.addi %add3A_6, %add3A_661 : vector<8x128xi32>
      %broadcast_in_dim3A_663 = vector.shape_cast %add3A_662 : vector<8x128xi32> to vector<1x8x128xi32>
      %lt3A_664 = vector.broadcast %broadcast_in_dim3A_663 : vector<1x8x128xi32> to vector<8x8x128xi32>
      %lt3A_665 = vector.broadcast %broadcast_in_dim3A_433 : vector<8x1x1xi32> to vector<8x8x128xi32>
      %lt3A_666 = arith.cmpi slt, %lt3A_664, %lt3A_665 : vector<8x8x128xi32>
      %broadcast_in_dim3A_667 = vector.shape_cast %get3A_659 : vector<8x128xi32> to vector<1x8x128xi32>
      %jit3A_668 = arith.constant 0 : i32
      %broadcast_in_dim3A_669 = vector.shape_cast %broadcast_in_dim3A_667 : vector<1x8x128xi32> to vector<1x8x128xi32>
      %broadcast_in_dim3A_670 = vector.broadcast %broadcast_in_dim3A_669 : vector<1x8x128xi32> to vector<8x8x128xi32>
      %broadcast_in_dim3A_671 = vector.broadcast %jit3A_668 : i32 to vector<8x8x128xi32>
      %select_n3A_672 = arith.select %lt3A_666, %broadcast_in_dim3A_670, %broadcast_in_dim3A_671 : vector<8x8x128xi1>, vector<8x8x128xi32>
      %add3A_673 = arith.addi %add3A_656, %select_n3A_672 : vector<8x8x128xi32>
      %get3A_674 = arith.constant 112 : index
      %get3A_675 = arith.constant 0 : index
      %get3A_676 = vector.load %arg4[%get3A_674, %get3A_675] : memref<128x128xi32, #tpu.memory_space<vmem>>, vector<8x128xi32>
      %add3A_677 = arith.constant 14336 : i32
      %add3A_678 = vector.broadcast %add3A_677 : i32 to vector<8x128xi32>
      %add3A_679 = arith.addi %add3A_6, %add3A_678 : vector<8x128xi32>
      %broadcast_in_dim3A_680 = vector.shape_cast %add3A_679 : vector<8x128xi32> to vector<1x8x128xi32>
      %lt3A_681 = vector.broadcast %broadcast_in_dim3A_680 : vector<1x8x128xi32> to vector<8x8x128xi32>
      %lt3A_682 = vector.broadcast %broadcast_in_dim3A_433 : vector<8x1x1xi32> to vector<8x8x128xi32>
      %lt3A_683 = arith.cmpi slt, %lt3A_681, %lt3A_682 : vector<8x8x128xi32>
      %broadcast_in_dim3A_684 = vector.shape_cast %get3A_676 : vector<8x128xi32> to vector<1x8x128xi32>
      %jit3A_685 = arith.constant 0 : i32
      %broadcast_in_dim3A_686 = vector.shape_cast %broadcast_in_dim3A_684 : vector<1x8x128xi32> to vector<1x8x128xi32>
      %broadcast_in_dim3A_687 = vector.broadcast %broadcast_in_dim3A_686 : vector<1x8x128xi32> to vector<8x8x128xi32>
      %broadcast_in_dim3A_688 = vector.broadcast %jit3A_685 : i32 to vector<8x8x128xi32>
      %select_n3A_689 = arith.select %lt3A_683, %broadcast_in_dim3A_687, %broadcast_in_dim3A_688 : vector<8x8x128xi1>, vector<8x8x128xi32>
      %add3A_690 = arith.addi %add3A_673, %select_n3A_689 : vector<8x8x128xi32>
      %get3A_691 = arith.constant 120 : index
      %get3A_692 = arith.constant 0 : index
      %get3A_693 = vector.load %arg4[%get3A_691, %get3A_692] : memref<128x128xi32, #tpu.memory_space<vmem>>, vector<8x128xi32>
      %add3A_694 = arith.constant 15360 : i32
      %add3A_695 = vector.broadcast %add3A_694 : i32 to vector<8x128xi32>
      %add3A_696 = arith.addi %add3A_6, %add3A_695 : vector<8x128xi32>
      %broadcast_in_dim3A_697 = vector.shape_cast %add3A_696 : vector<8x128xi32> to vector<1x8x128xi32>
      %lt3A_698 = vector.broadcast %broadcast_in_dim3A_697 : vector<1x8x128xi32> to vector<8x8x128xi32>
      %lt3A_699 = vector.broadcast %broadcast_in_dim3A_433 : vector<8x1x1xi32> to vector<8x8x128xi32>
      %lt3A_700 = arith.cmpi slt, %lt3A_698, %lt3A_699 : vector<8x8x128xi32>
      %broadcast_in_dim3A_701 = vector.shape_cast %get3A_693 : vector<8x128xi32> to vector<1x8x128xi32>
      %jit3A_702 = arith.constant 0 : i32
      %broadcast_in_dim3A_703 = vector.shape_cast %broadcast_in_dim3A_701 : vector<1x8x128xi32> to vector<1x8x128xi32>
      %broadcast_in_dim3A_704 = vector.broadcast %broadcast_in_dim3A_703 : vector<1x8x128xi32> to vector<8x8x128xi32>
      %broadcast_in_dim3A_705 = vector.broadcast %jit3A_702 : i32 to vector<8x8x128xi32>
      %select_n3A_706 = arith.select %lt3A_700, %broadcast_in_dim3A_704, %broadcast_in_dim3A_705 : vector<8x8x128xi1>, vector<8x8x128xi32>
      %add3A_707 = arith.addi %add3A_690, %select_n3A_706 : vector<8x8x128xi32>
      %reduce_sum3A_708 = arith.constant dense<0> : vector<8xi32>
      %reduce_sum3A_709 = vector.multi_reduction <add>, %add3A_707, %reduce_sum3A_708 [1, 2] : vector<8x8x128xi32> to vector<8xi32>
      %slice3A_710 = vector.extract_strided_slice %shift_right_arithmetic3A_154 {offsets = [16], sizes = [8], strides = [1]} : vector<32xi32> to vector<8xi32>
      %broadcast_in_dim3A_711 = vector.shape_cast %slice3A_710 : vector<8xi32> to vector<8x1x1xi32>
      %broadcast_in_dim3A_712 = arith.constant 0 : i32
      %broadcast_in_dim3A_713 = vector.broadcast %broadcast_in_dim3A_712 : i32 to vector<8x8x128xi32>
      %get3A_714 = arith.constant 0 : index
      %get3A_715 = arith.constant 0 : index
      %get3A_716 = vector.load %arg4[%get3A_714, %get3A_715] : memref<128x128xi32, #tpu.memory_space<vmem>>, vector<8x128xi32>
      %add3A_717 = arith.constant 0 : i32
      %add3A_718 = vector.broadcast %add3A_717 : i32 to vector<8x128xi32>
      %add3A_719 = arith.addi %add3A_6, %add3A_718 : vector<8x128xi32>
      %broadcast_in_dim3A_720 = vector.shape_cast %add3A_719 : vector<8x128xi32> to vector<1x8x128xi32>
      %lt3A_721 = vector.broadcast %broadcast_in_dim3A_720 : vector<1x8x128xi32> to vector<8x8x128xi32>
      %lt3A_722 = vector.broadcast %broadcast_in_dim3A_711 : vector<8x1x1xi32> to vector<8x8x128xi32>
      %lt3A_723 = arith.cmpi slt, %lt3A_721, %lt3A_722 : vector<8x8x128xi32>
      %broadcast_in_dim3A_724 = vector.shape_cast %get3A_716 : vector<8x128xi32> to vector<1x8x128xi32>
      %jit3A_725 = arith.constant 0 : i32
      %broadcast_in_dim3A_726 = vector.shape_cast %broadcast_in_dim3A_724 : vector<1x8x128xi32> to vector<1x8x128xi32>
      %broadcast_in_dim3A_727 = vector.broadcast %broadcast_in_dim3A_726 : vector<1x8x128xi32> to vector<8x8x128xi32>
      %broadcast_in_dim3A_728 = vector.broadcast %jit3A_725 : i32 to vector<8x8x128xi32>
      %select_n3A_729 = arith.select %lt3A_723, %broadcast_in_dim3A_727, %broadcast_in_dim3A_728 : vector<8x8x128xi1>, vector<8x8x128xi32>
      %add3A_730 = arith.addi %broadcast_in_dim3A_713, %select_n3A_729 : vector<8x8x128xi32>
      %get3A_731 = arith.constant 8 : index
      %get3A_732 = arith.constant 0 : index
      %get3A_733 = vector.load %arg4[%get3A_731, %get3A_732] : memref<128x128xi32, #tpu.memory_space<vmem>>, vector<8x128xi32>
      %add3A_734 = arith.constant 1024 : i32
      %add3A_735 = vector.broadcast %add3A_734 : i32 to vector<8x128xi32>
      %add3A_736 = arith.addi %add3A_6, %add3A_735 : vector<8x128xi32>
      %broadcast_in_dim3A_737 = vector.shape_cast %add3A_736 : vector<8x128xi32> to vector<1x8x128xi32>
      %lt3A_738 = vector.broadcast %broadcast_in_dim3A_737 : vector<1x8x128xi32> to vector<8x8x128xi32>
      %lt3A_739 = vector.broadcast %broadcast_in_dim3A_711 : vector<8x1x1xi32> to vector<8x8x128xi32>
      %lt3A_740 = arith.cmpi slt, %lt3A_738, %lt3A_739 : vector<8x8x128xi32>
      %broadcast_in_dim3A_741 = vector.shape_cast %get3A_733 : vector<8x128xi32> to vector<1x8x128xi32>
      %jit3A_742 = arith.constant 0 : i32
      %broadcast_in_dim3A_743 = vector.shape_cast %broadcast_in_dim3A_741 : vector<1x8x128xi32> to vector<1x8x128xi32>
      %broadcast_in_dim3A_744 = vector.broadcast %broadcast_in_dim3A_743 : vector<1x8x128xi32> to vector<8x8x128xi32>
      %broadcast_in_dim3A_745 = vector.broadcast %jit3A_742 : i32 to vector<8x8x128xi32>
      %select_n3A_746 = arith.select %lt3A_740, %broadcast_in_dim3A_744, %broadcast_in_dim3A_745 : vector<8x8x128xi1>, vector<8x8x128xi32>
      %add3A_747 = arith.addi %add3A_730, %select_n3A_746 : vector<8x8x128xi32>
      %get3A_748 = arith.constant 16 : index
      %get3A_749 = arith.constant 0 : index
      %get3A_750 = vector.load %arg4[%get3A_748, %get3A_749] : memref<128x128xi32, #tpu.memory_space<vmem>>, vector<8x128xi32>
      %add3A_751 = arith.constant 2048 : i32
      %add3A_752 = vector.broadcast %add3A_751 : i32 to vector<8x128xi32>
      %add3A_753 = arith.addi %add3A_6, %add3A_752 : vector<8x128xi32>
      %broadcast_in_dim3A_754 = vector.shape_cast %add3A_753 : vector<8x128xi32> to vector<1x8x128xi32>
      %lt3A_755 = vector.broadcast %broadcast_in_dim3A_754 : vector<1x8x128xi32> to vector<8x8x128xi32>
      %lt3A_756 = vector.broadcast %broadcast_in_dim3A_711 : vector<8x1x1xi32> to vector<8x8x128xi32>
      %lt3A_757 = arith.cmpi slt, %lt3A_755, %lt3A_756 : vector<8x8x128xi32>
      %broadcast_in_dim3A_758 = vector.shape_cast %get3A_750 : vector<8x128xi32> to vector<1x8x128xi32>
      %jit3A_759 = arith.constant 0 : i32
      %broadcast_in_dim3A_760 = vector.shape_cast %broadcast_in_dim3A_758 : vector<1x8x128xi32> to vector<1x8x128xi32>
      %broadcast_in_dim3A_761 = vector.broadcast %broadcast_in_dim3A_760 : vector<1x8x128xi32> to vector<8x8x128xi32>
      %broadcast_in_dim3A_762 = vector.broadcast %jit3A_759 : i32 to vector<8x8x128xi32>
      %select_n3A_763 = arith.select %lt3A_757, %broadcast_in_dim3A_761, %broadcast_in_dim3A_762 : vector<8x8x128xi1>, vector<8x8x128xi32>
      %add3A_764 = arith.addi %add3A_747, %select_n3A_763 : vector<8x8x128xi32>
      %get3A_765 = arith.constant 24 : index
      %get3A_766 = arith.constant 0 : index
      %get3A_767 = vector.load %arg4[%get3A_765, %get3A_766] : memref<128x128xi32, #tpu.memory_space<vmem>>, vector<8x128xi32>
      %add3A_768 = arith.constant 3072 : i32
      %add3A_769 = vector.broadcast %add3A_768 : i32 to vector<8x128xi32>
      %add3A_770 = arith.addi %add3A_6, %add3A_769 : vector<8x128xi32>
      %broadcast_in_dim3A_771 = vector.shape_cast %add3A_770 : vector<8x128xi32> to vector<1x8x128xi32>
      %lt3A_772 = vector.broadcast %broadcast_in_dim3A_771 : vector<1x8x128xi32> to vector<8x8x128xi32>
      %lt3A_773 = vector.broadcast %broadcast_in_dim3A_711 : vector<8x1x1xi32> to vector<8x8x128xi32>
      %lt3A_774 = arith.cmpi slt, %lt3A_772, %lt3A_773 : vector<8x8x128xi32>
      %broadcast_in_dim3A_775 = vector.shape_cast %get3A_767 : vector<8x128xi32> to vector<1x8x128xi32>
      %jit3A_776 = arith.constant 0 : i32
      %broadcast_in_dim3A_777 = vector.shape_cast %broadcast_in_dim3A_775 : vector<1x8x128xi32> to vector<1x8x128xi32>
      %broadcast_in_dim3A_778 = vector.broadcast %broadcast_in_dim3A_777 : vector<1x8x128xi32> to vector<8x8x128xi32>
      %broadcast_in_dim3A_779 = vector.broadcast %jit3A_776 : i32 to vector<8x8x128xi32>
      %select_n3A_780 = arith.select %lt3A_774, %broadcast_in_dim3A_778, %broadcast_in_dim3A_779 : vector<8x8x128xi1>, vector<8x8x128xi32>
      %add3A_781 = arith.addi %add3A_764, %select_n3A_780 : vector<8x8x128xi32>
      %get3A_782 = arith.constant 32 : index
      %get3A_783 = arith.constant 0 : index
      %get3A_784 = vector.load %arg4[%get3A_782, %get3A_783] : memref<128x128xi32, #tpu.memory_space<vmem>>, vector<8x128xi32>
      %add3A_785 = arith.constant 4096 : i32
      %add3A_786 = vector.broadcast %add3A_785 : i32 to vector<8x128xi32>
      %add3A_787 = arith.addi %add3A_6, %add3A_786 : vector<8x128xi32>
      %broadcast_in_dim3A_788 = vector.shape_cast %add3A_787 : vector<8x128xi32> to vector<1x8x128xi32>
      %lt3A_789 = vector.broadcast %broadcast_in_dim3A_788 : vector<1x8x128xi32> to vector<8x8x128xi32>
      %lt3A_790 = vector.broadcast %broadcast_in_dim3A_711 : vector<8x1x1xi32> to vector<8x8x128xi32>
      %lt3A_791 = arith.cmpi slt, %lt3A_789, %lt3A_790 : vector<8x8x128xi32>
      %broadcast_in_dim3A_792 = vector.shape_cast %get3A_784 : vector<8x128xi32> to vector<1x8x128xi32>
      %jit3A_793 = arith.constant 0 : i32
      %broadcast_in_dim3A_794 = vector.shape_cast %broadcast_in_dim3A_792 : vector<1x8x128xi32> to vector<1x8x128xi32>
      %broadcast_in_dim3A_795 = vector.broadcast %broadcast_in_dim3A_794 : vector<1x8x128xi32> to vector<8x8x128xi32>
      %broadcast_in_dim3A_796 = vector.broadcast %jit3A_793 : i32 to vector<8x8x128xi32>
      %select_n3A_797 = arith.select %lt3A_791, %broadcast_in_dim3A_795, %broadcast_in_dim3A_796 : vector<8x8x128xi1>, vector<8x8x128xi32>
      %add3A_798 = arith.addi %add3A_781, %select_n3A_797 : vector<8x8x128xi32>
      %get3A_799 = arith.constant 40 : index
      %get3A_800 = arith.constant 0 : index
      %get3A_801 = vector.load %arg4[%get3A_799, %get3A_800] : memref<128x128xi32, #tpu.memory_space<vmem>>, vector<8x128xi32>
      %add3A_802 = arith.constant 5120 : i32
      %add3A_803 = vector.broadcast %add3A_802 : i32 to vector<8x128xi32>
      %add3A_804 = arith.addi %add3A_6, %add3A_803 : vector<8x128xi32>
      %broadcast_in_dim3A_805 = vector.shape_cast %add3A_804 : vector<8x128xi32> to vector<1x8x128xi32>
      %lt3A_806 = vector.broadcast %broadcast_in_dim3A_805 : vector<1x8x128xi32> to vector<8x8x128xi32>
      %lt3A_807 = vector.broadcast %broadcast_in_dim3A_711 : vector<8x1x1xi32> to vector<8x8x128xi32>
      %lt3A_808 = arith.cmpi slt, %lt3A_806, %lt3A_807 : vector<8x8x128xi32>
      %broadcast_in_dim3A_809 = vector.shape_cast %get3A_801 : vector<8x128xi32> to vector<1x8x128xi32>
      %jit3A_810 = arith.constant 0 : i32
      %broadcast_in_dim3A_811 = vector.shape_cast %broadcast_in_dim3A_809 : vector<1x8x128xi32> to vector<1x8x128xi32>
      %broadcast_in_dim3A_812 = vector.broadcast %broadcast_in_dim3A_811 : vector<1x8x128xi32> to vector<8x8x128xi32>
      %broadcast_in_dim3A_813 = vector.broadcast %jit3A_810 : i32 to vector<8x8x128xi32>
      %select_n3A_814 = arith.select %lt3A_808, %broadcast_in_dim3A_812, %broadcast_in_dim3A_813 : vector<8x8x128xi1>, vector<8x8x128xi32>
      %add3A_815 = arith.addi %add3A_798, %select_n3A_814 : vector<8x8x128xi32>
      %get3A_816 = arith.constant 48 : index
      %get3A_817 = arith.constant 0 : index
      %get3A_818 = vector.load %arg4[%get3A_816, %get3A_817] : memref<128x128xi32, #tpu.memory_space<vmem>>, vector<8x128xi32>
      %add3A_819 = arith.constant 6144 : i32
      %add3A_820 = vector.broadcast %add3A_819 : i32 to vector<8x128xi32>
      %add3A_821 = arith.addi %add3A_6, %add3A_820 : vector<8x128xi32>
      %broadcast_in_dim3A_822 = vector.shape_cast %add3A_821 : vector<8x128xi32> to vector<1x8x128xi32>
      %lt3A_823 = vector.broadcast %broadcast_in_dim3A_822 : vector<1x8x128xi32> to vector<8x8x128xi32>
      %lt3A_824 = vector.broadcast %broadcast_in_dim3A_711 : vector<8x1x1xi32> to vector<8x8x128xi32>
      %lt3A_825 = arith.cmpi slt, %lt3A_823, %lt3A_824 : vector<8x8x128xi32>
      %broadcast_in_dim3A_826 = vector.shape_cast %get3A_818 : vector<8x128xi32> to vector<1x8x128xi32>
      %jit3A_827 = arith.constant 0 : i32
      %broadcast_in_dim3A_828 = vector.shape_cast %broadcast_in_dim3A_826 : vector<1x8x128xi32> to vector<1x8x128xi32>
      %broadcast_in_dim3A_829 = vector.broadcast %broadcast_in_dim3A_828 : vector<1x8x128xi32> to vector<8x8x128xi32>
      %broadcast_in_dim3A_830 = vector.broadcast %jit3A_827 : i32 to vector<8x8x128xi32>
      %select_n3A_831 = arith.select %lt3A_825, %broadcast_in_dim3A_829, %broadcast_in_dim3A_830 : vector<8x8x128xi1>, vector<8x8x128xi32>
      %add3A_832 = arith.addi %add3A_815, %select_n3A_831 : vector<8x8x128xi32>
      %get3A_833 = arith.constant 56 : index
      %get3A_834 = arith.constant 0 : index
      %get3A_835 = vector.load %arg4[%get3A_833, %get3A_834] : memref<128x128xi32, #tpu.memory_space<vmem>>, vector<8x128xi32>
      %add3A_836 = arith.constant 7168 : i32
      %add3A_837 = vector.broadcast %add3A_836 : i32 to vector<8x128xi32>
      %add3A_838 = arith.addi %add3A_6, %add3A_837 : vector<8x128xi32>
      %broadcast_in_dim3A_839 = vector.shape_cast %add3A_838 : vector<8x128xi32> to vector<1x8x128xi32>
      %lt3A_840 = vector.broadcast %broadcast_in_dim3A_839 : vector<1x8x128xi32> to vector<8x8x128xi32>
      %lt3A_841 = vector.broadcast %broadcast_in_dim3A_711 : vector<8x1x1xi32> to vector<8x8x128xi32>
      %lt3A_842 = arith.cmpi slt, %lt3A_840, %lt3A_841 : vector<8x8x128xi32>
      %broadcast_in_dim3A_843 = vector.shape_cast %get3A_835 : vector<8x128xi32> to vector<1x8x128xi32>
      %jit3A_844 = arith.constant 0 : i32
      %broadcast_in_dim3A_845 = vector.shape_cast %broadcast_in_dim3A_843 : vector<1x8x128xi32> to vector<1x8x128xi32>
      %broadcast_in_dim3A_846 = vector.broadcast %broadcast_in_dim3A_845 : vector<1x8x128xi32> to vector<8x8x128xi32>
      %broadcast_in_dim3A_847 = vector.broadcast %jit3A_844 : i32 to vector<8x8x128xi32>
      %select_n3A_848 = arith.select %lt3A_842, %broadcast_in_dim3A_846, %broadcast_in_dim3A_847 : vector<8x8x128xi1>, vector<8x8x128xi32>
      %add3A_849 = arith.addi %add3A_832, %select_n3A_848 : vector<8x8x128xi32>
      %get3A_850 = arith.constant 64 : index
      %get3A_851 = arith.constant 0 : index
      %get3A_852 = vector.load %arg4[%get3A_850, %get3A_851] : memref<128x128xi32, #tpu.memory_space<vmem>>, vector<8x128xi32>
      %add3A_853 = arith.constant 8192 : i32
      %add3A_854 = vector.broadcast %add3A_853 : i32 to vector<8x128xi32>
      %add3A_855 = arith.addi %add3A_6, %add3A_854 : vector<8x128xi32>
      %broadcast_in_dim3A_856 = vector.shape_cast %add3A_855 : vector<8x128xi32> to vector<1x8x128xi32>
      %lt3A_857 = vector.broadcast %broadcast_in_dim3A_856 : vector<1x8x128xi32> to vector<8x8x128xi32>
      %lt3A_858 = vector.broadcast %broadcast_in_dim3A_711 : vector<8x1x1xi32> to vector<8x8x128xi32>
      %lt3A_859 = arith.cmpi slt, %lt3A_857, %lt3A_858 : vector<8x8x128xi32>
      %broadcast_in_dim3A_860 = vector.shape_cast %get3A_852 : vector<8x128xi32> to vector<1x8x128xi32>
      %jit3A_861 = arith.constant 0 : i32
      %broadcast_in_dim3A_862 = vector.shape_cast %broadcast_in_dim3A_860 : vector<1x8x128xi32> to vector<1x8x128xi32>
      %broadcast_in_dim3A_863 = vector.broadcast %broadcast_in_dim3A_862 : vector<1x8x128xi32> to vector<8x8x128xi32>
      %broadcast_in_dim3A_864 = vector.broadcast %jit3A_861 : i32 to vector<8x8x128xi32>
      %select_n3A_865 = arith.select %lt3A_859, %broadcast_in_dim3A_863, %broadcast_in_dim3A_864 : vector<8x8x128xi1>, vector<8x8x128xi32>
      %add3A_866 = arith.addi %add3A_849, %select_n3A_865 : vector<8x8x128xi32>
      %get3A_867 = arith.constant 72 : index
      %get3A_868 = arith.constant 0 : index
      %get3A_869 = vector.load %arg4[%get3A_867, %get3A_868] : memref<128x128xi32, #tpu.memory_space<vmem>>, vector<8x128xi32>
      %add3A_870 = arith.constant 9216 : i32
      %add3A_871 = vector.broadcast %add3A_870 : i32 to vector<8x128xi32>
      %add3A_872 = arith.addi %add3A_6, %add3A_871 : vector<8x128xi32>
      %broadcast_in_dim3A_873 = vector.shape_cast %add3A_872 : vector<8x128xi32> to vector<1x8x128xi32>
      %lt3A_874 = vector.broadcast %broadcast_in_dim3A_873 : vector<1x8x128xi32> to vector<8x8x128xi32>
      %lt3A_875 = vector.broadcast %broadcast_in_dim3A_711 : vector<8x1x1xi32> to vector<8x8x128xi32>
      %lt3A_876 = arith.cmpi slt, %lt3A_874, %lt3A_875 : vector<8x8x128xi32>
      %broadcast_in_dim3A_877 = vector.shape_cast %get3A_869 : vector<8x128xi32> to vector<1x8x128xi32>
      %jit3A_878 = arith.constant 0 : i32
      %broadcast_in_dim3A_879 = vector.shape_cast %broadcast_in_dim3A_877 : vector<1x8x128xi32> to vector<1x8x128xi32>
      %broadcast_in_dim3A_880 = vector.broadcast %broadcast_in_dim3A_879 : vector<1x8x128xi32> to vector<8x8x128xi32>
      %broadcast_in_dim3A_881 = vector.broadcast %jit3A_878 : i32 to vector<8x8x128xi32>
      %select_n3A_882 = arith.select %lt3A_876, %broadcast_in_dim3A_880, %broadcast_in_dim3A_881 : vector<8x8x128xi1>, vector<8x8x128xi32>
      %add3A_883 = arith.addi %add3A_866, %select_n3A_882 : vector<8x8x128xi32>
      %get3A_884 = arith.constant 80 : index
      %get3A_885 = arith.constant 0 : index
      %get3A_886 = vector.load %arg4[%get3A_884, %get3A_885] : memref<128x128xi32, #tpu.memory_space<vmem>>, vector<8x128xi32>
      %add3A_887 = arith.constant 10240 : i32
      %add3A_888 = vector.broadcast %add3A_887 : i32 to vector<8x128xi32>
      %add3A_889 = arith.addi %add3A_6, %add3A_888 : vector<8x128xi32>
      %broadcast_in_dim3A_890 = vector.shape_cast %add3A_889 : vector<8x128xi32> to vector<1x8x128xi32>
      %lt3A_891 = vector.broadcast %broadcast_in_dim3A_890 : vector<1x8x128xi32> to vector<8x8x128xi32>
      %lt3A_892 = vector.broadcast %broadcast_in_dim3A_711 : vector<8x1x1xi32> to vector<8x8x128xi32>
      %lt3A_893 = arith.cmpi slt, %lt3A_891, %lt3A_892 : vector<8x8x128xi32>
      %broadcast_in_dim3A_894 = vector.shape_cast %get3A_886 : vector<8x128xi32> to vector<1x8x128xi32>
      %jit3A_895 = arith.constant 0 : i32
      %broadcast_in_dim3A_896 = vector.shape_cast %broadcast_in_dim3A_894 : vector<1x8x128xi32> to vector<1x8x128xi32>
      %broadcast_in_dim3A_897 = vector.broadcast %broadcast_in_dim3A_896 : vector<1x8x128xi32> to vector<8x8x128xi32>
      %broadcast_in_dim3A_898 = vector.broadcast %jit3A_895 : i32 to vector<8x8x128xi32>
      %select_n3A_899 = arith.select %lt3A_893, %broadcast_in_dim3A_897, %broadcast_in_dim3A_898 : vector<8x8x128xi1>, vector<8x8x128xi32>
      %add3A_900 = arith.addi %add3A_883, %select_n3A_899 : vector<8x8x128xi32>
      %get3A_901 = arith.constant 88 : index
      %get3A_902 = arith.constant 0 : index
      %get3A_903 = vector.load %arg4[%get3A_901, %get3A_902] : memref<128x128xi32, #tpu.memory_space<vmem>>, vector<8x128xi32>
      %add3A_904 = arith.constant 11264 : i32
      %add3A_905 = vector.broadcast %add3A_904 : i32 to vector<8x128xi32>
      %add3A_906 = arith.addi %add3A_6, %add3A_905 : vector<8x128xi32>
      %broadcast_in_dim3A_907 = vector.shape_cast %add3A_906 : vector<8x128xi32> to vector<1x8x128xi32>
      %lt3A_908 = vector.broadcast %broadcast_in_dim3A_907 : vector<1x8x128xi32> to vector<8x8x128xi32>
      %lt3A_909 = vector.broadcast %broadcast_in_dim3A_711 : vector<8x1x1xi32> to vector<8x8x128xi32>
      %lt3A_910 = arith.cmpi slt, %lt3A_908, %lt3A_909 : vector<8x8x128xi32>
      %broadcast_in_dim3A_911 = vector.shape_cast %get3A_903 : vector<8x128xi32> to vector<1x8x128xi32>
      %jit3A_912 = arith.constant 0 : i32
      %broadcast_in_dim3A_913 = vector.shape_cast %broadcast_in_dim3A_911 : vector<1x8x128xi32> to vector<1x8x128xi32>
      %broadcast_in_dim3A_914 = vector.broadcast %broadcast_in_dim3A_913 : vector<1x8x128xi32> to vector<8x8x128xi32>
      %broadcast_in_dim3A_915 = vector.broadcast %jit3A_912 : i32 to vector<8x8x128xi32>
      %select_n3A_916 = arith.select %lt3A_910, %broadcast_in_dim3A_914, %broadcast_in_dim3A_915 : vector<8x8x128xi1>, vector<8x8x128xi32>
      %add3A_917 = arith.addi %add3A_900, %select_n3A_916 : vector<8x8x128xi32>
      %get3A_918 = arith.constant 96 : index
      %get3A_919 = arith.constant 0 : index
      %get3A_920 = vector.load %arg4[%get3A_918, %get3A_919] : memref<128x128xi32, #tpu.memory_space<vmem>>, vector<8x128xi32>
      %add3A_921 = arith.constant 12288 : i32
      %add3A_922 = vector.broadcast %add3A_921 : i32 to vector<8x128xi32>
      %add3A_923 = arith.addi %add3A_6, %add3A_922 : vector<8x128xi32>
      %broadcast_in_dim3A_924 = vector.shape_cast %add3A_923 : vector<8x128xi32> to vector<1x8x128xi32>
      %lt3A_925 = vector.broadcast %broadcast_in_dim3A_924 : vector<1x8x128xi32> to vector<8x8x128xi32>
      %lt3A_926 = vector.broadcast %broadcast_in_dim3A_711 : vector<8x1x1xi32> to vector<8x8x128xi32>
      %lt3A_927 = arith.cmpi slt, %lt3A_925, %lt3A_926 : vector<8x8x128xi32>
      %broadcast_in_dim3A_928 = vector.shape_cast %get3A_920 : vector<8x128xi32> to vector<1x8x128xi32>
      %jit3A_929 = arith.constant 0 : i32
      %broadcast_in_dim3A_930 = vector.shape_cast %broadcast_in_dim3A_928 : vector<1x8x128xi32> to vector<1x8x128xi32>
      %broadcast_in_dim3A_931 = vector.broadcast %broadcast_in_dim3A_930 : vector<1x8x128xi32> to vector<8x8x128xi32>
      %broadcast_in_dim3A_932 = vector.broadcast %jit3A_929 : i32 to vector<8x8x128xi32>
      %select_n3A_933 = arith.select %lt3A_927, %broadcast_in_dim3A_931, %broadcast_in_dim3A_932 : vector<8x8x128xi1>, vector<8x8x128xi32>
      %add3A_934 = arith.addi %add3A_917, %select_n3A_933 : vector<8x8x128xi32>
      %get3A_935 = arith.constant 104 : index
      %get3A_936 = arith.constant 0 : index
      %get3A_937 = vector.load %arg4[%get3A_935, %get3A_936] : memref<128x128xi32, #tpu.memory_space<vmem>>, vector<8x128xi32>
      %add3A_938 = arith.constant 13312 : i32
      %add3A_939 = vector.broadcast %add3A_938 : i32 to vector<8x128xi32>
      %add3A_940 = arith.addi %add3A_6, %add3A_939 : vector<8x128xi32>
      %broadcast_in_dim3A_941 = vector.shape_cast %add3A_940 : vector<8x128xi32> to vector<1x8x128xi32>
      %lt3A_942 = vector.broadcast %broadcast_in_dim3A_941 : vector<1x8x128xi32> to vector<8x8x128xi32>
      %lt3A_943 = vector.broadcast %broadcast_in_dim3A_711 : vector<8x1x1xi32> to vector<8x8x128xi32>
      %lt3A_944 = arith.cmpi slt, %lt3A_942, %lt3A_943 : vector<8x8x128xi32>
      %broadcast_in_dim3A_945 = vector.shape_cast %get3A_937 : vector<8x128xi32> to vector<1x8x128xi32>
      %jit3A_946 = arith.constant 0 : i32
      %broadcast_in_dim3A_947 = vector.shape_cast %broadcast_in_dim3A_945 : vector<1x8x128xi32> to vector<1x8x128xi32>
      %broadcast_in_dim3A_948 = vector.broadcast %broadcast_in_dim3A_947 : vector<1x8x128xi32> to vector<8x8x128xi32>
      %broadcast_in_dim3A_949 = vector.broadcast %jit3A_946 : i32 to vector<8x8x128xi32>
      %select_n3A_950 = arith.select %lt3A_944, %broadcast_in_dim3A_948, %broadcast_in_dim3A_949 : vector<8x8x128xi1>, vector<8x8x128xi32>
      %add3A_951 = arith.addi %add3A_934, %select_n3A_950 : vector<8x8x128xi32>
      %get3A_952 = arith.constant 112 : index
      %get3A_953 = arith.constant 0 : index
      %get3A_954 = vector.load %arg4[%get3A_952, %get3A_953] : memref<128x128xi32, #tpu.memory_space<vmem>>, vector<8x128xi32>
      %add3A_955 = arith.constant 14336 : i32
      %add3A_956 = vector.broadcast %add3A_955 : i32 to vector<8x128xi32>
      %add3A_957 = arith.addi %add3A_6, %add3A_956 : vector<8x128xi32>
      %broadcast_in_dim3A_958 = vector.shape_cast %add3A_957 : vector<8x128xi32> to vector<1x8x128xi32>
      %lt3A_959 = vector.broadcast %broadcast_in_dim3A_958 : vector<1x8x128xi32> to vector<8x8x128xi32>
      %lt3A_960 = vector.broadcast %broadcast_in_dim3A_711 : vector<8x1x1xi32> to vector<8x8x128xi32>
      %lt3A_961 = arith.cmpi slt, %lt3A_959, %lt3A_960 : vector<8x8x128xi32>
      %broadcast_in_dim3A_962 = vector.shape_cast %get3A_954 : vector<8x128xi32> to vector<1x8x128xi32>
      %jit3A_963 = arith.constant 0 : i32
      %broadcast_in_dim3A_964 = vector.shape_cast %broadcast_in_dim3A_962 : vector<1x8x128xi32> to vector<1x8x128xi32>
      %broadcast_in_dim3A_965 = vector.broadcast %broadcast_in_dim3A_964 : vector<1x8x128xi32> to vector<8x8x128xi32>
      %broadcast_in_dim3A_966 = vector.broadcast %jit3A_963 : i32 to vector<8x8x128xi32>
      %select_n3A_967 = arith.select %lt3A_961, %broadcast_in_dim3A_965, %broadcast_in_dim3A_966 : vector<8x8x128xi1>, vector<8x8x128xi32>
      %add3A_968 = arith.addi %add3A_951, %select_n3A_967 : vector<8x8x128xi32>
      %get3A_969 = arith.constant 120 : index
      %get3A_970 = arith.constant 0 : index
      %get3A_971 = vector.load %arg4[%get3A_969, %get3A_970] : memref<128x128xi32, #tpu.memory_space<vmem>>, vector<8x128xi32>
      %add3A_972 = arith.constant 15360 : i32
      %add3A_973 = vector.broadcast %add3A_972 : i32 to vector<8x128xi32>
      %add3A_974 = arith.addi %add3A_6, %add3A_973 : vector<8x128xi32>
      %broadcast_in_dim3A_975 = vector.shape_cast %add3A_974 : vector<8x128xi32> to vector<1x8x128xi32>
      %lt3A_976 = vector.broadcast %broadcast_in_dim3A_975 : vector<1x8x128xi32> to vector<8x8x128xi32>
      %lt3A_977 = vector.broadcast %broadcast_in_dim3A_711 : vector<8x1x1xi32> to vector<8x8x128xi32>
      %lt3A_978 = arith.cmpi slt, %lt3A_976, %lt3A_977 : vector<8x8x128xi32>
      %broadcast_in_dim3A_979 = vector.shape_cast %get3A_971 : vector<8x128xi32> to vector<1x8x128xi32>
      %jit3A_980 = arith.constant 0 : i32
      %broadcast_in_dim3A_981 = vector.shape_cast %broadcast_in_dim3A_979 : vector<1x8x128xi32> to vector<1x8x128xi32>
      %broadcast_in_dim3A_982 = vector.broadcast %broadcast_in_dim3A_981 : vector<1x8x128xi32> to vector<8x8x128xi32>
      %broadcast_in_dim3A_983 = vector.broadcast %jit3A_980 : i32 to vector<8x8x128xi32>
      %select_n3A_984 = arith.select %lt3A_978, %broadcast_in_dim3A_982, %broadcast_in_dim3A_983 : vector<8x8x128xi1>, vector<8x8x128xi32>
      %add3A_985 = arith.addi %add3A_968, %select_n3A_984 : vector<8x8x128xi32>
      %reduce_sum3A_986 = arith.constant dense<0> : vector<8xi32>
      %reduce_sum3A_987 = vector.multi_reduction <add>, %add3A_985, %reduce_sum3A_986 [1, 2] : vector<8x8x128xi32> to vector<8xi32>
      %slice3A_988 = vector.extract_strided_slice %shift_right_arithmetic3A_154 {offsets = [24], sizes = [8], strides = [1]} : vector<32xi32> to vector<8xi32>
      %broadcast_in_dim3A_989 = vector.shape_cast %slice3A_988 : vector<8xi32> to vector<8x1x1xi32>
      %broadcast_in_dim3A_990 = arith.constant 0 : i32
      %broadcast_in_dim3A_991 = vector.broadcast %broadcast_in_dim3A_990 : i32 to vector<8x8x128xi32>
      %get3A_992 = arith.constant 0 : index
      %get3A_993 = arith.constant 0 : index
      %get3A_994 = vector.load %arg4[%get3A_992, %get3A_993] : memref<128x128xi32, #tpu.memory_space<vmem>>, vector<8x128xi32>
      %add3A_995 = arith.constant 0 : i32
      %add3A_996 = vector.broadcast %add3A_995 : i32 to vector<8x128xi32>
      %add3A_997 = arith.addi %add3A_6, %add3A_996 : vector<8x128xi32>
      %broadcast_in_dim3A_998 = vector.shape_cast %add3A_997 : vector<8x128xi32> to vector<1x8x128xi32>
      %lt3A_999 = vector.broadcast %broadcast_in_dim3A_998 : vector<1x8x128xi32> to vector<8x8x128xi32>
      %lt3A_1000 = vector.broadcast %broadcast_in_dim3A_989 : vector<8x1x1xi32> to vector<8x8x128xi32>
      %lt3A_1001 = arith.cmpi slt, %lt3A_999, %lt3A_1000 : vector<8x8x128xi32>
      %broadcast_in_dim3A_1002 = vector.shape_cast %get3A_994 : vector<8x128xi32> to vector<1x8x128xi32>
      %jit3A_1003 = arith.constant 0 : i32
      %broadcast_in_dim3A_1004 = vector.shape_cast %broadcast_in_dim3A_1002 : vector<1x8x128xi32> to vector<1x8x128xi32>
      %broadcast_in_dim3A_1005 = vector.broadcast %broadcast_in_dim3A_1004 : vector<1x8x128xi32> to vector<8x8x128xi32>
      %broadcast_in_dim3A_1006 = vector.broadcast %jit3A_1003 : i32 to vector<8x8x128xi32>
      %select_n3A_1007 = arith.select %lt3A_1001, %broadcast_in_dim3A_1005, %broadcast_in_dim3A_1006 : vector<8x8x128xi1>, vector<8x8x128xi32>
      %add3A_1008 = arith.addi %broadcast_in_dim3A_991, %select_n3A_1007 : vector<8x8x128xi32>
      %get3A_1009 = arith.constant 8 : index
      %get3A_1010 = arith.constant 0 : index
      %get3A_1011 = vector.load %arg4[%get3A_1009, %get3A_1010] : memref<128x128xi32, #tpu.memory_space<vmem>>, vector<8x128xi32>
      %add3A_1012 = arith.constant 1024 : i32
      %add3A_1013 = vector.broadcast %add3A_1012 : i32 to vector<8x128xi32>
      %add3A_1014 = arith.addi %add3A_6, %add3A_1013 : vector<8x128xi32>
      %broadcast_in_dim3A_1015 = vector.shape_cast %add3A_1014 : vector<8x128xi32> to vector<1x8x128xi32>
      %lt3A_1016 = vector.broadcast %broadcast_in_dim3A_1015 : vector<1x8x128xi32> to vector<8x8x128xi32>
      %lt3A_1017 = vector.broadcast %broadcast_in_dim3A_989 : vector<8x1x1xi32> to vector<8x8x128xi32>
      %lt3A_1018 = arith.cmpi slt, %lt3A_1016, %lt3A_1017 : vector<8x8x128xi32>
      %broadcast_in_dim3A_1019 = vector.shape_cast %get3A_1011 : vector<8x128xi32> to vector<1x8x128xi32>
      %jit3A_1020 = arith.constant 0 : i32
      %broadcast_in_dim3A_1021 = vector.shape_cast %broadcast_in_dim3A_1019 : vector<1x8x128xi32> to vector<1x8x128xi32>
      %broadcast_in_dim3A_1022 = vector.broadcast %broadcast_in_dim3A_1021 : vector<1x8x128xi32> to vector<8x8x128xi32>
      %broadcast_in_dim3A_1023 = vector.broadcast %jit3A_1020 : i32 to vector<8x8x128xi32>
      %select_n3A_1024 = arith.select %lt3A_1018, %broadcast_in_dim3A_1022, %broadcast_in_dim3A_1023 : vector<8x8x128xi1>, vector<8x8x128xi32>
      %add3A_1025 = arith.addi %add3A_1008, %select_n3A_1024 : vector<8x8x128xi32>
      %get3A_1026 = arith.constant 16 : index
      %get3A_1027 = arith.constant 0 : index
      %get3A_1028 = vector.load %arg4[%get3A_1026, %get3A_1027] : memref<128x128xi32, #tpu.memory_space<vmem>>, vector<8x128xi32>
      %add3A_1029 = arith.constant 2048 : i32
      %add3A_1030 = vector.broadcast %add3A_1029 : i32 to vector<8x128xi32>
      %add3A_1031 = arith.addi %add3A_6, %add3A_1030 : vector<8x128xi32>
      %broadcast_in_dim3A_1032 = vector.shape_cast %add3A_1031 : vector<8x128xi32> to vector<1x8x128xi32>
      %lt3A_1033 = vector.broadcast %broadcast_in_dim3A_1032 : vector<1x8x128xi32> to vector<8x8x128xi32>
      %lt3A_1034 = vector.broadcast %broadcast_in_dim3A_989 : vector<8x1x1xi32> to vector<8x8x128xi32>
      %lt3A_1035 = arith.cmpi slt, %lt3A_1033, %lt3A_1034 : vector<8x8x128xi32>
      %broadcast_in_dim3A_1036 = vector.shape_cast %get3A_1028 : vector<8x128xi32> to vector<1x8x128xi32>
      %jit3A_1037 = arith.constant 0 : i32
      %broadcast_in_dim3A_1038 = vector.shape_cast %broadcast_in_dim3A_1036 : vector<1x8x128xi32> to vector<1x8x128xi32>
      %broadcast_in_dim3A_1039 = vector.broadcast %broadcast_in_dim3A_1038 : vector<1x8x128xi32> to vector<8x8x128xi32>
      %broadcast_in_dim3A_1040 = vector.broadcast %jit3A_1037 : i32 to vector<8x8x128xi32>
      %select_n3A_1041 = arith.select %lt3A_1035, %broadcast_in_dim3A_1039, %broadcast_in_dim3A_1040 : vector<8x8x128xi1>, vector<8x8x128xi32>
      %add3A_1042 = arith.addi %add3A_1025, %select_n3A_1041 : vector<8x8x128xi32>
      %get3A_1043 = arith.constant 24 : index
      %get3A_1044 = arith.constant 0 : index
      %get3A_1045 = vector.load %arg4[%get3A_1043, %get3A_1044] : memref<128x128xi32, #tpu.memory_space<vmem>>, vector<8x128xi32>
      %add3A_1046 = arith.constant 3072 : i32
      %add3A_1047 = vector.broadcast %add3A_1046 : i32 to vector<8x128xi32>
      %add3A_1048 = arith.addi %add3A_6, %add3A_1047 : vector<8x128xi32>
      %broadcast_in_dim3A_1049 = vector.shape_cast %add3A_1048 : vector<8x128xi32> to vector<1x8x128xi32>
      %lt3A_1050 = vector.broadcast %broadcast_in_dim3A_1049 : vector<1x8x128xi32> to vector<8x8x128xi32>
      %lt3A_1051 = vector.broadcast %broadcast_in_dim3A_989 : vector<8x1x1xi32> to vector<8x8x128xi32>
      %lt3A_1052 = arith.cmpi slt, %lt3A_1050, %lt3A_1051 : vector<8x8x128xi32>
      %broadcast_in_dim3A_1053 = vector.shape_cast %get3A_1045 : vector<8x128xi32> to vector<1x8x128xi32>
      %jit3A_1054 = arith.constant 0 : i32
      %broadcast_in_dim3A_1055 = vector.shape_cast %broadcast_in_dim3A_1053 : vector<1x8x128xi32> to vector<1x8x128xi32>
      %broadcast_in_dim3A_1056 = vector.broadcast %broadcast_in_dim3A_1055 : vector<1x8x128xi32> to vector<8x8x128xi32>
      %broadcast_in_dim3A_1057 = vector.broadcast %jit3A_1054 : i32 to vector<8x8x128xi32>
      %select_n3A_1058 = arith.select %lt3A_1052, %broadcast_in_dim3A_1056, %broadcast_in_dim3A_1057 : vector<8x8x128xi1>, vector<8x8x128xi32>
      %add3A_1059 = arith.addi %add3A_1042, %select_n3A_1058 : vector<8x8x128xi32>
      %get3A_1060 = arith.constant 32 : index
      %get3A_1061 = arith.constant 0 : index
      %get3A_1062 = vector.load %arg4[%get3A_1060, %get3A_1061] : memref<128x128xi32, #tpu.memory_space<vmem>>, vector<8x128xi32>
      %add3A_1063 = arith.constant 4096 : i32
      %add3A_1064 = vector.broadcast %add3A_1063 : i32 to vector<8x128xi32>
      %add3A_1065 = arith.addi %add3A_6, %add3A_1064 : vector<8x128xi32>
      %broadcast_in_dim3A_1066 = vector.shape_cast %add3A_1065 : vector<8x128xi32> to vector<1x8x128xi32>
      %lt3A_1067 = vector.broadcast %broadcast_in_dim3A_1066 : vector<1x8x128xi32> to vector<8x8x128xi32>
      %lt3A_1068 = vector.broadcast %broadcast_in_dim3A_989 : vector<8x1x1xi32> to vector<8x8x128xi32>
      %lt3A_1069 = arith.cmpi slt, %lt3A_1067, %lt3A_1068 : vector<8x8x128xi32>
      %broadcast_in_dim3A_1070 = vector.shape_cast %get3A_1062 : vector<8x128xi32> to vector<1x8x128xi32>
      %jit3A_1071 = arith.constant 0 : i32
      %broadcast_in_dim3A_1072 = vector.shape_cast %broadcast_in_dim3A_1070 : vector<1x8x128xi32> to vector<1x8x128xi32>
      %broadcast_in_dim3A_1073 = vector.broadcast %broadcast_in_dim3A_1072 : vector<1x8x128xi32> to vector<8x8x128xi32>
      %broadcast_in_dim3A_1074 = vector.broadcast %jit3A_1071 : i32 to vector<8x8x128xi32>
      %select_n3A_1075 = arith.select %lt3A_1069, %broadcast_in_dim3A_1073, %broadcast_in_dim3A_1074 : vector<8x8x128xi1>, vector<8x8x128xi32>
      %add3A_1076 = arith.addi %add3A_1059, %select_n3A_1075 : vector<8x8x128xi32>
      %get3A_1077 = arith.constant 40 : index
      %get3A_1078 = arith.constant 0 : index
      %get3A_1079 = vector.load %arg4[%get3A_1077, %get3A_1078] : memref<128x128xi32, #tpu.memory_space<vmem>>, vector<8x128xi32>
      %add3A_1080 = arith.constant 5120 : i32
      %add3A_1081 = vector.broadcast %add3A_1080 : i32 to vector<8x128xi32>
      %add3A_1082 = arith.addi %add3A_6, %add3A_1081 : vector<8x128xi32>
      %broadcast_in_dim3A_1083 = vector.shape_cast %add3A_1082 : vector<8x128xi32> to vector<1x8x128xi32>
      %lt3A_1084 = vector.broadcast %broadcast_in_dim3A_1083 : vector<1x8x128xi32> to vector<8x8x128xi32>
      %lt3A_1085 = vector.broadcast %broadcast_in_dim3A_989 : vector<8x1x1xi32> to vector<8x8x128xi32>
      %lt3A_1086 = arith.cmpi slt, %lt3A_1084, %lt3A_1085 : vector<8x8x128xi32>
      %broadcast_in_dim3A_1087 = vector.shape_cast %get3A_1079 : vector<8x128xi32> to vector<1x8x128xi32>
      %jit3A_1088 = arith.constant 0 : i32
      %broadcast_in_dim3A_1089 = vector.shape_cast %broadcast_in_dim3A_1087 : vector<1x8x128xi32> to vector<1x8x128xi32>
      %broadcast_in_dim3A_1090 = vector.broadcast %broadcast_in_dim3A_1089 : vector<1x8x128xi32> to vector<8x8x128xi32>
      %broadcast_in_dim3A_1091 = vector.broadcast %jit3A_1088 : i32 to vector<8x8x128xi32>
      %select_n3A_1092 = arith.select %lt3A_1086, %broadcast_in_dim3A_1090, %broadcast_in_dim3A_1091 : vector<8x8x128xi1>, vector<8x8x128xi32>
      %add3A_1093 = arith.addi %add3A_1076, %select_n3A_1092 : vector<8x8x128xi32>
      %get3A_1094 = arith.constant 48 : index
      %get3A_1095 = arith.constant 0 : index
      %get3A_1096 = vector.load %arg4[%get3A_1094, %get3A_1095] : memref<128x128xi32, #tpu.memory_space<vmem>>, vector<8x128xi32>
      %add3A_1097 = arith.constant 6144 : i32
      %add3A_1098 = vector.broadcast %add3A_1097 : i32 to vector<8x128xi32>
      %add3A_1099 = arith.addi %add3A_6, %add3A_1098 : vector<8x128xi32>
      %broadcast_in_dim3A_1100 = vector.shape_cast %add3A_1099 : vector<8x128xi32> to vector<1x8x128xi32>
      %lt3A_1101 = vector.broadcast %broadcast_in_dim3A_1100 : vector<1x8x128xi32> to vector<8x8x128xi32>
      %lt3A_1102 = vector.broadcast %broadcast_in_dim3A_989 : vector<8x1x1xi32> to vector<8x8x128xi32>
      %lt3A_1103 = arith.cmpi slt, %lt3A_1101, %lt3A_1102 : vector<8x8x128xi32>
      %broadcast_in_dim3A_1104 = vector.shape_cast %get3A_1096 : vector<8x128xi32> to vector<1x8x128xi32>
      %jit3A_1105 = arith.constant 0 : i32
      %broadcast_in_dim3A_1106 = vector.shape_cast %broadcast_in_dim3A_1104 : vector<1x8x128xi32> to vector<1x8x128xi32>
      %broadcast_in_dim3A_1107 = vector.broadcast %broadcast_in_dim3A_1106 : vector<1x8x128xi32> to vector<8x8x128xi32>
      %broadcast_in_dim3A_1108 = vector.broadcast %jit3A_1105 : i32 to vector<8x8x128xi32>
      %select_n3A_1109 = arith.select %lt3A_1103, %broadcast_in_dim3A_1107, %broadcast_in_dim3A_1108 : vector<8x8x128xi1>, vector<8x8x128xi32>
      %add3A_1110 = arith.addi %add3A_1093, %select_n3A_1109 : vector<8x8x128xi32>
      %get3A_1111 = arith.constant 56 : index
      %get3A_1112 = arith.constant 0 : index
      %get3A_1113 = vector.load %arg4[%get3A_1111, %get3A_1112] : memref<128x128xi32, #tpu.memory_space<vmem>>, vector<8x128xi32>
      %add3A_1114 = arith.constant 7168 : i32
      %add3A_1115 = vector.broadcast %add3A_1114 : i32 to vector<8x128xi32>
      %add3A_1116 = arith.addi %add3A_6, %add3A_1115 : vector<8x128xi32>
      %broadcast_in_dim3A_1117 = vector.shape_cast %add3A_1116 : vector<8x128xi32> to vector<1x8x128xi32>
      %lt3A_1118 = vector.broadcast %broadcast_in_dim3A_1117 : vector<1x8x128xi32> to vector<8x8x128xi32>
      %lt3A_1119 = vector.broadcast %broadcast_in_dim3A_989 : vector<8x1x1xi32> to vector<8x8x128xi32>
      %lt3A_1120 = arith.cmpi slt, %lt3A_1118, %lt3A_1119 : vector<8x8x128xi32>
      %broadcast_in_dim3A_1121 = vector.shape_cast %get3A_1113 : vector<8x128xi32> to vector<1x8x128xi32>
      %jit3A_1122 = arith.constant 0 : i32
      %broadcast_in_dim3A_1123 = vector.shape_cast %broadcast_in_dim3A_1121 : vector<1x8x128xi32> to vector<1x8x128xi32>
      %broadcast_in_dim3A_1124 = vector.broadcast %broadcast_in_dim3A_1123 : vector<1x8x128xi32> to vector<8x8x128xi32>
      %broadcast_in_dim3A_1125 = vector.broadcast %jit3A_1122 : i32 to vector<8x8x128xi32>
      %select_n3A_1126 = arith.select %lt3A_1120, %broadcast_in_dim3A_1124, %broadcast_in_dim3A_1125 : vector<8x8x128xi1>, vector<8x8x128xi32>
      %add3A_1127 = arith.addi %add3A_1110, %select_n3A_1126 : vector<8x8x128xi32>
      %get3A_1128 = arith.constant 64 : index
      %get3A_1129 = arith.constant 0 : index
      %get3A_1130 = vector.load %arg4[%get3A_1128, %get3A_1129] : memref<128x128xi32, #tpu.memory_space<vmem>>, vector<8x128xi32>
      %add3A_1131 = arith.constant 8192 : i32
      %add3A_1132 = vector.broadcast %add3A_1131 : i32 to vector<8x128xi32>
      %add3A_1133 = arith.addi %add3A_6, %add3A_1132 : vector<8x128xi32>
      %broadcast_in_dim3A_1134 = vector.shape_cast %add3A_1133 : vector<8x128xi32> to vector<1x8x128xi32>
      %lt3A_1135 = vector.broadcast %broadcast_in_dim3A_1134 : vector<1x8x128xi32> to vector<8x8x128xi32>
      %lt3A_1136 = vector.broadcast %broadcast_in_dim3A_989 : vector<8x1x1xi32> to vector<8x8x128xi32>
      %lt3A_1137 = arith.cmpi slt, %lt3A_1135, %lt3A_1136 : vector<8x8x128xi32>
      %broadcast_in_dim3A_1138 = vector.shape_cast %get3A_1130 : vector<8x128xi32> to vector<1x8x128xi32>
      %jit3A_1139 = arith.constant 0 : i32
      %broadcast_in_dim3A_1140 = vector.shape_cast %broadcast_in_dim3A_1138 : vector<1x8x128xi32> to vector<1x8x128xi32>
      %broadcast_in_dim3A_1141 = vector.broadcast %broadcast_in_dim3A_1140 : vector<1x8x128xi32> to vector<8x8x128xi32>
      %broadcast_in_dim3A_1142 = vector.broadcast %jit3A_1139 : i32 to vector<8x8x128xi32>
      %select_n3A_1143 = arith.select %lt3A_1137, %broadcast_in_dim3A_1141, %broadcast_in_dim3A_1142 : vector<8x8x128xi1>, vector<8x8x128xi32>
      %add3A_1144 = arith.addi %add3A_1127, %select_n3A_1143 : vector<8x8x128xi32>
      %get3A_1145 = arith.constant 72 : index
      %get3A_1146 = arith.constant 0 : index
      %get3A_1147 = vector.load %arg4[%get3A_1145, %get3A_1146] : memref<128x128xi32, #tpu.memory_space<vmem>>, vector<8x128xi32>
      %add3A_1148 = arith.constant 9216 : i32
      %add3A_1149 = vector.broadcast %add3A_1148 : i32 to vector<8x128xi32>
      %add3A_1150 = arith.addi %add3A_6, %add3A_1149 : vector<8x128xi32>
      %broadcast_in_dim3A_1151 = vector.shape_cast %add3A_1150 : vector<8x128xi32> to vector<1x8x128xi32>
      %lt3A_1152 = vector.broadcast %broadcast_in_dim3A_1151 : vector<1x8x128xi32> to vector<8x8x128xi32>
      %lt3A_1153 = vector.broadcast %broadcast_in_dim3A_989 : vector<8x1x1xi32> to vector<8x8x128xi32>
      %lt3A_1154 = arith.cmpi slt, %lt3A_1152, %lt3A_1153 : vector<8x8x128xi32>
      %broadcast_in_dim3A_1155 = vector.shape_cast %get3A_1147 : vector<8x128xi32> to vector<1x8x128xi32>
      %jit3A_1156 = arith.constant 0 : i32
      %broadcast_in_dim3A_1157 = vector.shape_cast %broadcast_in_dim3A_1155 : vector<1x8x128xi32> to vector<1x8x128xi32>
      %broadcast_in_dim3A_1158 = vector.broadcast %broadcast_in_dim3A_1157 : vector<1x8x128xi32> to vector<8x8x128xi32>
      %broadcast_in_dim3A_1159 = vector.broadcast %jit3A_1156 : i32 to vector<8x8x128xi32>
      %select_n3A_1160 = arith.select %lt3A_1154, %broadcast_in_dim3A_1158, %broadcast_in_dim3A_1159 : vector<8x8x128xi1>, vector<8x8x128xi32>
      %add3A_1161 = arith.addi %add3A_1144, %select_n3A_1160 : vector<8x8x128xi32>
      %get3A_1162 = arith.constant 80 : index
      %get3A_1163 = arith.constant 0 : index
      %get3A_1164 = vector.load %arg4[%get3A_1162, %get3A_1163] : memref<128x128xi32, #tpu.memory_space<vmem>>, vector<8x128xi32>
      %add3A_1165 = arith.constant 10240 : i32
      %add3A_1166 = vector.broadcast %add3A_1165 : i32 to vector<8x128xi32>
      %add3A_1167 = arith.addi %add3A_6, %add3A_1166 : vector<8x128xi32>
      %broadcast_in_dim3A_1168 = vector.shape_cast %add3A_1167 : vector<8x128xi32> to vector<1x8x128xi32>
      %lt3A_1169 = vector.broadcast %broadcast_in_dim3A_1168 : vector<1x8x128xi32> to vector<8x8x128xi32>
      %lt3A_1170 = vector.broadcast %broadcast_in_dim3A_989 : vector<8x1x1xi32> to vector<8x8x128xi32>
      %lt3A_1171 = arith.cmpi slt, %lt3A_1169, %lt3A_1170 : vector<8x8x128xi32>
      %broadcast_in_dim3A_1172 = vector.shape_cast %get3A_1164 : vector<8x128xi32> to vector<1x8x128xi32>
      %jit3A_1173 = arith.constant 0 : i32
      %broadcast_in_dim3A_1174 = vector.shape_cast %broadcast_in_dim3A_1172 : vector<1x8x128xi32> to vector<1x8x128xi32>
      %broadcast_in_dim3A_1175 = vector.broadcast %broadcast_in_dim3A_1174 : vector<1x8x128xi32> to vector<8x8x128xi32>
      %broadcast_in_dim3A_1176 = vector.broadcast %jit3A_1173 : i32 to vector<8x8x128xi32>
      %select_n3A_1177 = arith.select %lt3A_1171, %broadcast_in_dim3A_1175, %broadcast_in_dim3A_1176 : vector<8x8x128xi1>, vector<8x8x128xi32>
      %add3A_1178 = arith.addi %add3A_1161, %select_n3A_1177 : vector<8x8x128xi32>
      %get3A_1179 = arith.constant 88 : index
      %get3A_1180 = arith.constant 0 : index
      %get3A_1181 = vector.load %arg4[%get3A_1179, %get3A_1180] : memref<128x128xi32, #tpu.memory_space<vmem>>, vector<8x128xi32>
      %add3A_1182 = arith.constant 11264 : i32
      %add3A_1183 = vector.broadcast %add3A_1182 : i32 to vector<8x128xi32>
      %add3A_1184 = arith.addi %add3A_6, %add3A_1183 : vector<8x128xi32>
      %broadcast_in_dim3A_1185 = vector.shape_cast %add3A_1184 : vector<8x128xi32> to vector<1x8x128xi32>
      %lt3A_1186 = vector.broadcast %broadcast_in_dim3A_1185 : vector<1x8x128xi32> to vector<8x8x128xi32>
      %lt3A_1187 = vector.broadcast %broadcast_in_dim3A_989 : vector<8x1x1xi32> to vector<8x8x128xi32>
      %lt3A_1188 = arith.cmpi slt, %lt3A_1186, %lt3A_1187 : vector<8x8x128xi32>
      %broadcast_in_dim3A_1189 = vector.shape_cast %get3A_1181 : vector<8x128xi32> to vector<1x8x128xi32>
      %jit3A_1190 = arith.constant 0 : i32
      %broadcast_in_dim3A_1191 = vector.shape_cast %broadcast_in_dim3A_1189 : vector<1x8x128xi32> to vector<1x8x128xi32>
      %broadcast_in_dim3A_1192 = vector.broadcast %broadcast_in_dim3A_1191 : vector<1x8x128xi32> to vector<8x8x128xi32>
      %broadcast_in_dim3A_1193 = vector.broadcast %jit3A_1190 : i32 to vector<8x8x128xi32>
      %select_n3A_1194 = arith.select %lt3A_1188, %broadcast_in_dim3A_1192, %broadcast_in_dim3A_1193 : vector<8x8x128xi1>, vector<8x8x128xi32>
      %add3A_1195 = arith.addi %add3A_1178, %select_n3A_1194 : vector<8x8x128xi32>
      %get3A_1196 = arith.constant 96 : index
      %get3A_1197 = arith.constant 0 : index
      %get3A_1198 = vector.load %arg4[%get3A_1196, %get3A_1197] : memref<128x128xi32, #tpu.memory_space<vmem>>, vector<8x128xi32>
      %add3A_1199 = arith.constant 12288 : i32
      %add3A_1200 = vector.broadcast %add3A_1199 : i32 to vector<8x128xi32>
      %add3A_1201 = arith.addi %add3A_6, %add3A_1200 : vector<8x128xi32>
      %broadcast_in_dim3A_1202 = vector.shape_cast %add3A_1201 : vector<8x128xi32> to vector<1x8x128xi32>
      %lt3A_1203 = vector.broadcast %broadcast_in_dim3A_1202 : vector<1x8x128xi32> to vector<8x8x128xi32>
      %lt3A_1204 = vector.broadcast %broadcast_in_dim3A_989 : vector<8x1x1xi32> to vector<8x8x128xi32>
      %lt3A_1205 = arith.cmpi slt, %lt3A_1203, %lt3A_1204 : vector<8x8x128xi32>
      %broadcast_in_dim3A_1206 = vector.shape_cast %get3A_1198 : vector<8x128xi32> to vector<1x8x128xi32>
      %jit3A_1207 = arith.constant 0 : i32
      %broadcast_in_dim3A_1208 = vector.shape_cast %broadcast_in_dim3A_1206 : vector<1x8x128xi32> to vector<1x8x128xi32>
      %broadcast_in_dim3A_1209 = vector.broadcast %broadcast_in_dim3A_1208 : vector<1x8x128xi32> to vector<8x8x128xi32>
      %broadcast_in_dim3A_1210 = vector.broadcast %jit3A_1207 : i32 to vector<8x8x128xi32>
      %select_n3A_1211 = arith.select %lt3A_1205, %broadcast_in_dim3A_1209, %broadcast_in_dim3A_1210 : vector<8x8x128xi1>, vector<8x8x128xi32>
      %add3A_1212 = arith.addi %add3A_1195, %select_n3A_1211 : vector<8x8x128xi32>
      %get3A_1213 = arith.constant 104 : index
      %get3A_1214 = arith.constant 0 : index
      %get3A_1215 = vector.load %arg4[%get3A_1213, %get3A_1214] : memref<128x128xi32, #tpu.memory_space<vmem>>, vector<8x128xi32>
      %add3A_1216 = arith.constant 13312 : i32
      %add3A_1217 = vector.broadcast %add3A_1216 : i32 to vector<8x128xi32>
      %add3A_1218 = arith.addi %add3A_6, %add3A_1217 : vector<8x128xi32>
      %broadcast_in_dim3A_1219 = vector.shape_cast %add3A_1218 : vector<8x128xi32> to vector<1x8x128xi32>
      %lt3A_1220 = vector.broadcast %broadcast_in_dim3A_1219 : vector<1x8x128xi32> to vector<8x8x128xi32>
      %lt3A_1221 = vector.broadcast %broadcast_in_dim3A_989 : vector<8x1x1xi32> to vector<8x8x128xi32>
      %lt3A_1222 = arith.cmpi slt, %lt3A_1220, %lt3A_1221 : vector<8x8x128xi32>
      %broadcast_in_dim3A_1223 = vector.shape_cast %get3A_1215 : vector<8x128xi32> to vector<1x8x128xi32>
      %jit3A_1224 = arith.constant 0 : i32
      %broadcast_in_dim3A_1225 = vector.shape_cast %broadcast_in_dim3A_1223 : vector<1x8x128xi32> to vector<1x8x128xi32>
      %broadcast_in_dim3A_1226 = vector.broadcast %broadcast_in_dim3A_1225 : vector<1x8x128xi32> to vector<8x8x128xi32>
      %broadcast_in_dim3A_1227 = vector.broadcast %jit3A_1224 : i32 to vector<8x8x128xi32>
      %select_n3A_1228 = arith.select %lt3A_1222, %broadcast_in_dim3A_1226, %broadcast_in_dim3A_1227 : vector<8x8x128xi1>, vector<8x8x128xi32>
      %add3A_1229 = arith.addi %add3A_1212, %select_n3A_1228 : vector<8x8x128xi32>
      %get3A_1230 = arith.constant 112 : index
      %get3A_1231 = arith.constant 0 : index
      %get3A_1232 = vector.load %arg4[%get3A_1230, %get3A_1231] : memref<128x128xi32, #tpu.memory_space<vmem>>, vector<8x128xi32>
      %add3A_1233 = arith.constant 14336 : i32
      %add3A_1234 = vector.broadcast %add3A_1233 : i32 to vector<8x128xi32>
      %add3A_1235 = arith.addi %add3A_6, %add3A_1234 : vector<8x128xi32>
      %broadcast_in_dim3A_1236 = vector.shape_cast %add3A_1235 : vector<8x128xi32> to vector<1x8x128xi32>
      %lt3A_1237 = vector.broadcast %broadcast_in_dim3A_1236 : vector<1x8x128xi32> to vector<8x8x128xi32>
      %lt3A_1238 = vector.broadcast %broadcast_in_dim3A_989 : vector<8x1x1xi32> to vector<8x8x128xi32>
      %lt3A_1239 = arith.cmpi slt, %lt3A_1237, %lt3A_1238 : vector<8x8x128xi32>
      %broadcast_in_dim3A_1240 = vector.shape_cast %get3A_1232 : vector<8x128xi32> to vector<1x8x128xi32>
      %jit3A_1241 = arith.constant 0 : i32
      %broadcast_in_dim3A_1242 = vector.shape_cast %broadcast_in_dim3A_1240 : vector<1x8x128xi32> to vector<1x8x128xi32>
      %broadcast_in_dim3A_1243 = vector.broadcast %broadcast_in_dim3A_1242 : vector<1x8x128xi32> to vector<8x8x128xi32>
      %broadcast_in_dim3A_1244 = vector.broadcast %jit3A_1241 : i32 to vector<8x8x128xi32>
      %select_n3A_1245 = arith.select %lt3A_1239, %broadcast_in_dim3A_1243, %broadcast_in_dim3A_1244 : vector<8x8x128xi1>, vector<8x8x128xi32>
      %add3A_1246 = arith.addi %add3A_1229, %select_n3A_1245 : vector<8x8x128xi32>
      %get3A_1247 = arith.constant 120 : index
      %get3A_1248 = arith.constant 0 : index
      %get3A_1249 = vector.load %arg4[%get3A_1247, %get3A_1248] : memref<128x128xi32, #tpu.memory_space<vmem>>, vector<8x128xi32>
      %add3A_1250 = arith.constant 15360 : i32
      %add3A_1251 = vector.broadcast %add3A_1250 : i32 to vector<8x128xi32>
      %add3A_1252 = arith.addi %add3A_6, %add3A_1251 : vector<8x128xi32>
      %broadcast_in_dim3A_1253 = vector.shape_cast %add3A_1252 : vector<8x128xi32> to vector<1x8x128xi32>
      %lt3A_1254 = vector.broadcast %broadcast_in_dim3A_1253 : vector<1x8x128xi32> to vector<8x8x128xi32>
      %lt3A_1255 = vector.broadcast %broadcast_in_dim3A_989 : vector<8x1x1xi32> to vector<8x8x128xi32>
      %lt3A_1256 = arith.cmpi slt, %lt3A_1254, %lt3A_1255 : vector<8x8x128xi32>
      %broadcast_in_dim3A_1257 = vector.shape_cast %get3A_1249 : vector<8x128xi32> to vector<1x8x128xi32>
      %jit3A_1258 = arith.constant 0 : i32
      %broadcast_in_dim3A_1259 = vector.shape_cast %broadcast_in_dim3A_1257 : vector<1x8x128xi32> to vector<1x8x128xi32>
      %broadcast_in_dim3A_1260 = vector.broadcast %broadcast_in_dim3A_1259 : vector<1x8x128xi32> to vector<8x8x128xi32>
      %broadcast_in_dim3A_1261 = vector.broadcast %jit3A_1258 : i32 to vector<8x8x128xi32>
      %select_n3A_1262 = arith.select %lt3A_1256, %broadcast_in_dim3A_1260, %broadcast_in_dim3A_1261 : vector<8x8x128xi1>, vector<8x8x128xi32>
      %add3A_1263 = arith.addi %add3A_1246, %select_n3A_1262 : vector<8x8x128xi32>
      %reduce_sum3A_1264 = arith.constant dense<0> : vector<8xi32>
      %reduce_sum3A_1265 = vector.multi_reduction <add>, %add3A_1263, %reduce_sum3A_1264 [1, 2] : vector<8x8x128xi32> to vector<8xi32>
      %concatenate3A = tpu.concatenate %reduce_sum3A_431, %reduce_sum3A_709, %reduce_sum3A_987, %reduce_sum3A_1265 in 0 : vector<8xi32>, vector<8xi32>, vector<8xi32>, vector<8xi32> -> vector<32xi32>
      %ge3A = arith.cmpi sge, %concatenate3A, %add3A_2 : vector<32xi32>
      %add3A_1266 = arith.constant 1 : i32
      %add3A_1267 = vector.broadcast %add3A_1266 : i32 to vector<32xi32>
      %add3A_1268 = arith.addi %shift_right_arithmetic3A_154, %add3A_1267 : vector<32xi32>
      %select_n3A_1269 = arith.select %ge3A, %scan3A_150, %add3A_1268 : vector<32xi1>, vector<32xi32>
      %select_n3A_1270 = arith.select %ge3A, %shift_right_arithmetic3A_154, %scan3A_151 : vector<32xi1>, vector<32xi32>
      scf.yield %select_n3A_1269, %select_n3A_1270 : vector<32xi32>, vector<32xi32>
    }
    %sub3A = arith.constant 1 : i32
    %sub3A_14 = vector.broadcast %sub3A : i32 to vector<32xi32>
    %sub3A_15 = arith.subi %scan3A_13#0, %sub3A_14 : vector<32xi32>
    %shift_left3A = arith.constant 16 : i32
    %shift_left3A_16 = vector.broadcast %shift_left3A : i32 to vector<32xi32>
    %shift_left3A_17 = arith.shli %sub3A_15, %shift_left3A_16 : vector<32xi32>
    %shift_left3A_18 = arith.constant 16 : i32
    %shift_left3A_19 = vector.broadcast %shift_left3A_18 : i32 to vector<32xi32>
    %shift_left3A_20 = arith.shli %sub3A_15, %shift_left3A_19 : vector<32xi32>
    %add3A_21 = arith.constant 65535 : i32
    %add3A_22 = vector.broadcast %add3A_21 : i32 to vector<32xi32>
    %add3A_23 = arith.addi %shift_left3A_20, %add3A_22 : vector<32xi32>
    %scan3A_24 = arith.constant 0 : i32
    %scan3A_25 = arith.constant 16 : i32
    %scan3A_26 = arith.addi %scan3A_24, %scan3A_25 : i32
    %scan3A_27 = arith.constant 1 : i32
    %scan3A_28:2 = scf.for %scan3A_149 = %scan3A_24 to %scan3A_26 step %scan3A_27 iter_args(%scan3A_150 = %shift_left3A_17, %scan3A_151 = %add3A_23) -> (vector<32xi32>, vector<32xi32>)  : i32 {
      %add3A_152 = arith.addi %scan3A_150, %scan3A_151 : vector<32xi32>
      %shift_right_arithmetic3A = arith.constant 1 : i32
      %shift_right_arithmetic3A_153 = vector.broadcast %shift_right_arithmetic3A : i32 to vector<32xi32>
      %shift_right_arithmetic3A_154 = arith.shrsi %add3A_152, %shift_right_arithmetic3A_153 : vector<32xi32>
      %slice3A_155 = vector.extract_strided_slice %shift_right_arithmetic3A_154 {offsets = [0], sizes = [8], strides = [1]} : vector<32xi32> to vector<8xi32>
      %broadcast_in_dim3A_156 = vector.shape_cast %slice3A_155 : vector<8xi32> to vector<8x1x1xi32>
      %broadcast_in_dim3A_157 = arith.constant 0 : i32
      %broadcast_in_dim3A_158 = vector.broadcast %broadcast_in_dim3A_157 : i32 to vector<8x8x128xi32>
      %scan3A_159 = arith.constant 0 : i32
      %scan3A_160 = arith.constant 32 : i32
      %scan3A_161 = arith.addi %scan3A_159, %scan3A_160 : i32
      %scan3A_162 = arith.constant 1 : i32
      %scan3A_163 = scf.for %scan3A_208 = %scan3A_159 to %scan3A_161 step %scan3A_162 iter_args(%scan3A_209 = %broadcast_in_dim3A_158) -> (vector<8x8x128xi32>)  : i32 {
        %mul3A_210 = arith.constant 64 : i32
        %mul3A_211 = arith.muli %scan3A_208, %mul3A_210 : i32
        %add3A_212 = arith.constant 0 : i32
        %add3A_213 = arith.addi %mul3A_211, %add3A_212 : i32
        %get3A_214 = arith.index_cast %add3A_213 : i32 to index
        %get3A_215 = arith.constant 0 : index
        %get3A_216 = vector.load %arg0[%get3A_214, %get3A_215] : memref<2048x128xf32, #tpu.memory_space<vmem>>, vector<8x128xf32>
        %bitcast_convert_type3A_217 = tpu.bitcast %get3A_216 : vector<8x128xf32> -> vector<8x128xi32>
        %broadcast_in_dim3A_218 = vector.shape_cast %bitcast_convert_type3A_217 : vector<8x128xi32> to vector<1x8x128xi32>
        %le3A = vector.broadcast %broadcast_in_dim3A_218 : vector<1x8x128xi32> to vector<8x8x128xi32>
        %le3A_219 = vector.broadcast %broadcast_in_dim3A_156 : vector<8x1x1xi32> to vector<8x8x128xi32>
        %le3A_220 = arith.cmpi sle, %le3A, %le3A_219 : vector<8x8x128xi32>
        %convert_element_type3A = arith.extui %le3A_220 : vector<8x8x128xi1> to vector<8x8x128xi32>
        %add3A_221 = arith.addi %scan3A_209, %convert_element_type3A : vector<8x8x128xi32>
        %mul3A_222 = arith.constant 64 : i32
        %mul3A_223 = arith.muli %scan3A_208, %mul3A_222 : i32
        %add3A_224 = arith.constant 8 : i32
        %add3A_225 = arith.addi %mul3A_223, %add3A_224 : i32
        %get3A_226 = arith.index_cast %add3A_225 : i32 to index
        %get3A_227 = arith.constant 0 : index
        %get3A_228 = vector.load %arg0[%get3A_226, %get3A_227] : memref<2048x128xf32, #tpu.memory_space<vmem>>, vector<8x128xf32>
        %bitcast_convert_type3A_229 = tpu.bitcast %get3A_228 : vector<8x128xf32> -> vector<8x128xi32>
        %broadcast_in_dim3A_230 = vector.shape_cast %bitcast_convert_type3A_229 : vector<8x128xi32> to vector<1x8x128xi32>
        %le3A_231 = vector.broadcast %broadcast_in_dim3A_230 : vector<1x8x128xi32> to vector<8x8x128xi32>
        %le3A_232 = vector.broadcast %broadcast_in_dim3A_156 : vector<8x1x1xi32> to vector<8x8x128xi32>
        %le3A_233 = arith.cmpi sle, %le3A_231, %le3A_232 : vector<8x8x128xi32>
        %convert_element_type3A_234 = arith.extui %le3A_233 : vector<8x8x128xi1> to vector<8x8x128xi32>
        %add3A_235 = arith.addi %add3A_221, %convert_element_type3A_234 : vector<8x8x128xi32>
        %mul3A_236 = arith.constant 64 : i32
        %mul3A_237 = arith.muli %scan3A_208, %mul3A_236 : i32
        %add3A_238 = arith.constant 16 : i32
        %add3A_239 = arith.addi %mul3A_237, %add3A_238 : i32
        %get3A_240 = arith.index_cast %add3A_239 : i32 to index
        %get3A_241 = arith.constant 0 : index
        %get3A_242 = vector.load %arg0[%get3A_240, %get3A_241] : memref<2048x128xf32, #tpu.memory_space<vmem>>, vector<8x128xf32>
        %bitcast_convert_type3A_243 = tpu.bitcast %get3A_242 : vector<8x128xf32> -> vector<8x128xi32>
        %broadcast_in_dim3A_244 = vector.shape_cast %bitcast_convert_type3A_243 : vector<8x128xi32> to vector<1x8x128xi32>
        %le3A_245 = vector.broadcast %broadcast_in_dim3A_244 : vector<1x8x128xi32> to vector<8x8x128xi32>
        %le3A_246 = vector.broadcast %broadcast_in_dim3A_156 : vector<8x1x1xi32> to vector<8x8x128xi32>
        %le3A_247 = arith.cmpi sle, %le3A_245, %le3A_246 : vector<8x8x128xi32>
        %convert_element_type3A_248 = arith.extui %le3A_247 : vector<8x8x128xi1> to vector<8x8x128xi32>
        %add3A_249 = arith.addi %add3A_235, %convert_element_type3A_248 : vector<8x8x128xi32>
        %mul3A_250 = arith.constant 64 : i32
        %mul3A_251 = arith.muli %scan3A_208, %mul3A_250 : i32
        %add3A_252 = arith.constant 24 : i32
        %add3A_253 = arith.addi %mul3A_251, %add3A_252 : i32
        %get3A_254 = arith.index_cast %add3A_253 : i32 to index
        %get3A_255 = arith.constant 0 : index
        %get3A_256 = vector.load %arg0[%get3A_254, %get3A_255] : memref<2048x128xf32, #tpu.memory_space<vmem>>, vector<8x128xf32>
        %bitcast_convert_type3A_257 = tpu.bitcast %get3A_256 : vector<8x128xf32> -> vector<8x128xi32>
        %broadcast_in_dim3A_258 = vector.shape_cast %bitcast_convert_type3A_257 : vector<8x128xi32> to vector<1x8x128xi32>
        %le3A_259 = vector.broadcast %broadcast_in_dim3A_258 : vector<1x8x128xi32> to vector<8x8x128xi32>
        %le3A_260 = vector.broadcast %broadcast_in_dim3A_156 : vector<8x1x1xi32> to vector<8x8x128xi32>
        %le3A_261 = arith.cmpi sle, %le3A_259, %le3A_260 : vector<8x8x128xi32>
        %convert_element_type3A_262 = arith.extui %le3A_261 : vector<8x8x128xi1> to vector<8x8x128xi32>
        %add3A_263 = arith.addi %add3A_249, %convert_element_type3A_262 : vector<8x8x128xi32>
        %mul3A_264 = arith.constant 64 : i32
        %mul3A_265 = arith.muli %scan3A_208, %mul3A_264 : i32
        %add3A_266 = arith.constant 32 : i32
        %add3A_267 = arith.addi %mul3A_265, %add3A_266 : i32
        %get3A_268 = arith.index_cast %add3A_267 : i32 to index
        %get3A_269 = arith.constant 0 : index
        %get3A_270 = vector.load %arg0[%get3A_268, %get3A_269] : memref<2048x128xf32, #tpu.memory_space<vmem>>, vector<8x128xf32>
        %bitcast_convert_type3A_271 = tpu.bitcast %get3A_270 : vector<8x128xf32> -> vector<8x128xi32>
        %broadcast_in_dim3A_272 = vector.shape_cast %bitcast_convert_type3A_271 : vector<8x128xi32> to vector<1x8x128xi32>
        %le3A_273 = vector.broadcast %broadcast_in_dim3A_272 : vector<1x8x128xi32> to vector<8x8x128xi32>
        %le3A_274 = vector.broadcast %broadcast_in_dim3A_156 : vector<8x1x1xi32> to vector<8x8x128xi32>
        %le3A_275 = arith.cmpi sle, %le3A_273, %le3A_274 : vector<8x8x128xi32>
        %convert_element_type3A_276 = arith.extui %le3A_275 : vector<8x8x128xi1> to vector<8x8x128xi32>
        %add3A_277 = arith.addi %add3A_263, %convert_element_type3A_276 : vector<8x8x128xi32>
        %mul3A_278 = arith.constant 64 : i32
        %mul3A_279 = arith.muli %scan3A_208, %mul3A_278 : i32
        %add3A_280 = arith.constant 40 : i32
        %add3A_281 = arith.addi %mul3A_279, %add3A_280 : i32
        %get3A_282 = arith.index_cast %add3A_281 : i32 to index
        %get3A_283 = arith.constant 0 : index
        %get3A_284 = vector.load %arg0[%get3A_282, %get3A_283] : memref<2048x128xf32, #tpu.memory_space<vmem>>, vector<8x128xf32>
        %bitcast_convert_type3A_285 = tpu.bitcast %get3A_284 : vector<8x128xf32> -> vector<8x128xi32>
        %broadcast_in_dim3A_286 = vector.shape_cast %bitcast_convert_type3A_285 : vector<8x128xi32> to vector<1x8x128xi32>
        %le3A_287 = vector.broadcast %broadcast_in_dim3A_286 : vector<1x8x128xi32> to vector<8x8x128xi32>
        %le3A_288 = vector.broadcast %broadcast_in_dim3A_156 : vector<8x1x1xi32> to vector<8x8x128xi32>
        %le3A_289 = arith.cmpi sle, %le3A_287, %le3A_288 : vector<8x8x128xi32>
        %convert_element_type3A_290 = arith.extui %le3A_289 : vector<8x8x128xi1> to vector<8x8x128xi32>
        %add3A_291 = arith.addi %add3A_277, %convert_element_type3A_290 : vector<8x8x128xi32>
        %mul3A_292 = arith.constant 64 : i32
        %mul3A_293 = arith.muli %scan3A_208, %mul3A_292 : i32
        %add3A_294 = arith.constant 48 : i32
        %add3A_295 = arith.addi %mul3A_293, %add3A_294 : i32
        %get3A_296 = arith.index_cast %add3A_295 : i32 to index
        %get3A_297 = arith.constant 0 : index
        %get3A_298 = vector.load %arg0[%get3A_296, %get3A_297] : memref<2048x128xf32, #tpu.memory_space<vmem>>, vector<8x128xf32>
        %bitcast_convert_type3A_299 = tpu.bitcast %get3A_298 : vector<8x128xf32> -> vector<8x128xi32>
        %broadcast_in_dim3A_300 = vector.shape_cast %bitcast_convert_type3A_299 : vector<8x128xi32> to vector<1x8x128xi32>
        %le3A_301 = vector.broadcast %broadcast_in_dim3A_300 : vector<1x8x128xi32> to vector<8x8x128xi32>
        %le3A_302 = vector.broadcast %broadcast_in_dim3A_156 : vector<8x1x1xi32> to vector<8x8x128xi32>
        %le3A_303 = arith.cmpi sle, %le3A_301, %le3A_302 : vector<8x8x128xi32>
        %convert_element_type3A_304 = arith.extui %le3A_303 : vector<8x8x128xi1> to vector<8x8x128xi32>
        %add3A_305 = arith.addi %add3A_291, %convert_element_type3A_304 : vector<8x8x128xi32>
        %mul3A_306 = arith.constant 64 : i32
        %mul3A_307 = arith.muli %scan3A_208, %mul3A_306 : i32
        %add3A_308 = arith.constant 56 : i32
        %add3A_309 = arith.addi %mul3A_307, %add3A_308 : i32
        %get3A_310 = arith.index_cast %add3A_309 : i32 to index
        %get3A_311 = arith.constant 0 : index
        %get3A_312 = vector.load %arg0[%get3A_310, %get3A_311] : memref<2048x128xf32, #tpu.memory_space<vmem>>, vector<8x128xf32>
        %bitcast_convert_type3A_313 = tpu.bitcast %get3A_312 : vector<8x128xf32> -> vector<8x128xi32>
        %broadcast_in_dim3A_314 = vector.shape_cast %bitcast_convert_type3A_313 : vector<8x128xi32> to vector<1x8x128xi32>
        %le3A_315 = vector.broadcast %broadcast_in_dim3A_314 : vector<1x8x128xi32> to vector<8x8x128xi32>
        %le3A_316 = vector.broadcast %broadcast_in_dim3A_156 : vector<8x1x1xi32> to vector<8x8x128xi32>
        %le3A_317 = arith.cmpi sle, %le3A_315, %le3A_316 : vector<8x8x128xi32>
        %convert_element_type3A_318 = arith.extui %le3A_317 : vector<8x8x128xi1> to vector<8x8x128xi32>
        %add3A_319 = arith.addi %add3A_305, %convert_element_type3A_318 : vector<8x8x128xi32>
        scf.yield %add3A_319 : vector<8x8x128xi32>
      }
      %scan3A_164 = arith.constant 32 : i32
      %reduce_sum3A_165 = arith.constant dense<0> : vector<8xi32>
      %reduce_sum3A_166 = vector.multi_reduction <add>, %scan3A_163, %reduce_sum3A_165 [1, 2] : vector<8x8x128xi32> to vector<8xi32>
      %slice3A_167 = vector.extract_strided_slice %shift_right_arithmetic3A_154 {offsets = [8], sizes = [8], strides = [1]} : vector<32xi32> to vector<8xi32>
      %broadcast_in_dim3A_168 = vector.shape_cast %slice3A_167 : vector<8xi32> to vector<8x1x1xi32>
      %broadcast_in_dim3A_169 = arith.constant 0 : i32
      %broadcast_in_dim3A_170 = vector.broadcast %broadcast_in_dim3A_169 : i32 to vector<8x8x128xi32>
      %scan3A_171 = arith.constant 0 : i32
      %scan3A_172 = arith.constant 32 : i32
      %scan3A_173 = arith.addi %scan3A_171, %scan3A_172 : i32
      %scan3A_174 = arith.constant 1 : i32
      %scan3A_175 = scf.for %scan3A_208 = %scan3A_171 to %scan3A_173 step %scan3A_174 iter_args(%scan3A_209 = %broadcast_in_dim3A_170) -> (vector<8x8x128xi32>)  : i32 {
        %mul3A_210 = arith.constant 64 : i32
        %mul3A_211 = arith.muli %scan3A_208, %mul3A_210 : i32
        %add3A_212 = arith.constant 0 : i32
        %add3A_213 = arith.addi %mul3A_211, %add3A_212 : i32
        %get3A_214 = arith.index_cast %add3A_213 : i32 to index
        %get3A_215 = arith.constant 0 : index
        %get3A_216 = vector.load %arg0[%get3A_214, %get3A_215] : memref<2048x128xf32, #tpu.memory_space<vmem>>, vector<8x128xf32>
        %bitcast_convert_type3A_217 = tpu.bitcast %get3A_216 : vector<8x128xf32> -> vector<8x128xi32>
        %broadcast_in_dim3A_218 = vector.shape_cast %bitcast_convert_type3A_217 : vector<8x128xi32> to vector<1x8x128xi32>
        %le3A = vector.broadcast %broadcast_in_dim3A_218 : vector<1x8x128xi32> to vector<8x8x128xi32>
        %le3A_219 = vector.broadcast %broadcast_in_dim3A_168 : vector<8x1x1xi32> to vector<8x8x128xi32>
        %le3A_220 = arith.cmpi sle, %le3A, %le3A_219 : vector<8x8x128xi32>
        %convert_element_type3A = arith.extui %le3A_220 : vector<8x8x128xi1> to vector<8x8x128xi32>
        %add3A_221 = arith.addi %scan3A_209, %convert_element_type3A : vector<8x8x128xi32>
        %mul3A_222 = arith.constant 64 : i32
        %mul3A_223 = arith.muli %scan3A_208, %mul3A_222 : i32
        %add3A_224 = arith.constant 8 : i32
        %add3A_225 = arith.addi %mul3A_223, %add3A_224 : i32
        %get3A_226 = arith.index_cast %add3A_225 : i32 to index
        %get3A_227 = arith.constant 0 : index
        %get3A_228 = vector.load %arg0[%get3A_226, %get3A_227] : memref<2048x128xf32, #tpu.memory_space<vmem>>, vector<8x128xf32>
        %bitcast_convert_type3A_229 = tpu.bitcast %get3A_228 : vector<8x128xf32> -> vector<8x128xi32>
        %broadcast_in_dim3A_230 = vector.shape_cast %bitcast_convert_type3A_229 : vector<8x128xi32> to vector<1x8x128xi32>
        %le3A_231 = vector.broadcast %broadcast_in_dim3A_230 : vector<1x8x128xi32> to vector<8x8x128xi32>
        %le3A_232 = vector.broadcast %broadcast_in_dim3A_168 : vector<8x1x1xi32> to vector<8x8x128xi32>
        %le3A_233 = arith.cmpi sle, %le3A_231, %le3A_232 : vector<8x8x128xi32>
        %convert_element_type3A_234 = arith.extui %le3A_233 : vector<8x8x128xi1> to vector<8x8x128xi32>
        %add3A_235 = arith.addi %add3A_221, %convert_element_type3A_234 : vector<8x8x128xi32>
        %mul3A_236 = arith.constant 64 : i32
        %mul3A_237 = arith.muli %scan3A_208, %mul3A_236 : i32
        %add3A_238 = arith.constant 16 : i32
        %add3A_239 = arith.addi %mul3A_237, %add3A_238 : i32
        %get3A_240 = arith.index_cast %add3A_239 : i32 to index
        %get3A_241 = arith.constant 0 : index
        %get3A_242 = vector.load %arg0[%get3A_240, %get3A_241] : memref<2048x128xf32, #tpu.memory_space<vmem>>, vector<8x128xf32>
        %bitcast_convert_type3A_243 = tpu.bitcast %get3A_242 : vector<8x128xf32> -> vector<8x128xi32>
        %broadcast_in_dim3A_244 = vector.shape_cast %bitcast_convert_type3A_243 : vector<8x128xi32> to vector<1x8x128xi32>
        %le3A_245 = vector.broadcast %broadcast_in_dim3A_244 : vector<1x8x128xi32> to vector<8x8x128xi32>
        %le3A_246 = vector.broadcast %broadcast_in_dim3A_168 : vector<8x1x1xi32> to vector<8x8x128xi32>
        %le3A_247 = arith.cmpi sle, %le3A_245, %le3A_246 : vector<8x8x128xi32>
        %convert_element_type3A_248 = arith.extui %le3A_247 : vector<8x8x128xi1> to vector<8x8x128xi32>
        %add3A_249 = arith.addi %add3A_235, %convert_element_type3A_248 : vector<8x8x128xi32>
        %mul3A_250 = arith.constant 64 : i32
        %mul3A_251 = arith.muli %scan3A_208, %mul3A_250 : i32
        %add3A_252 = arith.constant 24 : i32
        %add3A_253 = arith.addi %mul3A_251, %add3A_252 : i32
        %get3A_254 = arith.index_cast %add3A_253 : i32 to index
        %get3A_255 = arith.constant 0 : index
        %get3A_256 = vector.load %arg0[%get3A_254, %get3A_255] : memref<2048x128xf32, #tpu.memory_space<vmem>>, vector<8x128xf32>
        %bitcast_convert_type3A_257 = tpu.bitcast %get3A_256 : vector<8x128xf32> -> vector<8x128xi32>
        %broadcast_in_dim3A_258 = vector.shape_cast %bitcast_convert_type3A_257 : vector<8x128xi32> to vector<1x8x128xi32>
        %le3A_259 = vector.broadcast %broadcast_in_dim3A_258 : vector<1x8x128xi32> to vector<8x8x128xi32>
        %le3A_260 = vector.broadcast %broadcast_in_dim3A_168 : vector<8x1x1xi32> to vector<8x8x128xi32>
        %le3A_261 = arith.cmpi sle, %le3A_259, %le3A_260 : vector<8x8x128xi32>
        %convert_element_type3A_262 = arith.extui %le3A_261 : vector<8x8x128xi1> to vector<8x8x128xi32>
        %add3A_263 = arith.addi %add3A_249, %convert_element_type3A_262 : vector<8x8x128xi32>
        %mul3A_264 = arith.constant 64 : i32
        %mul3A_265 = arith.muli %scan3A_208, %mul3A_264 : i32
        %add3A_266 = arith.constant 32 : i32
        %add3A_267 = arith.addi %mul3A_265, %add3A_266 : i32
        %get3A_268 = arith.index_cast %add3A_267 : i32 to index
        %get3A_269 = arith.constant 0 : index
        %get3A_270 = vector.load %arg0[%get3A_268, %get3A_269] : memref<2048x128xf32, #tpu.memory_space<vmem>>, vector<8x128xf32>
        %bitcast_convert_type3A_271 = tpu.bitcast %get3A_270 : vector<8x128xf32> -> vector<8x128xi32>
        %broadcast_in_dim3A_272 = vector.shape_cast %bitcast_convert_type3A_271 : vector<8x128xi32> to vector<1x8x128xi32>
        %le3A_273 = vector.broadcast %broadcast_in_dim3A_272 : vector<1x8x128xi32> to vector<8x8x128xi32>
        %le3A_274 = vector.broadcast %broadcast_in_dim3A_168 : vector<8x1x1xi32> to vector<8x8x128xi32>
        %le3A_275 = arith.cmpi sle, %le3A_273, %le3A_274 : vector<8x8x128xi32>
        %convert_element_type3A_276 = arith.extui %le3A_275 : vector<8x8x128xi1> to vector<8x8x128xi32>
        %add3A_277 = arith.addi %add3A_263, %convert_element_type3A_276 : vector<8x8x128xi32>
        %mul3A_278 = arith.constant 64 : i32
        %mul3A_279 = arith.muli %scan3A_208, %mul3A_278 : i32
        %add3A_280 = arith.constant 40 : i32
        %add3A_281 = arith.addi %mul3A_279, %add3A_280 : i32
        %get3A_282 = arith.index_cast %add3A_281 : i32 to index
        %get3A_283 = arith.constant 0 : index
        %get3A_284 = vector.load %arg0[%get3A_282, %get3A_283] : memref<2048x128xf32, #tpu.memory_space<vmem>>, vector<8x128xf32>
        %bitcast_convert_type3A_285 = tpu.bitcast %get3A_284 : vector<8x128xf32> -> vector<8x128xi32>
        %broadcast_in_dim3A_286 = vector.shape_cast %bitcast_convert_type3A_285 : vector<8x128xi32> to vector<1x8x128xi32>
        %le3A_287 = vector.broadcast %broadcast_in_dim3A_286 : vector<1x8x128xi32> to vector<8x8x128xi32>
        %le3A_288 = vector.broadcast %broadcast_in_dim3A_168 : vector<8x1x1xi32> to vector<8x8x128xi32>
        %le3A_289 = arith.cmpi sle, %le3A_287, %le3A_288 : vector<8x8x128xi32>
        %convert_element_type3A_290 = arith.extui %le3A_289 : vector<8x8x128xi1> to vector<8x8x128xi32>
        %add3A_291 = arith.addi %add3A_277, %convert_element_type3A_290 : vector<8x8x128xi32>
        %mul3A_292 = arith.constant 64 : i32
        %mul3A_293 = arith.muli %scan3A_208, %mul3A_292 : i32
        %add3A_294 = arith.constant 48 : i32
        %add3A_295 = arith.addi %mul3A_293, %add3A_294 : i32
        %get3A_296 = arith.index_cast %add3A_295 : i32 to index
        %get3A_297 = arith.constant 0 : index
        %get3A_298 = vector.load %arg0[%get3A_296, %get3A_297] : memref<2048x128xf32, #tpu.memory_space<vmem>>, vector<8x128xf32>
        %bitcast_convert_type3A_299 = tpu.bitcast %get3A_298 : vector<8x128xf32> -> vector<8x128xi32>
        %broadcast_in_dim3A_300 = vector.shape_cast %bitcast_convert_type3A_299 : vector<8x128xi32> to vector<1x8x128xi32>
        %le3A_301 = vector.broadcast %broadcast_in_dim3A_300 : vector<1x8x128xi32> to vector<8x8x128xi32>
        %le3A_302 = vector.broadcast %broadcast_in_dim3A_168 : vector<8x1x1xi32> to vector<8x8x128xi32>
        %le3A_303 = arith.cmpi sle, %le3A_301, %le3A_302 : vector<8x8x128xi32>
        %convert_element_type3A_304 = arith.extui %le3A_303 : vector<8x8x128xi1> to vector<8x8x128xi32>
        %add3A_305 = arith.addi %add3A_291, %convert_element_type3A_304 : vector<8x8x128xi32>
        %mul3A_306 = arith.constant 64 : i32
        %mul3A_307 = arith.muli %scan3A_208, %mul3A_306 : i32
        %add3A_308 = arith.constant 56 : i32
        %add3A_309 = arith.addi %mul3A_307, %add3A_308 : i32
        %get3A_310 = arith.index_cast %add3A_309 : i32 to index
        %get3A_311 = arith.constant 0 : index
        %get3A_312 = vector.load %arg0[%get3A_310, %get3A_311] : memref<2048x128xf32, #tpu.memory_space<vmem>>, vector<8x128xf32>
        %bitcast_convert_type3A_313 = tpu.bitcast %get3A_312 : vector<8x128xf32> -> vector<8x128xi32>
        %broadcast_in_dim3A_314 = vector.shape_cast %bitcast_convert_type3A_313 : vector<8x128xi32> to vector<1x8x128xi32>
        %le3A_315 = vector.broadcast %broadcast_in_dim3A_314 : vector<1x8x128xi32> to vector<8x8x128xi32>
        %le3A_316 = vector.broadcast %broadcast_in_dim3A_168 : vector<8x1x1xi32> to vector<8x8x128xi32>
        %le3A_317 = arith.cmpi sle, %le3A_315, %le3A_316 : vector<8x8x128xi32>
        %convert_element_type3A_318 = arith.extui %le3A_317 : vector<8x8x128xi1> to vector<8x8x128xi32>
        %add3A_319 = arith.addi %add3A_305, %convert_element_type3A_318 : vector<8x8x128xi32>
        scf.yield %add3A_319 : vector<8x8x128xi32>
      }
      %scan3A_176 = arith.constant 32 : i32
      %reduce_sum3A_177 = arith.constant dense<0> : vector<8xi32>
      %reduce_sum3A_178 = vector.multi_reduction <add>, %scan3A_175, %reduce_sum3A_177 [1, 2] : vector<8x8x128xi32> to vector<8xi32>
      %slice3A_179 = vector.extract_strided_slice %shift_right_arithmetic3A_154 {offsets = [16], sizes = [8], strides = [1]} : vector<32xi32> to vector<8xi32>
      %broadcast_in_dim3A_180 = vector.shape_cast %slice3A_179 : vector<8xi32> to vector<8x1x1xi32>
      %broadcast_in_dim3A_181 = arith.constant 0 : i32
      %broadcast_in_dim3A_182 = vector.broadcast %broadcast_in_dim3A_181 : i32 to vector<8x8x128xi32>
      %scan3A_183 = arith.constant 0 : i32
      %scan3A_184 = arith.constant 32 : i32
      %scan3A_185 = arith.addi %scan3A_183, %scan3A_184 : i32
      %scan3A_186 = arith.constant 1 : i32
      %scan3A_187 = scf.for %scan3A_208 = %scan3A_183 to %scan3A_185 step %scan3A_186 iter_args(%scan3A_209 = %broadcast_in_dim3A_182) -> (vector<8x8x128xi32>)  : i32 {
        %mul3A_210 = arith.constant 64 : i32
        %mul3A_211 = arith.muli %scan3A_208, %mul3A_210 : i32
        %add3A_212 = arith.constant 0 : i32
        %add3A_213 = arith.addi %mul3A_211, %add3A_212 : i32
        %get3A_214 = arith.index_cast %add3A_213 : i32 to index
        %get3A_215 = arith.constant 0 : index
        %get3A_216 = vector.load %arg0[%get3A_214, %get3A_215] : memref<2048x128xf32, #tpu.memory_space<vmem>>, vector<8x128xf32>
        %bitcast_convert_type3A_217 = tpu.bitcast %get3A_216 : vector<8x128xf32> -> vector<8x128xi32>
        %broadcast_in_dim3A_218 = vector.shape_cast %bitcast_convert_type3A_217 : vector<8x128xi32> to vector<1x8x128xi32>
        %le3A = vector.broadcast %broadcast_in_dim3A_218 : vector<1x8x128xi32> to vector<8x8x128xi32>
        %le3A_219 = vector.broadcast %broadcast_in_dim3A_180 : vector<8x1x1xi32> to vector<8x8x128xi32>
        %le3A_220 = arith.cmpi sle, %le3A, %le3A_219 : vector<8x8x128xi32>
        %convert_element_type3A = arith.extui %le3A_220 : vector<8x8x128xi1> to vector<8x8x128xi32>
        %add3A_221 = arith.addi %scan3A_209, %convert_element_type3A : vector<8x8x128xi32>
        %mul3A_222 = arith.constant 64 : i32
        %mul3A_223 = arith.muli %scan3A_208, %mul3A_222 : i32
        %add3A_224 = arith.constant 8 : i32
        %add3A_225 = arith.addi %mul3A_223, %add3A_224 : i32
        %get3A_226 = arith.index_cast %add3A_225 : i32 to index
        %get3A_227 = arith.constant 0 : index
        %get3A_228 = vector.load %arg0[%get3A_226, %get3A_227] : memref<2048x128xf32, #tpu.memory_space<vmem>>, vector<8x128xf32>
        %bitcast_convert_type3A_229 = tpu.bitcast %get3A_228 : vector<8x128xf32> -> vector<8x128xi32>
        %broadcast_in_dim3A_230 = vector.shape_cast %bitcast_convert_type3A_229 : vector<8x128xi32> to vector<1x8x128xi32>
        %le3A_231 = vector.broadcast %broadcast_in_dim3A_230 : vector<1x8x128xi32> to vector<8x8x128xi32>
        %le3A_232 = vector.broadcast %broadcast_in_dim3A_180 : vector<8x1x1xi32> to vector<8x8x128xi32>
        %le3A_233 = arith.cmpi sle, %le3A_231, %le3A_232 : vector<8x8x128xi32>
        %convert_element_type3A_234 = arith.extui %le3A_233 : vector<8x8x128xi1> to vector<8x8x128xi32>
        %add3A_235 = arith.addi %add3A_221, %convert_element_type3A_234 : vector<8x8x128xi32>
        %mul3A_236 = arith.constant 64 : i32
        %mul3A_237 = arith.muli %scan3A_208, %mul3A_236 : i32
        %add3A_238 = arith.constant 16 : i32
        %add3A_239 = arith.addi %mul3A_237, %add3A_238 : i32
        %get3A_240 = arith.index_cast %add3A_239 : i32 to index
        %get3A_241 = arith.constant 0 : index
        %get3A_242 = vector.load %arg0[%get3A_240, %get3A_241] : memref<2048x128xf32, #tpu.memory_space<vmem>>, vector<8x128xf32>
        %bitcast_convert_type3A_243 = tpu.bitcast %get3A_242 : vector<8x128xf32> -> vector<8x128xi32>
        %broadcast_in_dim3A_244 = vector.shape_cast %bitcast_convert_type3A_243 : vector<8x128xi32> to vector<1x8x128xi32>
        %le3A_245 = vector.broadcast %broadcast_in_dim3A_244 : vector<1x8x128xi32> to vector<8x8x128xi32>
        %le3A_246 = vector.broadcast %broadcast_in_dim3A_180 : vector<8x1x1xi32> to vector<8x8x128xi32>
        %le3A_247 = arith.cmpi sle, %le3A_245, %le3A_246 : vector<8x8x128xi32>
        %convert_element_type3A_248 = arith.extui %le3A_247 : vector<8x8x128xi1> to vector<8x8x128xi32>
        %add3A_249 = arith.addi %add3A_235, %convert_element_type3A_248 : vector<8x8x128xi32>
        %mul3A_250 = arith.constant 64 : i32
        %mul3A_251 = arith.muli %scan3A_208, %mul3A_250 : i32
        %add3A_252 = arith.constant 24 : i32
        %add3A_253 = arith.addi %mul3A_251, %add3A_252 : i32
        %get3A_254 = arith.index_cast %add3A_253 : i32 to index
        %get3A_255 = arith.constant 0 : index
        %get3A_256 = vector.load %arg0[%get3A_254, %get3A_255] : memref<2048x128xf32, #tpu.memory_space<vmem>>, vector<8x128xf32>
        %bitcast_convert_type3A_257 = tpu.bitcast %get3A_256 : vector<8x128xf32> -> vector<8x128xi32>
        %broadcast_in_dim3A_258 = vector.shape_cast %bitcast_convert_type3A_257 : vector<8x128xi32> to vector<1x8x128xi32>
        %le3A_259 = vector.broadcast %broadcast_in_dim3A_258 : vector<1x8x128xi32> to vector<8x8x128xi32>
        %le3A_260 = vector.broadcast %broadcast_in_dim3A_180 : vector<8x1x1xi32> to vector<8x8x128xi32>
        %le3A_261 = arith.cmpi sle, %le3A_259, %le3A_260 : vector<8x8x128xi32>
        %convert_element_type3A_262 = arith.extui %le3A_261 : vector<8x8x128xi1> to vector<8x8x128xi32>
        %add3A_263 = arith.addi %add3A_249, %convert_element_type3A_262 : vector<8x8x128xi32>
        %mul3A_264 = arith.constant 64 : i32
        %mul3A_265 = arith.muli %scan3A_208, %mul3A_264 : i32
        %add3A_266 = arith.constant 32 : i32
        %add3A_267 = arith.addi %mul3A_265, %add3A_266 : i32
        %get3A_268 = arith.index_cast %add3A_267 : i32 to index
        %get3A_269 = arith.constant 0 : index
        %get3A_270 = vector.load %arg0[%get3A_268, %get3A_269] : memref<2048x128xf32, #tpu.memory_space<vmem>>, vector<8x128xf32>
        %bitcast_convert_type3A_271 = tpu.bitcast %get3A_270 : vector<8x128xf32> -> vector<8x128xi32>
        %broadcast_in_dim3A_272 = vector.shape_cast %bitcast_convert_type3A_271 : vector<8x128xi32> to vector<1x8x128xi32>
        %le3A_273 = vector.broadcast %broadcast_in_dim3A_272 : vector<1x8x128xi32> to vector<8x8x128xi32>
        %le3A_274 = vector.broadcast %broadcast_in_dim3A_180 : vector<8x1x1xi32> to vector<8x8x128xi32>
        %le3A_275 = arith.cmpi sle, %le3A_273, %le3A_274 : vector<8x8x128xi32>
        %convert_element_type3A_276 = arith.extui %le3A_275 : vector<8x8x128xi1> to vector<8x8x128xi32>
        %add3A_277 = arith.addi %add3A_263, %convert_element_type3A_276 : vector<8x8x128xi32>
        %mul3A_278 = arith.constant 64 : i32
        %mul3A_279 = arith.muli %scan3A_208, %mul3A_278 : i32
        %add3A_280 = arith.constant 40 : i32
        %add3A_281 = arith.addi %mul3A_279, %add3A_280 : i32
        %get3A_282 = arith.index_cast %add3A_281 : i32 to index
        %get3A_283 = arith.constant 0 : index
        %get3A_284 = vector.load %arg0[%get3A_282, %get3A_283] : memref<2048x128xf32, #tpu.memory_space<vmem>>, vector<8x128xf32>
        %bitcast_convert_type3A_285 = tpu.bitcast %get3A_284 : vector<8x128xf32> -> vector<8x128xi32>
        %broadcast_in_dim3A_286 = vector.shape_cast %bitcast_convert_type3A_285 : vector<8x128xi32> to vector<1x8x128xi32>
        %le3A_287 = vector.broadcast %broadcast_in_dim3A_286 : vector<1x8x128xi32> to vector<8x8x128xi32>
        %le3A_288 = vector.broadcast %broadcast_in_dim3A_180 : vector<8x1x1xi32> to vector<8x8x128xi32>
        %le3A_289 = arith.cmpi sle, %le3A_287, %le3A_288 : vector<8x8x128xi32>
        %convert_element_type3A_290 = arith.extui %le3A_289 : vector<8x8x128xi1> to vector<8x8x128xi32>
        %add3A_291 = arith.addi %add3A_277, %convert_element_type3A_290 : vector<8x8x128xi32>
        %mul3A_292 = arith.constant 64 : i32
        %mul3A_293 = arith.muli %scan3A_208, %mul3A_292 : i32
        %add3A_294 = arith.constant 48 : i32
        %add3A_295 = arith.addi %mul3A_293, %add3A_294 : i32
        %get3A_296 = arith.index_cast %add3A_295 : i32 to index
        %get3A_297 = arith.constant 0 : index
        %get3A_298 = vector.load %arg0[%get3A_296, %get3A_297] : memref<2048x128xf32, #tpu.memory_space<vmem>>, vector<8x128xf32>
        %bitcast_convert_type3A_299 = tpu.bitcast %get3A_298 : vector<8x128xf32> -> vector<8x128xi32>
        %broadcast_in_dim3A_300 = vector.shape_cast %bitcast_convert_type3A_299 : vector<8x128xi32> to vector<1x8x128xi32>
        %le3A_301 = vector.broadcast %broadcast_in_dim3A_300 : vector<1x8x128xi32> to vector<8x8x128xi32>
        %le3A_302 = vector.broadcast %broadcast_in_dim3A_180 : vector<8x1x1xi32> to vector<8x8x128xi32>
        %le3A_303 = arith.cmpi sle, %le3A_301, %le3A_302 : vector<8x8x128xi32>
        %convert_element_type3A_304 = arith.extui %le3A_303 : vector<8x8x128xi1> to vector<8x8x128xi32>
        %add3A_305 = arith.addi %add3A_291, %convert_element_type3A_304 : vector<8x8x128xi32>
        %mul3A_306 = arith.constant 64 : i32
        %mul3A_307 = arith.muli %scan3A_208, %mul3A_306 : i32
        %add3A_308 = arith.constant 56 : i32
        %add3A_309 = arith.addi %mul3A_307, %add3A_308 : i32
        %get3A_310 = arith.index_cast %add3A_309 : i32 to index
        %get3A_311 = arith.constant 0 : index
        %get3A_312 = vector.load %arg0[%get3A_310, %get3A_311] : memref<2048x128xf32, #tpu.memory_space<vmem>>, vector<8x128xf32>
        %bitcast_convert_type3A_313 = tpu.bitcast %get3A_312 : vector<8x128xf32> -> vector<8x128xi32>
        %broadcast_in_dim3A_314 = vector.shape_cast %bitcast_convert_type3A_313 : vector<8x128xi32> to vector<1x8x128xi32>
        %le3A_315 = vector.broadcast %broadcast_in_dim3A_314 : vector<1x8x128xi32> to vector<8x8x128xi32>
        %le3A_316 = vector.broadcast %broadcast_in_dim3A_180 : vector<8x1x1xi32> to vector<8x8x128xi32>
        %le3A_317 = arith.cmpi sle, %le3A_315, %le3A_316 : vector<8x8x128xi32>
        %convert_element_type3A_318 = arith.extui %le3A_317 : vector<8x8x128xi1> to vector<8x8x128xi32>
        %add3A_319 = arith.addi %add3A_305, %convert_element_type3A_318 : vector<8x8x128xi32>
        scf.yield %add3A_319 : vector<8x8x128xi32>
      }
      %scan3A_188 = arith.constant 32 : i32
      %reduce_sum3A_189 = arith.constant dense<0> : vector<8xi32>
      %reduce_sum3A_190 = vector.multi_reduction <add>, %scan3A_187, %reduce_sum3A_189 [1, 2] : vector<8x8x128xi32> to vector<8xi32>
      %slice3A_191 = vector.extract_strided_slice %shift_right_arithmetic3A_154 {offsets = [24], sizes = [8], strides = [1]} : vector<32xi32> to vector<8xi32>
      %broadcast_in_dim3A_192 = vector.shape_cast %slice3A_191 : vector<8xi32> to vector<8x1x1xi32>
      %broadcast_in_dim3A_193 = arith.constant 0 : i32
      %broadcast_in_dim3A_194 = vector.broadcast %broadcast_in_dim3A_193 : i32 to vector<8x8x128xi32>
      %scan3A_195 = arith.constant 0 : i32
      %scan3A_196 = arith.constant 32 : i32
      %scan3A_197 = arith.addi %scan3A_195, %scan3A_196 : i32
      %scan3A_198 = arith.constant 1 : i32
      %scan3A_199 = scf.for %scan3A_208 = %scan3A_195 to %scan3A_197 step %scan3A_198 iter_args(%scan3A_209 = %broadcast_in_dim3A_194) -> (vector<8x8x128xi32>)  : i32 {
        %mul3A_210 = arith.constant 64 : i32
        %mul3A_211 = arith.muli %scan3A_208, %mul3A_210 : i32
        %add3A_212 = arith.constant 0 : i32
        %add3A_213 = arith.addi %mul3A_211, %add3A_212 : i32
        %get3A_214 = arith.index_cast %add3A_213 : i32 to index
        %get3A_215 = arith.constant 0 : index
        %get3A_216 = vector.load %arg0[%get3A_214, %get3A_215] : memref<2048x128xf32, #tpu.memory_space<vmem>>, vector<8x128xf32>
        %bitcast_convert_type3A_217 = tpu.bitcast %get3A_216 : vector<8x128xf32> -> vector<8x128xi32>
        %broadcast_in_dim3A_218 = vector.shape_cast %bitcast_convert_type3A_217 : vector<8x128xi32> to vector<1x8x128xi32>
        %le3A = vector.broadcast %broadcast_in_dim3A_218 : vector<1x8x128xi32> to vector<8x8x128xi32>
        %le3A_219 = vector.broadcast %broadcast_in_dim3A_192 : vector<8x1x1xi32> to vector<8x8x128xi32>
        %le3A_220 = arith.cmpi sle, %le3A, %le3A_219 : vector<8x8x128xi32>
        %convert_element_type3A = arith.extui %le3A_220 : vector<8x8x128xi1> to vector<8x8x128xi32>
        %add3A_221 = arith.addi %scan3A_209, %convert_element_type3A : vector<8x8x128xi32>
        %mul3A_222 = arith.constant 64 : i32
        %mul3A_223 = arith.muli %scan3A_208, %mul3A_222 : i32
        %add3A_224 = arith.constant 8 : i32
        %add3A_225 = arith.addi %mul3A_223, %add3A_224 : i32
        %get3A_226 = arith.index_cast %add3A_225 : i32 to index
        %get3A_227 = arith.constant 0 : index
        %get3A_228 = vector.load %arg0[%get3A_226, %get3A_227] : memref<2048x128xf32, #tpu.memory_space<vmem>>, vector<8x128xf32>
        %bitcast_convert_type3A_229 = tpu.bitcast %get3A_228 : vector<8x128xf32> -> vector<8x128xi32>
        %broadcast_in_dim3A_230 = vector.shape_cast %bitcast_convert_type3A_229 : vector<8x128xi32> to vector<1x8x128xi32>
        %le3A_231 = vector.broadcast %broadcast_in_dim3A_230 : vector<1x8x128xi32> to vector<8x8x128xi32>
        %le3A_232 = vector.broadcast %broadcast_in_dim3A_192 : vector<8x1x1xi32> to vector<8x8x128xi32>
        %le3A_233 = arith.cmpi sle, %le3A_231, %le3A_232 : vector<8x8x128xi32>
        %convert_element_type3A_234 = arith.extui %le3A_233 : vector<8x8x128xi1> to vector<8x8x128xi32>
        %add3A_235 = arith.addi %add3A_221, %convert_element_type3A_234 : vector<8x8x128xi32>
        %mul3A_236 = arith.constant 64 : i32
        %mul3A_237 = arith.muli %scan3A_208, %mul3A_236 : i32
        %add3A_238 = arith.constant 16 : i32
        %add3A_239 = arith.addi %mul3A_237, %add3A_238 : i32
        %get3A_240 = arith.index_cast %add3A_239 : i32 to index
        %get3A_241 = arith.constant 0 : index
        %get3A_242 = vector.load %arg0[%get3A_240, %get3A_241] : memref<2048x128xf32, #tpu.memory_space<vmem>>, vector<8x128xf32>
        %bitcast_convert_type3A_243 = tpu.bitcast %get3A_242 : vector<8x128xf32> -> vector<8x128xi32>
        %broadcast_in_dim3A_244 = vector.shape_cast %bitcast_convert_type3A_243 : vector<8x128xi32> to vector<1x8x128xi32>
        %le3A_245 = vector.broadcast %broadcast_in_dim3A_244 : vector<1x8x128xi32> to vector<8x8x128xi32>
        %le3A_246 = vector.broadcast %broadcast_in_dim3A_192 : vector<8x1x1xi32> to vector<8x8x128xi32>
        %le3A_247 = arith.cmpi sle, %le3A_245, %le3A_246 : vector<8x8x128xi32>
        %convert_element_type3A_248 = arith.extui %le3A_247 : vector<8x8x128xi1> to vector<8x8x128xi32>
        %add3A_249 = arith.addi %add3A_235, %convert_element_type3A_248 : vector<8x8x128xi32>
        %mul3A_250 = arith.constant 64 : i32
        %mul3A_251 = arith.muli %scan3A_208, %mul3A_250 : i32
        %add3A_252 = arith.constant 24 : i32
        %add3A_253 = arith.addi %mul3A_251, %add3A_252 : i32
        %get3A_254 = arith.index_cast %add3A_253 : i32 to index
        %get3A_255 = arith.constant 0 : index
        %get3A_256 = vector.load %arg0[%get3A_254, %get3A_255] : memref<2048x128xf32, #tpu.memory_space<vmem>>, vector<8x128xf32>
        %bitcast_convert_type3A_257 = tpu.bitcast %get3A_256 : vector<8x128xf32> -> vector<8x128xi32>
        %broadcast_in_dim3A_258 = vector.shape_cast %bitcast_convert_type3A_257 : vector<8x128xi32> to vector<1x8x128xi32>
        %le3A_259 = vector.broadcast %broadcast_in_dim3A_258 : vector<1x8x128xi32> to vector<8x8x128xi32>
        %le3A_260 = vector.broadcast %broadcast_in_dim3A_192 : vector<8x1x1xi32> to vector<8x8x128xi32>
        %le3A_261 = arith.cmpi sle, %le3A_259, %le3A_260 : vector<8x8x128xi32>
        %convert_element_type3A_262 = arith.extui %le3A_261 : vector<8x8x128xi1> to vector<8x8x128xi32>
        %add3A_263 = arith.addi %add3A_249, %convert_element_type3A_262 : vector<8x8x128xi32>
        %mul3A_264 = arith.constant 64 : i32
        %mul3A_265 = arith.muli %scan3A_208, %mul3A_264 : i32
        %add3A_266 = arith.constant 32 : i32
        %add3A_267 = arith.addi %mul3A_265, %add3A_266 : i32
        %get3A_268 = arith.index_cast %add3A_267 : i32 to index
        %get3A_269 = arith.constant 0 : index
        %get3A_270 = vector.load %arg0[%get3A_268, %get3A_269] : memref<2048x128xf32, #tpu.memory_space<vmem>>, vector<8x128xf32>
        %bitcast_convert_type3A_271 = tpu.bitcast %get3A_270 : vector<8x128xf32> -> vector<8x128xi32>
        %broadcast_in_dim3A_272 = vector.shape_cast %bitcast_convert_type3A_271 : vector<8x128xi32> to vector<1x8x128xi32>
        %le3A_273 = vector.broadcast %broadcast_in_dim3A_272 : vector<1x8x128xi32> to vector<8x8x128xi32>
        %le3A_274 = vector.broadcast %broadcast_in_dim3A_192 : vector<8x1x1xi32> to vector<8x8x128xi32>
        %le3A_275 = arith.cmpi sle, %le3A_273, %le3A_274 : vector<8x8x128xi32>
        %convert_element_type3A_276 = arith.extui %le3A_275 : vector<8x8x128xi1> to vector<8x8x128xi32>
        %add3A_277 = arith.addi %add3A_263, %convert_element_type3A_276 : vector<8x8x128xi32>
        %mul3A_278 = arith.constant 64 : i32
        %mul3A_279 = arith.muli %scan3A_208, %mul3A_278 : i32
        %add3A_280 = arith.constant 40 : i32
        %add3A_281 = arith.addi %mul3A_279, %add3A_280 : i32
        %get3A_282 = arith.index_cast %add3A_281 : i32 to index
        %get3A_283 = arith.constant 0 : index
        %get3A_284 = vector.load %arg0[%get3A_282, %get3A_283] : memref<2048x128xf32, #tpu.memory_space<vmem>>, vector<8x128xf32>
        %bitcast_convert_type3A_285 = tpu.bitcast %get3A_284 : vector<8x128xf32> -> vector<8x128xi32>
        %broadcast_in_dim3A_286 = vector.shape_cast %bitcast_convert_type3A_285 : vector<8x128xi32> to vector<1x8x128xi32>
        %le3A_287 = vector.broadcast %broadcast_in_dim3A_286 : vector<1x8x128xi32> to vector<8x8x128xi32>
        %le3A_288 = vector.broadcast %broadcast_in_dim3A_192 : vector<8x1x1xi32> to vector<8x8x128xi32>
        %le3A_289 = arith.cmpi sle, %le3A_287, %le3A_288 : vector<8x8x128xi32>
        %convert_element_type3A_290 = arith.extui %le3A_289 : vector<8x8x128xi1> to vector<8x8x128xi32>
        %add3A_291 = arith.addi %add3A_277, %convert_element_type3A_290 : vector<8x8x128xi32>
        %mul3A_292 = arith.constant 64 : i32
        %mul3A_293 = arith.muli %scan3A_208, %mul3A_292 : i32
        %add3A_294 = arith.constant 48 : i32
        %add3A_295 = arith.addi %mul3A_293, %add3A_294 : i32
        %get3A_296 = arith.index_cast %add3A_295 : i32 to index
        %get3A_297 = arith.constant 0 : index
        %get3A_298 = vector.load %arg0[%get3A_296, %get3A_297] : memref<2048x128xf32, #tpu.memory_space<vmem>>, vector<8x128xf32>
        %bitcast_convert_type3A_299 = tpu.bitcast %get3A_298 : vector<8x128xf32> -> vector<8x128xi32>
        %broadcast_in_dim3A_300 = vector.shape_cast %bitcast_convert_type3A_299 : vector<8x128xi32> to vector<1x8x128xi32>
        %le3A_301 = vector.broadcast %broadcast_in_dim3A_300 : vector<1x8x128xi32> to vector<8x8x128xi32>
        %le3A_302 = vector.broadcast %broadcast_in_dim3A_192 : vector<8x1x1xi32> to vector<8x8x128xi32>
        %le3A_303 = arith.cmpi sle, %le3A_301, %le3A_302 : vector<8x8x128xi32>
        %convert_element_type3A_304 = arith.extui %le3A_303 : vector<8x8x128xi1> to vector<8x8x128xi32>
        %add3A_305 = arith.addi %add3A_291, %convert_element_type3A_304 : vector<8x8x128xi32>
        %mul3A_306 = arith.constant 64 : i32
        %mul3A_307 = arith.muli %scan3A_208, %mul3A_306 : i32
        %add3A_308 = arith.constant 56 : i32
        %add3A_309 = arith.addi %mul3A_307, %add3A_308 : i32
        %get3A_310 = arith.index_cast %add3A_309 : i32 to index
        %get3A_311 = arith.constant 0 : index
        %get3A_312 = vector.load %arg0[%get3A_310, %get3A_311] : memref<2048x128xf32, #tpu.memory_space<vmem>>, vector<8x128xf32>
        %bitcast_convert_type3A_313 = tpu.bitcast %get3A_312 : vector<8x128xf32> -> vector<8x128xi32>
        %broadcast_in_dim3A_314 = vector.shape_cast %bitcast_convert_type3A_313 : vector<8x128xi32> to vector<1x8x128xi32>
        %le3A_315 = vector.broadcast %broadcast_in_dim3A_314 : vector<1x8x128xi32> to vector<8x8x128xi32>
        %le3A_316 = vector.broadcast %broadcast_in_dim3A_192 : vector<8x1x1xi32> to vector<8x8x128xi32>
        %le3A_317 = arith.cmpi sle, %le3A_315, %le3A_316 : vector<8x8x128xi32>
        %convert_element_type3A_318 = arith.extui %le3A_317 : vector<8x8x128xi1> to vector<8x8x128xi32>
        %add3A_319 = arith.addi %add3A_305, %convert_element_type3A_318 : vector<8x8x128xi32>
        scf.yield %add3A_319 : vector<8x8x128xi32>
      }
      %scan3A_200 = arith.constant 32 : i32
      %reduce_sum3A_201 = arith.constant dense<0> : vector<8xi32>
      %reduce_sum3A_202 = vector.multi_reduction <add>, %scan3A_199, %reduce_sum3A_201 [1, 2] : vector<8x8x128xi32> to vector<8xi32>
      %concatenate3A = tpu.concatenate %reduce_sum3A_166, %reduce_sum3A_178, %reduce_sum3A_190, %reduce_sum3A_202 in 0 : vector<8xi32>, vector<8xi32>, vector<8xi32>, vector<8xi32> -> vector<32xi32>
      %ge3A = arith.cmpi sge, %concatenate3A, %add3A_2 : vector<32xi32>
      %add3A_203 = arith.constant 1 : i32
      %add3A_204 = vector.broadcast %add3A_203 : i32 to vector<32xi32>
      %add3A_205 = arith.addi %shift_right_arithmetic3A_154, %add3A_204 : vector<32xi32>
      %select_n3A_206 = arith.select %ge3A, %scan3A_150, %add3A_205 : vector<32xi1>, vector<32xi32>
      %select_n3A_207 = arith.select %ge3A, %shift_right_arithmetic3A_154, %scan3A_151 : vector<32xi1>, vector<32xi32>
      scf.yield %select_n3A_206, %select_n3A_207 : vector<32xi32>, vector<32xi32>
    }
    %bitcast_convert_type3A = tpu.bitcast %scan3A_28#0 : vector<32xi32> -> vector<32xf32>
    %slice3A = vector.extract_strided_slice %bitcast_convert_type3A {offsets = [0], sizes = [16], strides = [1]} : vector<32xf32> to vector<16xf32>
    %slice3A_29 = vector.extract_strided_slice %bitcast_convert_type3A {offsets = [16], sizes = [16], strides = [1]} : vector<32xf32> to vector<16xf32>
    %get3A_30 = arith.constant 0 : index
    %get3A_31 = vector.load %arg3[%get3A_30] : memref<16xf32, #tpu.memory_space<vmem>>, vector<16xf32>
    %sub3A_32 = arith.subf %slice3A_29, %slice3A : vector<16xf32>
    %mul3A_33 = arith.mulf %get3A_31, %sub3A_32 : vector<16xf32>
    %add3A_34 = arith.addf %slice3A, %mul3A_33 : vector<16xf32>
    %broadcast_in_dim3A_35 = arith.constant 0.000000e+00 : f32
    %broadcast_in_dim3A_36 = vector.broadcast %broadcast_in_dim3A_35 : f32 to vector<5x8x128xf32>
    %slice3A_37 = vector.extract_strided_slice %add3A_34 {offsets = [0], sizes = [5], strides = [1]} : vector<16xf32> to vector<5xf32>
    %broadcast_in_dim3A_38 = vector.shape_cast %slice3A_37 : vector<5xf32> to vector<5x1x1xf32>
    %slice3A_39 = vector.extract_strided_slice %add3A_34 {offsets = [1], sizes = [5], strides = [1]} : vector<16xf32> to vector<5xf32>
    %broadcast_in_dim3A_40 = vector.shape_cast %slice3A_39 : vector<5xf32> to vector<5x1x1xf32>
    %scan3A_41 = arith.constant 0 : i32
    %scan3A_42 = arith.constant 32 : i32
    %scan3A_43 = arith.addi %scan3A_41, %scan3A_42 : i32
    %scan3A_44 = arith.constant 1 : i32
    %scan3A_45:3 = scf.for %scan3A_149 = %scan3A_41 to %scan3A_43 step %scan3A_44 iter_args(%scan3A_150 = %broadcast_in_dim3A_36, %scan3A_151 = %broadcast_in_dim3A_36, %scan3A_152 = %broadcast_in_dim3A_36) -> (vector<5x8x128xf32>, vector<5x8x128xf32>, vector<5x8x128xf32>)  : i32 {
      %mul3A_153 = arith.constant 64 : i32
      %mul3A_154 = arith.muli %scan3A_149, %mul3A_153 : i32
      %add3A_155 = arith.constant 0 : i32
      %add3A_156 = arith.addi %mul3A_154, %add3A_155 : i32
      %get3A_157 = arith.index_cast %add3A_156 : i32 to index
      %get3A_158 = arith.constant 0 : index
      %get3A_159 = vector.load %arg0[%get3A_157, %get3A_158] : memref<2048x128xf32, #tpu.memory_space<vmem>>, vector<8x128xf32>
      %broadcast_in_dim3A_160 = vector.shape_cast %get3A_159 : vector<8x128xf32> to vector<1x8x128xf32>
      %mul3A_161 = arith.constant 64 : i32
      %mul3A_162 = arith.muli %scan3A_149, %mul3A_161 : i32
      %add3A_163 = arith.constant 0 : i32
      %add3A_164 = arith.addi %mul3A_162, %add3A_163 : i32
      %get3A_165 = arith.index_cast %add3A_164 : i32 to index
      %get3A_166 = arith.constant 0 : index
      %get3A_167 = vector.load %arg1[%get3A_165, %get3A_166] : memref<2048x128xf32, #tpu.memory_space<vmem>>, vector<8x128xf32>
      %broadcast_in_dim3A_168 = vector.shape_cast %get3A_167 : vector<8x128xf32> to vector<1x8x128xf32>
      %gt3A_169 = vector.broadcast %broadcast_in_dim3A_160 : vector<1x8x128xf32> to vector<5x8x128xf32>
      %gt3A_170 = vector.broadcast %broadcast_in_dim3A_38 : vector<5x1x1xf32> to vector<5x8x128xf32>
      %gt3A_171 = arith.cmpf ogt, %gt3A_169, %gt3A_170 : vector<5x8x128xf32>
      %le3A = vector.broadcast %broadcast_in_dim3A_160 : vector<1x8x128xf32> to vector<5x8x128xf32>
      %le3A_172 = vector.broadcast %broadcast_in_dim3A_40 : vector<5x1x1xf32> to vector<5x8x128xf32>
      %le3A_173 = arith.cmpf ole, %le3A, %le3A_172 : vector<5x8x128xf32>
      %and3A = arith.andi %gt3A_171, %le3A_173 : vector<5x8x128xi1>
      %convert_element_type3A = arith.extui %and3A : vector<5x8x128xi1> to vector<5x8x128xi32>
      %convert_element_type3A_174 = arith.sitofp %convert_element_type3A : vector<5x8x128xi32> to vector<5x8x128xf32>
      %add3A_175 = arith.addf %scan3A_150, %convert_element_type3A_174 : vector<5x8x128xf32>
      %jit3A_176 = arith.constant 0.000000e+00 : f32
      %broadcast_in_dim3A_177 = vector.shape_cast %broadcast_in_dim3A_168 : vector<1x8x128xf32> to vector<1x8x128xf32>
      %broadcast_in_dim3A_178 = vector.broadcast %broadcast_in_dim3A_177 : vector<1x8x128xf32> to vector<5x8x128xf32>
      %broadcast_in_dim3A_179 = vector.broadcast %jit3A_176 : f32 to vector<5x8x128xf32>
      %select_n3A_180 = arith.select %and3A, %broadcast_in_dim3A_178, %broadcast_in_dim3A_179 : vector<5x8x128xi1>, vector<5x8x128xf32>
      %add3A_181 = arith.addf %scan3A_151, %select_n3A_180 : vector<5x8x128xf32>
      %jit3A_182 = arith.constant 0.000000e+00 : f32
      %broadcast_in_dim3A_183 = vector.shape_cast %broadcast_in_dim3A_160 : vector<1x8x128xf32> to vector<1x8x128xf32>
      %broadcast_in_dim3A_184 = vector.broadcast %broadcast_in_dim3A_183 : vector<1x8x128xf32> to vector<5x8x128xf32>
      %broadcast_in_dim3A_185 = vector.broadcast %jit3A_182 : f32 to vector<5x8x128xf32>
      %select_n3A_186 = arith.select %and3A, %broadcast_in_dim3A_184, %broadcast_in_dim3A_185 : vector<5x8x128xi1>, vector<5x8x128xf32>
      %add3A_187 = arith.addf %scan3A_152, %select_n3A_186 : vector<5x8x128xf32>
      %mul3A_188 = arith.constant 64 : i32
      %mul3A_189 = arith.muli %scan3A_149, %mul3A_188 : i32
      %add3A_190 = arith.constant 8 : i32
      %add3A_191 = arith.addi %mul3A_189, %add3A_190 : i32
      %get3A_192 = arith.index_cast %add3A_191 : i32 to index
      %get3A_193 = arith.constant 0 : index
      %get3A_194 = vector.load %arg0[%get3A_192, %get3A_193] : memref<2048x128xf32, #tpu.memory_space<vmem>>, vector<8x128xf32>
      %broadcast_in_dim3A_195 = vector.shape_cast %get3A_194 : vector<8x128xf32> to vector<1x8x128xf32>
      %mul3A_196 = arith.constant 64 : i32
      %mul3A_197 = arith.muli %scan3A_149, %mul3A_196 : i32
      %add3A_198 = arith.constant 8 : i32
      %add3A_199 = arith.addi %mul3A_197, %add3A_198 : i32
      %get3A_200 = arith.index_cast %add3A_199 : i32 to index
      %get3A_201 = arith.constant 0 : index
      %get3A_202 = vector.load %arg1[%get3A_200, %get3A_201] : memref<2048x128xf32, #tpu.memory_space<vmem>>, vector<8x128xf32>
      %broadcast_in_dim3A_203 = vector.shape_cast %get3A_202 : vector<8x128xf32> to vector<1x8x128xf32>
      %gt3A_204 = vector.broadcast %broadcast_in_dim3A_195 : vector<1x8x128xf32> to vector<5x8x128xf32>
      %gt3A_205 = vector.broadcast %broadcast_in_dim3A_38 : vector<5x1x1xf32> to vector<5x8x128xf32>
      %gt3A_206 = arith.cmpf ogt, %gt3A_204, %gt3A_205 : vector<5x8x128xf32>
      %le3A_207 = vector.broadcast %broadcast_in_dim3A_195 : vector<1x8x128xf32> to vector<5x8x128xf32>
      %le3A_208 = vector.broadcast %broadcast_in_dim3A_40 : vector<5x1x1xf32> to vector<5x8x128xf32>
      %le3A_209 = arith.cmpf ole, %le3A_207, %le3A_208 : vector<5x8x128xf32>
      %and3A_210 = arith.andi %gt3A_206, %le3A_209 : vector<5x8x128xi1>
      %convert_element_type3A_211 = arith.extui %and3A_210 : vector<5x8x128xi1> to vector<5x8x128xi32>
      %convert_element_type3A_212 = arith.sitofp %convert_element_type3A_211 : vector<5x8x128xi32> to vector<5x8x128xf32>
      %add3A_213 = arith.addf %add3A_175, %convert_element_type3A_212 : vector<5x8x128xf32>
      %jit3A_214 = arith.constant 0.000000e+00 : f32
      %broadcast_in_dim3A_215 = vector.shape_cast %broadcast_in_dim3A_203 : vector<1x8x128xf32> to vector<1x8x128xf32>
      %broadcast_in_dim3A_216 = vector.broadcast %broadcast_in_dim3A_215 : vector<1x8x128xf32> to vector<5x8x128xf32>
      %broadcast_in_dim3A_217 = vector.broadcast %jit3A_214 : f32 to vector<5x8x128xf32>
      %select_n3A_218 = arith.select %and3A_210, %broadcast_in_dim3A_216, %broadcast_in_dim3A_217 : vector<5x8x128xi1>, vector<5x8x128xf32>
      %add3A_219 = arith.addf %add3A_181, %select_n3A_218 : vector<5x8x128xf32>
      %jit3A_220 = arith.constant 0.000000e+00 : f32
      %broadcast_in_dim3A_221 = vector.shape_cast %broadcast_in_dim3A_195 : vector<1x8x128xf32> to vector<1x8x128xf32>
      %broadcast_in_dim3A_222 = vector.broadcast %broadcast_in_dim3A_221 : vector<1x8x128xf32> to vector<5x8x128xf32>
      %broadcast_in_dim3A_223 = vector.broadcast %jit3A_220 : f32 to vector<5x8x128xf32>
      %select_n3A_224 = arith.select %and3A_210, %broadcast_in_dim3A_222, %broadcast_in_dim3A_223 : vector<5x8x128xi1>, vector<5x8x128xf32>
      %add3A_225 = arith.addf %add3A_187, %select_n3A_224 : vector<5x8x128xf32>
      %mul3A_226 = arith.constant 64 : i32
      %mul3A_227 = arith.muli %scan3A_149, %mul3A_226 : i32
      %add3A_228 = arith.constant 16 : i32
      %add3A_229 = arith.addi %mul3A_227, %add3A_228 : i32
      %get3A_230 = arith.index_cast %add3A_229 : i32 to index
      %get3A_231 = arith.constant 0 : index
      %get3A_232 = vector.load %arg0[%get3A_230, %get3A_231] : memref<2048x128xf32, #tpu.memory_space<vmem>>, vector<8x128xf32>
      %broadcast_in_dim3A_233 = vector.shape_cast %get3A_232 : vector<8x128xf32> to vector<1x8x128xf32>
      %mul3A_234 = arith.constant 64 : i32
      %mul3A_235 = arith.muli %scan3A_149, %mul3A_234 : i32
      %add3A_236 = arith.constant 16 : i32
      %add3A_237 = arith.addi %mul3A_235, %add3A_236 : i32
      %get3A_238 = arith.index_cast %add3A_237 : i32 to index
      %get3A_239 = arith.constant 0 : index
      %get3A_240 = vector.load %arg1[%get3A_238, %get3A_239] : memref<2048x128xf32, #tpu.memory_space<vmem>>, vector<8x128xf32>
      %broadcast_in_dim3A_241 = vector.shape_cast %get3A_240 : vector<8x128xf32> to vector<1x8x128xf32>
      %gt3A_242 = vector.broadcast %broadcast_in_dim3A_233 : vector<1x8x128xf32> to vector<5x8x128xf32>
      %gt3A_243 = vector.broadcast %broadcast_in_dim3A_38 : vector<5x1x1xf32> to vector<5x8x128xf32>
      %gt3A_244 = arith.cmpf ogt, %gt3A_242, %gt3A_243 : vector<5x8x128xf32>
      %le3A_245 = vector.broadcast %broadcast_in_dim3A_233 : vector<1x8x128xf32> to vector<5x8x128xf32>
      %le3A_246 = vector.broadcast %broadcast_in_dim3A_40 : vector<5x1x1xf32> to vector<5x8x128xf32>
      %le3A_247 = arith.cmpf ole, %le3A_245, %le3A_246 : vector<5x8x128xf32>
      %and3A_248 = arith.andi %gt3A_244, %le3A_247 : vector<5x8x128xi1>
      %convert_element_type3A_249 = arith.extui %and3A_248 : vector<5x8x128xi1> to vector<5x8x128xi32>
      %convert_element_type3A_250 = arith.sitofp %convert_element_type3A_249 : vector<5x8x128xi32> to vector<5x8x128xf32>
      %add3A_251 = arith.addf %add3A_213, %convert_element_type3A_250 : vector<5x8x128xf32>
      %jit3A_252 = arith.constant 0.000000e+00 : f32
      %broadcast_in_dim3A_253 = vector.shape_cast %broadcast_in_dim3A_241 : vector<1x8x128xf32> to vector<1x8x128xf32>
      %broadcast_in_dim3A_254 = vector.broadcast %broadcast_in_dim3A_253 : vector<1x8x128xf32> to vector<5x8x128xf32>
      %broadcast_in_dim3A_255 = vector.broadcast %jit3A_252 : f32 to vector<5x8x128xf32>
      %select_n3A_256 = arith.select %and3A_248, %broadcast_in_dim3A_254, %broadcast_in_dim3A_255 : vector<5x8x128xi1>, vector<5x8x128xf32>
      %add3A_257 = arith.addf %add3A_219, %select_n3A_256 : vector<5x8x128xf32>
      %jit3A_258 = arith.constant 0.000000e+00 : f32
      %broadcast_in_dim3A_259 = vector.shape_cast %broadcast_in_dim3A_233 : vector<1x8x128xf32> to vector<1x8x128xf32>
      %broadcast_in_dim3A_260 = vector.broadcast %broadcast_in_dim3A_259 : vector<1x8x128xf32> to vector<5x8x128xf32>
      %broadcast_in_dim3A_261 = vector.broadcast %jit3A_258 : f32 to vector<5x8x128xf32>
      %select_n3A_262 = arith.select %and3A_248, %broadcast_in_dim3A_260, %broadcast_in_dim3A_261 : vector<5x8x128xi1>, vector<5x8x128xf32>
      %add3A_263 = arith.addf %add3A_225, %select_n3A_262 : vector<5x8x128xf32>
      %mul3A_264 = arith.constant 64 : i32
      %mul3A_265 = arith.muli %scan3A_149, %mul3A_264 : i32
      %add3A_266 = arith.constant 24 : i32
      %add3A_267 = arith.addi %mul3A_265, %add3A_266 : i32
      %get3A_268 = arith.index_cast %add3A_267 : i32 to index
      %get3A_269 = arith.constant 0 : index
      %get3A_270 = vector.load %arg0[%get3A_268, %get3A_269] : memref<2048x128xf32, #tpu.memory_space<vmem>>, vector<8x128xf32>
      %broadcast_in_dim3A_271 = vector.shape_cast %get3A_270 : vector<8x128xf32> to vector<1x8x128xf32>
      %mul3A_272 = arith.constant 64 : i32
      %mul3A_273 = arith.muli %scan3A_149, %mul3A_272 : i32
      %add3A_274 = arith.constant 24 : i32
      %add3A_275 = arith.addi %mul3A_273, %add3A_274 : i32
      %get3A_276 = arith.index_cast %add3A_275 : i32 to index
      %get3A_277 = arith.constant 0 : index
      %get3A_278 = vector.load %arg1[%get3A_276, %get3A_277] : memref<2048x128xf32, #tpu.memory_space<vmem>>, vector<8x128xf32>
      %broadcast_in_dim3A_279 = vector.shape_cast %get3A_278 : vector<8x128xf32> to vector<1x8x128xf32>
      %gt3A_280 = vector.broadcast %broadcast_in_dim3A_271 : vector<1x8x128xf32> to vector<5x8x128xf32>
      %gt3A_281 = vector.broadcast %broadcast_in_dim3A_38 : vector<5x1x1xf32> to vector<5x8x128xf32>
      %gt3A_282 = arith.cmpf ogt, %gt3A_280, %gt3A_281 : vector<5x8x128xf32>
      %le3A_283 = vector.broadcast %broadcast_in_dim3A_271 : vector<1x8x128xf32> to vector<5x8x128xf32>
      %le3A_284 = vector.broadcast %broadcast_in_dim3A_40 : vector<5x1x1xf32> to vector<5x8x128xf32>
      %le3A_285 = arith.cmpf ole, %le3A_283, %le3A_284 : vector<5x8x128xf32>
      %and3A_286 = arith.andi %gt3A_282, %le3A_285 : vector<5x8x128xi1>
      %convert_element_type3A_287 = arith.extui %and3A_286 : vector<5x8x128xi1> to vector<5x8x128xi32>
      %convert_element_type3A_288 = arith.sitofp %convert_element_type3A_287 : vector<5x8x128xi32> to vector<5x8x128xf32>
      %add3A_289 = arith.addf %add3A_251, %convert_element_type3A_288 : vector<5x8x128xf32>
      %jit3A_290 = arith.constant 0.000000e+00 : f32
      %broadcast_in_dim3A_291 = vector.shape_cast %broadcast_in_dim3A_279 : vector<1x8x128xf32> to vector<1x8x128xf32>
      %broadcast_in_dim3A_292 = vector.broadcast %broadcast_in_dim3A_291 : vector<1x8x128xf32> to vector<5x8x128xf32>
      %broadcast_in_dim3A_293 = vector.broadcast %jit3A_290 : f32 to vector<5x8x128xf32>
      %select_n3A_294 = arith.select %and3A_286, %broadcast_in_dim3A_292, %broadcast_in_dim3A_293 : vector<5x8x128xi1>, vector<5x8x128xf32>
      %add3A_295 = arith.addf %add3A_257, %select_n3A_294 : vector<5x8x128xf32>
      %jit3A_296 = arith.constant 0.000000e+00 : f32
      %broadcast_in_dim3A_297 = vector.shape_cast %broadcast_in_dim3A_271 : vector<1x8x128xf32> to vector<1x8x128xf32>
      %broadcast_in_dim3A_298 = vector.broadcast %broadcast_in_dim3A_297 : vector<1x8x128xf32> to vector<5x8x128xf32>
      %broadcast_in_dim3A_299 = vector.broadcast %jit3A_296 : f32 to vector<5x8x128xf32>
      %select_n3A_300 = arith.select %and3A_286, %broadcast_in_dim3A_298, %broadcast_in_dim3A_299 : vector<5x8x128xi1>, vector<5x8x128xf32>
      %add3A_301 = arith.addf %add3A_263, %select_n3A_300 : vector<5x8x128xf32>
      %mul3A_302 = arith.constant 64 : i32
      %mul3A_303 = arith.muli %scan3A_149, %mul3A_302 : i32
      %add3A_304 = arith.constant 32 : i32
      %add3A_305 = arith.addi %mul3A_303, %add3A_304 : i32
      %get3A_306 = arith.index_cast %add3A_305 : i32 to index
      %get3A_307 = arith.constant 0 : index
      %get3A_308 = vector.load %arg0[%get3A_306, %get3A_307] : memref<2048x128xf32, #tpu.memory_space<vmem>>, vector<8x128xf32>
      %broadcast_in_dim3A_309 = vector.shape_cast %get3A_308 : vector<8x128xf32> to vector<1x8x128xf32>
      %mul3A_310 = arith.constant 64 : i32
      %mul3A_311 = arith.muli %scan3A_149, %mul3A_310 : i32
      %add3A_312 = arith.constant 32 : i32
      %add3A_313 = arith.addi %mul3A_311, %add3A_312 : i32
      %get3A_314 = arith.index_cast %add3A_313 : i32 to index
      %get3A_315 = arith.constant 0 : index
      %get3A_316 = vector.load %arg1[%get3A_314, %get3A_315] : memref<2048x128xf32, #tpu.memory_space<vmem>>, vector<8x128xf32>
      %broadcast_in_dim3A_317 = vector.shape_cast %get3A_316 : vector<8x128xf32> to vector<1x8x128xf32>
      %gt3A_318 = vector.broadcast %broadcast_in_dim3A_309 : vector<1x8x128xf32> to vector<5x8x128xf32>
      %gt3A_319 = vector.broadcast %broadcast_in_dim3A_38 : vector<5x1x1xf32> to vector<5x8x128xf32>
      %gt3A_320 = arith.cmpf ogt, %gt3A_318, %gt3A_319 : vector<5x8x128xf32>
      %le3A_321 = vector.broadcast %broadcast_in_dim3A_309 : vector<1x8x128xf32> to vector<5x8x128xf32>
      %le3A_322 = vector.broadcast %broadcast_in_dim3A_40 : vector<5x1x1xf32> to vector<5x8x128xf32>
      %le3A_323 = arith.cmpf ole, %le3A_321, %le3A_322 : vector<5x8x128xf32>
      %and3A_324 = arith.andi %gt3A_320, %le3A_323 : vector<5x8x128xi1>
      %convert_element_type3A_325 = arith.extui %and3A_324 : vector<5x8x128xi1> to vector<5x8x128xi32>
      %convert_element_type3A_326 = arith.sitofp %convert_element_type3A_325 : vector<5x8x128xi32> to vector<5x8x128xf32>
      %add3A_327 = arith.addf %add3A_289, %convert_element_type3A_326 : vector<5x8x128xf32>
      %jit3A_328 = arith.constant 0.000000e+00 : f32
      %broadcast_in_dim3A_329 = vector.shape_cast %broadcast_in_dim3A_317 : vector<1x8x128xf32> to vector<1x8x128xf32>
      %broadcast_in_dim3A_330 = vector.broadcast %broadcast_in_dim3A_329 : vector<1x8x128xf32> to vector<5x8x128xf32>
      %broadcast_in_dim3A_331 = vector.broadcast %jit3A_328 : f32 to vector<5x8x128xf32>
      %select_n3A_332 = arith.select %and3A_324, %broadcast_in_dim3A_330, %broadcast_in_dim3A_331 : vector<5x8x128xi1>, vector<5x8x128xf32>
      %add3A_333 = arith.addf %add3A_295, %select_n3A_332 : vector<5x8x128xf32>
      %jit3A_334 = arith.constant 0.000000e+00 : f32
      %broadcast_in_dim3A_335 = vector.shape_cast %broadcast_in_dim3A_309 : vector<1x8x128xf32> to vector<1x8x128xf32>
      %broadcast_in_dim3A_336 = vector.broadcast %broadcast_in_dim3A_335 : vector<1x8x128xf32> to vector<5x8x128xf32>
      %broadcast_in_dim3A_337 = vector.broadcast %jit3A_334 : f32 to vector<5x8x128xf32>
      %select_n3A_338 = arith.select %and3A_324, %broadcast_in_dim3A_336, %broadcast_in_dim3A_337 : vector<5x8x128xi1>, vector<5x8x128xf32>
      %add3A_339 = arith.addf %add3A_301, %select_n3A_338 : vector<5x8x128xf32>
      %mul3A_340 = arith.constant 64 : i32
      %mul3A_341 = arith.muli %scan3A_149, %mul3A_340 : i32
      %add3A_342 = arith.constant 40 : i32
      %add3A_343 = arith.addi %mul3A_341, %add3A_342 : i32
      %get3A_344 = arith.index_cast %add3A_343 : i32 to index
      %get3A_345 = arith.constant 0 : index
      %get3A_346 = vector.load %arg0[%get3A_344, %get3A_345] : memref<2048x128xf32, #tpu.memory_space<vmem>>, vector<8x128xf32>
      %broadcast_in_dim3A_347 = vector.shape_cast %get3A_346 : vector<8x128xf32> to vector<1x8x128xf32>
      %mul3A_348 = arith.constant 64 : i32
      %mul3A_349 = arith.muli %scan3A_149, %mul3A_348 : i32
      %add3A_350 = arith.constant 40 : i32
      %add3A_351 = arith.addi %mul3A_349, %add3A_350 : i32
      %get3A_352 = arith.index_cast %add3A_351 : i32 to index
      %get3A_353 = arith.constant 0 : index
      %get3A_354 = vector.load %arg1[%get3A_352, %get3A_353] : memref<2048x128xf32, #tpu.memory_space<vmem>>, vector<8x128xf32>
      %broadcast_in_dim3A_355 = vector.shape_cast %get3A_354 : vector<8x128xf32> to vector<1x8x128xf32>
      %gt3A_356 = vector.broadcast %broadcast_in_dim3A_347 : vector<1x8x128xf32> to vector<5x8x128xf32>
      %gt3A_357 = vector.broadcast %broadcast_in_dim3A_38 : vector<5x1x1xf32> to vector<5x8x128xf32>
      %gt3A_358 = arith.cmpf ogt, %gt3A_356, %gt3A_357 : vector<5x8x128xf32>
      %le3A_359 = vector.broadcast %broadcast_in_dim3A_347 : vector<1x8x128xf32> to vector<5x8x128xf32>
      %le3A_360 = vector.broadcast %broadcast_in_dim3A_40 : vector<5x1x1xf32> to vector<5x8x128xf32>
      %le3A_361 = arith.cmpf ole, %le3A_359, %le3A_360 : vector<5x8x128xf32>
      %and3A_362 = arith.andi %gt3A_358, %le3A_361 : vector<5x8x128xi1>
      %convert_element_type3A_363 = arith.extui %and3A_362 : vector<5x8x128xi1> to vector<5x8x128xi32>
      %convert_element_type3A_364 = arith.sitofp %convert_element_type3A_363 : vector<5x8x128xi32> to vector<5x8x128xf32>
      %add3A_365 = arith.addf %add3A_327, %convert_element_type3A_364 : vector<5x8x128xf32>
      %jit3A_366 = arith.constant 0.000000e+00 : f32
      %broadcast_in_dim3A_367 = vector.shape_cast %broadcast_in_dim3A_355 : vector<1x8x128xf32> to vector<1x8x128xf32>
      %broadcast_in_dim3A_368 = vector.broadcast %broadcast_in_dim3A_367 : vector<1x8x128xf32> to vector<5x8x128xf32>
      %broadcast_in_dim3A_369 = vector.broadcast %jit3A_366 : f32 to vector<5x8x128xf32>
      %select_n3A_370 = arith.select %and3A_362, %broadcast_in_dim3A_368, %broadcast_in_dim3A_369 : vector<5x8x128xi1>, vector<5x8x128xf32>
      %add3A_371 = arith.addf %add3A_333, %select_n3A_370 : vector<5x8x128xf32>
      %jit3A_372 = arith.constant 0.000000e+00 : f32
      %broadcast_in_dim3A_373 = vector.shape_cast %broadcast_in_dim3A_347 : vector<1x8x128xf32> to vector<1x8x128xf32>
      %broadcast_in_dim3A_374 = vector.broadcast %broadcast_in_dim3A_373 : vector<1x8x128xf32> to vector<5x8x128xf32>
      %broadcast_in_dim3A_375 = vector.broadcast %jit3A_372 : f32 to vector<5x8x128xf32>
      %select_n3A_376 = arith.select %and3A_362, %broadcast_in_dim3A_374, %broadcast_in_dim3A_375 : vector<5x8x128xi1>, vector<5x8x128xf32>
      %add3A_377 = arith.addf %add3A_339, %select_n3A_376 : vector<5x8x128xf32>
      %mul3A_378 = arith.constant 64 : i32
      %mul3A_379 = arith.muli %scan3A_149, %mul3A_378 : i32
      %add3A_380 = arith.constant 48 : i32
      %add3A_381 = arith.addi %mul3A_379, %add3A_380 : i32
      %get3A_382 = arith.index_cast %add3A_381 : i32 to index
      %get3A_383 = arith.constant 0 : index
      %get3A_384 = vector.load %arg0[%get3A_382, %get3A_383] : memref<2048x128xf32, #tpu.memory_space<vmem>>, vector<8x128xf32>
      %broadcast_in_dim3A_385 = vector.shape_cast %get3A_384 : vector<8x128xf32> to vector<1x8x128xf32>
      %mul3A_386 = arith.constant 64 : i32
      %mul3A_387 = arith.muli %scan3A_149, %mul3A_386 : i32
      %add3A_388 = arith.constant 48 : i32
      %add3A_389 = arith.addi %mul3A_387, %add3A_388 : i32
      %get3A_390 = arith.index_cast %add3A_389 : i32 to index
      %get3A_391 = arith.constant 0 : index
      %get3A_392 = vector.load %arg1[%get3A_390, %get3A_391] : memref<2048x128xf32, #tpu.memory_space<vmem>>, vector<8x128xf32>
      %broadcast_in_dim3A_393 = vector.shape_cast %get3A_392 : vector<8x128xf32> to vector<1x8x128xf32>
      %gt3A_394 = vector.broadcast %broadcast_in_dim3A_385 : vector<1x8x128xf32> to vector<5x8x128xf32>
      %gt3A_395 = vector.broadcast %broadcast_in_dim3A_38 : vector<5x1x1xf32> to vector<5x8x128xf32>
      %gt3A_396 = arith.cmpf ogt, %gt3A_394, %gt3A_395 : vector<5x8x128xf32>
      %le3A_397 = vector.broadcast %broadcast_in_dim3A_385 : vector<1x8x128xf32> to vector<5x8x128xf32>
      %le3A_398 = vector.broadcast %broadcast_in_dim3A_40 : vector<5x1x1xf32> to vector<5x8x128xf32>
      %le3A_399 = arith.cmpf ole, %le3A_397, %le3A_398 : vector<5x8x128xf32>
      %and3A_400 = arith.andi %gt3A_396, %le3A_399 : vector<5x8x128xi1>
      %convert_element_type3A_401 = arith.extui %and3A_400 : vector<5x8x128xi1> to vector<5x8x128xi32>
      %convert_element_type3A_402 = arith.sitofp %convert_element_type3A_401 : vector<5x8x128xi32> to vector<5x8x128xf32>
      %add3A_403 = arith.addf %add3A_365, %convert_element_type3A_402 : vector<5x8x128xf32>
      %jit3A_404 = arith.constant 0.000000e+00 : f32
      %broadcast_in_dim3A_405 = vector.shape_cast %broadcast_in_dim3A_393 : vector<1x8x128xf32> to vector<1x8x128xf32>
      %broadcast_in_dim3A_406 = vector.broadcast %broadcast_in_dim3A_405 : vector<1x8x128xf32> to vector<5x8x128xf32>
      %broadcast_in_dim3A_407 = vector.broadcast %jit3A_404 : f32 to vector<5x8x128xf32>
      %select_n3A_408 = arith.select %and3A_400, %broadcast_in_dim3A_406, %broadcast_in_dim3A_407 : vector<5x8x128xi1>, vector<5x8x128xf32>
      %add3A_409 = arith.addf %add3A_371, %select_n3A_408 : vector<5x8x128xf32>
      %jit3A_410 = arith.constant 0.000000e+00 : f32
      %broadcast_in_dim3A_411 = vector.shape_cast %broadcast_in_dim3A_385 : vector<1x8x128xf32> to vector<1x8x128xf32>
      %broadcast_in_dim3A_412 = vector.broadcast %broadcast_in_dim3A_411 : vector<1x8x128xf32> to vector<5x8x128xf32>
      %broadcast_in_dim3A_413 = vector.broadcast %jit3A_410 : f32 to vector<5x8x128xf32>
      %select_n3A_414 = arith.select %and3A_400, %broadcast_in_dim3A_412, %broadcast_in_dim3A_413 : vector<5x8x128xi1>, vector<5x8x128xf32>
      %add3A_415 = arith.addf %add3A_377, %select_n3A_414 : vector<5x8x128xf32>
      %mul3A_416 = arith.constant 64 : i32
      %mul3A_417 = arith.muli %scan3A_149, %mul3A_416 : i32
      %add3A_418 = arith.constant 56 : i32
      %add3A_419 = arith.addi %mul3A_417, %add3A_418 : i32
      %get3A_420 = arith.index_cast %add3A_419 : i32 to index
      %get3A_421 = arith.constant 0 : index
      %get3A_422 = vector.load %arg0[%get3A_420, %get3A_421] : memref<2048x128xf32, #tpu.memory_space<vmem>>, vector<8x128xf32>
      %broadcast_in_dim3A_423 = vector.shape_cast %get3A_422 : vector<8x128xf32> to vector<1x8x128xf32>
      %mul3A_424 = arith.constant 64 : i32
      %mul3A_425 = arith.muli %scan3A_149, %mul3A_424 : i32
      %add3A_426 = arith.constant 56 : i32
      %add3A_427 = arith.addi %mul3A_425, %add3A_426 : i32
      %get3A_428 = arith.index_cast %add3A_427 : i32 to index
      %get3A_429 = arith.constant 0 : index
      %get3A_430 = vector.load %arg1[%get3A_428, %get3A_429] : memref<2048x128xf32, #tpu.memory_space<vmem>>, vector<8x128xf32>
      %broadcast_in_dim3A_431 = vector.shape_cast %get3A_430 : vector<8x128xf32> to vector<1x8x128xf32>
      %gt3A_432 = vector.broadcast %broadcast_in_dim3A_423 : vector<1x8x128xf32> to vector<5x8x128xf32>
      %gt3A_433 = vector.broadcast %broadcast_in_dim3A_38 : vector<5x1x1xf32> to vector<5x8x128xf32>
      %gt3A_434 = arith.cmpf ogt, %gt3A_432, %gt3A_433 : vector<5x8x128xf32>
      %le3A_435 = vector.broadcast %broadcast_in_dim3A_423 : vector<1x8x128xf32> to vector<5x8x128xf32>
      %le3A_436 = vector.broadcast %broadcast_in_dim3A_40 : vector<5x1x1xf32> to vector<5x8x128xf32>
      %le3A_437 = arith.cmpf ole, %le3A_435, %le3A_436 : vector<5x8x128xf32>
      %and3A_438 = arith.andi %gt3A_434, %le3A_437 : vector<5x8x128xi1>
      %convert_element_type3A_439 = arith.extui %and3A_438 : vector<5x8x128xi1> to vector<5x8x128xi32>
      %convert_element_type3A_440 = arith.sitofp %convert_element_type3A_439 : vector<5x8x128xi32> to vector<5x8x128xf32>
      %add3A_441 = arith.addf %add3A_403, %convert_element_type3A_440 : vector<5x8x128xf32>
      %jit3A_442 = arith.constant 0.000000e+00 : f32
      %broadcast_in_dim3A_443 = vector.shape_cast %broadcast_in_dim3A_431 : vector<1x8x128xf32> to vector<1x8x128xf32>
      %broadcast_in_dim3A_444 = vector.broadcast %broadcast_in_dim3A_443 : vector<1x8x128xf32> to vector<5x8x128xf32>
      %broadcast_in_dim3A_445 = vector.broadcast %jit3A_442 : f32 to vector<5x8x128xf32>
      %select_n3A_446 = arith.select %and3A_438, %broadcast_in_dim3A_444, %broadcast_in_dim3A_445 : vector<5x8x128xi1>, vector<5x8x128xf32>
      %add3A_447 = arith.addf %add3A_409, %select_n3A_446 : vector<5x8x128xf32>
      %jit3A_448 = arith.constant 0.000000e+00 : f32
      %broadcast_in_dim3A_449 = vector.shape_cast %broadcast_in_dim3A_423 : vector<1x8x128xf32> to vector<1x8x128xf32>
      %broadcast_in_dim3A_450 = vector.broadcast %broadcast_in_dim3A_449 : vector<1x8x128xf32> to vector<5x8x128xf32>
      %broadcast_in_dim3A_451 = vector.broadcast %jit3A_448 : f32 to vector<5x8x128xf32>
      %select_n3A_452 = arith.select %and3A_438, %broadcast_in_dim3A_450, %broadcast_in_dim3A_451 : vector<5x8x128xi1>, vector<5x8x128xf32>
      %add3A_453 = arith.addf %add3A_415, %select_n3A_452 : vector<5x8x128xf32>
      scf.yield %add3A_441, %add3A_447, %add3A_453 : vector<5x8x128xf32>, vector<5x8x128xf32>, vector<5x8x128xf32>
    }
    %scan3A_46 = arith.constant 32 : i32
    %reduce_sum3A = arith.constant dense<0.000000e+00> : vector<5xf32>
    %reduce_sum3A_47 = vector.multi_reduction <add>, %scan3A_45#0, %reduce_sum3A [1, 2] : vector<5x8x128xf32> to vector<5xf32>
    %reduce_sum3A_48 = arith.constant dense<0.000000e+00> : vector<5xf32>
    %reduce_sum3A_49 = vector.multi_reduction <add>, %scan3A_45#1, %reduce_sum3A_48 [1, 2] : vector<5x8x128xf32> to vector<5xf32>
    %reduce_sum3A_50 = arith.constant dense<0.000000e+00> : vector<5xf32>
    %reduce_sum3A_51 = vector.multi_reduction <add>, %scan3A_45#2, %reduce_sum3A_50 [1, 2] : vector<5x8x128xf32> to vector<5xf32>
    %div3A = arith.constant 2.621440e+05 : f32
    %div3A_52 = vector.broadcast %div3A : f32 to vector<5xf32>
    %div3A_53 = arith.divf %reduce_sum3A_47, %div3A_52 : vector<5xf32>
    %max3A = arith.constant 1.000000e+00 : f32
    %max3A_54 = vector.broadcast %max3A : f32 to vector<5xf32>
    %max3A_55 = arith.maximumf %reduce_sum3A_47, %max3A_54 : vector<5xf32>
    %div3A_56 = arith.divf %reduce_sum3A_51, %max3A_55 : vector<5xf32>
    %div3A_57 = arith.divf %reduce_sum3A_49, %max3A_55 : vector<5xf32>
    %sub3A_58 = arith.subf %div3A_56, %div3A_57 : vector<5xf32>
    %abs3A = math.absf %sub3A_58 : vector<5xf32>
    %mul3A_59 = arith.mulf %abs3A, %div3A_53 : vector<5xf32>
    %gt3A = arith.constant 0.000000e+00 : f32
    %gt3A_60 = vector.broadcast %gt3A : f32 to vector<5xf32>
    %gt3A_61 = arith.cmpf ogt, %div3A_53, %gt3A_60 : vector<5xf32>
    %jit3A = arith.constant 0.000000e+00 : f32
    %broadcast_in_dim3A_62 = vector.broadcast %jit3A : f32 to vector<5xf32>
    %select_n3A = arith.select %gt3A_61, %mul3A_59, %broadcast_in_dim3A_62 : vector<5xi1>, vector<5xf32>
    %reduce_sum3A_63 = vector.shape_cast %select_n3A : vector<5xf32> to vector<1x5xf32>
    %reduce_sum3A_64 = arith.constant dense<0.000000e+00> : vector<1xf32>
    %reduce_sum3A_65 = vector.multi_reduction <add>, %reduce_sum3A_63, %reduce_sum3A_64 [1] : vector<1x5xf32> to vector<1xf32>
    %reduce_sum3A_66 = vector.shape_cast %reduce_sum3A_65 : vector<1xf32> to vector<1x1xf32>
    %reduce_sum3A_67 = vector.extract %reduce_sum3A_66[0, 0] : f32 from vector<1x1xf32>
    %add3A_68 = arith.constant 0.000000e+00 : f32
    %add3A_69 = arith.addf %add3A_68, %reduce_sum3A_67 : f32
    %slice3A_70 = vector.extract_strided_slice %add3A_34 {offsets = [5], sizes = [5], strides = [1]} : vector<16xf32> to vector<5xf32>
    %broadcast_in_dim3A_71 = vector.shape_cast %slice3A_70 : vector<5xf32> to vector<5x1x1xf32>
    %slice3A_72 = vector.extract_strided_slice %add3A_34 {offsets = [6], sizes = [5], strides = [1]} : vector<16xf32> to vector<5xf32>
    %broadcast_in_dim3A_73 = vector.shape_cast %slice3A_72 : vector<5xf32> to vector<5x1x1xf32>
    %scan3A_74 = arith.constant 0 : i32
    %scan3A_75 = arith.constant 32 : i32
    %scan3A_76 = arith.addi %scan3A_74, %scan3A_75 : i32
    %scan3A_77 = arith.constant 1 : i32
    %scan3A_78:3 = scf.for %scan3A_149 = %scan3A_74 to %scan3A_76 step %scan3A_77 iter_args(%scan3A_150 = %broadcast_in_dim3A_36, %scan3A_151 = %broadcast_in_dim3A_36, %scan3A_152 = %broadcast_in_dim3A_36) -> (vector<5x8x128xf32>, vector<5x8x128xf32>, vector<5x8x128xf32>)  : i32 {
      %mul3A_153 = arith.constant 64 : i32
      %mul3A_154 = arith.muli %scan3A_149, %mul3A_153 : i32
      %add3A_155 = arith.constant 0 : i32
      %add3A_156 = arith.addi %mul3A_154, %add3A_155 : i32
      %get3A_157 = arith.index_cast %add3A_156 : i32 to index
      %get3A_158 = arith.constant 0 : index
      %get3A_159 = vector.load %arg0[%get3A_157, %get3A_158] : memref<2048x128xf32, #tpu.memory_space<vmem>>, vector<8x128xf32>
      %broadcast_in_dim3A_160 = vector.shape_cast %get3A_159 : vector<8x128xf32> to vector<1x8x128xf32>
      %mul3A_161 = arith.constant 64 : i32
      %mul3A_162 = arith.muli %scan3A_149, %mul3A_161 : i32
      %add3A_163 = arith.constant 0 : i32
      %add3A_164 = arith.addi %mul3A_162, %add3A_163 : i32
      %get3A_165 = arith.index_cast %add3A_164 : i32 to index
      %get3A_166 = arith.constant 0 : index
      %get3A_167 = vector.load %arg1[%get3A_165, %get3A_166] : memref<2048x128xf32, #tpu.memory_space<vmem>>, vector<8x128xf32>
      %broadcast_in_dim3A_168 = vector.shape_cast %get3A_167 : vector<8x128xf32> to vector<1x8x128xf32>
      %gt3A_169 = vector.broadcast %broadcast_in_dim3A_160 : vector<1x8x128xf32> to vector<5x8x128xf32>
      %gt3A_170 = vector.broadcast %broadcast_in_dim3A_71 : vector<5x1x1xf32> to vector<5x8x128xf32>
      %gt3A_171 = arith.cmpf ogt, %gt3A_169, %gt3A_170 : vector<5x8x128xf32>
      %le3A = vector.broadcast %broadcast_in_dim3A_160 : vector<1x8x128xf32> to vector<5x8x128xf32>
      %le3A_172 = vector.broadcast %broadcast_in_dim3A_73 : vector<5x1x1xf32> to vector<5x8x128xf32>
      %le3A_173 = arith.cmpf ole, %le3A, %le3A_172 : vector<5x8x128xf32>
      %and3A = arith.andi %gt3A_171, %le3A_173 : vector<5x8x128xi1>
      %convert_element_type3A = arith.extui %and3A : vector<5x8x128xi1> to vector<5x8x128xi32>
      %convert_element_type3A_174 = arith.sitofp %convert_element_type3A : vector<5x8x128xi32> to vector<5x8x128xf32>
      %add3A_175 = arith.addf %scan3A_150, %convert_element_type3A_174 : vector<5x8x128xf32>
      %jit3A_176 = arith.constant 0.000000e+00 : f32
      %broadcast_in_dim3A_177 = vector.shape_cast %broadcast_in_dim3A_168 : vector<1x8x128xf32> to vector<1x8x128xf32>
      %broadcast_in_dim3A_178 = vector.broadcast %broadcast_in_dim3A_177 : vector<1x8x128xf32> to vector<5x8x128xf32>
      %broadcast_in_dim3A_179 = vector.broadcast %jit3A_176 : f32 to vector<5x8x128xf32>
      %select_n3A_180 = arith.select %and3A, %broadcast_in_dim3A_178, %broadcast_in_dim3A_179 : vector<5x8x128xi1>, vector<5x8x128xf32>
      %add3A_181 = arith.addf %scan3A_151, %select_n3A_180 : vector<5x8x128xf32>
      %jit3A_182 = arith.constant 0.000000e+00 : f32
      %broadcast_in_dim3A_183 = vector.shape_cast %broadcast_in_dim3A_160 : vector<1x8x128xf32> to vector<1x8x128xf32>
      %broadcast_in_dim3A_184 = vector.broadcast %broadcast_in_dim3A_183 : vector<1x8x128xf32> to vector<5x8x128xf32>
      %broadcast_in_dim3A_185 = vector.broadcast %jit3A_182 : f32 to vector<5x8x128xf32>
      %select_n3A_186 = arith.select %and3A, %broadcast_in_dim3A_184, %broadcast_in_dim3A_185 : vector<5x8x128xi1>, vector<5x8x128xf32>
      %add3A_187 = arith.addf %scan3A_152, %select_n3A_186 : vector<5x8x128xf32>
      %mul3A_188 = arith.constant 64 : i32
      %mul3A_189 = arith.muli %scan3A_149, %mul3A_188 : i32
      %add3A_190 = arith.constant 8 : i32
      %add3A_191 = arith.addi %mul3A_189, %add3A_190 : i32
      %get3A_192 = arith.index_cast %add3A_191 : i32 to index
      %get3A_193 = arith.constant 0 : index
      %get3A_194 = vector.load %arg0[%get3A_192, %get3A_193] : memref<2048x128xf32, #tpu.memory_space<vmem>>, vector<8x128xf32>
      %broadcast_in_dim3A_195 = vector.shape_cast %get3A_194 : vector<8x128xf32> to vector<1x8x128xf32>
      %mul3A_196 = arith.constant 64 : i32
      %mul3A_197 = arith.muli %scan3A_149, %mul3A_196 : i32
      %add3A_198 = arith.constant 8 : i32
      %add3A_199 = arith.addi %mul3A_197, %add3A_198 : i32
      %get3A_200 = arith.index_cast %add3A_199 : i32 to index
      %get3A_201 = arith.constant 0 : index
      %get3A_202 = vector.load %arg1[%get3A_200, %get3A_201] : memref<2048x128xf32, #tpu.memory_space<vmem>>, vector<8x128xf32>
      %broadcast_in_dim3A_203 = vector.shape_cast %get3A_202 : vector<8x128xf32> to vector<1x8x128xf32>
      %gt3A_204 = vector.broadcast %broadcast_in_dim3A_195 : vector<1x8x128xf32> to vector<5x8x128xf32>
      %gt3A_205 = vector.broadcast %broadcast_in_dim3A_71 : vector<5x1x1xf32> to vector<5x8x128xf32>
      %gt3A_206 = arith.cmpf ogt, %gt3A_204, %gt3A_205 : vector<5x8x128xf32>
      %le3A_207 = vector.broadcast %broadcast_in_dim3A_195 : vector<1x8x128xf32> to vector<5x8x128xf32>
      %le3A_208 = vector.broadcast %broadcast_in_dim3A_73 : vector<5x1x1xf32> to vector<5x8x128xf32>
      %le3A_209 = arith.cmpf ole, %le3A_207, %le3A_208 : vector<5x8x128xf32>
      %and3A_210 = arith.andi %gt3A_206, %le3A_209 : vector<5x8x128xi1>
      %convert_element_type3A_211 = arith.extui %and3A_210 : vector<5x8x128xi1> to vector<5x8x128xi32>
      %convert_element_type3A_212 = arith.sitofp %convert_element_type3A_211 : vector<5x8x128xi32> to vector<5x8x128xf32>
      %add3A_213 = arith.addf %add3A_175, %convert_element_type3A_212 : vector<5x8x128xf32>
      %jit3A_214 = arith.constant 0.000000e+00 : f32
      %broadcast_in_dim3A_215 = vector.shape_cast %broadcast_in_dim3A_203 : vector<1x8x128xf32> to vector<1x8x128xf32>
      %broadcast_in_dim3A_216 = vector.broadcast %broadcast_in_dim3A_215 : vector<1x8x128xf32> to vector<5x8x128xf32>
      %broadcast_in_dim3A_217 = vector.broadcast %jit3A_214 : f32 to vector<5x8x128xf32>
      %select_n3A_218 = arith.select %and3A_210, %broadcast_in_dim3A_216, %broadcast_in_dim3A_217 : vector<5x8x128xi1>, vector<5x8x128xf32>
      %add3A_219 = arith.addf %add3A_181, %select_n3A_218 : vector<5x8x128xf32>
      %jit3A_220 = arith.constant 0.000000e+00 : f32
      %broadcast_in_dim3A_221 = vector.shape_cast %broadcast_in_dim3A_195 : vector<1x8x128xf32> to vector<1x8x128xf32>
      %broadcast_in_dim3A_222 = vector.broadcast %broadcast_in_dim3A_221 : vector<1x8x128xf32> to vector<5x8x128xf32>
      %broadcast_in_dim3A_223 = vector.broadcast %jit3A_220 : f32 to vector<5x8x128xf32>
      %select_n3A_224 = arith.select %and3A_210, %broadcast_in_dim3A_222, %broadcast_in_dim3A_223 : vector<5x8x128xi1>, vector<5x8x128xf32>
      %add3A_225 = arith.addf %add3A_187, %select_n3A_224 : vector<5x8x128xf32>
      %mul3A_226 = arith.constant 64 : i32
      %mul3A_227 = arith.muli %scan3A_149, %mul3A_226 : i32
      %add3A_228 = arith.constant 16 : i32
      %add3A_229 = arith.addi %mul3A_227, %add3A_228 : i32
      %get3A_230 = arith.index_cast %add3A_229 : i32 to index
      %get3A_231 = arith.constant 0 : index
      %get3A_232 = vector.load %arg0[%get3A_230, %get3A_231] : memref<2048x128xf32, #tpu.memory_space<vmem>>, vector<8x128xf32>
      %broadcast_in_dim3A_233 = vector.shape_cast %get3A_232 : vector<8x128xf32> to vector<1x8x128xf32>
      %mul3A_234 = arith.constant 64 : i32
      %mul3A_235 = arith.muli %scan3A_149, %mul3A_234 : i32
      %add3A_236 = arith.constant 16 : i32
      %add3A_237 = arith.addi %mul3A_235, %add3A_236 : i32
      %get3A_238 = arith.index_cast %add3A_237 : i32 to index
      %get3A_239 = arith.constant 0 : index
      %get3A_240 = vector.load %arg1[%get3A_238, %get3A_239] : memref<2048x128xf32, #tpu.memory_space<vmem>>, vector<8x128xf32>
      %broadcast_in_dim3A_241 = vector.shape_cast %get3A_240 : vector<8x128xf32> to vector<1x8x128xf32>
      %gt3A_242 = vector.broadcast %broadcast_in_dim3A_233 : vector<1x8x128xf32> to vector<5x8x128xf32>
      %gt3A_243 = vector.broadcast %broadcast_in_dim3A_71 : vector<5x1x1xf32> to vector<5x8x128xf32>
      %gt3A_244 = arith.cmpf ogt, %gt3A_242, %gt3A_243 : vector<5x8x128xf32>
      %le3A_245 = vector.broadcast %broadcast_in_dim3A_233 : vector<1x8x128xf32> to vector<5x8x128xf32>
      %le3A_246 = vector.broadcast %broadcast_in_dim3A_73 : vector<5x1x1xf32> to vector<5x8x128xf32>
      %le3A_247 = arith.cmpf ole, %le3A_245, %le3A_246 : vector<5x8x128xf32>
      %and3A_248 = arith.andi %gt3A_244, %le3A_247 : vector<5x8x128xi1>
      %convert_element_type3A_249 = arith.extui %and3A_248 : vector<5x8x128xi1> to vector<5x8x128xi32>
      %convert_element_type3A_250 = arith.sitofp %convert_element_type3A_249 : vector<5x8x128xi32> to vector<5x8x128xf32>
      %add3A_251 = arith.addf %add3A_213, %convert_element_type3A_250 : vector<5x8x128xf32>
      %jit3A_252 = arith.constant 0.000000e+00 : f32
      %broadcast_in_dim3A_253 = vector.shape_cast %broadcast_in_dim3A_241 : vector<1x8x128xf32> to vector<1x8x128xf32>
      %broadcast_in_dim3A_254 = vector.broadcast %broadcast_in_dim3A_253 : vector<1x8x128xf32> to vector<5x8x128xf32>
      %broadcast_in_dim3A_255 = vector.broadcast %jit3A_252 : f32 to vector<5x8x128xf32>
      %select_n3A_256 = arith.select %and3A_248, %broadcast_in_dim3A_254, %broadcast_in_dim3A_255 : vector<5x8x128xi1>, vector<5x8x128xf32>
      %add3A_257 = arith.addf %add3A_219, %select_n3A_256 : vector<5x8x128xf32>
      %jit3A_258 = arith.constant 0.000000e+00 : f32
      %broadcast_in_dim3A_259 = vector.shape_cast %broadcast_in_dim3A_233 : vector<1x8x128xf32> to vector<1x8x128xf32>
      %broadcast_in_dim3A_260 = vector.broadcast %broadcast_in_dim3A_259 : vector<1x8x128xf32> to vector<5x8x128xf32>
      %broadcast_in_dim3A_261 = vector.broadcast %jit3A_258 : f32 to vector<5x8x128xf32>
      %select_n3A_262 = arith.select %and3A_248, %broadcast_in_dim3A_260, %broadcast_in_dim3A_261 : vector<5x8x128xi1>, vector<5x8x128xf32>
      %add3A_263 = arith.addf %add3A_225, %select_n3A_262 : vector<5x8x128xf32>
      %mul3A_264 = arith.constant 64 : i32
      %mul3A_265 = arith.muli %scan3A_149, %mul3A_264 : i32
      %add3A_266 = arith.constant 24 : i32
      %add3A_267 = arith.addi %mul3A_265, %add3A_266 : i32
      %get3A_268 = arith.index_cast %add3A_267 : i32 to index
      %get3A_269 = arith.constant 0 : index
      %get3A_270 = vector.load %arg0[%get3A_268, %get3A_269] : memref<2048x128xf32, #tpu.memory_space<vmem>>, vector<8x128xf32>
      %broadcast_in_dim3A_271 = vector.shape_cast %get3A_270 : vector<8x128xf32> to vector<1x8x128xf32>
      %mul3A_272 = arith.constant 64 : i32
      %mul3A_273 = arith.muli %scan3A_149, %mul3A_272 : i32
      %add3A_274 = arith.constant 24 : i32
      %add3A_275 = arith.addi %mul3A_273, %add3A_274 : i32
      %get3A_276 = arith.index_cast %add3A_275 : i32 to index
      %get3A_277 = arith.constant 0 : index
      %get3A_278 = vector.load %arg1[%get3A_276, %get3A_277] : memref<2048x128xf32, #tpu.memory_space<vmem>>, vector<8x128xf32>
      %broadcast_in_dim3A_279 = vector.shape_cast %get3A_278 : vector<8x128xf32> to vector<1x8x128xf32>
      %gt3A_280 = vector.broadcast %broadcast_in_dim3A_271 : vector<1x8x128xf32> to vector<5x8x128xf32>
      %gt3A_281 = vector.broadcast %broadcast_in_dim3A_71 : vector<5x1x1xf32> to vector<5x8x128xf32>
      %gt3A_282 = arith.cmpf ogt, %gt3A_280, %gt3A_281 : vector<5x8x128xf32>
      %le3A_283 = vector.broadcast %broadcast_in_dim3A_271 : vector<1x8x128xf32> to vector<5x8x128xf32>
      %le3A_284 = vector.broadcast %broadcast_in_dim3A_73 : vector<5x1x1xf32> to vector<5x8x128xf32>
      %le3A_285 = arith.cmpf ole, %le3A_283, %le3A_284 : vector<5x8x128xf32>
      %and3A_286 = arith.andi %gt3A_282, %le3A_285 : vector<5x8x128xi1>
      %convert_element_type3A_287 = arith.extui %and3A_286 : vector<5x8x128xi1> to vector<5x8x128xi32>
      %convert_element_type3A_288 = arith.sitofp %convert_element_type3A_287 : vector<5x8x128xi32> to vector<5x8x128xf32>
      %add3A_289 = arith.addf %add3A_251, %convert_element_type3A_288 : vector<5x8x128xf32>
      %jit3A_290 = arith.constant 0.000000e+00 : f32
      %broadcast_in_dim3A_291 = vector.shape_cast %broadcast_in_dim3A_279 : vector<1x8x128xf32> to vector<1x8x128xf32>
      %broadcast_in_dim3A_292 = vector.broadcast %broadcast_in_dim3A_291 : vector<1x8x128xf32> to vector<5x8x128xf32>
      %broadcast_in_dim3A_293 = vector.broadcast %jit3A_290 : f32 to vector<5x8x128xf32>
      %select_n3A_294 = arith.select %and3A_286, %broadcast_in_dim3A_292, %broadcast_in_dim3A_293 : vector<5x8x128xi1>, vector<5x8x128xf32>
      %add3A_295 = arith.addf %add3A_257, %select_n3A_294 : vector<5x8x128xf32>
      %jit3A_296 = arith.constant 0.000000e+00 : f32
      %broadcast_in_dim3A_297 = vector.shape_cast %broadcast_in_dim3A_271 : vector<1x8x128xf32> to vector<1x8x128xf32>
      %broadcast_in_dim3A_298 = vector.broadcast %broadcast_in_dim3A_297 : vector<1x8x128xf32> to vector<5x8x128xf32>
      %broadcast_in_dim3A_299 = vector.broadcast %jit3A_296 : f32 to vector<5x8x128xf32>
      %select_n3A_300 = arith.select %and3A_286, %broadcast_in_dim3A_298, %broadcast_in_dim3A_299 : vector<5x8x128xi1>, vector<5x8x128xf32>
      %add3A_301 = arith.addf %add3A_263, %select_n3A_300 : vector<5x8x128xf32>
      %mul3A_302 = arith.constant 64 : i32
      %mul3A_303 = arith.muli %scan3A_149, %mul3A_302 : i32
      %add3A_304 = arith.constant 32 : i32
      %add3A_305 = arith.addi %mul3A_303, %add3A_304 : i32
      %get3A_306 = arith.index_cast %add3A_305 : i32 to index
      %get3A_307 = arith.constant 0 : index
      %get3A_308 = vector.load %arg0[%get3A_306, %get3A_307] : memref<2048x128xf32, #tpu.memory_space<vmem>>, vector<8x128xf32>
      %broadcast_in_dim3A_309 = vector.shape_cast %get3A_308 : vector<8x128xf32> to vector<1x8x128xf32>
      %mul3A_310 = arith.constant 64 : i32
      %mul3A_311 = arith.muli %scan3A_149, %mul3A_310 : i32
      %add3A_312 = arith.constant 32 : i32
      %add3A_313 = arith.addi %mul3A_311, %add3A_312 : i32
      %get3A_314 = arith.index_cast %add3A_313 : i32 to index
      %get3A_315 = arith.constant 0 : index
      %get3A_316 = vector.load %arg1[%get3A_314, %get3A_315] : memref<2048x128xf32, #tpu.memory_space<vmem>>, vector<8x128xf32>
      %broadcast_in_dim3A_317 = vector.shape_cast %get3A_316 : vector<8x128xf32> to vector<1x8x128xf32>
      %gt3A_318 = vector.broadcast %broadcast_in_dim3A_309 : vector<1x8x128xf32> to vector<5x8x128xf32>
      %gt3A_319 = vector.broadcast %broadcast_in_dim3A_71 : vector<5x1x1xf32> to vector<5x8x128xf32>
      %gt3A_320 = arith.cmpf ogt, %gt3A_318, %gt3A_319 : vector<5x8x128xf32>
      %le3A_321 = vector.broadcast %broadcast_in_dim3A_309 : vector<1x8x128xf32> to vector<5x8x128xf32>
      %le3A_322 = vector.broadcast %broadcast_in_dim3A_73 : vector<5x1x1xf32> to vector<5x8x128xf32>
      %le3A_323 = arith.cmpf ole, %le3A_321, %le3A_322 : vector<5x8x128xf32>
      %and3A_324 = arith.andi %gt3A_320, %le3A_323 : vector<5x8x128xi1>
      %convert_element_type3A_325 = arith.extui %and3A_324 : vector<5x8x128xi1> to vector<5x8x128xi32>
      %convert_element_type3A_326 = arith.sitofp %convert_element_type3A_325 : vector<5x8x128xi32> to vector<5x8x128xf32>
      %add3A_327 = arith.addf %add3A_289, %convert_element_type3A_326 : vector<5x8x128xf32>
      %jit3A_328 = arith.constant 0.000000e+00 : f32
      %broadcast_in_dim3A_329 = vector.shape_cast %broadcast_in_dim3A_317 : vector<1x8x128xf32> to vector<1x8x128xf32>
      %broadcast_in_dim3A_330 = vector.broadcast %broadcast_in_dim3A_329 : vector<1x8x128xf32> to vector<5x8x128xf32>
      %broadcast_in_dim3A_331 = vector.broadcast %jit3A_328 : f32 to vector<5x8x128xf32>
      %select_n3A_332 = arith.select %and3A_324, %broadcast_in_dim3A_330, %broadcast_in_dim3A_331 : vector<5x8x128xi1>, vector<5x8x128xf32>
      %add3A_333 = arith.addf %add3A_295, %select_n3A_332 : vector<5x8x128xf32>
      %jit3A_334 = arith.constant 0.000000e+00 : f32
      %broadcast_in_dim3A_335 = vector.shape_cast %broadcast_in_dim3A_309 : vector<1x8x128xf32> to vector<1x8x128xf32>
      %broadcast_in_dim3A_336 = vector.broadcast %broadcast_in_dim3A_335 : vector<1x8x128xf32> to vector<5x8x128xf32>
      %broadcast_in_dim3A_337 = vector.broadcast %jit3A_334 : f32 to vector<5x8x128xf32>
      %select_n3A_338 = arith.select %and3A_324, %broadcast_in_dim3A_336, %broadcast_in_dim3A_337 : vector<5x8x128xi1>, vector<5x8x128xf32>
      %add3A_339 = arith.addf %add3A_301, %select_n3A_338 : vector<5x8x128xf32>
      %mul3A_340 = arith.constant 64 : i32
      %mul3A_341 = arith.muli %scan3A_149, %mul3A_340 : i32
      %add3A_342 = arith.constant 40 : i32
      %add3A_343 = arith.addi %mul3A_341, %add3A_342 : i32
      %get3A_344 = arith.index_cast %add3A_343 : i32 to index
      %get3A_345 = arith.constant 0 : index
      %get3A_346 = vector.load %arg0[%get3A_344, %get3A_345] : memref<2048x128xf32, #tpu.memory_space<vmem>>, vector<8x128xf32>
      %broadcast_in_dim3A_347 = vector.shape_cast %get3A_346 : vector<8x128xf32> to vector<1x8x128xf32>
      %mul3A_348 = arith.constant 64 : i32
      %mul3A_349 = arith.muli %scan3A_149, %mul3A_348 : i32
      %add3A_350 = arith.constant 40 : i32
      %add3A_351 = arith.addi %mul3A_349, %add3A_350 : i32
      %get3A_352 = arith.index_cast %add3A_351 : i32 to index
      %get3A_353 = arith.constant 0 : index
      %get3A_354 = vector.load %arg1[%get3A_352, %get3A_353] : memref<2048x128xf32, #tpu.memory_space<vmem>>, vector<8x128xf32>
      %broadcast_in_dim3A_355 = vector.shape_cast %get3A_354 : vector<8x128xf32> to vector<1x8x128xf32>
      %gt3A_356 = vector.broadcast %broadcast_in_dim3A_347 : vector<1x8x128xf32> to vector<5x8x128xf32>
      %gt3A_357 = vector.broadcast %broadcast_in_dim3A_71 : vector<5x1x1xf32> to vector<5x8x128xf32>
      %gt3A_358 = arith.cmpf ogt, %gt3A_356, %gt3A_357 : vector<5x8x128xf32>
      %le3A_359 = vector.broadcast %broadcast_in_dim3A_347 : vector<1x8x128xf32> to vector<5x8x128xf32>
      %le3A_360 = vector.broadcast %broadcast_in_dim3A_73 : vector<5x1x1xf32> to vector<5x8x128xf32>
      %le3A_361 = arith.cmpf ole, %le3A_359, %le3A_360 : vector<5x8x128xf32>
      %and3A_362 = arith.andi %gt3A_358, %le3A_361 : vector<5x8x128xi1>
      %convert_element_type3A_363 = arith.extui %and3A_362 : vector<5x8x128xi1> to vector<5x8x128xi32>
      %convert_element_type3A_364 = arith.sitofp %convert_element_type3A_363 : vector<5x8x128xi32> to vector<5x8x128xf32>
      %add3A_365 = arith.addf %add3A_327, %convert_element_type3A_364 : vector<5x8x128xf32>
      %jit3A_366 = arith.constant 0.000000e+00 : f32
      %broadcast_in_dim3A_367 = vector.shape_cast %broadcast_in_dim3A_355 : vector<1x8x128xf32> to vector<1x8x128xf32>
      %broadcast_in_dim3A_368 = vector.broadcast %broadcast_in_dim3A_367 : vector<1x8x128xf32> to vector<5x8x128xf32>
      %broadcast_in_dim3A_369 = vector.broadcast %jit3A_366 : f32 to vector<5x8x128xf32>
      %select_n3A_370 = arith.select %and3A_362, %broadcast_in_dim3A_368, %broadcast_in_dim3A_369 : vector<5x8x128xi1>, vector<5x8x128xf32>
      %add3A_371 = arith.addf %add3A_333, %select_n3A_370 : vector<5x8x128xf32>
      %jit3A_372 = arith.constant 0.000000e+00 : f32
      %broadcast_in_dim3A_373 = vector.shape_cast %broadcast_in_dim3A_347 : vector<1x8x128xf32> to vector<1x8x128xf32>
      %broadcast_in_dim3A_374 = vector.broadcast %broadcast_in_dim3A_373 : vector<1x8x128xf32> to vector<5x8x128xf32>
      %broadcast_in_dim3A_375 = vector.broadcast %jit3A_372 : f32 to vector<5x8x128xf32>
      %select_n3A_376 = arith.select %and3A_362, %broadcast_in_dim3A_374, %broadcast_in_dim3A_375 : vector<5x8x128xi1>, vector<5x8x128xf32>
      %add3A_377 = arith.addf %add3A_339, %select_n3A_376 : vector<5x8x128xf32>
      %mul3A_378 = arith.constant 64 : i32
      %mul3A_379 = arith.muli %scan3A_149, %mul3A_378 : i32
      %add3A_380 = arith.constant 48 : i32
      %add3A_381 = arith.addi %mul3A_379, %add3A_380 : i32
      %get3A_382 = arith.index_cast %add3A_381 : i32 to index
      %get3A_383 = arith.constant 0 : index
      %get3A_384 = vector.load %arg0[%get3A_382, %get3A_383] : memref<2048x128xf32, #tpu.memory_space<vmem>>, vector<8x128xf32>
      %broadcast_in_dim3A_385 = vector.shape_cast %get3A_384 : vector<8x128xf32> to vector<1x8x128xf32>
      %mul3A_386 = arith.constant 64 : i32
      %mul3A_387 = arith.muli %scan3A_149, %mul3A_386 : i32
      %add3A_388 = arith.constant 48 : i32
      %add3A_389 = arith.addi %mul3A_387, %add3A_388 : i32
      %get3A_390 = arith.index_cast %add3A_389 : i32 to index
      %get3A_391 = arith.constant 0 : index
      %get3A_392 = vector.load %arg1[%get3A_390, %get3A_391] : memref<2048x128xf32, #tpu.memory_space<vmem>>, vector<8x128xf32>
      %broadcast_in_dim3A_393 = vector.shape_cast %get3A_392 : vector<8x128xf32> to vector<1x8x128xf32>
      %gt3A_394 = vector.broadcast %broadcast_in_dim3A_385 : vector<1x8x128xf32> to vector<5x8x128xf32>
      %gt3A_395 = vector.broadcast %broadcast_in_dim3A_71 : vector<5x1x1xf32> to vector<5x8x128xf32>
      %gt3A_396 = arith.cmpf ogt, %gt3A_394, %gt3A_395 : vector<5x8x128xf32>
      %le3A_397 = vector.broadcast %broadcast_in_dim3A_385 : vector<1x8x128xf32> to vector<5x8x128xf32>
      %le3A_398 = vector.broadcast %broadcast_in_dim3A_73 : vector<5x1x1xf32> to vector<5x8x128xf32>
      %le3A_399 = arith.cmpf ole, %le3A_397, %le3A_398 : vector<5x8x128xf32>
      %and3A_400 = arith.andi %gt3A_396, %le3A_399 : vector<5x8x128xi1>
      %convert_element_type3A_401 = arith.extui %and3A_400 : vector<5x8x128xi1> to vector<5x8x128xi32>
      %convert_element_type3A_402 = arith.sitofp %convert_element_type3A_401 : vector<5x8x128xi32> to vector<5x8x128xf32>
      %add3A_403 = arith.addf %add3A_365, %convert_element_type3A_402 : vector<5x8x128xf32>
      %jit3A_404 = arith.constant 0.000000e+00 : f32
      %broadcast_in_dim3A_405 = vector.shape_cast %broadcast_in_dim3A_393 : vector<1x8x128xf32> to vector<1x8x128xf32>
      %broadcast_in_dim3A_406 = vector.broadcast %broadcast_in_dim3A_405 : vector<1x8x128xf32> to vector<5x8x128xf32>
      %broadcast_in_dim3A_407 = vector.broadcast %jit3A_404 : f32 to vector<5x8x128xf32>
      %select_n3A_408 = arith.select %and3A_400, %broadcast_in_dim3A_406, %broadcast_in_dim3A_407 : vector<5x8x128xi1>, vector<5x8x128xf32>
      %add3A_409 = arith.addf %add3A_371, %select_n3A_408 : vector<5x8x128xf32>
      %jit3A_410 = arith.constant 0.000000e+00 : f32
      %broadcast_in_dim3A_411 = vector.shape_cast %broadcast_in_dim3A_385 : vector<1x8x128xf32> to vector<1x8x128xf32>
      %broadcast_in_dim3A_412 = vector.broadcast %broadcast_in_dim3A_411 : vector<1x8x128xf32> to vector<5x8x128xf32>
      %broadcast_in_dim3A_413 = vector.broadcast %jit3A_410 : f32 to vector<5x8x128xf32>
      %select_n3A_414 = arith.select %and3A_400, %broadcast_in_dim3A_412, %broadcast_in_dim3A_413 : vector<5x8x128xi1>, vector<5x8x128xf32>
      %add3A_415 = arith.addf %add3A_377, %select_n3A_414 : vector<5x8x128xf32>
      %mul3A_416 = arith.constant 64 : i32
      %mul3A_417 = arith.muli %scan3A_149, %mul3A_416 : i32
      %add3A_418 = arith.constant 56 : i32
      %add3A_419 = arith.addi %mul3A_417, %add3A_418 : i32
      %get3A_420 = arith.index_cast %add3A_419 : i32 to index
      %get3A_421 = arith.constant 0 : index
      %get3A_422 = vector.load %arg0[%get3A_420, %get3A_421] : memref<2048x128xf32, #tpu.memory_space<vmem>>, vector<8x128xf32>
      %broadcast_in_dim3A_423 = vector.shape_cast %get3A_422 : vector<8x128xf32> to vector<1x8x128xf32>
      %mul3A_424 = arith.constant 64 : i32
      %mul3A_425 = arith.muli %scan3A_149, %mul3A_424 : i32
      %add3A_426 = arith.constant 56 : i32
      %add3A_427 = arith.addi %mul3A_425, %add3A_426 : i32
      %get3A_428 = arith.index_cast %add3A_427 : i32 to index
      %get3A_429 = arith.constant 0 : index
      %get3A_430 = vector.load %arg1[%get3A_428, %get3A_429] : memref<2048x128xf32, #tpu.memory_space<vmem>>, vector<8x128xf32>
      %broadcast_in_dim3A_431 = vector.shape_cast %get3A_430 : vector<8x128xf32> to vector<1x8x128xf32>
      %gt3A_432 = vector.broadcast %broadcast_in_dim3A_423 : vector<1x8x128xf32> to vector<5x8x128xf32>
      %gt3A_433 = vector.broadcast %broadcast_in_dim3A_71 : vector<5x1x1xf32> to vector<5x8x128xf32>
      %gt3A_434 = arith.cmpf ogt, %gt3A_432, %gt3A_433 : vector<5x8x128xf32>
      %le3A_435 = vector.broadcast %broadcast_in_dim3A_423 : vector<1x8x128xf32> to vector<5x8x128xf32>
      %le3A_436 = vector.broadcast %broadcast_in_dim3A_73 : vector<5x1x1xf32> to vector<5x8x128xf32>
      %le3A_437 = arith.cmpf ole, %le3A_435, %le3A_436 : vector<5x8x128xf32>
      %and3A_438 = arith.andi %gt3A_434, %le3A_437 : vector<5x8x128xi1>
      %convert_element_type3A_439 = arith.extui %and3A_438 : vector<5x8x128xi1> to vector<5x8x128xi32>
      %convert_element_type3A_440 = arith.sitofp %convert_element_type3A_439 : vector<5x8x128xi32> to vector<5x8x128xf32>
      %add3A_441 = arith.addf %add3A_403, %convert_element_type3A_440 : vector<5x8x128xf32>
      %jit3A_442 = arith.constant 0.000000e+00 : f32
      %broadcast_in_dim3A_443 = vector.shape_cast %broadcast_in_dim3A_431 : vector<1x8x128xf32> to vector<1x8x128xf32>
      %broadcast_in_dim3A_444 = vector.broadcast %broadcast_in_dim3A_443 : vector<1x8x128xf32> to vector<5x8x128xf32>
      %broadcast_in_dim3A_445 = vector.broadcast %jit3A_442 : f32 to vector<5x8x128xf32>
      %select_n3A_446 = arith.select %and3A_438, %broadcast_in_dim3A_444, %broadcast_in_dim3A_445 : vector<5x8x128xi1>, vector<5x8x128xf32>
      %add3A_447 = arith.addf %add3A_409, %select_n3A_446 : vector<5x8x128xf32>
      %jit3A_448 = arith.constant 0.000000e+00 : f32
      %broadcast_in_dim3A_449 = vector.shape_cast %broadcast_in_dim3A_423 : vector<1x8x128xf32> to vector<1x8x128xf32>
      %broadcast_in_dim3A_450 = vector.broadcast %broadcast_in_dim3A_449 : vector<1x8x128xf32> to vector<5x8x128xf32>
      %broadcast_in_dim3A_451 = vector.broadcast %jit3A_448 : f32 to vector<5x8x128xf32>
      %select_n3A_452 = arith.select %and3A_438, %broadcast_in_dim3A_450, %broadcast_in_dim3A_451 : vector<5x8x128xi1>, vector<5x8x128xf32>
      %add3A_453 = arith.addf %add3A_415, %select_n3A_452 : vector<5x8x128xf32>
      scf.yield %add3A_441, %add3A_447, %add3A_453 : vector<5x8x128xf32>, vector<5x8x128xf32>, vector<5x8x128xf32>
    }
    %scan3A_79 = arith.constant 32 : i32
    %reduce_sum3A_80 = arith.constant dense<0.000000e+00> : vector<5xf32>
    %reduce_sum3A_81 = vector.multi_reduction <add>, %scan3A_78#0, %reduce_sum3A_80 [1, 2] : vector<5x8x128xf32> to vector<5xf32>
    %reduce_sum3A_82 = arith.constant dense<0.000000e+00> : vector<5xf32>
    %reduce_sum3A_83 = vector.multi_reduction <add>, %scan3A_78#1, %reduce_sum3A_82 [1, 2] : vector<5x8x128xf32> to vector<5xf32>
    %reduce_sum3A_84 = arith.constant dense<0.000000e+00> : vector<5xf32>
    %reduce_sum3A_85 = vector.multi_reduction <add>, %scan3A_78#2, %reduce_sum3A_84 [1, 2] : vector<5x8x128xf32> to vector<5xf32>
    %div3A_86 = arith.constant 2.621440e+05 : f32
    %div3A_87 = vector.broadcast %div3A_86 : f32 to vector<5xf32>
    %div3A_88 = arith.divf %reduce_sum3A_81, %div3A_87 : vector<5xf32>
    %max3A_89 = arith.constant 1.000000e+00 : f32
    %max3A_90 = vector.broadcast %max3A_89 : f32 to vector<5xf32>
    %max3A_91 = arith.maximumf %reduce_sum3A_81, %max3A_90 : vector<5xf32>
    %div3A_92 = arith.divf %reduce_sum3A_85, %max3A_91 : vector<5xf32>
    %div3A_93 = arith.divf %reduce_sum3A_83, %max3A_91 : vector<5xf32>
    %sub3A_94 = arith.subf %div3A_92, %div3A_93 : vector<5xf32>
    %abs3A_95 = math.absf %sub3A_94 : vector<5xf32>
    %mul3A_96 = arith.mulf %abs3A_95, %div3A_88 : vector<5xf32>
    %gt3A_97 = arith.constant 0.000000e+00 : f32
    %gt3A_98 = vector.broadcast %gt3A_97 : f32 to vector<5xf32>
    %gt3A_99 = arith.cmpf ogt, %div3A_88, %gt3A_98 : vector<5xf32>
    %jit3A_100 = arith.constant 0.000000e+00 : f32
    %broadcast_in_dim3A_101 = vector.broadcast %jit3A_100 : f32 to vector<5xf32>
    %select_n3A_102 = arith.select %gt3A_99, %mul3A_96, %broadcast_in_dim3A_101 : vector<5xi1>, vector<5xf32>
    %reduce_sum3A_103 = vector.shape_cast %select_n3A_102 : vector<5xf32> to vector<1x5xf32>
    %reduce_sum3A_104 = arith.constant dense<0.000000e+00> : vector<1xf32>
    %reduce_sum3A_105 = vector.multi_reduction <add>, %reduce_sum3A_103, %reduce_sum3A_104 [1] : vector<1x5xf32> to vector<1xf32>
    %reduce_sum3A_106 = vector.shape_cast %reduce_sum3A_105 : vector<1xf32> to vector<1x1xf32>
    %reduce_sum3A_107 = vector.extract %reduce_sum3A_106[0, 0] : f32 from vector<1x1xf32>
    %add3A_108 = arith.addf %add3A_69, %reduce_sum3A_107 : f32
    %slice3A_109 = vector.extract_strided_slice %add3A_34 {offsets = [10], sizes = [5], strides = [1]} : vector<16xf32> to vector<5xf32>
    %broadcast_in_dim3A_110 = vector.shape_cast %slice3A_109 : vector<5xf32> to vector<5x1x1xf32>
    %slice3A_111 = vector.extract_strided_slice %add3A_34 {offsets = [11], sizes = [5], strides = [1]} : vector<16xf32> to vector<5xf32>
    %broadcast_in_dim3A_112 = vector.shape_cast %slice3A_111 : vector<5xf32> to vector<5x1x1xf32>
    %scan3A_113 = arith.constant 0 : i32
    %scan3A_114 = arith.constant 32 : i32
    %scan3A_115 = arith.addi %scan3A_113, %scan3A_114 : i32
    %scan3A_116 = arith.constant 1 : i32
    %scan3A_117:3 = scf.for %scan3A_149 = %scan3A_113 to %scan3A_115 step %scan3A_116 iter_args(%scan3A_150 = %broadcast_in_dim3A_36, %scan3A_151 = %broadcast_in_dim3A_36, %scan3A_152 = %broadcast_in_dim3A_36) -> (vector<5x8x128xf32>, vector<5x8x128xf32>, vector<5x8x128xf32>)  : i32 {
      %mul3A_153 = arith.constant 64 : i32
      %mul3A_154 = arith.muli %scan3A_149, %mul3A_153 : i32
      %add3A_155 = arith.constant 0 : i32
      %add3A_156 = arith.addi %mul3A_154, %add3A_155 : i32
      %get3A_157 = arith.index_cast %add3A_156 : i32 to index
      %get3A_158 = arith.constant 0 : index
      %get3A_159 = vector.load %arg0[%get3A_157, %get3A_158] : memref<2048x128xf32, #tpu.memory_space<vmem>>, vector<8x128xf32>
      %broadcast_in_dim3A_160 = vector.shape_cast %get3A_159 : vector<8x128xf32> to vector<1x8x128xf32>
      %mul3A_161 = arith.constant 64 : i32
      %mul3A_162 = arith.muli %scan3A_149, %mul3A_161 : i32
      %add3A_163 = arith.constant 0 : i32
      %add3A_164 = arith.addi %mul3A_162, %add3A_163 : i32
      %get3A_165 = arith.index_cast %add3A_164 : i32 to index
      %get3A_166 = arith.constant 0 : index
      %get3A_167 = vector.load %arg1[%get3A_165, %get3A_166] : memref<2048x128xf32, #tpu.memory_space<vmem>>, vector<8x128xf32>
      %broadcast_in_dim3A_168 = vector.shape_cast %get3A_167 : vector<8x128xf32> to vector<1x8x128xf32>
      %gt3A_169 = vector.broadcast %broadcast_in_dim3A_160 : vector<1x8x128xf32> to vector<5x8x128xf32>
      %gt3A_170 = vector.broadcast %broadcast_in_dim3A_110 : vector<5x1x1xf32> to vector<5x8x128xf32>
      %gt3A_171 = arith.cmpf ogt, %gt3A_169, %gt3A_170 : vector<5x8x128xf32>
      %le3A = vector.broadcast %broadcast_in_dim3A_160 : vector<1x8x128xf32> to vector<5x8x128xf32>
      %le3A_172 = vector.broadcast %broadcast_in_dim3A_112 : vector<5x1x1xf32> to vector<5x8x128xf32>
      %le3A_173 = arith.cmpf ole, %le3A, %le3A_172 : vector<5x8x128xf32>
      %and3A = arith.andi %gt3A_171, %le3A_173 : vector<5x8x128xi1>
      %convert_element_type3A = arith.extui %and3A : vector<5x8x128xi1> to vector<5x8x128xi32>
      %convert_element_type3A_174 = arith.sitofp %convert_element_type3A : vector<5x8x128xi32> to vector<5x8x128xf32>
      %add3A_175 = arith.addf %scan3A_150, %convert_element_type3A_174 : vector<5x8x128xf32>
      %jit3A_176 = arith.constant 0.000000e+00 : f32
      %broadcast_in_dim3A_177 = vector.shape_cast %broadcast_in_dim3A_168 : vector<1x8x128xf32> to vector<1x8x128xf32>
      %broadcast_in_dim3A_178 = vector.broadcast %broadcast_in_dim3A_177 : vector<1x8x128xf32> to vector<5x8x128xf32>
      %broadcast_in_dim3A_179 = vector.broadcast %jit3A_176 : f32 to vector<5x8x128xf32>
      %select_n3A_180 = arith.select %and3A, %broadcast_in_dim3A_178, %broadcast_in_dim3A_179 : vector<5x8x128xi1>, vector<5x8x128xf32>
      %add3A_181 = arith.addf %scan3A_151, %select_n3A_180 : vector<5x8x128xf32>
      %jit3A_182 = arith.constant 0.000000e+00 : f32
      %broadcast_in_dim3A_183 = vector.shape_cast %broadcast_in_dim3A_160 : vector<1x8x128xf32> to vector<1x8x128xf32>
      %broadcast_in_dim3A_184 = vector.broadcast %broadcast_in_dim3A_183 : vector<1x8x128xf32> to vector<5x8x128xf32>
      %broadcast_in_dim3A_185 = vector.broadcast %jit3A_182 : f32 to vector<5x8x128xf32>
      %select_n3A_186 = arith.select %and3A, %broadcast_in_dim3A_184, %broadcast_in_dim3A_185 : vector<5x8x128xi1>, vector<5x8x128xf32>
      %add3A_187 = arith.addf %scan3A_152, %select_n3A_186 : vector<5x8x128xf32>
      %mul3A_188 = arith.constant 64 : i32
      %mul3A_189 = arith.muli %scan3A_149, %mul3A_188 : i32
      %add3A_190 = arith.constant 8 : i32
      %add3A_191 = arith.addi %mul3A_189, %add3A_190 : i32
      %get3A_192 = arith.index_cast %add3A_191 : i32 to index
      %get3A_193 = arith.constant 0 : index
      %get3A_194 = vector.load %arg0[%get3A_192, %get3A_193] : memref<2048x128xf32, #tpu.memory_space<vmem>>, vector<8x128xf32>
      %broadcast_in_dim3A_195 = vector.shape_cast %get3A_194 : vector<8x128xf32> to vector<1x8x128xf32>
      %mul3A_196 = arith.constant 64 : i32
      %mul3A_197 = arith.muli %scan3A_149, %mul3A_196 : i32
      %add3A_198 = arith.constant 8 : i32
      %add3A_199 = arith.addi %mul3A_197, %add3A_198 : i32
      %get3A_200 = arith.index_cast %add3A_199 : i32 to index
      %get3A_201 = arith.constant 0 : index
      %get3A_202 = vector.load %arg1[%get3A_200, %get3A_201] : memref<2048x128xf32, #tpu.memory_space<vmem>>, vector<8x128xf32>
      %broadcast_in_dim3A_203 = vector.shape_cast %get3A_202 : vector<8x128xf32> to vector<1x8x128xf32>
      %gt3A_204 = vector.broadcast %broadcast_in_dim3A_195 : vector<1x8x128xf32> to vector<5x8x128xf32>
      %gt3A_205 = vector.broadcast %broadcast_in_dim3A_110 : vector<5x1x1xf32> to vector<5x8x128xf32>
      %gt3A_206 = arith.cmpf ogt, %gt3A_204, %gt3A_205 : vector<5x8x128xf32>
      %le3A_207 = vector.broadcast %broadcast_in_dim3A_195 : vector<1x8x128xf32> to vector<5x8x128xf32>
      %le3A_208 = vector.broadcast %broadcast_in_dim3A_112 : vector<5x1x1xf32> to vector<5x8x128xf32>
      %le3A_209 = arith.cmpf ole, %le3A_207, %le3A_208 : vector<5x8x128xf32>
      %and3A_210 = arith.andi %gt3A_206, %le3A_209 : vector<5x8x128xi1>
      %convert_element_type3A_211 = arith.extui %and3A_210 : vector<5x8x128xi1> to vector<5x8x128xi32>
      %convert_element_type3A_212 = arith.sitofp %convert_element_type3A_211 : vector<5x8x128xi32> to vector<5x8x128xf32>
      %add3A_213 = arith.addf %add3A_175, %convert_element_type3A_212 : vector<5x8x128xf32>
      %jit3A_214 = arith.constant 0.000000e+00 : f32
      %broadcast_in_dim3A_215 = vector.shape_cast %broadcast_in_dim3A_203 : vector<1x8x128xf32> to vector<1x8x128xf32>
      %broadcast_in_dim3A_216 = vector.broadcast %broadcast_in_dim3A_215 : vector<1x8x128xf32> to vector<5x8x128xf32>
      %broadcast_in_dim3A_217 = vector.broadcast %jit3A_214 : f32 to vector<5x8x128xf32>
      %select_n3A_218 = arith.select %and3A_210, %broadcast_in_dim3A_216, %broadcast_in_dim3A_217 : vector<5x8x128xi1>, vector<5x8x128xf32>
      %add3A_219 = arith.addf %add3A_181, %select_n3A_218 : vector<5x8x128xf32>
      %jit3A_220 = arith.constant 0.000000e+00 : f32
      %broadcast_in_dim3A_221 = vector.shape_cast %broadcast_in_dim3A_195 : vector<1x8x128xf32> to vector<1x8x128xf32>
      %broadcast_in_dim3A_222 = vector.broadcast %broadcast_in_dim3A_221 : vector<1x8x128xf32> to vector<5x8x128xf32>
      %broadcast_in_dim3A_223 = vector.broadcast %jit3A_220 : f32 to vector<5x8x128xf32>
      %select_n3A_224 = arith.select %and3A_210, %broadcast_in_dim3A_222, %broadcast_in_dim3A_223 : vector<5x8x128xi1>, vector<5x8x128xf32>
      %add3A_225 = arith.addf %add3A_187, %select_n3A_224 : vector<5x8x128xf32>
      %mul3A_226 = arith.constant 64 : i32
      %mul3A_227 = arith.muli %scan3A_149, %mul3A_226 : i32
      %add3A_228 = arith.constant 16 : i32
      %add3A_229 = arith.addi %mul3A_227, %add3A_228 : i32
      %get3A_230 = arith.index_cast %add3A_229 : i32 to index
      %get3A_231 = arith.constant 0 : index
      %get3A_232 = vector.load %arg0[%get3A_230, %get3A_231] : memref<2048x128xf32, #tpu.memory_space<vmem>>, vector<8x128xf32>
      %broadcast_in_dim3A_233 = vector.shape_cast %get3A_232 : vector<8x128xf32> to vector<1x8x128xf32>
      %mul3A_234 = arith.constant 64 : i32
      %mul3A_235 = arith.muli %scan3A_149, %mul3A_234 : i32
      %add3A_236 = arith.constant 16 : i32
      %add3A_237 = arith.addi %mul3A_235, %add3A_236 : i32
      %get3A_238 = arith.index_cast %add3A_237 : i32 to index
      %get3A_239 = arith.constant 0 : index
      %get3A_240 = vector.load %arg1[%get3A_238, %get3A_239] : memref<2048x128xf32, #tpu.memory_space<vmem>>, vector<8x128xf32>
      %broadcast_in_dim3A_241 = vector.shape_cast %get3A_240 : vector<8x128xf32> to vector<1x8x128xf32>
      %gt3A_242 = vector.broadcast %broadcast_in_dim3A_233 : vector<1x8x128xf32> to vector<5x8x128xf32>
      %gt3A_243 = vector.broadcast %broadcast_in_dim3A_110 : vector<5x1x1xf32> to vector<5x8x128xf32>
      %gt3A_244 = arith.cmpf ogt, %gt3A_242, %gt3A_243 : vector<5x8x128xf32>
      %le3A_245 = vector.broadcast %broadcast_in_dim3A_233 : vector<1x8x128xf32> to vector<5x8x128xf32>
      %le3A_246 = vector.broadcast %broadcast_in_dim3A_112 : vector<5x1x1xf32> to vector<5x8x128xf32>
      %le3A_247 = arith.cmpf ole, %le3A_245, %le3A_246 : vector<5x8x128xf32>
      %and3A_248 = arith.andi %gt3A_244, %le3A_247 : vector<5x8x128xi1>
      %convert_element_type3A_249 = arith.extui %and3A_248 : vector<5x8x128xi1> to vector<5x8x128xi32>
      %convert_element_type3A_250 = arith.sitofp %convert_element_type3A_249 : vector<5x8x128xi32> to vector<5x8x128xf32>
      %add3A_251 = arith.addf %add3A_213, %convert_element_type3A_250 : vector<5x8x128xf32>
      %jit3A_252 = arith.constant 0.000000e+00 : f32
      %broadcast_in_dim3A_253 = vector.shape_cast %broadcast_in_dim3A_241 : vector<1x8x128xf32> to vector<1x8x128xf32>
      %broadcast_in_dim3A_254 = vector.broadcast %broadcast_in_dim3A_253 : vector<1x8x128xf32> to vector<5x8x128xf32>
      %broadcast_in_dim3A_255 = vector.broadcast %jit3A_252 : f32 to vector<5x8x128xf32>
      %select_n3A_256 = arith.select %and3A_248, %broadcast_in_dim3A_254, %broadcast_in_dim3A_255 : vector<5x8x128xi1>, vector<5x8x128xf32>
      %add3A_257 = arith.addf %add3A_219, %select_n3A_256 : vector<5x8x128xf32>
      %jit3A_258 = arith.constant 0.000000e+00 : f32
      %broadcast_in_dim3A_259 = vector.shape_cast %broadcast_in_dim3A_233 : vector<1x8x128xf32> to vector<1x8x128xf32>
      %broadcast_in_dim3A_260 = vector.broadcast %broadcast_in_dim3A_259 : vector<1x8x128xf32> to vector<5x8x128xf32>
      %broadcast_in_dim3A_261 = vector.broadcast %jit3A_258 : f32 to vector<5x8x128xf32>
      %select_n3A_262 = arith.select %and3A_248, %broadcast_in_dim3A_260, %broadcast_in_dim3A_261 : vector<5x8x128xi1>, vector<5x8x128xf32>
      %add3A_263 = arith.addf %add3A_225, %select_n3A_262 : vector<5x8x128xf32>
      %mul3A_264 = arith.constant 64 : i32
      %mul3A_265 = arith.muli %scan3A_149, %mul3A_264 : i32
      %add3A_266 = arith.constant 24 : i32
      %add3A_267 = arith.addi %mul3A_265, %add3A_266 : i32
      %get3A_268 = arith.index_cast %add3A_267 : i32 to index
      %get3A_269 = arith.constant 0 : index
      %get3A_270 = vector.load %arg0[%get3A_268, %get3A_269] : memref<2048x128xf32, #tpu.memory_space<vmem>>, vector<8x128xf32>
      %broadcast_in_dim3A_271 = vector.shape_cast %get3A_270 : vector<8x128xf32> to vector<1x8x128xf32>
      %mul3A_272 = arith.constant 64 : i32
      %mul3A_273 = arith.muli %scan3A_149, %mul3A_272 : i32
      %add3A_274 = arith.constant 24 : i32
      %add3A_275 = arith.addi %mul3A_273, %add3A_274 : i32
      %get3A_276 = arith.index_cast %add3A_275 : i32 to index
      %get3A_277 = arith.constant 0 : index
      %get3A_278 = vector.load %arg1[%get3A_276, %get3A_277] : memref<2048x128xf32, #tpu.memory_space<vmem>>, vector<8x128xf32>
      %broadcast_in_dim3A_279 = vector.shape_cast %get3A_278 : vector<8x128xf32> to vector<1x8x128xf32>
      %gt3A_280 = vector.broadcast %broadcast_in_dim3A_271 : vector<1x8x128xf32> to vector<5x8x128xf32>
      %gt3A_281 = vector.broadcast %broadcast_in_dim3A_110 : vector<5x1x1xf32> to vector<5x8x128xf32>
      %gt3A_282 = arith.cmpf ogt, %gt3A_280, %gt3A_281 : vector<5x8x128xf32>
      %le3A_283 = vector.broadcast %broadcast_in_dim3A_271 : vector<1x8x128xf32> to vector<5x8x128xf32>
      %le3A_284 = vector.broadcast %broadcast_in_dim3A_112 : vector<5x1x1xf32> to vector<5x8x128xf32>
      %le3A_285 = arith.cmpf ole, %le3A_283, %le3A_284 : vector<5x8x128xf32>
      %and3A_286 = arith.andi %gt3A_282, %le3A_285 : vector<5x8x128xi1>
      %convert_element_type3A_287 = arith.extui %and3A_286 : vector<5x8x128xi1> to vector<5x8x128xi32>
      %convert_element_type3A_288 = arith.sitofp %convert_element_type3A_287 : vector<5x8x128xi32> to vector<5x8x128xf32>
      %add3A_289 = arith.addf %add3A_251, %convert_element_type3A_288 : vector<5x8x128xf32>
      %jit3A_290 = arith.constant 0.000000e+00 : f32
      %broadcast_in_dim3A_291 = vector.shape_cast %broadcast_in_dim3A_279 : vector<1x8x128xf32> to vector<1x8x128xf32>
      %broadcast_in_dim3A_292 = vector.broadcast %broadcast_in_dim3A_291 : vector<1x8x128xf32> to vector<5x8x128xf32>
      %broadcast_in_dim3A_293 = vector.broadcast %jit3A_290 : f32 to vector<5x8x128xf32>
      %select_n3A_294 = arith.select %and3A_286, %broadcast_in_dim3A_292, %broadcast_in_dim3A_293 : vector<5x8x128xi1>, vector<5x8x128xf32>
      %add3A_295 = arith.addf %add3A_257, %select_n3A_294 : vector<5x8x128xf32>
      %jit3A_296 = arith.constant 0.000000e+00 : f32
      %broadcast_in_dim3A_297 = vector.shape_cast %broadcast_in_dim3A_271 : vector<1x8x128xf32> to vector<1x8x128xf32>
      %broadcast_in_dim3A_298 = vector.broadcast %broadcast_in_dim3A_297 : vector<1x8x128xf32> to vector<5x8x128xf32>
      %broadcast_in_dim3A_299 = vector.broadcast %jit3A_296 : f32 to vector<5x8x128xf32>
      %select_n3A_300 = arith.select %and3A_286, %broadcast_in_dim3A_298, %broadcast_in_dim3A_299 : vector<5x8x128xi1>, vector<5x8x128xf32>
      %add3A_301 = arith.addf %add3A_263, %select_n3A_300 : vector<5x8x128xf32>
      %mul3A_302 = arith.constant 64 : i32
      %mul3A_303 = arith.muli %scan3A_149, %mul3A_302 : i32
      %add3A_304 = arith.constant 32 : i32
      %add3A_305 = arith.addi %mul3A_303, %add3A_304 : i32
      %get3A_306 = arith.index_cast %add3A_305 : i32 to index
      %get3A_307 = arith.constant 0 : index
      %get3A_308 = vector.load %arg0[%get3A_306, %get3A_307] : memref<2048x128xf32, #tpu.memory_space<vmem>>, vector<8x128xf32>
      %broadcast_in_dim3A_309 = vector.shape_cast %get3A_308 : vector<8x128xf32> to vector<1x8x128xf32>
      %mul3A_310 = arith.constant 64 : i32
      %mul3A_311 = arith.muli %scan3A_149, %mul3A_310 : i32
      %add3A_312 = arith.constant 32 : i32
      %add3A_313 = arith.addi %mul3A_311, %add3A_312 : i32
      %get3A_314 = arith.index_cast %add3A_313 : i32 to index
      %get3A_315 = arith.constant 0 : index
      %get3A_316 = vector.load %arg1[%get3A_314, %get3A_315] : memref<2048x128xf32, #tpu.memory_space<vmem>>, vector<8x128xf32>
      %broadcast_in_dim3A_317 = vector.shape_cast %get3A_316 : vector<8x128xf32> to vector<1x8x128xf32>
      %gt3A_318 = vector.broadcast %broadcast_in_dim3A_309 : vector<1x8x128xf32> to vector<5x8x128xf32>
      %gt3A_319 = vector.broadcast %broadcast_in_dim3A_110 : vector<5x1x1xf32> to vector<5x8x128xf32>
      %gt3A_320 = arith.cmpf ogt, %gt3A_318, %gt3A_319 : vector<5x8x128xf32>
      %le3A_321 = vector.broadcast %broadcast_in_dim3A_309 : vector<1x8x128xf32> to vector<5x8x128xf32>
      %le3A_322 = vector.broadcast %broadcast_in_dim3A_112 : vector<5x1x1xf32> to vector<5x8x128xf32>
      %le3A_323 = arith.cmpf ole, %le3A_321, %le3A_322 : vector<5x8x128xf32>
      %and3A_324 = arith.andi %gt3A_320, %le3A_323 : vector<5x8x128xi1>
      %convert_element_type3A_325 = arith.extui %and3A_324 : vector<5x8x128xi1> to vector<5x8x128xi32>
      %convert_element_type3A_326 = arith.sitofp %convert_element_type3A_325 : vector<5x8x128xi32> to vector<5x8x128xf32>
      %add3A_327 = arith.addf %add3A_289, %convert_element_type3A_326 : vector<5x8x128xf32>
      %jit3A_328 = arith.constant 0.000000e+00 : f32
      %broadcast_in_dim3A_329 = vector.shape_cast %broadcast_in_dim3A_317 : vector<1x8x128xf32> to vector<1x8x128xf32>
      %broadcast_in_dim3A_330 = vector.broadcast %broadcast_in_dim3A_329 : vector<1x8x128xf32> to vector<5x8x128xf32>
      %broadcast_in_dim3A_331 = vector.broadcast %jit3A_328 : f32 to vector<5x8x128xf32>
      %select_n3A_332 = arith.select %and3A_324, %broadcast_in_dim3A_330, %broadcast_in_dim3A_331 : vector<5x8x128xi1>, vector<5x8x128xf32>
      %add3A_333 = arith.addf %add3A_295, %select_n3A_332 : vector<5x8x128xf32>
      %jit3A_334 = arith.constant 0.000000e+00 : f32
      %broadcast_in_dim3A_335 = vector.shape_cast %broadcast_in_dim3A_309 : vector<1x8x128xf32> to vector<1x8x128xf32>
      %broadcast_in_dim3A_336 = vector.broadcast %broadcast_in_dim3A_335 : vector<1x8x128xf32> to vector<5x8x128xf32>
      %broadcast_in_dim3A_337 = vector.broadcast %jit3A_334 : f32 to vector<5x8x128xf32>
      %select_n3A_338 = arith.select %and3A_324, %broadcast_in_dim3A_336, %broadcast_in_dim3A_337 : vector<5x8x128xi1>, vector<5x8x128xf32>
      %add3A_339 = arith.addf %add3A_301, %select_n3A_338 : vector<5x8x128xf32>
      %mul3A_340 = arith.constant 64 : i32
      %mul3A_341 = arith.muli %scan3A_149, %mul3A_340 : i32
      %add3A_342 = arith.constant 40 : i32
      %add3A_343 = arith.addi %mul3A_341, %add3A_342 : i32
      %get3A_344 = arith.index_cast %add3A_343 : i32 to index
      %get3A_345 = arith.constant 0 : index
      %get3A_346 = vector.load %arg0[%get3A_344, %get3A_345] : memref<2048x128xf32, #tpu.memory_space<vmem>>, vector<8x128xf32>
      %broadcast_in_dim3A_347 = vector.shape_cast %get3A_346 : vector<8x128xf32> to vector<1x8x128xf32>
      %mul3A_348 = arith.constant 64 : i32
      %mul3A_349 = arith.muli %scan3A_149, %mul3A_348 : i32
      %add3A_350 = arith.constant 40 : i32
      %add3A_351 = arith.addi %mul3A_349, %add3A_350 : i32
      %get3A_352 = arith.index_cast %add3A_351 : i32 to index
      %get3A_353 = arith.constant 0 : index
      %get3A_354 = vector.load %arg1[%get3A_352, %get3A_353] : memref<2048x128xf32, #tpu.memory_space<vmem>>, vector<8x128xf32>
      %broadcast_in_dim3A_355 = vector.shape_cast %get3A_354 : vector<8x128xf32> to vector<1x8x128xf32>
      %gt3A_356 = vector.broadcast %broadcast_in_dim3A_347 : vector<1x8x128xf32> to vector<5x8x128xf32>
      %gt3A_357 = vector.broadcast %broadcast_in_dim3A_110 : vector<5x1x1xf32> to vector<5x8x128xf32>
      %gt3A_358 = arith.cmpf ogt, %gt3A_356, %gt3A_357 : vector<5x8x128xf32>
      %le3A_359 = vector.broadcast %broadcast_in_dim3A_347 : vector<1x8x128xf32> to vector<5x8x128xf32>
      %le3A_360 = vector.broadcast %broadcast_in_dim3A_112 : vector<5x1x1xf32> to vector<5x8x128xf32>
      %le3A_361 = arith.cmpf ole, %le3A_359, %le3A_360 : vector<5x8x128xf32>
      %and3A_362 = arith.andi %gt3A_358, %le3A_361 : vector<5x8x128xi1>
      %convert_element_type3A_363 = arith.extui %and3A_362 : vector<5x8x128xi1> to vector<5x8x128xi32>
      %convert_element_type3A_364 = arith.sitofp %convert_element_type3A_363 : vector<5x8x128xi32> to vector<5x8x128xf32>
      %add3A_365 = arith.addf %add3A_327, %convert_element_type3A_364 : vector<5x8x128xf32>
      %jit3A_366 = arith.constant 0.000000e+00 : f32
      %broadcast_in_dim3A_367 = vector.shape_cast %broadcast_in_dim3A_355 : vector<1x8x128xf32> to vector<1x8x128xf32>
      %broadcast_in_dim3A_368 = vector.broadcast %broadcast_in_dim3A_367 : vector<1x8x128xf32> to vector<5x8x128xf32>
      %broadcast_in_dim3A_369 = vector.broadcast %jit3A_366 : f32 to vector<5x8x128xf32>
      %select_n3A_370 = arith.select %and3A_362, %broadcast_in_dim3A_368, %broadcast_in_dim3A_369 : vector<5x8x128xi1>, vector<5x8x128xf32>
      %add3A_371 = arith.addf %add3A_333, %select_n3A_370 : vector<5x8x128xf32>
      %jit3A_372 = arith.constant 0.000000e+00 : f32
      %broadcast_in_dim3A_373 = vector.shape_cast %broadcast_in_dim3A_347 : vector<1x8x128xf32> to vector<1x8x128xf32>
      %broadcast_in_dim3A_374 = vector.broadcast %broadcast_in_dim3A_373 : vector<1x8x128xf32> to vector<5x8x128xf32>
      %broadcast_in_dim3A_375 = vector.broadcast %jit3A_372 : f32 to vector<5x8x128xf32>
      %select_n3A_376 = arith.select %and3A_362, %broadcast_in_dim3A_374, %broadcast_in_dim3A_375 : vector<5x8x128xi1>, vector<5x8x128xf32>
      %add3A_377 = arith.addf %add3A_339, %select_n3A_376 : vector<5x8x128xf32>
      %mul3A_378 = arith.constant 64 : i32
      %mul3A_379 = arith.muli %scan3A_149, %mul3A_378 : i32
      %add3A_380 = arith.constant 48 : i32
      %add3A_381 = arith.addi %mul3A_379, %add3A_380 : i32
      %get3A_382 = arith.index_cast %add3A_381 : i32 to index
      %get3A_383 = arith.constant 0 : index
      %get3A_384 = vector.load %arg0[%get3A_382, %get3A_383] : memref<2048x128xf32, #tpu.memory_space<vmem>>, vector<8x128xf32>
      %broadcast_in_dim3A_385 = vector.shape_cast %get3A_384 : vector<8x128xf32> to vector<1x8x128xf32>
      %mul3A_386 = arith.constant 64 : i32
      %mul3A_387 = arith.muli %scan3A_149, %mul3A_386 : i32
      %add3A_388 = arith.constant 48 : i32
      %add3A_389 = arith.addi %mul3A_387, %add3A_388 : i32
      %get3A_390 = arith.index_cast %add3A_389 : i32 to index
      %get3A_391 = arith.constant 0 : index
      %get3A_392 = vector.load %arg1[%get3A_390, %get3A_391] : memref<2048x128xf32, #tpu.memory_space<vmem>>, vector<8x128xf32>
      %broadcast_in_dim3A_393 = vector.shape_cast %get3A_392 : vector<8x128xf32> to vector<1x8x128xf32>
      %gt3A_394 = vector.broadcast %broadcast_in_dim3A_385 : vector<1x8x128xf32> to vector<5x8x128xf32>
      %gt3A_395 = vector.broadcast %broadcast_in_dim3A_110 : vector<5x1x1xf32> to vector<5x8x128xf32>
      %gt3A_396 = arith.cmpf ogt, %gt3A_394, %gt3A_395 : vector<5x8x128xf32>
      %le3A_397 = vector.broadcast %broadcast_in_dim3A_385 : vector<1x8x128xf32> to vector<5x8x128xf32>
      %le3A_398 = vector.broadcast %broadcast_in_dim3A_112 : vector<5x1x1xf32> to vector<5x8x128xf32>
      %le3A_399 = arith.cmpf ole, %le3A_397, %le3A_398 : vector<5x8x128xf32>
      %and3A_400 = arith.andi %gt3A_396, %le3A_399 : vector<5x8x128xi1>
      %convert_element_type3A_401 = arith.extui %and3A_400 : vector<5x8x128xi1> to vector<5x8x128xi32>
      %convert_element_type3A_402 = arith.sitofp %convert_element_type3A_401 : vector<5x8x128xi32> to vector<5x8x128xf32>
      %add3A_403 = arith.addf %add3A_365, %convert_element_type3A_402 : vector<5x8x128xf32>
      %jit3A_404 = arith.constant 0.000000e+00 : f32
      %broadcast_in_dim3A_405 = vector.shape_cast %broadcast_in_dim3A_393 : vector<1x8x128xf32> to vector<1x8x128xf32>
      %broadcast_in_dim3A_406 = vector.broadcast %broadcast_in_dim3A_405 : vector<1x8x128xf32> to vector<5x8x128xf32>
      %broadcast_in_dim3A_407 = vector.broadcast %jit3A_404 : f32 to vector<5x8x128xf32>
      %select_n3A_408 = arith.select %and3A_400, %broadcast_in_dim3A_406, %broadcast_in_dim3A_407 : vector<5x8x128xi1>, vector<5x8x128xf32>
      %add3A_409 = arith.addf %add3A_371, %select_n3A_408 : vector<5x8x128xf32>
      %jit3A_410 = arith.constant 0.000000e+00 : f32
      %broadcast_in_dim3A_411 = vector.shape_cast %broadcast_in_dim3A_385 : vector<1x8x128xf32> to vector<1x8x128xf32>
      %broadcast_in_dim3A_412 = vector.broadcast %broadcast_in_dim3A_411 : vector<1x8x128xf32> to vector<5x8x128xf32>
      %broadcast_in_dim3A_413 = vector.broadcast %jit3A_410 : f32 to vector<5x8x128xf32>
      %select_n3A_414 = arith.select %and3A_400, %broadcast_in_dim3A_412, %broadcast_in_dim3A_413 : vector<5x8x128xi1>, vector<5x8x128xf32>
      %add3A_415 = arith.addf %add3A_377, %select_n3A_414 : vector<5x8x128xf32>
      %mul3A_416 = arith.constant 64 : i32
      %mul3A_417 = arith.muli %scan3A_149, %mul3A_416 : i32
      %add3A_418 = arith.constant 56 : i32
      %add3A_419 = arith.addi %mul3A_417, %add3A_418 : i32
      %get3A_420 = arith.index_cast %add3A_419 : i32 to index
      %get3A_421 = arith.constant 0 : index
      %get3A_422 = vector.load %arg0[%get3A_420, %get3A_421] : memref<2048x128xf32, #tpu.memory_space<vmem>>, vector<8x128xf32>
      %broadcast_in_dim3A_423 = vector.shape_cast %get3A_422 : vector<8x128xf32> to vector<1x8x128xf32>
      %mul3A_424 = arith.constant 64 : i32
      %mul3A_425 = arith.muli %scan3A_149, %mul3A_424 : i32
      %add3A_426 = arith.constant 56 : i32
      %add3A_427 = arith.addi %mul3A_425, %add3A_426 : i32
      %get3A_428 = arith.index_cast %add3A_427 : i32 to index
      %get3A_429 = arith.constant 0 : index
      %get3A_430 = vector.load %arg1[%get3A_428, %get3A_429] : memref<2048x128xf32, #tpu.memory_space<vmem>>, vector<8x128xf32>
      %broadcast_in_dim3A_431 = vector.shape_cast %get3A_430 : vector<8x128xf32> to vector<1x8x128xf32>
      %gt3A_432 = vector.broadcast %broadcast_in_dim3A_423 : vector<1x8x128xf32> to vector<5x8x128xf32>
      %gt3A_433 = vector.broadcast %broadcast_in_dim3A_110 : vector<5x1x1xf32> to vector<5x8x128xf32>
      %gt3A_434 = arith.cmpf ogt, %gt3A_432, %gt3A_433 : vector<5x8x128xf32>
      %le3A_435 = vector.broadcast %broadcast_in_dim3A_423 : vector<1x8x128xf32> to vector<5x8x128xf32>
      %le3A_436 = vector.broadcast %broadcast_in_dim3A_112 : vector<5x1x1xf32> to vector<5x8x128xf32>
      %le3A_437 = arith.cmpf ole, %le3A_435, %le3A_436 : vector<5x8x128xf32>
      %and3A_438 = arith.andi %gt3A_434, %le3A_437 : vector<5x8x128xi1>
      %convert_element_type3A_439 = arith.extui %and3A_438 : vector<5x8x128xi1> to vector<5x8x128xi32>
      %convert_element_type3A_440 = arith.sitofp %convert_element_type3A_439 : vector<5x8x128xi32> to vector<5x8x128xf32>
      %add3A_441 = arith.addf %add3A_403, %convert_element_type3A_440 : vector<5x8x128xf32>
      %jit3A_442 = arith.constant 0.000000e+00 : f32
      %broadcast_in_dim3A_443 = vector.shape_cast %broadcast_in_dim3A_431 : vector<1x8x128xf32> to vector<1x8x128xf32>
      %broadcast_in_dim3A_444 = vector.broadcast %broadcast_in_dim3A_443 : vector<1x8x128xf32> to vector<5x8x128xf32>
      %broadcast_in_dim3A_445 = vector.broadcast %jit3A_442 : f32 to vector<5x8x128xf32>
      %select_n3A_446 = arith.select %and3A_438, %broadcast_in_dim3A_444, %broadcast_in_dim3A_445 : vector<5x8x128xi1>, vector<5x8x128xf32>
      %add3A_447 = arith.addf %add3A_409, %select_n3A_446 : vector<5x8x128xf32>
      %jit3A_448 = arith.constant 0.000000e+00 : f32
      %broadcast_in_dim3A_449 = vector.shape_cast %broadcast_in_dim3A_423 : vector<1x8x128xf32> to vector<1x8x128xf32>
      %broadcast_in_dim3A_450 = vector.broadcast %broadcast_in_dim3A_449 : vector<1x8x128xf32> to vector<5x8x128xf32>
      %broadcast_in_dim3A_451 = vector.broadcast %jit3A_448 : f32 to vector<5x8x128xf32>
      %select_n3A_452 = arith.select %and3A_438, %broadcast_in_dim3A_450, %broadcast_in_dim3A_451 : vector<5x8x128xi1>, vector<5x8x128xf32>
      %add3A_453 = arith.addf %add3A_415, %select_n3A_452 : vector<5x8x128xf32>
      scf.yield %add3A_441, %add3A_447, %add3A_453 : vector<5x8x128xf32>, vector<5x8x128xf32>, vector<5x8x128xf32>
    }
    %scan3A_118 = arith.constant 32 : i32
    %reduce_sum3A_119 = arith.constant dense<0.000000e+00> : vector<5xf32>
    %reduce_sum3A_120 = vector.multi_reduction <add>, %scan3A_117#0, %reduce_sum3A_119 [1, 2] : vector<5x8x128xf32> to vector<5xf32>
    %reduce_sum3A_121 = arith.constant dense<0.000000e+00> : vector<5xf32>
    %reduce_sum3A_122 = vector.multi_reduction <add>, %scan3A_117#1, %reduce_sum3A_121 [1, 2] : vector<5x8x128xf32> to vector<5xf32>
    %reduce_sum3A_123 = arith.constant dense<0.000000e+00> : vector<5xf32>
    %reduce_sum3A_124 = vector.multi_reduction <add>, %scan3A_117#2, %reduce_sum3A_123 [1, 2] : vector<5x8x128xf32> to vector<5xf32>
    %div3A_125 = arith.constant 2.621440e+05 : f32
    %div3A_126 = vector.broadcast %div3A_125 : f32 to vector<5xf32>
    %div3A_127 = arith.divf %reduce_sum3A_120, %div3A_126 : vector<5xf32>
    %max3A_128 = arith.constant 1.000000e+00 : f32
    %max3A_129 = vector.broadcast %max3A_128 : f32 to vector<5xf32>
    %max3A_130 = arith.maximumf %reduce_sum3A_120, %max3A_129 : vector<5xf32>
    %div3A_131 = arith.divf %reduce_sum3A_124, %max3A_130 : vector<5xf32>
    %div3A_132 = arith.divf %reduce_sum3A_122, %max3A_130 : vector<5xf32>
    %sub3A_133 = arith.subf %div3A_131, %div3A_132 : vector<5xf32>
    %abs3A_134 = math.absf %sub3A_133 : vector<5xf32>
    %mul3A_135 = arith.mulf %abs3A_134, %div3A_127 : vector<5xf32>
    %gt3A_136 = arith.constant 0.000000e+00 : f32
    %gt3A_137 = vector.broadcast %gt3A_136 : f32 to vector<5xf32>
    %gt3A_138 = arith.cmpf ogt, %div3A_127, %gt3A_137 : vector<5xf32>
    %jit3A_139 = arith.constant 0.000000e+00 : f32
    %broadcast_in_dim3A_140 = vector.broadcast %jit3A_139 : f32 to vector<5xf32>
    %select_n3A_141 = arith.select %gt3A_138, %mul3A_135, %broadcast_in_dim3A_140 : vector<5xi1>, vector<5xf32>
    %reduce_sum3A_142 = vector.shape_cast %select_n3A_141 : vector<5xf32> to vector<1x5xf32>
    %reduce_sum3A_143 = arith.constant dense<0.000000e+00> : vector<1xf32>
    %reduce_sum3A_144 = vector.multi_reduction <add>, %reduce_sum3A_142, %reduce_sum3A_143 [1] : vector<1x5xf32> to vector<1xf32>
    %reduce_sum3A_145 = vector.shape_cast %reduce_sum3A_144 : vector<1xf32> to vector<1x1xf32>
    %reduce_sum3A_146 = vector.extract %reduce_sum3A_145[0, 0] : f32 from vector<1x1xf32>
    %add3A_147 = arith.addf %add3A_108, %reduce_sum3A_146 : f32
    %swap3A = arith.constant 0 : index
    %swap3A_148 = memref.load %arg5[%swap3A] : memref<1xf32, #tpu.memory_space<smem>>
    memref.store %add3A_147, %arg5[%swap3A] : memref<1xf32, #tpu.memory_space<smem>>
    return
  }
}

</mosaic_0001>

<sc_bundles>
// kernel: kernel.5.cloned.1.call-start
scs
__scs_entry_jumppad:
0x0: {  	(pc) =	sbr.rel $0x88, $3  }
0x1: {  	(tag) =	ssettag $0x0;
	lr =	simm.s32 $0x1  }
0x2: {  	[smem:$0x3F9F] =	sst lr;
	_ =	strace $0xD0000000  }
0x3: {  	_ = 	snop  }
0x4: {  	_ = 	snop  }
0x5: {  	_ = 	snop  }
0x6: {  	_ = 	snop  }
0x7: {  	_ = 	snop  }
__scs_overlays_trampoline_lowered:
0x8: {  	[smem:$0x3FAE] =	sst s0  }
0x9: {  	[smem:$0x3FAF] =	sst s1  }
0xa: {  	[smem:$0x3FB0] =	sst s2  }
0xb: {  	[smem:$0x3FB1] =	sst s3  }
0xc: {  	[smem:$0x3FB2] =	sst s4  }
0xd: {  	[smem:$0x3FB3] =	sst s5  }
0xe: {  	[smem:$0x3FB4] =	sst s6  }
0xf: {  	[smem:$0x3FB5] =	sst s7  }
0x10: {  	[smem:$0x3FB6] =	sst s8  }
0x11: {  	[smem:$0x3FB7] =	sst s9;
	s0 =	simm.s32 @!p0 $0x0  }
0x12: {  	s1 =	sld [smem:$0x3F9D];
	s0 =	simm.s32 @p0 $0x1  }
0x13: {  	[smem:$0x3FB8] =	sst s0;
	s0 =	simm.s32 @!p1 $0x0  }
0x14: {  	s2 =	sld [smem:$0x3F9C];
	s0 =	simm.s32 @p1 $0x1  }
0x15: {  	[smem:$0x3FB9] =	sst s0;
	s0 =	simm.s32 @!p2 $0x0  }
0x16: {  	s3 =	sld [smem:$0x3FDB];
	s0 =	simm.s32 @p2 $0x1  }
0x17: {  	s4 =	simm.s32 $0x1BF5;
	[smem:$0x3FBB] =	sst s0  }
0x18: {  	s0 =	sld [smem:$0x3F9E];
	_ =	swait.ge [sflag:s4], $0x0  }
0x19: {  	s7 =	sld [smem:$0x3F9F]  }
0x1a: {  	s8 =	sadd.s32 $0xFFFFE003, lr  }
0x1b: {  	s9 =	sadd.s32 $0xFFFFFEF7, lr;
	s5 =	simm.s32 $0xFFFFFFFF;
	p2 =	slt.u32 s8, $0xFFFFF086  }
0x1c: {  	p1 =	slt.u32 s9, $0xF7A;
	s5 =	simm.s32 @!p2 $0x0  }
0x1d: {  	s5 =	simm.s32 @p1 $0x1;
	p0 =	seq.s32 s7, s2  }
0x1e: {  	s7 =	smul.u32 @!p0 $0xF7A, s2;
	p2 =	seq.s32 @!p0 s5, $0x0  }
0x1f: {  	s9 =	smul.u32 $0xF7A, s1;
	s8 =	simm.s32 @!p0 $0x1BF5;
	p2 =	por !p2, p0  }
0x20: {  	[sflag:s8] =	ssyncset.s32 @!p0 $0xFFFFF086;
	s6 =	sadd.s32 @!p0 s3, s7;
	s7 =	simm.s32 @!p0 $0x108  }
0x21: {  	s3 =	sadd.s32 s3, s9;
	s6 =	sadd.s32 @!p0 $0x88, s6;
	s7 =	simm.s32 @p2 $0x1082  }
0x22: {  	[simem:s7], [sflag:s8] =	dma.local @!p0 [hbm:s6], $0xF7A  }
0x23: {  	s9 =	sor.u32 $0xD0000000, s2;
	s6 =	simm.s32 $0x108;
	_ =	swait.ge @!p0 [sflag:s8], $0x0  }
0x24: {  	s3 =	sadd.s32 $0x88, s3;
	s6 =	simm.s32 @!p1 $0x1082;
	[sflag:s4] =	ssyncset.s32 $0xFFFFF086  }
0x25: {  	[simem:s6], [sflag:s4] =	dma.local [hbm:s3], $0xF7A  }
0x26: {  	[smem:$0x3F9F] =	sst s1;
	(tag) =	ssettag s2;
	_ =	strace s9  }
0x27: {  	s1 =	sld [smem:$0x3FAF]  }
0x28: {  	s2 =	sld [smem:$0x3FB0]  }
0x29: {  	s4 =	sld [smem:$0x3FB2]  }
0x2a: {  	p0 =	seq.s32 s5, $0x0;
	s5 =	sld [smem:$0x3FB3]  }
0x2b: {  	s6 =	sld [smem:$0x3FB4]  }
0x2c: {  	s7 =	sld [smem:$0x3FB5]  }
0x2d: {  	s3 =	simm.s32 $0x108;
	s8 =	sld [smem:$0x3FB6]  }
0x2e: {  	s3 =	simm.s32 @!p0 $0x1082;
	s9 =	sld [smem:$0x3FB7]  }
0x2f: {  	lr =	sadd.s32 s0, s3;
	s0 =	sld [smem:$0x3FAE]  }
0x30: {  	s3 =	sld [smem:$0x3FB1]  }
0x31: {  	[smem:$0x3FBA] =	sst s10  }
0x32: {  	s10 =	sld [smem:$0x3FB8];
	_ =	sdelay $0x3  }
0x33: {  	p0 =	seq.s32 s10, $0x1;
	s10 =	sld [smem:$0x3FBA];
	_ =	sdelay $0x3  }
0x34: {  	[smem:$0x3FBA] =	sst s10  }
0x35: {  	s10 =	sld [smem:$0x3FB9];
	_ =	sdelay $0x3  }
0x36: {  	p1 =	seq.s32 s10, $0x1;
	s10 =	sld [smem:$0x3FBA];
	_ =	sdelay $0x3  }
0x37: {  	[smem:$0x3FBA] =	sst s10  }
0x38: {  	s10 =	sld [smem:$0x3FBB]  }
0x39: {  	_ = 	snop;
	(pc) =	sbr.ind lr, $3  }
0x3a: {  	_ = 	snop  }
0x3b: {  	_ = 	snop  }
0x3c: {  	p2 =	seq.s32 s10, $0x1;
	s10 =	sld [smem:$0x3FBA]  }
0x3d: {  	_ =	shalt  }
0x3e: {  	_ =	shalt  }
0x3f: {  	_ =	shalt  }
0x40: {  	_ =	shalt  }
0x41: {  	_ =	shalt  }
0x42: {  	_ =	shalt  }
0x43: {  	_ =	shalt  }
0x44: {  	_ =	shalt  }
0x45: {  	_ =	shalt  }
0x46: {  	_ =	shalt  }
0x47: {  	_ =	shalt  }
0x48: {  	_ =	shalt  }
0x49: {  	_ =	shalt  }
0x4a: {  	_ =	shalt  }
0x4b: {  	_ =	shalt  }
0x4c: {  	_ =	shalt  }
0x4d: {  	_ =	shalt  }
0x4e: {  	_ =	shalt  }
0x4f: {  	_ =	shalt  }
0x50: {  	_ =	shalt  }
0x51: {  	_ =	shalt  }
0x52: {  	_ =	shalt  }
0x53: {  	_ =	shalt  }
0x54: {  	_ =	shalt  }
0x55: {  	_ =	shalt  }
0x56: {  	_ =	shalt  }
0x57: {  	_ =	shalt  }
0x58: {  	_ =	shalt  }
0x59: {  	_ =	shalt  }
0x5a: {  	_ =	shalt  }
0x5b: {  	_ =	shalt  }
0x5c: {  	_ =	shalt  }
0x5d: {  	_ =	shalt  }
0x5e: {  	_ =	shalt  }
0x5f: {  	_ =	shalt  }
0x60: {  	_ =	shalt  }
0x61: {  	_ =	shalt  }
0x62: {  	_ =	shalt  }
0x63: {  	_ =	shalt  }
0x64: {  	_ =	shalt  }
0x65: {  	_ =	shalt  }
0x66: {  	_ =	shalt  }
0x67: {  	_ =	shalt  }
0x68: {  	_ =	shalt  }
0x69: {  	_ =	shalt  }
0x6a: {  	_ =	shalt  }
0x6b: {  	_ =	shalt  }
0x6c: {  	_ =	shalt  }
0x6d: {  	_ =	shalt  }
0x6e: {  	_ =	shalt  }
0x6f: {  	_ =	shalt  }
0x70: {  	_ =	shalt  }
0x71: {  	_ =	shalt  }
0x72: {  	_ =	shalt  }
0x73: {  	_ =	shalt  }
0x74: {  	_ =	shalt  }
0x75: {  	_ =	shalt  }
0x76: {  	_ =	shalt  }
0x77: {  	_ =	shalt  }
0x78: {  	_ =	shalt  }
0x79: {  	_ =	shalt  }
0x7a: {  	_ =	shalt  }
0x7b: {  	_ =	shalt  }
0x7c: {  	_ =	shalt  }
0x7d: {  	_ =	shalt  }
0x7e: {  	_ =	shalt  }
0x7f: {  	_ =	shalt  }
0x80: {  	_ =	shalt  }
0x81: {  	_ =	shalt  }
0x82: {  	_ =	shalt  }
0x83: {  	_ =	shalt  }
0x84: {  	_ =	shalt  }
0x85: {  	_ =	shalt  }
0x86: {  	_ =	shalt  }
0x87: {  	_ =	shalt  }
.Lfunc_end0:
.L_simem_size_0:
called_computation_lowered:
.L_overlay_start_0:
0x88: {  	s0 =	sld [smem:$0x3FD9]  }
0x89: {  	s1 =	sld [smem:$0x3FFE];
	_ =	sdelay $0x3  }
0x8a: {  	s0 =	sadd.s32 s1, s0  }
0x8b: {  	[smem:$0x3FC6] =	sst s0  }
0x8c: {  	_ = 	snop  }
0x8d: {  	(tm) =	ssettm $0x1  }
0x8e: {  	s15 =	sld [smem:$0x3FFB];
	_ =	sdelay $0x3  }
0x8f: {  	_ =	strace s15  }
0x90: {  	s0 =	sld [smem:$0x3FFC];
	_ =	sdelay $0x3  }
0x91: {  	_ =	strace s0  }
0x92: {  	s0 =	sld [smem:$0x3FFD];
	_ =	sdelay $0x3  }
0x93: {  	_ =	strace s0  }
0x94: {  	_ =	strace $0x8FFFFFFF  }
0x95: {  	s16 =	sld [smem:$0x3FDB];
	_ =	sdelay $0x1  }
0x96: {  	s17 =	simm.s32 $_scs_section_size  }
0x97: {  	s2 =	simm.s32 $_size__tile_overlayer_lowered;
	s3 =	simm.s32 $_tile_overlayer_lowered  }
0x98: {  	s20 =	simm.s32 $0x1BFF;
	s19 =	sshll.u32 s3, $0x1;
	s0 =	sadd.s32 s17, s16  }
0x99: {  	s4 =	simm.s32 $0x0;
	s18 =	sshll.u32 s2, $0x1;
	s2 =	sadd.s32 s19, s0  }
0x9a: {  	[timem:s4], [sflag:s20] =	dma.local [hbm:s2], s18  }
0x9b: {  	_ =	swait.ge [sflag:s20], s18  }
0x9c: {  	s1 =	ssub.s32 $0x0, s18;
	[sflag:s20] =	ssyncset.done $0x0  }
0x9d: {  	[sflag:s20] =	ssyncadd.s32 s1;
	_ =	sdelay $0x1  }
0x9e: {  	s21 =	simm.s32 $0x1B8B  }
0x9f: {  	_ =	swait.ge [sflag:s21], $0x1  }
0xa0: {  	[sflag:s21] =	ssyncset.done $0x0  }
0xa1: {  	s23 =	simm.s32 $0x1B8E;
	s22 =	sld [smem:$0x3FFE];
	[sflag:s21] =	ssyncadd.s32 $0xFFFFFFFF  }
0xa2: {  	s24 =	simm.s32 $execute0_lowered;
	[smem:$0x3FD2] =	sst s23  }
0xa3: {  	s2 =	sshll.u32 s24, $0x1;
	_ =	strace $0x80000046;
	[dreg:$0x1] =	wrdreg $0xFFFFFFFF  }
0xa4: {  	s25 =	simm.s32 $_size_execute0_lowered;
	s0 =	sadd.s32 s0, s2;
	[dreg:$0x0] =	wrdreg $0x0  }
0xa5: {  	s2 =	sshll.u32 s25, $0x1;
	[dreg:$0x2] =	wrdreg s0  }
0xa6: {  	[dreg:$0x3] =	wrdreg s2  }
0xa7: {  	[dreg:$0x4] =	wrdreg $0xC0  }
0xa8: {  	_ =	task [dreg:s4], $0x5FFFF  }
0xa9: {  	[dreg:$0x1] =	wrdreg $0xFFFFFFFF  }
0xaa: {  	[dreg:$0x0] =	wrdreg $0x60  }
0xab: {  	[dreg:$0x2] =	wrdreg s22  }
0xac: {  	[dreg:$0x3] =	wrdreg $0x84800  }
0xad: {  	[dreg:$0x4] =	wrdreg $0x9  }
0xae: {  	_ =	task.clear_ibuf [dreg:s4], $0x5FFFF;
	_ =	strace $0x90000046  }
0xaf: {  	s26 =	simm.s32 $0x9;
	_ =	strace $0x80000048  }
0xb0: {  	_ =	swait.ge [sflag:s26], $0x1  }
0xb1: {  	[sflag:s26] =	ssyncadd.s32 $0xFFFFFFFF  }
0xb2: {  	_ =	strace $0x90000048  }
0xb3: {  	_ =	sfence  }
0xb4: {  	s28 =	sld [smem:$0x0];
	_ =	sdelay $0x1  }
0xb5: {  	s29 =	srdreg.scid  }
0xb6: {  	s30 =	sshll.u32 s29, $0xD;
	s31 =	sshrl.u32 s29, $0x2  }
0xb7: {  	s1 =	sand.u32 $0x1, s29;
	s2 =	sand.u32 $0x4000, s30;
	s0 =	sadd.s32 s31, s28  }
0xb8: {  	s1 =	sor.u32 s2, s1;
	s0 =	sshll.u32 s0, $0x11  }
0xb9: {  	s0 =	sor.u32 s0, s1  }
0xba: {  	s0 =	sadd.s32 $0x8F2B, s0  }
0xbb: {  	[sflag:s0] =	ssyncadd.remote.s32 $0x1  }
0xbc: {  	_ =	sfence.sel $0xFFFF  }
0xbd: {  	[dreg:$0x0] =	wrdreg $0xFFFFFFFF;
	(pc) =	sbr.abs _section_cstart, $3  }
0xbe: {  	[dreg:$0x1] =	wrdreg $0xFFFFFFFF  }
0xbf: {  	_ =	task.clear_ibuf [dreg:s4], $0x2FFFF;
	_ =	strace $0x9FFFFFFF  }
0xc0: {  	(tm) =	ssettm $0x7FFFFFFF  }
0xc1: {  	_ =	shalt  }
tec
execute0_lowered:
.L_overlay_start_1:
0x0: {  	(tag) =	ssettag $0x1  }
0x1: {  	s4 =	rddreg [dreg:$0x0]  }
0x2: {  	s1 =	rddreg [dreg:$0x1];
	s5 =	simm.s32 $0x0  }
0x3: {  	v0 =	vimm.s32 $0x0;
	[smem:$0x7FF] =	sst s5  }
0x4: {  	s0 =	rddreg [dreg:$0x2];
	_ =	strace $0x80000047;
	[tilespmem:$0x8080] =	vst v0  }
0x5: {  	[tilespmem:$0x8090] =	vst v0  }
0x6: {  	[tilespmem:$0x80A0] =	vst v0  }
0x7: {  	[tilespmem:$0x80B0] =	vst v0  }
0x8: {  	[tilespmem:$0x80C0] =	vst v0  }
0x9: {  	[tilespmem:$0x80D0] =	vst v0  }
0xa: {  	[tilespmem:$0x80E0] =	vst v0  }
0xb: {  	[tilespmem:$0x80F0] =	vst v0  }
0xc: {  	[tilespmem:$0x8100] =	vst v0  }
0xd: {  	[tilespmem:$0x8110] =	vst v0  }
0xe: {  	[tilespmem:$0x8120] =	vst v0  }
0xf: {  	[tilespmem:$0x8130] =	vst v0  }
0x10: {  	[tilespmem:$0x8140] =	vst v0  }
0x11: {  	[tilespmem:$0x8150] =	vst v0  }
0x12: {  	[tilespmem:$0x8160] =	vst v0  }
0x13: {  	[tilespmem:$0x8170] =	vst v0  }
0x14: {  	[tilespmem:$0x8180] =	vst v0  }
0x15: {  	[tilespmem:$0x8190] =	vst v0  }
0x16: {  	[tilespmem:$0x81A0] =	vst v0  }
0x17: {  	[tilespmem:$0x81B0] =	vst v0  }
0x18: {  	[tilespmem:$0x81C0] =	vst v0  }
0x19: {  	[tilespmem:$0x81D0] =	vst v0  }
0x1a: {  	[tilespmem:$0x81E0] =	vst v0  }
0x1b: {  	[tilespmem:$0x81F0] =	vst v0  }
0x1c: {  	[tilespmem:$0x8200] =	vst v0  }
0x1d: {  	[tilespmem:$0x8210] =	vst v0  }
0x1e: {  	[tilespmem:$0x8220] =	vst v0  }
0x1f: {  	[tilespmem:$0x8230] =	vst v0  }
0x20: {  	[tilespmem:$0x8240] =	vst v0  }
0x21: {  	[tilespmem:$0x8250] =	vst v0  }
0x22: {  	[tilespmem:$0x8260] =	vst v0  }
0x23: {  	[tilespmem:$0x8270] =	vst v0  }
0x24: {  	[tilespmem:$0x8280] =	vst v0  }
0x25: {  	[tilespmem:$0x8290] =	vst v0  }
0x26: {  	[tilespmem:$0x82A0] =	vst v0  }
0x27: {  	[tilespmem:$0x82B0] =	vst v0  }
0x28: {  	[tilespmem:$0x82C0] =	vst v0  }
0x29: {  	[tilespmem:$0x82D0] =	vst v0  }
0x2a: {  	[tilespmem:$0x82E0] =	vst v0  }
0x2b: {  	[tilespmem:$0x82F0] =	vst v0  }
0x2c: {  	[tilespmem:$0x8300] =	vst v0  }
0x2d: {  	[tilespmem:$0x8310] =	vst v0  }
0x2e: {  	[tilespmem:$0x8320] =	vst v0  }
0x2f: {  	[tilespmem:$0x8330] =	vst v0  }
0x30: {  	[tilespmem:$0x8340] =	vst v0  }
0x31: {  	[tilespmem:$0x8350] =	vst v0  }
0x32: {  	[tilespmem:$0x8360] =	vst v0  }
0x33: {  	[tilespmem:$0x8370] =	vst v0  }
0x34: {  	[tilespmem:$0x8380] =	vst v0  }
0x35: {  	[tilespmem:$0x8390] =	vst v0  }
0x36: {  	[tilespmem:$0x83A0] =	vst v0  }
0x37: {  	[tilespmem:$0x83B0] =	vst v0  }
0x38: {  	[tilespmem:$0x83C0] =	vst v0  }
0x39: {  	[tilespmem:$0x83D0] =	vst v0  }
0x3a: {  	[tilespmem:$0x83E0] =	vst v0  }
0x3b: {  	[tilespmem:$0x83F0] =	vst v0  }
0x3c: {  	[tilespmem:$0x8400] =	vst v0  }
0x3d: {  	[tilespmem:$0x8410] =	vst v0  }
0x3e: {  	[tilespmem:$0x8420] =	vst v0  }
0x3f: {  	[tilespmem:$0x8430] =	vst v0  }
0x40: {  	[tilespmem:$0x8440] =	vst v0  }
0x41: {  	[tilespmem:$0x8450] =	vst v0  }
0x42: {  	[tilespmem:$0x8460] =	vst v0  }
0x43: {  	[tilespmem:$0x8470] =	vst v0;
	v0 =	vimm.s32 $0x1  }
0x44: {  	[tilespmem:$0x8000] =	vst v0  }
0x45: {  	[tilespmem:$0x8010] =	vst v0  }
0x46: {  	[tilespmem:$0x8020] =	vst v0  }
0x47: {  	[tilespmem:$0x8030] =	vst v0  }
0x48: {  	[tilespmem:$0x8040] =	vst v0  }
0x49: {  	s2 =	stileid.u32;
	[tilespmem:$0x8050] =	vst v0  }
0x4a: {  	s3 =	sshll.u32 s2, $0xA;
	[tilespmem:$0x8060] =	vst v0  }
0x4b: {  	s6 =	simm.s32 $0x8080;
	s31 =	simm.s32 $0x1;
	s3 =	sadd.s32 s3, s1;
	[tilespmem:$0x8070] =	vst v0  }
0x4c: {  	[spmem:s3] =	stream.linear.scatter [tilespmem:s6], [sflag:$0x1], $0x400, $0x38;
	[tilespmem:$0x8880] =	vst v63  }
0x4d: {  	_ =	swait.ge [sflag:s31], $0x400  }
0x4e: {  	s7 =	sshll.u32 s2, $0xB;
	[sflag:s31] =	ssyncset.done $0x0  }
0x4f: {  	s7 =	sadd.s32 s7, s4;
	[sflag:s31] =	ssyncadd.s32 $0xFFFFFC00  }
0x50: {  	s7 =	sadd.s32 $0x1400, s7;
	[bflag:$0x0] =	sbarrier.arrive $0xFFFF  }
0x51: {  	[tilespmem:s5], [sflag:$0x1] =	stream.linear.gather [hbm4b:s7+s5], $0x4000, $0x38;
	[tilespmem:$0x8880] =	vst v63  }
0x52: {  	_ =	swait.ge [sflag:s31], $0x4000  }
0x53: {  	[sflag:s31] =	ssyncset.done $0x0  }
0x54: {  	s6 =	simm.s32 $0x0;
	[sflag:s31] =	ssyncadd.s32 $0xFFFFC000  }
0x55: {  	v1 =	vld [tilespmem:s6+$0x70]  }
0x56: {  	v4 =	vld [tilespmem:s6+$0x0]  }
0x57: {  	v5 =	vld [tilespmem:s6+$0x10]  }
0x58: {  	v3 =	vld [tilespmem:s6+$0x20]  }
0x59: {  	v2 =	vld [tilespmem:s6+$0x30]  }
0x5a: {  	v0 =	vld [tilespmem:s6+$0x40];
	v6 =	vshrl.u32 v1, $0x10  }
0x5b: {  	s8 =	simm.s32 $0x400;
	v1 =	vld [tilespmem:s6+$0x50];
	v4 =	vshrl.u32 v4, $0x10;
	[tilespmem:s6+$0x4070] =	vst v6  }
0x5c: {  	s4 =	sadd.s32 $0x9400, s4;
	s5 =	simm.s32 $0x200;
	s7 =	simm.s32 $0x80;
	v5 =	vshrl.u32 v5, $0x10;
	[tilespmem:s6+$0x4000] =	vst v4;
	v4 =	vld [tilespmem:s6+$0x60]  }
.LBB2_1:
0x5d: {  	p0 =	sne.s32 s8, $0xFE00;
	v6 =	vld [tilespmem:s7+$0x70];
	[tilespmem:s6+$0x4010] =	vst v5;
	v3 =	vshrl.u32 v3, $0x10  }
0x5e: {  	v5 =	vld [tilespmem:s7+$0x0];
	[tilespmem:s6+$0x4020] =	vst v3;
	v2 =	vshrl.u32 v2, $0x10  }
0x5f: {  	v7 =	vld [tilespmem:s7+$0x10];
	[tilespmem:s6+$0x4030] =	vst v2;
	v0 =	vshrl.u32 v0, $0x10  }
.Ltmp0:
0x60: {  	v3 =	vld [tilespmem:s7+$0x20];
	[tilespmem:s6+$0x4040] =	vst v0;
	v0 =	vshrl.u32 v1, $0x10;
	(pc) =	sbr.rel @p0 .LBB2_1-.Ltmp0, $4  }
0x61: {  	v2 =	vld [tilespmem:s7+$0x30];
	[tilespmem:s6+$0x4050] =	vst v0;
	v1 =	vshrl.u32 v4, $0x10  }
0x62: {  	v0 =	vld [tilespmem:s7+$0x40];
	v4 =	vshrl.u32 v6, $0x10;
	[tilespmem:s6+$0x4060] =	vst v1;
	s6 =	smov.u32 s7  }
0x63: {  	v5 =	vshrl.u32 v5, $0x10;
	v1 =	vld [tilespmem:s6+$0x50];
	[tilespmem:s6+$0x4070] =	vst v4  }
0x64: {  	s7 =	sshra.s32 s8, $0x2;
	s8 =	sadd.s32 $0x200, s8;
	[tilespmem:s6+$0x4000] =	vst v5;
	v5 =	vshrl.u32 v7, $0x10;
	v4 =	vld [tilespmem:s6+$0x60]  }
0x65: {  	v6 =	vld [tilespmem:s7+$0x70];
	[tilespmem:s6+$0x4010] =	vst v5;
	v3 =	vshrl.u32 v3, $0x10  }
0x66: {  	v5 =	vld [tilespmem:s7+$0x0];
	[tilespmem:s6+$0x4020] =	vst v3;
	v2 =	vshrl.u32 v2, $0x10  }
0x67: {  	v3 =	vld [tilespmem:s7+$0x10];
	[tilespmem:s6+$0x4030] =	vst v2;
	v0 =	vshrl.u32 v0, $0x10  }
0x68: {  	v2 =	vld [tilespmem:s7+$0x20];
	[tilespmem:s6+$0x4040] =	vst v0;
	v51 =	vshrl.u32 v1, $0x10  }
0x69: {  	v52 =	vld [tilespmem:s7+$0x30];
	[tilespmem:s6+$0x4050] =	vst v51;
	v53 =	vshrl.u32 v4, $0x10  }
0x6a: {  	v54 =	vld [tilespmem:s7+$0x40];
	[tilespmem:s6+$0x4060] =	vst v53;
	v55 =	vshrl.u32 v6, $0x10  }
0x6b: {  	v56 =	vld [tilespmem:s7+$0x50];
	v5 =	vshrl.u32 v5, $0x10;
	[tilespmem:s7+$0x4070] =	vst v55  }
0x6c: {  	v58 =	vld [tilespmem:s7+$0x60];
	[tilespmem:s7+$0x4000] =	vst v5;
	v57 =	vshrl.u32 v3, $0x10  }
0x6d: {  	[tilespmem:s7+$0x4010] =	vst v57;
	v59 =	vshrl.u32 v2, $0x10  }
0x6e: {  	[tilespmem:s7+$0x4020] =	vst v59;
	v60 =	vshrl.u32 v52, $0x10  }
0x6f: {  	[tilespmem:s7+$0x4030] =	vst v60;
	v61 =	vshrl.u32 v54, $0x10  }
0x70: {  	[tilespmem:s7+$0x4040] =	vst v61;
	v62 =	vshrl.u32 v56, $0x10  }
0x71: {  	s8 =	simm.s32 $0x8000;
	v63 =	vshrl.u32 v58, $0x10;
	[tilespmem:s7+$0x4050] =	vst v62  }
0x72: {  	s31 =	simm.s32 $0x4000;
	s6 =	simm.s32 $0x80;
	[tilespmem:s7+$0x4060] =	vst v63;
	s7 =	simm.s32 $0x1  }
0x73: {  	[spmem:s1] =	stream.indirect.scatter.add.s32 [tilespmem:s8], [sflag:$0x1], $0x1, s31, s6, $0xb8;
	[tilespmem:$0x8880] =	vst v63  }
0x74: {  	_ =	swait.ge [sflag:s7], $0x80  }
.LBB2_3:
0x75: {  	s9 =	sshra.s32 s5, $0x2;
	[sflag:s7] =	ssyncset.done $0x0;
	p0 =	sne.s32 s5, $0xFE00  }
.Ltmp1:
0x76: {  	s9 =	sadd.s32 $0x4000, s9;
	[sflag:s7] =	ssyncadd.s32 $0xFFFFFF80;
	(pc) =	sbr.rel @p0 .LBB2_3-.Ltmp1, $3  }
0x77: {  	[spmem:s1] =	stream.indirect.scatter.add.s32 [tilespmem:s8], [sflag:$0x1], $0x1, s9, s6, $0xb8;
	[tilespmem:$0x8880] =	vst v63  }
0x78: {  	s5 =	sadd.s32 $0x200, s5;
	_ =	sdelay $0x1  }
0x79: {  	_ =	swait.ge [sflag:s7], $0x80  }
0x7a: {  	[sflag:s7] =	ssyncset.done $0x0;
	s1 =	sshll.u32 s2, $0x7;
	s30 =	sshll.u32 s2, $0x6  }
0x7b: {  	s3 =	sshrl.u32 s3, $0x3;
	s31 =	simm.s32 $0x1;
	[sflag:s7] =	ssyncadd.s32 $0xFFFFFF80  }
0x7c: {  	s1 =	sadd.s32 s4, s1;
	s4 =	sor.u32 $0x1C01, s30;
	[bflag:$0x0] =	sbarrier.arrive $0xFFFF  }
0x7d: {  	[hbm:s1], [sflag:s4] =	dma.local [spmem:s3], $0x80  }
0x7e: {  	_ =	swait.ge [sflag:s31], $0x80  }
0x7f: {  	[sflag:s31] =	ssyncset.done $0x0  }
0x80: {  	[sflag:s31] =	ssyncadd.s32 $0xFFFFFF80  }
0x81: {  	_ =	sfence.sel $0x180000  }
0x82: {  	[bflag:$0x0] =	sbarrier.arrive $0xFFFF  }
0x83: {  	p0 =	sne.s32 s2, $0x0;
	_ =	strace $0x90000047  }
0x84: {  	s0 =	sadd.s32 @!p0 $0x100000, s0;
	[bflag:$0x2] =	sbarrier.arrive $0xFFFF  }
0x85: {  	[sflag:s0] =	ssyncadd.tile.s32 @!p0 $0x1;
	_ =	shalt  }
.Lfunc_end2:
_tile_overlayer_lowered:
.L_overlay_start_2:
0x86: {  	(tag) =	ssettag $0x2  }
0x87: {  	s0 =	rddreg [dreg:$0x0];
	s2 =	stileid.u32  }
0x88: {  	s1 =	rddreg [dreg:$0x1];
	p0 =	sne.s32 s2, $0x0  }
0x89: {  	s3 =	rddreg [dreg:$0x2];
	[bflag:$0x3] =	sbarrier.arrive $0xFFFF;
	s2 =	simm.s32 @!p0 $0x1C01  }
0x8a: {  	[timem:s3], [sflag:s2] =	dma.local @!p0 [hbm:s0], s1  }
0x8b: {  	s0 =	simm.s32 @!p0 $0x1  }
0x8c: {  	_ =	swait.ge @!p0 [sflag:s0], s1  }
0x8d: {  	s1 =	ssub.s32 @!p0 $0x0, s1;
	[sflag:s0] =	ssyncset.done @!p0 $0x0  }
0x8e: {  	[sflag:s0] =	ssyncadd.s32 @!p0 s1  }
0x8f: {  	[bflag:$0x3] =	sbarrier.arrive $0xFFFF  }
0x90: {  	_ =	shalt  }

</sc_bundles>
